<compile_context>
chip_gen: v7x
topology: tpu7x:2x2x1
jax: 0.10.2.dev20260603
libtpu: 0.0.44.dev20260713+nightly
codegen_flags: <defaults>
</compile_context>

<pallas_src>
import functools

import jax
import jax.numpy as jnp
from jax import lax
from jax.experimental import pallas as pl
from jax.experimental.pallas import tpu as pltpu
from jax.experimental.pallas import tpu_sc as plsc

B = 2
L = 2048
C = 1024
K = 3
N = B * L
NW = 32
RPW = N // NW
RCHUNK = 8
NCHUNK = RPW // RCHUNK
G = 2 * K


def _prep_kernel(x_ref, w_ref, bias_ref, meta_ref, xpk_ref):
    xf = x_ref[...]
    s = jnp.dot(xf, w_ref[...], preferred_element_type=jnp.float32)

    z8 = jnp.zeros((1, 8), jnp.float32)
    sm1 = jnp.concatenate([z8, s[:-1, 0:8]], axis=0)
    sp1 = jnp.concatenate([s[1:, 16:24], z8], axis=0)

    row = lax.broadcasted_iota(jnp.int32, (N, 1), 0)
    l2d = jnp.bitwise_and(row, L - 1)
    sm1 = jnp.where(l2d != 0, sm1, 0.0)
    sp1 = jnp.where(l2d != L - 1, sp1, 0.0)
    y8 = sm1 + s[:, 8:16] + sp1 + bias_ref[...]

    off = y8[:, 0:3]
    m = jax.nn.sigmoid(y8[:, 3:6])
    lf = l2d.astype(jnp.float32)
    bb = row - l2d
    pos = jnp.clip(lf + off, 0.0, float(L - 1))
    fp = jnp.floor(pos)
    alpha = pos - fp
    fpi = fp.astype(jnp.int32)
    cpi = jnp.minimum(fpi + 1, L - 1)
    idx6 = jnp.concatenate([fpi + bb, cpi + bb], axis=1)
    w6 = jnp.concatenate([m * (1.0 - alpha), m * alpha], axis=1)
    wq = (w6 * 1048575.0 + 0.5).astype(jnp.int32)
    meta6 = jnp.bitwise_or(idx6, lax.shift_left(wq, 12))
    zi2 = jnp.zeros((N, 2), jnp.int32)
    meta_ref[...] = jnp.concatenate([meta6, zi2], axis=1)
    bits16 = lax.bitcast_convert_type(xf.astype(jnp.bfloat16), jnp.int16)
    b32 = bits16.astype(jnp.int32)
    lo = jnp.bitwise_and(b32[:, : C // 2], 0xFFFF)
    hi = lax.shift_left(b32[:, C // 2:], 16)
    xpk_ref[...] = jnp.bitwise_or(hi, lo)


def _sc_gather_kernel(x_hbm, meta_hbm, out_hbm,
                      meta_v, idxc_v, rows_v, out_v, gsem, osem):
    wid = lax.axis_index("s") * 2 + lax.axis_index("c")
    base = wid * RPW

    pltpu.sync_copy(meta_hbm.at[pl.ds(base, RPW), :], meta_v)

    lane16 = lax.iota(jnp.int32, 16)
    rowpat = []
    colpat = []
    for k in range(RCHUNK * G // 16):
        e = lane16 + 16 * k
        rr = lax.div(e, jnp.int32(G))
        rowpat.append(rr)
        colpat.append(e - rr * G)

    def meta_chunk(c):
        return [plsc.load_gather(meta_v, [rowpat[k] + c * RCHUNK, colpat[k]])
                for k in range(RCHUNK * G // 16)]

    def build_idx(c, buf):
        for k, mv in enumerate(meta_chunk(c)):
            idxc_v[buf, pl.ds(16 * k, 16)] = jnp.bitwise_and(mv, 0xFFF)

    def gather_desc(c, buf):
        return pltpu.make_async_copy(
            x_hbm.at[idxc_v.at[buf]], rows_v.at[buf], gsem.at[buf])

    def out_desc(c, buf):
        return pltpu.make_async_copy(
            out_v.at[buf], out_hbm.at[pl.ds(base + c * RCHUNK, RCHUNK)],
            osem.at[buf])

    build_idx(0, 0)
    gather_desc(0, 0).start()

    def do_chunk(c, buf):
        gather_desc(c, buf).wait()

        @pl.when(c + 1 < NCHUNK)
        def _():
            build_idx(c + 1, 1 - buf)
            gather_desc(c + 1, 1 - buf).start()

        @pl.when(c >= 2)
        def _():
            out_desc(c - 2, buf).wait()

        wscale = jnp.float32(1.0 / 1048575.0)
        wgrp = [lax.convert_element_type(
                    lax.shift_right_logical(mv, 12), jnp.float32) * wscale
                for mv in meta_chunk(c)]
        for r in range(RCHUNK):
            def _w(j, r=r):
                pos = r * G + j
                return wgrp[pos // 16][pos % 16]
            ws = [_w(j) for j in range(G)]

            def ch(i, _, buf=buf, r=r, ws=ws):
                sl = pl.ds(i * 16, 16)
                acc_lo = None
                acc_hi = None
                for j in range(G):
                    v = rows_v[buf, r * G + j, sl]
                    f_lo = plsc.bitcast(lax.shift_left(v, 16), jnp.float32)
                    f_hi = plsc.bitcast(
                        jnp.bitwise_and(v, jnp.int32(-65536)), jnp.float32)
                    if acc_lo is None:
                        acc_lo = f_lo * ws[j]
                        acc_hi = f_hi * ws[j]
                    else:
                        acc_lo += f_lo * ws[j]
                        acc_hi += f_hi * ws[j]
                out_v[buf, r, sl] = acc_lo
                out_v[buf, r, pl.ds(C // 2 + i * 16, 16)] = acc_hi
                return 0

            lax.fori_loop(0, C // 32, ch, 0)
        out_desc(c, buf).start()

    def pair(pp, carry):
        do_chunk(2 * pp, 0)
        do_chunk(2 * pp + 1, 1)
        return carry

    lax.fori_loop(0, NCHUNK // 2, pair, 0)
    out_desc(NCHUNK - 2, 0).wait()
    out_desc(NCHUNK - 1, 1).wait()


def _prep(x2d, w_all, bias):
    return pl.pallas_call(
        _prep_kernel,
        out_shape=(
            jax.ShapeDtypeStruct((N, G + 2), jnp.int32),
            jax.ShapeDtypeStruct((N, C // 2), jnp.int32),
        ),
    )(x2d, w_all, bias)


@functools.cache
def _make_sc_gather():
    return pl.kernel(
        _sc_gather_kernel,
        out_type=jax.ShapeDtypeStruct((N, C), jnp.float32),
        mesh=plsc.VectorSubcoreMesh(core_axis_name="c", subcore_axis_name="s"),
        scratch_types=[
            pltpu.VMEM((RPW, G + 2), jnp.int32),
            pltpu.VMEM((2, RCHUNK * G), jnp.int32),
            pltpu.VMEM((2, RCHUNK * G, C // 2), jnp.int32),
            pltpu.VMEM((2, RCHUNK, C), jnp.float32),
            pltpu.SemaphoreType.DMA((2,)),
            pltpu.SemaphoreType.DMA((2,)),
        ],
        compiler_params=pltpu.CompilerParams(needs_layout_passes=False),
    )


def kernel(x, W_off, b_off, W_mask, b_mask):
    x2d = x.reshape(N, C)
    z2 = jnp.zeros((C, 2), jnp.float32)
    blocks = [
        jnp.concatenate(
            [W_off[:, :, d].T, W_mask[:, :, d].T, z2], axis=1)
        for d in range(K)
    ]
    w_all = jnp.concatenate(blocks, axis=1)
    zb = jnp.zeros((2,), jnp.float32)
    bias = jnp.concatenate([b_off, b_mask, zb]).reshape(1, 2 * K + 2)

    meta, xpk = _prep(x2d, w_all, bias)
    out2d = _make_sc_gather()(xpk, meta)
    return out2d.reshape(B, L, C).transpose(0, 2, 1).reshape(B, L, C)

# --- scband reference (transcript-rebuilt; emitter-appended) ---
"""Pipeline reference for scband-deformable-conv1d-46179488366721 (READ-ONLY COPY).

The authoritative reference and input builder live on the scoring server;
editing this copy changes nothing except your own understanding.
"""

import jax, jax.numpy as jnp
import numpy as np

B = 2
L = 2048
C_IN = 1024
C_OUT = 1024
K = 3
PAD = 1


def setup_inputs(seed: int = 0) -> dict:
    key = jax.random.key(seed)
    k1, k2, k3, k4, k5 = jax.random.split(key, 5)
    x = jax.random.normal(k1, (B, L, C_IN), dtype=jnp.float32)
    bound = 1.0 / np.sqrt(C_IN * K)
    W_off = jax.random.uniform(k2, (K, C_IN, K), minval=-bound, maxval=bound, dtype=jnp.float32)
    b_off = jax.random.uniform(k3, (K,), minval=-bound, maxval=bound, dtype=jnp.float32)
    W_mask = jax.random.uniform(k4, (K, C_IN, K), minval=-bound, maxval=bound, dtype=jnp.float32)
    b_mask = jax.random.uniform(k5, (K,), minval=-bound, maxval=bound, dtype=jnp.float32)
    return {"x": x, "W_off": W_off, "b_off": b_off, "W_mask": W_mask, "b_mask": b_mask}


def _conv1d(xt, W, b, pad):
    # xt: (B, C, L), W: (out_ch, in_ch, K) -- torch Conv1d layout
    y = jax.lax.conv_general_dilated(
        xt, W, window_strides=(1,), padding=[(pad, pad)],
        dimension_numbers=("NCH", "OIH", "NCH"))
    return y + b[None, :, None]


def reference(x, W_off, b_off, W_mask, b_mask):
    Bx, Lx, Cx = x.shape
    xt = jnp.transpose(x, (0, 2, 1))  # (B, C, L)
    offset = _conv1d(xt, W_off, b_off, PAD).reshape(Bx, K, Lx)
    mask = jax.nn.sigmoid(_conv1d(xt, W_mask, b_mask, PAD)).reshape(Bx, K, Lx)
    # deform_conv1d
    x_exp = jnp.broadcast_to(xt[:, :, None, :], (Bx, Cx, K, Lx))
    off_exp = jnp.broadcast_to(offset[:, None, :, :], (Bx, Cx, K, Lx))
    i = jnp.arange(Lx, dtype=jnp.float32)[None, None, None, :]
    pos = jnp.clip(i + off_exp, 0.0, float(Lx - 1))
    floor_pos = jnp.floor(pos).astype(jnp.int32)
    ceil_pos = jnp.minimum(floor_pos + 1, Lx - 1)
    alpha = pos - floor_pos.astype(jnp.float32)
    x_floor = jnp.take_along_axis(x_exp, floor_pos, axis=3)
    x_ceil = jnp.take_along_axis(x_exp, ceil_pos, axis=3)
    sampled = x_floor * (1.0 - alpha) + x_ceil * alpha
    mask_exp = jnp.broadcast_to(mask[:, None, :, :], (Bx, Cx, K, Lx))
    out = (sampled * mask_exp).sum(axis=2)  # (B, C, L)
    # torch .view(B, L, out_channels) is a raw memory reinterpretation (reshape, NOT transpose)
    return out.reshape(Bx, Lx, C_OUT)

if __name__ == "__main__":
    import jax
    _d = setup_inputs()
    print(jax.jit(kernel)(*tuple(_d.values())))

</pallas_src>

<mosaic_0001>
#map = affine_map<(d0, d1) -> (0, 0)>
module attributes {stable_mosaic.version = 14 : i64} {
  func.func @_sc_gather_kernel(%arg0: i32, %arg1: i32, %arg2: memref<4096x512xi32, #tpu.memory_space<hbm>>, %arg3: memref<4096x8xi32, #tpu.memory_space<hbm>>, %arg4: memref<4096x1024xf32, #tpu.memory_space<hbm>>, %arg5: memref<128x8xi32, #tpu.memory_space<vmem>>, %arg6: memref<2x48xi32, #tpu.memory_space<vmem>>, %arg7: memref<2x48x512xi32, #tpu.memory_space<vmem>>, %arg8: memref<2x8x1024xf32, #tpu.memory_space<vmem>>, %arg9: memref<2x!tpu.dma_semaphore, #tpu.memory_space<semaphore_mem>>, %arg10: memref<2x!tpu.dma_semaphore, #tpu.memory_space<semaphore_mem>>) attributes {dimension_semantics = [#tpu.dimension_semantics<core_parallel>, #tpu.dimension_semantics<subcore_parallel>], iteration_bounds = array<i64: 2, 16>, scalar_prefetch = 0 : i64, scratch_operands = 6 : i64, tpu.core_type = #tpu.core_type<sc_vector_subcore>, window_params = [{transform_indices = #map}, {transform_indices = #map}, {transform_indices = #map}]} {
    %mul3A = arith.constant 2 : i32
    %mul3A_0 = arith.muli %arg1, %mul3A : i32
    %add3A = arith.addi %mul3A_0, %arg0 : i32
    %mul3A_1 = arith.constant 128 : i32
    %mul3A_2 = arith.muli %add3A, %mul3A_1 : i32
    "tpu.region"() ({
      %run_scoped3A = tpu.sem_alloc : memref<!tpu.dma_semaphore, #tpu.memory_space<semaphore_mem>>
      %dma_start3A_115 = arith.constant 0 : i32
      %dma_start3A_116 = tpu.memref_slice %arg3[%mul3A_2, %dma_start3A_115] : memref<4096x8xi32, #tpu.memory_space<hbm>> -> memref<128x8xi32, #tpu.memory_space<hbm>>
      %dma_start3A_117 = arith.constant 0 : i32
      %dma_start3A_118 = tpu.memref_slice %arg3[%mul3A_2, %dma_start3A_117] : memref<4096x8xi32, #tpu.memory_space<hbm>> -> memref<128x8xi32, #tpu.memory_space<hbm>>
      tpu.enqueue_dma source(%dma_start3A_118 : memref<128x8xi32, #tpu.memory_space<hbm>>) target(%arg5 : memref<128x8xi32, #tpu.memory_space<vmem>>) target_semaphore(%run_scoped3A : memref<!tpu.dma_semaphore, #tpu.memory_space<semaphore_mem>>)
      %dma_wait3A_119 = arith.constant 0 : i32
      %dma_wait3A_120 = tpu.memref_slice %arg3[%mul3A_2, %dma_wait3A_119] : memref<4096x8xi32, #tpu.memory_space<hbm>> -> memref<128x8xi32, #tpu.memory_space<hbm>>
      %dma_wait3A_121 = arith.constant 0 : i32
      %dma_wait3A_122 = tpu.memref_slice %arg3[%mul3A_2, %dma_wait3A_121] : memref<4096x8xi32, #tpu.memory_space<hbm>> -> memref<128x8xi32, #tpu.memory_space<hbm>>
      tpu.wait_dma2 semaphore(%run_scoped3A : memref<!tpu.dma_semaphore, #tpu.memory_space<semaphore_mem>>) src(%dma_wait3A_122 : memref<128x8xi32, #tpu.memory_space<hbm>>) dst(%arg5 : memref<128x8xi32, #tpu.memory_space<vmem>>)
      tpu.yield
    }) : () -> ()
    %iota3A = tpu.iota {dimensions = array<i32: 0>} : vector<16xi32>
    %add3A_3 = arith.constant 0 : i32
    %add3A_4 = vector.broadcast %add3A_3 : i32 to vector<16xi32>
    %add3A_5 = arith.addi %iota3A, %add3A_4 : vector<16xi32>
    %div3A = arith.constant 6 : i32
    %div3A_6 = vector.broadcast %div3A : i32 to vector<16xi32>
    %div3A_7 = arith.divsi %add3A_5, %div3A_6 : vector<16xi32>
    %mul3A_8 = arith.constant 6 : i32
    %mul3A_9 = vector.broadcast %mul3A_8 : i32 to vector<16xi32>
    %mul3A_10 = arith.muli %div3A_7, %mul3A_9 : vector<16xi32>
    %sub3A = arith.subi %add3A_5, %mul3A_10 : vector<16xi32>
    %add3A_11 = arith.constant 16 : i32
    %add3A_12 = vector.broadcast %add3A_11 : i32 to vector<16xi32>
    %add3A_13 = arith.addi %iota3A, %add3A_12 : vector<16xi32>
    %div3A_14 = arith.constant 6 : i32
    %div3A_15 = vector.broadcast %div3A_14 : i32 to vector<16xi32>
    %div3A_16 = arith.divsi %add3A_13, %div3A_15 : vector<16xi32>
    %mul3A_17 = arith.constant 6 : i32
    %mul3A_18 = vector.broadcast %mul3A_17 : i32 to vector<16xi32>
    %mul3A_19 = arith.muli %div3A_16, %mul3A_18 : vector<16xi32>
    %sub3A_20 = arith.subi %add3A_13, %mul3A_19 : vector<16xi32>
    %add3A_21 = arith.constant 32 : i32
    %add3A_22 = vector.broadcast %add3A_21 : i32 to vector<16xi32>
    %add3A_23 = arith.addi %iota3A, %add3A_22 : vector<16xi32>
    %div3A_24 = arith.constant 6 : i32
    %div3A_25 = vector.broadcast %div3A_24 : i32 to vector<16xi32>
    %div3A_26 = arith.divsi %add3A_23, %div3A_25 : vector<16xi32>
    %mul3A_27 = arith.constant 6 : i32
    %mul3A_28 = vector.broadcast %mul3A_27 : i32 to vector<16xi32>
    %mul3A_29 = arith.muli %div3A_26, %mul3A_28 : vector<16xi32>
    %sub3A_30 = arith.subi %add3A_23, %mul3A_29 : vector<16xi32>
    %add3A_31 = arith.constant 0 : i32
    %add3A_32 = vector.broadcast %add3A_31 : i32 to vector<16xi32>
    %add3A_33 = arith.addi %div3A_7, %add3A_32 : vector<16xi32>
    %gather3A = tpu.vector_load_idx %arg5[%add3A_33, %sub3A] : memref<128x8xi32, #tpu.memory_space<vmem>>[vector<16xi32>, vector<16xi32>], vector<16xi32>,
    %add3A_34 = arith.constant 0 : i32
    %add3A_35 = vector.broadcast %add3A_34 : i32 to vector<16xi32>
    %add3A_36 = arith.addi %div3A_16, %add3A_35 : vector<16xi32>
    %gather3A_37 = tpu.vector_load_idx %arg5[%add3A_36, %sub3A_20] : memref<128x8xi32, #tpu.memory_space<vmem>>[vector<16xi32>, vector<16xi32>], vector<16xi32>,
    %add3A_38 = arith.constant 0 : i32
    %add3A_39 = vector.broadcast %add3A_38 : i32 to vector<16xi32>
    %add3A_40 = arith.addi %div3A_26, %add3A_39 : vector<16xi32>
    %gather3A_41 = tpu.vector_load_idx %arg5[%add3A_40, %sub3A_30] : memref<128x8xi32, #tpu.memory_space<vmem>>[vector<16xi32>, vector<16xi32>], vector<16xi32>,
    %and3A = arith.constant 4095 : i32
    %and3A_42 = vector.broadcast %and3A : i32 to vector<16xi32>
    %and3A_43 = arith.andi %gather3A, %and3A_42 : vector<16xi32>
    %swap3A = arith.constant 0 : i32
    %swap3A_44 = arith.index_cast %swap3A : i32 to index
    %swap3A_45 = arith.constant 0 : index
    %swap3A_46 = tpu.vector_load %arg6[%swap3A_44, %swap3A_45] {strides = array<i32>} : memref<2x48xi32, #tpu.memory_space<vmem>>, vector<16xi32>,
    tpu.vector_store %arg6[%swap3A_44, %swap3A_45], %and3A_43 {strides = array<i32>} : memref<2x48xi32, #tpu.memory_space<vmem>>, vector<16xi32>,
    %and3A_47 = arith.constant 4095 : i32
    %and3A_48 = vector.broadcast %and3A_47 : i32 to vector<16xi32>
    %and3A_49 = arith.andi %gather3A_37, %and3A_48 : vector<16xi32>
    %swap3A_50 = arith.constant 0 : i32
    %swap3A_51 = arith.index_cast %swap3A_50 : i32 to index
    %swap3A_52 = arith.constant 16 : index
    %swap3A_53 = tpu.vector_load %arg6[%swap3A_51, %swap3A_52] {strides = array<i32>} : memref<2x48xi32, #tpu.memory_space<vmem>>, vector<16xi32>,
    tpu.vector_store %arg6[%swap3A_51, %swap3A_52], %and3A_49 {strides = array<i32>} : memref<2x48xi32, #tpu.memory_space<vmem>>, vector<16xi32>,
    %and3A_54 = arith.constant 4095 : i32
    %and3A_55 = vector.broadcast %and3A_54 : i32 to vector<16xi32>
    %and3A_56 = arith.andi %gather3A_41, %and3A_55 : vector<16xi32>
    %swap3A_57 = arith.constant 0 : i32
    %swap3A_58 = arith.index_cast %swap3A_57 : i32 to index
    %swap3A_59 = arith.constant 32 : index
    %swap3A_60 = tpu.vector_load %arg6[%swap3A_58, %swap3A_59] {strides = array<i32>} : memref<2x48xi32, #tpu.memory_space<vmem>>, vector<16xi32>,
    tpu.vector_store %arg6[%swap3A_58, %swap3A_59], %and3A_56 {strides = array<i32>} : memref<2x48xi32, #tpu.memory_space<vmem>>, vector<16xi32>,
    %dma_start3A = arith.constant 0 : i32
    %dma_start3A_61 = arith.constant 0 : i32
    %dma_start3A_62 = arith.constant 0 : i32
    %dma_start3A_63 = arith.constant 0 : i32
    %dma_start3A_64 = arith.constant 0 : i32
    %dma_start3A_65 = tpu.memref_slice %arg7[%dma_start3A_61, %dma_start3A_63, %dma_start3A_64] : memref<2x48x512xi32, #tpu.memory_space<vmem>> -> memref<1x48x512xi32, #tpu.memory_space<vmem>>
    %dma_start3A_66 = tpu.memref_squeeze %dma_start3A_65 : memref<1x48x512xi32, #tpu.memory_space<vmem>> -> memref<48x512xi32, #tpu.memory_space<vmem>>
    %dma_start3A_67 = arith.constant 0 : i32
    %dma_start3A_68 = tpu.memref_slice %arg6[%dma_start3A, %dma_start3A_67] : memref<2x48xi32, #tpu.memory_space<vmem>> -> memref<1x48xi32, #tpu.memory_space<vmem>>
    %dma_start3A_69 = tpu.memref_squeeze %dma_start3A_68 : memref<1x48xi32, #tpu.memory_space<vmem>> -> memref<48xi32, #tpu.memory_space<vmem>>
    %dma_start3A_70 = arith.constant 0 : i32
    %dma_start3A_71 = arith.constant 0 : i32
    %dma_start3A_72 = tpu.memref_slice %arg2[%dma_start3A_70, %dma_start3A_71] : memref<4096x512xi32, #tpu.memory_space<hbm>> -> memref<4096x512xi32, #tpu.memory_space<hbm>>
    %dma_start3A_73 = tpu.memref_slice %arg9[%dma_start3A_62] : memref<2x!tpu.dma_semaphore, #tpu.memory_space<semaphore_mem>> -> memref<1x!tpu.dma_semaphore, #tpu.memory_space<semaphore_mem>>
    %dma_start3A_74 = tpu.memref_squeeze %dma_start3A_73 : memref<1x!tpu.dma_semaphore, #tpu.memory_space<semaphore_mem>> -> memref<!tpu.dma_semaphore, #tpu.memory_space<semaphore_mem>>
    tpu.enqueue_indirect_dma source(%dma_start3A_72 : memref<4096x512xi32, #tpu.memory_space<hbm>>) target(%dma_start3A_66 : memref<48x512xi32, #tpu.memory_space<vmem>>) offsets(%dma_start3A_69 : memref<48xi32, #tpu.memory_space<vmem>>) semaphore(%dma_start3A_74 : memref<!tpu.dma_semaphore, #tpu.memory_space<semaphore_mem>>)
    %scan3A = arith.constant 0 : i32
    %scan3A_75 = arith.constant 0 : i32
    %scan3A_76 = arith.constant 8 : i32
    %scan3A_77 = arith.addi %scan3A_75, %scan3A_76 : i32
    %scan3A_78 = arith.constant 1 : i32
    scf.for %scan3A_115 = %scan3A_75 to %scan3A_77 step %scan3A_78  : i32 {
      %mul3A_116 = arith.constant 2 : i32
      %mul3A_117 = arith.muli %mul3A_116, %scan3A_115 : i32
      %dma_wait3A_118 = arith.constant 0 : i32
      %dma_wait3A_119 = arith.constant 0 : i32
      %dma_wait3A_120 = arith.constant 0 : i32
      %dma_wait3A_121 = arith.constant 0 : i32
      %dma_wait3A_122 = arith.constant 0 : i32
      %dma_wait3A_123 = tpu.memref_slice %arg7[%dma_wait3A_119, %dma_wait3A_121, %dma_wait3A_122] : memref<2x48x512xi32, #tpu.memory_space<vmem>> -> memref<1x48x512xi32, #tpu.memory_space<vmem>>
      %dma_wait3A_124 = tpu.memref_squeeze %dma_wait3A_123 : memref<1x48x512xi32, #tpu.memory_space<vmem>> -> memref<48x512xi32, #tpu.memory_space<vmem>>
      %dma_wait3A_125 = arith.constant 0 : i32
      %dma_wait3A_126 = tpu.memref_slice %arg6[%dma_wait3A_118, %dma_wait3A_125] : memref<2x48xi32, #tpu.memory_space<vmem>> -> memref<1x48xi32, #tpu.memory_space<vmem>>
      %dma_wait3A_127 = tpu.memref_squeeze %dma_wait3A_126 : memref<1x48xi32, #tpu.memory_space<vmem>> -> memref<48xi32, #tpu.memory_space<vmem>>
      %dma_wait3A_128 = arith.constant 0 : i32
      %dma_wait3A_129 = arith.constant 0 : i32
      %dma_wait3A_130 = tpu.memref_slice %arg2[%dma_wait3A_128, %dma_wait3A_129] : memref<4096x512xi32, #tpu.memory_space<hbm>> -> memref<4096x512xi32, #tpu.memory_space<hbm>>
      %dma_wait3A_131 = tpu.memref_slice %arg9[%dma_wait3A_120] : memref<2x!tpu.dma_semaphore, #tpu.memory_space<semaphore_mem>> -> memref<1x!tpu.dma_semaphore, #tpu.memory_space<semaphore_mem>>
      %dma_wait3A_132 = tpu.memref_squeeze %dma_wait3A_131 : memref<1x!tpu.dma_semaphore, #tpu.memory_space<semaphore_mem>> -> memref<!tpu.dma_semaphore, #tpu.memory_space<semaphore_mem>>
      tpu.wait_indirect_dma semaphore(%dma_wait3A_132 : memref<!tpu.dma_semaphore, #tpu.memory_space<semaphore_mem>>) src(%dma_wait3A_130 : memref<4096x512xi32, #tpu.memory_space<hbm>>) dst(%dma_wait3A_124 : memref<48x512xi32, #tpu.memory_space<vmem>>)
      %add3A_133 = arith.constant 1 : i32
      %add3A_134 = arith.addi %mul3A_117, %add3A_133 : i32
      %lt3A = arith.constant 16 : i32
      %lt3A_135 = arith.cmpi slt, %add3A_134, %lt3A : i32
      %convert_element_type3A = arith.extui %lt3A_135 : i1 to i32
      %cond3A = arith.constant 0 : i32
      %cond3A_136 = arith.cmpi ne, %convert_element_type3A, %cond3A : i32
      scf.if %cond3A_136 {
        %add3A_583 = arith.constant 1 : i32
        %add3A_584 = arith.addi %mul3A_117, %add3A_583 : i32
        %mul3A_585 = arith.constant 8 : i32
        %mul3A_586 = arith.muli %add3A_584, %mul3A_585 : i32
        %add3A_587 = vector.broadcast %mul3A_586 : i32 to vector<16xi32>
        %add3A_588 = arith.addi %div3A_7, %add3A_587 : vector<16xi32>
        %gather3A_589 = tpu.vector_load_idx %arg5[%add3A_588, %sub3A] : memref<128x8xi32, #tpu.memory_space<vmem>>[vector<16xi32>, vector<16xi32>], vector<16xi32>,
        %mul3A_590 = arith.constant 8 : i32
        %mul3A_591 = arith.muli %add3A_584, %mul3A_590 : i32
        %add3A_592 = vector.broadcast %mul3A_591 : i32 to vector<16xi32>
        %add3A_593 = arith.addi %div3A_16, %add3A_592 : vector<16xi32>
        %gather3A_594 = tpu.vector_load_idx %arg5[%add3A_593, %sub3A_20] : memref<128x8xi32, #tpu.memory_space<vmem>>[vector<16xi32>, vector<16xi32>], vector<16xi32>,
        %mul3A_595 = arith.constant 8 : i32
        %mul3A_596 = arith.muli %add3A_584, %mul3A_595 : i32
        %add3A_597 = vector.broadcast %mul3A_596 : i32 to vector<16xi32>
        %add3A_598 = arith.addi %div3A_26, %add3A_597 : vector<16xi32>
        %gather3A_599 = tpu.vector_load_idx %arg5[%add3A_598, %sub3A_30] : memref<128x8xi32, #tpu.memory_space<vmem>>[vector<16xi32>, vector<16xi32>], vector<16xi32>,
        %and3A_600 = arith.constant 4095 : i32
        %and3A_601 = vector.broadcast %and3A_600 : i32 to vector<16xi32>
        %and3A_602 = arith.andi %gather3A_589, %and3A_601 : vector<16xi32>
        %swap3A_603 = arith.constant 1 : i32
        %swap3A_604 = arith.index_cast %swap3A_603 : i32 to index
        %swap3A_605 = arith.constant 0 : index
        %swap3A_606 = tpu.vector_load %arg6[%swap3A_604, %swap3A_605] {strides = array<i32>} : memref<2x48xi32, #tpu.memory_space<vmem>>, vector<16xi32>,
        tpu.vector_store %arg6[%swap3A_604, %swap3A_605], %and3A_602 {strides = array<i32>} : memref<2x48xi32, #tpu.memory_space<vmem>>, vector<16xi32>,
        %and3A_607 = arith.constant 4095 : i32
        %and3A_608 = vector.broadcast %and3A_607 : i32 to vector<16xi32>
        %and3A_609 = arith.andi %gather3A_594, %and3A_608 : vector<16xi32>
        %swap3A_610 = arith.constant 1 : i32
        %swap3A_611 = arith.index_cast %swap3A_610 : i32 to index
        %swap3A_612 = arith.constant 16 : index
        %swap3A_613 = tpu.vector_load %arg6[%swap3A_611, %swap3A_612] {strides = array<i32>} : memref<2x48xi32, #tpu.memory_space<vmem>>, vector<16xi32>,
        tpu.vector_store %arg6[%swap3A_611, %swap3A_612], %and3A_609 {strides = array<i32>} : memref<2x48xi32, #tpu.memory_space<vmem>>, vector<16xi32>,
        %and3A_614 = arith.constant 4095 : i32
        %and3A_615 = vector.broadcast %and3A_614 : i32 to vector<16xi32>
        %and3A_616 = arith.andi %gather3A_599, %and3A_615 : vector<16xi32>
        %swap3A_617 = arith.constant 1 : i32
        %swap3A_618 = arith.index_cast %swap3A_617 : i32 to index
        %swap3A_619 = arith.constant 32 : index
        %swap3A_620 = tpu.vector_load %arg6[%swap3A_618, %swap3A_619] {strides = array<i32>} : memref<2x48xi32, #tpu.memory_space<vmem>>, vector<16xi32>,
        tpu.vector_store %arg6[%swap3A_618, %swap3A_619], %and3A_616 {strides = array<i32>} : memref<2x48xi32, #tpu.memory_space<vmem>>, vector<16xi32>,
        %add3A_621 = arith.constant 1 : i32
        %add3A_622 = arith.addi %mul3A_117, %add3A_621 : i32
        %dma_start3A_623 = arith.constant 1 : i32
        %dma_start3A_624 = arith.constant 1 : i32
        %dma_start3A_625 = arith.constant 1 : i32
        %dma_start3A_626 = arith.constant 0 : i32
        %dma_start3A_627 = arith.constant 0 : i32
        %dma_start3A_628 = tpu.memref_slice %arg7[%dma_start3A_624, %dma_start3A_626, %dma_start3A_627] : memref<2x48x512xi32, #tpu.memory_space<vmem>> -> memref<1x48x512xi32, #tpu.memory_space<vmem>>
        %dma_start3A_629 = tpu.memref_squeeze %dma_start3A_628 : memref<1x48x512xi32, #tpu.memory_space<vmem>> -> memref<48x512xi32, #tpu.memory_space<vmem>>
        %dma_start3A_630 = arith.constant 0 : i32
        %dma_start3A_631 = tpu.memref_slice %arg6[%dma_start3A_623, %dma_start3A_630] : memref<2x48xi32, #tpu.memory_space<vmem>> -> memref<1x48xi32, #tpu.memory_space<vmem>>
        %dma_start3A_632 = tpu.memref_squeeze %dma_start3A_631 : memref<1x48xi32, #tpu.memory_space<vmem>> -> memref<48xi32, #tpu.memory_space<vmem>>
        %dma_start3A_633 = arith.constant 0 : i32
        %dma_start3A_634 = arith.constant 0 : i32
        %dma_start3A_635 = tpu.memref_slice %arg2[%dma_start3A_633, %dma_start3A_634] : memref<4096x512xi32, #tpu.memory_space<hbm>> -> memref<4096x512xi32, #tpu.memory_space<hbm>>
        %dma_start3A_636 = tpu.memref_slice %arg9[%dma_start3A_625] : memref<2x!tpu.dma_semaphore, #tpu.memory_space<semaphore_mem>> -> memref<1x!tpu.dma_semaphore, #tpu.memory_space<semaphore_mem>>
        %dma_start3A_637 = tpu.memref_squeeze %dma_start3A_636 : memref<1x!tpu.dma_semaphore, #tpu.memory_space<semaphore_mem>> -> memref<!tpu.dma_semaphore, #tpu.memory_space<semaphore_mem>>
        tpu.enqueue_indirect_dma source(%dma_start3A_635 : memref<4096x512xi32, #tpu.memory_space<hbm>>) target(%dma_start3A_629 : memref<48x512xi32, #tpu.memory_space<vmem>>) offsets(%dma_start3A_632 : memref<48xi32, #tpu.memory_space<vmem>>) semaphore(%dma_start3A_637 : memref<!tpu.dma_semaphore, #tpu.memory_space<semaphore_mem>>)
      } else {
      }
      %ge3A = arith.constant 2 : i32
      %ge3A_137 = arith.cmpi sge, %mul3A_117, %ge3A : i32
      %convert_element_type3A_138 = arith.extui %ge3A_137 : i1 to i32
      %cond3A_139 = arith.constant 0 : i32
      %cond3A_140 = arith.cmpi ne, %convert_element_type3A_138, %cond3A_139 : i32
      scf.if %cond3A_140 {
        %sub3A_583 = arith.constant 2 : i32
        %sub3A_584 = arith.subi %mul3A_117, %sub3A_583 : i32
        %mul3A_585 = arith.constant 8 : i32
        %mul3A_586 = arith.muli %sub3A_584, %mul3A_585 : i32
        %add3A_587 = arith.addi %mul3A_2, %mul3A_586 : i32
        %dma_wait3A_588 = arith.constant 0 : i32
        %dma_wait3A_589 = arith.constant 0 : i32
        %dma_wait3A_590 = arith.constant 0 : i32
        %dma_wait3A_591 = arith.constant 0 : i32
        %dma_wait3A_592 = tpu.memref_slice %arg8[%dma_wait3A_588, %dma_wait3A_590, %dma_wait3A_591] : memref<2x8x1024xf32, #tpu.memory_space<vmem>> -> memref<1x8x1024xf32, #tpu.memory_space<vmem>>
        %dma_wait3A_593 = tpu.memref_squeeze %dma_wait3A_592 : memref<1x8x1024xf32, #tpu.memory_space<vmem>> -> memref<8x1024xf32, #tpu.memory_space<vmem>>
        %dma_wait3A_594 = arith.constant 0 : i32
        %dma_wait3A_595 = tpu.memref_slice %arg4[%add3A_587, %dma_wait3A_594] : memref<4096x1024xf32, #tpu.memory_space<hbm>> -> memref<8x1024xf32, #tpu.memory_space<hbm>>
        %dma_wait3A_596 = tpu.memref_slice %arg10[%dma_wait3A_589] : memref<2x!tpu.dma_semaphore, #tpu.memory_space<semaphore_mem>> -> memref<1x!tpu.dma_semaphore, #tpu.memory_space<semaphore_mem>>
        %dma_wait3A_597 = tpu.memref_squeeze %dma_wait3A_596 : memref<1x!tpu.dma_semaphore, #tpu.memory_space<semaphore_mem>> -> memref<!tpu.dma_semaphore, #tpu.memory_space<semaphore_mem>>
        %dma_wait3A_598 = arith.constant 0 : i32
        %dma_wait3A_599 = tpu.memref_slice %arg4[%add3A_587, %dma_wait3A_598] : memref<4096x1024xf32, #tpu.memory_space<hbm>> -> memref<8x1024xf32, #tpu.memory_space<hbm>>
        %dma_wait3A_600 = arith.constant 0 : i32
        %dma_wait3A_601 = arith.constant 0 : i32
        %dma_wait3A_602 = tpu.memref_slice %arg8[%dma_wait3A_588, %dma_wait3A_600, %dma_wait3A_601] : memref<2x8x1024xf32, #tpu.memory_space<vmem>> -> memref<1x8x1024xf32, #tpu.memory_space<vmem>>
        %dma_wait3A_603 = tpu.memref_squeeze %dma_wait3A_602 : memref<1x8x1024xf32, #tpu.memory_space<vmem>> -> memref<8x1024xf32, #tpu.memory_space<vmem>>
        tpu.wait_dma2 semaphore(%dma_wait3A_597 : memref<!tpu.dma_semaphore, #tpu.memory_space<semaphore_mem>>) src(%dma_wait3A_603 : memref<8x1024xf32, #tpu.memory_space<vmem>>) dst(%dma_wait3A_599 : memref<8x1024xf32, #tpu.memory_space<hbm>>)
      } else {
      }
      %mul3A_141 = arith.constant 8 : i32
      %mul3A_142 = arith.muli %mul3A_117, %mul3A_141 : i32
      %add3A_143 = vector.broadcast %mul3A_142 : i32 to vector<16xi32>
      %add3A_144 = arith.addi %div3A_7, %add3A_143 : vector<16xi32>
      %gather3A_145 = tpu.vector_load_idx %arg5[%add3A_144, %sub3A] : memref<128x8xi32, #tpu.memory_space<vmem>>[vector<16xi32>, vector<16xi32>], vector<16xi32>,
      %mul3A_146 = arith.constant 8 : i32
      %mul3A_147 = arith.muli %mul3A_117, %mul3A_146 : i32
      %add3A_148 = vector.broadcast %mul3A_147 : i32 to vector<16xi32>
      %add3A_149 = arith.addi %div3A_16, %add3A_148 : vector<16xi32>
      %gather3A_150 = tpu.vector_load_idx %arg5[%add3A_149, %sub3A_20] : memref<128x8xi32, #tpu.memory_space<vmem>>[vector<16xi32>, vector<16xi32>], vector<16xi32>,
      %mul3A_151 = arith.constant 8 : i32
      %mul3A_152 = arith.muli %mul3A_117, %mul3A_151 : i32
      %add3A_153 = vector.broadcast %mul3A_152 : i32 to vector<16xi32>
      %add3A_154 = arith.addi %div3A_26, %add3A_153 : vector<16xi32>
      %gather3A_155 = tpu.vector_load_idx %arg5[%add3A_154, %sub3A_30] : memref<128x8xi32, #tpu.memory_space<vmem>>[vector<16xi32>, vector<16xi32>], vector<16xi32>,
      %shift_right_logical3A = arith.constant 12 : i32
      %shift_right_logical3A_156 = vector.broadcast %shift_right_logical3A : i32 to vector<16xi32>
      %shift_right_logical3A_157 = arith.shrui %gather3A_145, %shift_right_logical3A_156 : vector<16xi32>
      %convert_element_type3A_158 = arith.sitofp %shift_right_logical3A_157 : vector<16xi32> to vector<16xf32>
      %mul3A_159 = arith.constant 9.53675226E-7 : f32
      %mul3A_160 = vector.broadcast %mul3A_159 : f32 to vector<16xf32>
      %mul3A_161 = arith.mulf %convert_element_type3A_158, %mul3A_160 : vector<16xf32>
      %shift_right_logical3A_162 = arith.constant 12 : i32
      %shift_right_logical3A_163 = vector.broadcast %shift_right_logical3A_162 : i32 to vector<16xi32>
      %shift_right_logical3A_164 = arith.shrui %gather3A_150, %shift_right_logical3A_163 : vector<16xi32>
      %convert_element_type3A_165 = arith.sitofp %shift_right_logical3A_164 : vector<16xi32> to vector<16xf32>
      %mul3A_166 = arith.constant 9.53675226E-7 : f32
      %mul3A_167 = vector.broadcast %mul3A_166 : f32 to vector<16xf32>
      %mul3A_168 = arith.mulf %convert_element_type3A_165, %mul3A_167 : vector<16xf32>
      %shift_right_logical3A_169 = arith.constant 12 : i32
      %shift_right_logical3A_170 = vector.broadcast %shift_right_logical3A_169 : i32 to vector<16xi32>
      %shift_right_logical3A_171 = arith.shrui %gather3A_155, %shift_right_logical3A_170 : vector<16xi32>
      %convert_element_type3A_172 = arith.sitofp %shift_right_logical3A_171 : vector<16xi32> to vector<16xf32>
      %mul3A_173 = arith.constant 9.53675226E-7 : f32
      %mul3A_174 = vector.broadcast %mul3A_173 : f32 to vector<16xf32>
      %mul3A_175 = arith.mulf %convert_element_type3A_172, %mul3A_174 : vector<16xf32>
      %slice3A = vector.extract_strided_slice %mul3A_161 {offsets = [0], sizes = [1], strides = [1]} : vector<16xf32> to vector<1xf32>
      %squeeze3A = vector.extract %slice3A[0] : f32 from vector<1xf32>
      %slice3A_176 = vector.extract_strided_slice %mul3A_161 {offsets = [1], sizes = [1], strides = [1]} : vector<16xf32> to vector<1xf32>
      %squeeze3A_177 = vector.extract %slice3A_176[0] : f32 from vector<1xf32>
      %slice3A_178 = vector.extract_strided_slice %mul3A_161 {offsets = [2], sizes = [1], strides = [1]} : vector<16xf32> to vector<1xf32>
      %squeeze3A_179 = vector.extract %slice3A_178[0] : f32 from vector<1xf32>
      %slice3A_180 = vector.extract_strided_slice %mul3A_161 {offsets = [3], sizes = [1], strides = [1]} : vector<16xf32> to vector<1xf32>
      %squeeze3A_181 = vector.extract %slice3A_180[0] : f32 from vector<1xf32>
      %slice3A_182 = vector.extract_strided_slice %mul3A_161 {offsets = [4], sizes = [1], strides = [1]} : vector<16xf32> to vector<1xf32>
      %squeeze3A_183 = vector.extract %slice3A_182[0] : f32 from vector<1xf32>
      %slice3A_184 = vector.extract_strided_slice %mul3A_161 {offsets = [5], sizes = [1], strides = [1]} : vector<16xf32> to vector<1xf32>
      %squeeze3A_185 = vector.extract %slice3A_184[0] : f32 from vector<1xf32>
      %scan3A_186 = arith.constant 0 : i32
      %scan3A_187 = arith.constant 0 : i32
      %scan3A_188 = arith.constant 32 : i32
      %scan3A_189 = arith.addi %scan3A_187, %scan3A_188 : i32
      %scan3A_190 = arith.constant 1 : i32
      %scan3A_191 = scf.for %scan3A_583 = %scan3A_187 to %scan3A_189 step %scan3A_190 iter_args(%scan3A_584 = %scan3A_186) -> (i32)  : i32 {
        %mul3A_585 = arith.constant 16 : i32
        %mul3A_586 = arith.muli %scan3A_583, %mul3A_585 : i32
        %get3A = arith.constant 0 : i32
        %get3A_587 = arith.constant 0 : i32
        %get3A_588 = arith.index_cast %get3A : i32 to index
        %get3A_589 = arith.index_cast %get3A_587 : i32 to index
        %get3A_590 = arith.index_cast %mul3A_586 : i32 to index
        %get3A_591 = tpu.vector_load %arg7[%get3A_588, %get3A_589, %get3A_590] {strides = array<i32>} : memref<2x48x512xi32, #tpu.memory_space<vmem>>, vector<16xi32>,
        %shift_left3A = arith.constant 16 : i32
        %shift_left3A_592 = vector.broadcast %shift_left3A : i32 to vector<16xi32>
        %shift_left3A_593 = arith.shli %get3A_591, %shift_left3A_592 : vector<16xi32>
        %bitcast3A = vector.bitcast %shift_left3A_593 : vector<16xi32> to vector<16xf32>
        %and3A_594 = arith.constant -65536 : i32
        %and3A_595 = vector.broadcast %and3A_594 : i32 to vector<16xi32>
        %and3A_596 = arith.andi %get3A_591, %and3A_595 : vector<16xi32>
        %bitcast3A_597 = vector.bitcast %and3A_596 : vector<16xi32> to vector<16xf32>
        %mul3A_598 = vector.broadcast %squeeze3A : f32 to vector<16xf32>
        %mul3A_599 = arith.mulf %bitcast3A, %mul3A_598 : vector<16xf32>
        %mul3A_600 = vector.broadcast %squeeze3A : f32 to vector<16xf32>
        %mul3A_601 = arith.mulf %bitcast3A_597, %mul3A_600 : vector<16xf32>
        %get3A_602 = arith.constant 0 : i32
        %get3A_603 = arith.constant 1 : i32
        %get3A_604 = arith.index_cast %get3A_602 : i32 to index
        %get3A_605 = arith.index_cast %get3A_603 : i32 to index
        %get3A_606 = arith.index_cast %mul3A_586 : i32 to index
        %get3A_607 = tpu.vector_load %arg7[%get3A_604, %get3A_605, %get3A_606] {strides = array<i32>} : memref<2x48x512xi32, #tpu.memory_space<vmem>>, vector<16xi32>,
        %shift_left3A_608 = arith.constant 16 : i32
        %shift_left3A_609 = vector.broadcast %shift_left3A_608 : i32 to vector<16xi32>
        %shift_left3A_610 = arith.shli %get3A_607, %shift_left3A_609 : vector<16xi32>
        %bitcast3A_611 = vector.bitcast %shift_left3A_610 : vector<16xi32> to vector<16xf32>
        %and3A_612 = arith.constant -65536 : i32
        %and3A_613 = vector.broadcast %and3A_612 : i32 to vector<16xi32>
        %and3A_614 = arith.andi %get3A_607, %and3A_613 : vector<16xi32>
        %bitcast3A_615 = vector.bitcast %and3A_614 : vector<16xi32> to vector<16xf32>
        %mul3A_616 = vector.broadcast %squeeze3A_177 : f32 to vector<16xf32>
        %mul3A_617 = arith.mulf %bitcast3A_611, %mul3A_616 : vector<16xf32>
        %add3A_618 = arith.addf %mul3A_599, %mul3A_617 : vector<16xf32>
        %mul3A_619 = vector.broadcast %squeeze3A_177 : f32 to vector<16xf32>
        %mul3A_620 = arith.mulf %bitcast3A_615, %mul3A_619 : vector<16xf32>
        %add3A_621 = arith.addf %mul3A_601, %mul3A_620 : vector<16xf32>
        %get3A_622 = arith.constant 0 : i32
        %get3A_623 = arith.constant 2 : i32
        %get3A_624 = arith.index_cast %get3A_622 : i32 to index
        %get3A_625 = arith.index_cast %get3A_623 : i32 to index
        %get3A_626 = arith.index_cast %mul3A_586 : i32 to index
        %get3A_627 = tpu.vector_load %arg7[%get3A_624, %get3A_625, %get3A_626] {strides = array<i32>} : memref<2x48x512xi32, #tpu.memory_space<vmem>>, vector<16xi32>,
        %shift_left3A_628 = arith.constant 16 : i32
        %shift_left3A_629 = vector.broadcast %shift_left3A_628 : i32 to vector<16xi32>
        %shift_left3A_630 = arith.shli %get3A_627, %shift_left3A_629 : vector<16xi32>
        %bitcast3A_631 = vector.bitcast %shift_left3A_630 : vector<16xi32> to vector<16xf32>
        %and3A_632 = arith.constant -65536 : i32
        %and3A_633 = vector.broadcast %and3A_632 : i32 to vector<16xi32>
        %and3A_634 = arith.andi %get3A_627, %and3A_633 : vector<16xi32>
        %bitcast3A_635 = vector.bitcast %and3A_634 : vector<16xi32> to vector<16xf32>
        %mul3A_636 = vector.broadcast %squeeze3A_179 : f32 to vector<16xf32>
        %mul3A_637 = arith.mulf %bitcast3A_631, %mul3A_636 : vector<16xf32>
        %add3A_638 = arith.addf %add3A_618, %mul3A_637 : vector<16xf32>
        %mul3A_639 = vector.broadcast %squeeze3A_179 : f32 to vector<16xf32>
        %mul3A_640 = arith.mulf %bitcast3A_635, %mul3A_639 : vector<16xf32>
        %add3A_641 = arith.addf %add3A_621, %mul3A_640 : vector<16xf32>
        %get3A_642 = arith.constant 0 : i32
        %get3A_643 = arith.constant 3 : i32
        %get3A_644 = arith.index_cast %get3A_642 : i32 to index
        %get3A_645 = arith.index_cast %get3A_643 : i32 to index
        %get3A_646 = arith.index_cast %mul3A_586 : i32 to index
        %get3A_647 = tpu.vector_load %arg7[%get3A_644, %get3A_645, %get3A_646] {strides = array<i32>} : memref<2x48x512xi32, #tpu.memory_space<vmem>>, vector<16xi32>,
        %shift_left3A_648 = arith.constant 16 : i32
        %shift_left3A_649 = vector.broadcast %shift_left3A_648 : i32 to vector<16xi32>
        %shift_left3A_650 = arith.shli %get3A_647, %shift_left3A_649 : vector<16xi32>
        %bitcast3A_651 = vector.bitcast %shift_left3A_650 : vector<16xi32> to vector<16xf32>
        %and3A_652 = arith.constant -65536 : i32
        %and3A_653 = vector.broadcast %and3A_652 : i32 to vector<16xi32>
        %and3A_654 = arith.andi %get3A_647, %and3A_653 : vector<16xi32>
        %bitcast3A_655 = vector.bitcast %and3A_654 : vector<16xi32> to vector<16xf32>
        %mul3A_656 = vector.broadcast %squeeze3A_181 : f32 to vector<16xf32>
        %mul3A_657 = arith.mulf %bitcast3A_651, %mul3A_656 : vector<16xf32>
        %add3A_658 = arith.addf %add3A_638, %mul3A_657 : vector<16xf32>
        %mul3A_659 = vector.broadcast %squeeze3A_181 : f32 to vector<16xf32>
        %mul3A_660 = arith.mulf %bitcast3A_655, %mul3A_659 : vector<16xf32>
        %add3A_661 = arith.addf %add3A_641, %mul3A_660 : vector<16xf32>
        %get3A_662 = arith.constant 0 : i32
        %get3A_663 = arith.constant 4 : i32
        %get3A_664 = arith.index_cast %get3A_662 : i32 to index
        %get3A_665 = arith.index_cast %get3A_663 : i32 to index
        %get3A_666 = arith.index_cast %mul3A_586 : i32 to index
        %get3A_667 = tpu.vector_load %arg7[%get3A_664, %get3A_665, %get3A_666] {strides = array<i32>} : memref<2x48x512xi32, #tpu.memory_space<vmem>>, vector<16xi32>,
        %shift_left3A_668 = arith.constant 16 : i32
        %shift_left3A_669 = vector.broadcast %shift_left3A_668 : i32 to vector<16xi32>
        %shift_left3A_670 = arith.shli %get3A_667, %shift_left3A_669 : vector<16xi32>
        %bitcast3A_671 = vector.bitcast %shift_left3A_670 : vector<16xi32> to vector<16xf32>
        %and3A_672 = arith.constant -65536 : i32
        %and3A_673 = vector.broadcast %and3A_672 : i32 to vector<16xi32>
        %and3A_674 = arith.andi %get3A_667, %and3A_673 : vector<16xi32>
        %bitcast3A_675 = vector.bitcast %and3A_674 : vector<16xi32> to vector<16xf32>
        %mul3A_676 = vector.broadcast %squeeze3A_183 : f32 to vector<16xf32>
        %mul3A_677 = arith.mulf %bitcast3A_671, %mul3A_676 : vector<16xf32>
        %add3A_678 = arith.addf %add3A_658, %mul3A_677 : vector<16xf32>
        %mul3A_679 = vector.broadcast %squeeze3A_183 : f32 to vector<16xf32>
        %mul3A_680 = arith.mulf %bitcast3A_675, %mul3A_679 : vector<16xf32>
        %add3A_681 = arith.addf %add3A_661, %mul3A_680 : vector<16xf32>
        %get3A_682 = arith.constant 0 : i32
        %get3A_683 = arith.constant 5 : i32
        %get3A_684 = arith.index_cast %get3A_682 : i32 to index
        %get3A_685 = arith.index_cast %get3A_683 : i32 to index
        %get3A_686 = arith.index_cast %mul3A_586 : i32 to index
        %get3A_687 = tpu.vector_load %arg7[%get3A_684, %get3A_685, %get3A_686] {strides = array<i32>} : memref<2x48x512xi32, #tpu.memory_space<vmem>>, vector<16xi32>,
        %shift_left3A_688 = arith.constant 16 : i32
        %shift_left3A_689 = vector.broadcast %shift_left3A_688 : i32 to vector<16xi32>
        %shift_left3A_690 = arith.shli %get3A_687, %shift_left3A_689 : vector<16xi32>
        %bitcast3A_691 = vector.bitcast %shift_left3A_690 : vector<16xi32> to vector<16xf32>
        %and3A_692 = arith.constant -65536 : i32
        %and3A_693 = vector.broadcast %and3A_692 : i32 to vector<16xi32>
        %and3A_694 = arith.andi %get3A_687, %and3A_693 : vector<16xi32>
        %bitcast3A_695 = vector.bitcast %and3A_694 : vector<16xi32> to vector<16xf32>
        %mul3A_696 = vector.broadcast %squeeze3A_185 : f32 to vector<16xf32>
        %mul3A_697 = arith.mulf %bitcast3A_691, %mul3A_696 : vector<16xf32>
        %add3A_698 = arith.addf %add3A_678, %mul3A_697 : vector<16xf32>
        %mul3A_699 = vector.broadcast %squeeze3A_185 : f32 to vector<16xf32>
        %mul3A_700 = arith.mulf %bitcast3A_695, %mul3A_699 : vector<16xf32>
        %add3A_701 = arith.addf %add3A_681, %mul3A_700 : vector<16xf32>
        %swap3A_702 = arith.constant 0 : i32
        %swap3A_703 = arith.constant 0 : i32
        %swap3A_704 = arith.index_cast %swap3A_702 : i32 to index
        %swap3A_705 = arith.index_cast %swap3A_703 : i32 to index
        %swap3A_706 = arith.index_cast %mul3A_586 : i32 to index
        %swap3A_707 = tpu.vector_load %arg8[%swap3A_704, %swap3A_705, %swap3A_706] {strides = array<i32>} : memref<2x8x1024xf32, #tpu.memory_space<vmem>>, vector<16xf32>,
        tpu.vector_store %arg8[%swap3A_704, %swap3A_705, %swap3A_706], %add3A_698 {strides = array<i32>} : memref<2x8x1024xf32, #tpu.memory_space<vmem>>, vector<16xf32>,
        %mul3A_708 = arith.constant 16 : i32
        %mul3A_709 = arith.muli %scan3A_583, %mul3A_708 : i32
        %add3A_710 = arith.constant 512 : i32
        %add3A_711 = arith.addi %add3A_710, %mul3A_709 : i32
        %swap3A_712 = arith.constant 0 : i32
        %swap3A_713 = arith.constant 0 : i32
        %swap3A_714 = arith.index_cast %swap3A_712 : i32 to index
        %swap3A_715 = arith.index_cast %swap3A_713 : i32 to index
        %swap3A_716 = arith.index_cast %add3A_711 : i32 to index
        %swap3A_717 = tpu.vector_load %arg8[%swap3A_714, %swap3A_715, %swap3A_716] {strides = array<i32>} : memref<2x8x1024xf32, #tpu.memory_space<vmem>>, vector<16xf32>,
        tpu.vector_store %arg8[%swap3A_714, %swap3A_715, %swap3A_716], %add3A_701 {strides = array<i32>} : memref<2x8x1024xf32, #tpu.memory_space<vmem>>, vector<16xf32>,
        %scan3A_718 = arith.constant 0 : i32
        scf.yield %scan3A_718 : i32
      }
      %scan3A_192 = arith.constant 32 : i32
      %slice3A_193 = vector.extract_strided_slice %mul3A_161 {offsets = [6], sizes = [1], strides = [1]} : vector<16xf32> to vector<1xf32>
      %squeeze3A_194 = vector.extract %slice3A_193[0] : f32 from vector<1xf32>
      %slice3A_195 = vector.extract_strided_slice %mul3A_161 {offsets = [7], sizes = [1], strides = [1]} : vector<16xf32> to vector<1xf32>
      %squeeze3A_196 = vector.extract %slice3A_195[0] : f32 from vector<1xf32>
      %slice3A_197 = vector.extract_strided_slice %mul3A_161 {offsets = [8], sizes = [1], strides = [1]} : vector<16xf32> to vector<1xf32>
      %squeeze3A_198 = vector.extract %slice3A_197[0] : f32 from vector<1xf32>
      %slice3A_199 = vector.extract_strided_slice %mul3A_161 {offsets = [9], sizes = [1], strides = [1]} : vector<16xf32> to vector<1xf32>
      %squeeze3A_200 = vector.extract %slice3A_199[0] : f32 from vector<1xf32>
      %slice3A_201 = vector.extract_strided_slice %mul3A_161 {offsets = [10], sizes = [1], strides = [1]} : vector<16xf32> to vector<1xf32>
      %squeeze3A_202 = vector.extract %slice3A_201[0] : f32 from vector<1xf32>
      %slice3A_203 = vector.extract_strided_slice %mul3A_161 {offsets = [11], sizes = [1], strides = [1]} : vector<16xf32> to vector<1xf32>
      %squeeze3A_204 = vector.extract %slice3A_203[0] : f32 from vector<1xf32>
      %scan3A_205 = arith.constant 0 : i32
      %scan3A_206 = arith.constant 0 : i32
      %scan3A_207 = arith.constant 32 : i32
      %scan3A_208 = arith.addi %scan3A_206, %scan3A_207 : i32
      %scan3A_209 = arith.constant 1 : i32
      %scan3A_210 = scf.for %scan3A_583 = %scan3A_206 to %scan3A_208 step %scan3A_209 iter_args(%scan3A_584 = %scan3A_205) -> (i32)  : i32 {
        %mul3A_585 = arith.constant 16 : i32
        %mul3A_586 = arith.muli %scan3A_583, %mul3A_585 : i32
        %get3A = arith.constant 0 : i32
        %get3A_587 = arith.constant 6 : i32
        %get3A_588 = arith.index_cast %get3A : i32 to index
        %get3A_589 = arith.index_cast %get3A_587 : i32 to index
        %get3A_590 = arith.index_cast %mul3A_586 : i32 to index
        %get3A_591 = tpu.vector_load %arg7[%get3A_588, %get3A_589, %get3A_590] {strides = array<i32>} : memref<2x48x512xi32, #tpu.memory_space<vmem>>, vector<16xi32>,
        %shift_left3A = arith.constant 16 : i32
        %shift_left3A_592 = vector.broadcast %shift_left3A : i32 to vector<16xi32>
        %shift_left3A_593 = arith.shli %get3A_591, %shift_left3A_592 : vector<16xi32>
        %bitcast3A = vector.bitcast %shift_left3A_593 : vector<16xi32> to vector<16xf32>
        %and3A_594 = arith.constant -65536 : i32
        %and3A_595 = vector.broadcast %and3A_594 : i32 to vector<16xi32>
        %and3A_596 = arith.andi %get3A_591, %and3A_595 : vector<16xi32>
        %bitcast3A_597 = vector.bitcast %and3A_596 : vector<16xi32> to vector<16xf32>
        %mul3A_598 = vector.broadcast %squeeze3A_194 : f32 to vector<16xf32>
        %mul3A_599 = arith.mulf %bitcast3A, %mul3A_598 : vector<16xf32>
        %mul3A_600 = vector.broadcast %squeeze3A_194 : f32 to vector<16xf32>
        %mul3A_601 = arith.mulf %bitcast3A_597, %mul3A_600 : vector<16xf32>
        %get3A_602 = arith.constant 0 : i32
        %get3A_603 = arith.constant 7 : i32
        %get3A_604 = arith.index_cast %get3A_602 : i32 to index
        %get3A_605 = arith.index_cast %get3A_603 : i32 to index
        %get3A_606 = arith.index_cast %mul3A_586 : i32 to index
        %get3A_607 = tpu.vector_load %arg7[%get3A_604, %get3A_605, %get3A_606] {strides = array<i32>} : memref<2x48x512xi32, #tpu.memory_space<vmem>>, vector<16xi32>,
        %shift_left3A_608 = arith.constant 16 : i32
        %shift_left3A_609 = vector.broadcast %shift_left3A_608 : i32 to vector<16xi32>
        %shift_left3A_610 = arith.shli %get3A_607, %shift_left3A_609 : vector<16xi32>
        %bitcast3A_611 = vector.bitcast %shift_left3A_610 : vector<16xi32> to vector<16xf32>
        %and3A_612 = arith.constant -65536 : i32
        %and3A_613 = vector.broadcast %and3A_612 : i32 to vector<16xi32>
        %and3A_614 = arith.andi %get3A_607, %and3A_613 : vector<16xi32>
        %bitcast3A_615 = vector.bitcast %and3A_614 : vector<16xi32> to vector<16xf32>
        %mul3A_616 = vector.broadcast %squeeze3A_196 : f32 to vector<16xf32>
        %mul3A_617 = arith.mulf %bitcast3A_611, %mul3A_616 : vector<16xf32>
        %add3A_618 = arith.addf %mul3A_599, %mul3A_617 : vector<16xf32>
        %mul3A_619 = vector.broadcast %squeeze3A_196 : f32 to vector<16xf32>
        %mul3A_620 = arith.mulf %bitcast3A_615, %mul3A_619 : vector<16xf32>
        %add3A_621 = arith.addf %mul3A_601, %mul3A_620 : vector<16xf32>
        %get3A_622 = arith.constant 0 : i32
        %get3A_623 = arith.constant 8 : i32
        %get3A_624 = arith.index_cast %get3A_622 : i32 to index
        %get3A_625 = arith.index_cast %get3A_623 : i32 to index
        %get3A_626 = arith.index_cast %mul3A_586 : i32 to index
        %get3A_627 = tpu.vector_load %arg7[%get3A_624, %get3A_625, %get3A_626] {strides = array<i32>} : memref<2x48x512xi32, #tpu.memory_space<vmem>>, vector<16xi32>,
        %shift_left3A_628 = arith.constant 16 : i32
        %shift_left3A_629 = vector.broadcast %shift_left3A_628 : i32 to vector<16xi32>
        %shift_left3A_630 = arith.shli %get3A_627, %shift_left3A_629 : vector<16xi32>
        %bitcast3A_631 = vector.bitcast %shift_left3A_630 : vector<16xi32> to vector<16xf32>
        %and3A_632 = arith.constant -65536 : i32
        %and3A_633 = vector.broadcast %and3A_632 : i32 to vector<16xi32>
        %and3A_634 = arith.andi %get3A_627, %and3A_633 : vector<16xi32>
        %bitcast3A_635 = vector.bitcast %and3A_634 : vector<16xi32> to vector<16xf32>
        %mul3A_636 = vector.broadcast %squeeze3A_198 : f32 to vector<16xf32>
        %mul3A_637 = arith.mulf %bitcast3A_631, %mul3A_636 : vector<16xf32>
        %add3A_638 = arith.addf %add3A_618, %mul3A_637 : vector<16xf32>
        %mul3A_639 = vector.broadcast %squeeze3A_198 : f32 to vector<16xf32>
        %mul3A_640 = arith.mulf %bitcast3A_635, %mul3A_639 : vector<16xf32>
        %add3A_641 = arith.addf %add3A_621, %mul3A_640 : vector<16xf32>
        %get3A_642 = arith.constant 0 : i32
        %get3A_643 = arith.constant 9 : i32
        %get3A_644 = arith.index_cast %get3A_642 : i32 to index
        %get3A_645 = arith.index_cast %get3A_643 : i32 to index
        %get3A_646 = arith.index_cast %mul3A_586 : i32 to index
        %get3A_647 = tpu.vector_load %arg7[%get3A_644, %get3A_645, %get3A_646] {strides = array<i32>} : memref<2x48x512xi32, #tpu.memory_space<vmem>>, vector<16xi32>,
        %shift_left3A_648 = arith.constant 16 : i32
        %shift_left3A_649 = vector.broadcast %shift_left3A_648 : i32 to vector<16xi32>
        %shift_left3A_650 = arith.shli %get3A_647, %shift_left3A_649 : vector<16xi32>
        %bitcast3A_651 = vector.bitcast %shift_left3A_650 : vector<16xi32> to vector<16xf32>
        %and3A_652 = arith.constant -65536 : i32
        %and3A_653 = vector.broadcast %and3A_652 : i32 to vector<16xi32>
        %and3A_654 = arith.andi %get3A_647, %and3A_653 : vector<16xi32>
        %bitcast3A_655 = vector.bitcast %and3A_654 : vector<16xi32> to vector<16xf32>
        %mul3A_656 = vector.broadcast %squeeze3A_200 : f32 to vector<16xf32>
        %mul3A_657 = arith.mulf %bitcast3A_651, %mul3A_656 : vector<16xf32>
        %add3A_658 = arith.addf %add3A_638, %mul3A_657 : vector<16xf32>
        %mul3A_659 = vector.broadcast %squeeze3A_200 : f32 to vector<16xf32>
        %mul3A_660 = arith.mulf %bitcast3A_655, %mul3A_659 : vector<16xf32>
        %add3A_661 = arith.addf %add3A_641, %mul3A_660 : vector<16xf32>
        %get3A_662 = arith.constant 0 : i32
        %get3A_663 = arith.constant 10 : i32
        %get3A_664 = arith.index_cast %get3A_662 : i32 to index
        %get3A_665 = arith.index_cast %get3A_663 : i32 to index
        %get3A_666 = arith.index_cast %mul3A_586 : i32 to index
        %get3A_667 = tpu.vector_load %arg7[%get3A_664, %get3A_665, %get3A_666] {strides = array<i32>} : memref<2x48x512xi32, #tpu.memory_space<vmem>>, vector<16xi32>,
        %shift_left3A_668 = arith.constant 16 : i32
        %shift_left3A_669 = vector.broadcast %shift_left3A_668 : i32 to vector<16xi32>
        %shift_left3A_670 = arith.shli %get3A_667, %shift_left3A_669 : vector<16xi32>
        %bitcast3A_671 = vector.bitcast %shift_left3A_670 : vector<16xi32> to vector<16xf32>
        %and3A_672 = arith.constant -65536 : i32
        %and3A_673 = vector.broadcast %and3A_672 : i32 to vector<16xi32>
        %and3A_674 = arith.andi %get3A_667, %and3A_673 : vector<16xi32>
        %bitcast3A_675 = vector.bitcast %and3A_674 : vector<16xi32> to vector<16xf32>
        %mul3A_676 = vector.broadcast %squeeze3A_202 : f32 to vector<16xf32>
        %mul3A_677 = arith.mulf %bitcast3A_671, %mul3A_676 : vector<16xf32>
        %add3A_678 = arith.addf %add3A_658, %mul3A_677 : vector<16xf32>
        %mul3A_679 = vector.broadcast %squeeze3A_202 : f32 to vector<16xf32>
        %mul3A_680 = arith.mulf %bitcast3A_675, %mul3A_679 : vector<16xf32>
        %add3A_681 = arith.addf %add3A_661, %mul3A_680 : vector<16xf32>
        %get3A_682 = arith.constant 0 : i32
        %get3A_683 = arith.constant 11 : i32
        %get3A_684 = arith.index_cast %get3A_682 : i32 to index
        %get3A_685 = arith.index_cast %get3A_683 : i32 to index
        %get3A_686 = arith.index_cast %mul3A_586 : i32 to index
        %get3A_687 = tpu.vector_load %arg7[%get3A_684, %get3A_685, %get3A_686] {strides = array<i32>} : memref<2x48x512xi32, #tpu.memory_space<vmem>>, vector<16xi32>,
        %shift_left3A_688 = arith.constant 16 : i32
        %shift_left3A_689 = vector.broadcast %shift_left3A_688 : i32 to vector<16xi32>
        %shift_left3A_690 = arith.shli %get3A_687, %shift_left3A_689 : vector<16xi32>
        %bitcast3A_691 = vector.bitcast %shift_left3A_690 : vector<16xi32> to vector<16xf32>
        %and3A_692 = arith.constant -65536 : i32
        %and3A_693 = vector.broadcast %and3A_692 : i32 to vector<16xi32>
        %and3A_694 = arith.andi %get3A_687, %and3A_693 : vector<16xi32>
        %bitcast3A_695 = vector.bitcast %and3A_694 : vector<16xi32> to vector<16xf32>
        %mul3A_696 = vector.broadcast %squeeze3A_204 : f32 to vector<16xf32>
        %mul3A_697 = arith.mulf %bitcast3A_691, %mul3A_696 : vector<16xf32>
        %add3A_698 = arith.addf %add3A_678, %mul3A_697 : vector<16xf32>
        %mul3A_699 = vector.broadcast %squeeze3A_204 : f32 to vector<16xf32>
        %mul3A_700 = arith.mulf %bitcast3A_695, %mul3A_699 : vector<16xf32>
        %add3A_701 = arith.addf %add3A_681, %mul3A_700 : vector<16xf32>
        %swap3A_702 = arith.constant 0 : i32
        %swap3A_703 = arith.constant 1 : i32
        %swap3A_704 = arith.index_cast %swap3A_702 : i32 to index
        %swap3A_705 = arith.index_cast %swap3A_703 : i32 to index
        %swap3A_706 = arith.index_cast %mul3A_586 : i32 to index
        %swap3A_707 = tpu.vector_load %arg8[%swap3A_704, %swap3A_705, %swap3A_706] {strides = array<i32>} : memref<2x8x1024xf32, #tpu.memory_space<vmem>>, vector<16xf32>,
        tpu.vector_store %arg8[%swap3A_704, %swap3A_705, %swap3A_706], %add3A_698 {strides = array<i32>} : memref<2x8x1024xf32, #tpu.memory_space<vmem>>, vector<16xf32>,
        %mul3A_708 = arith.constant 16 : i32
        %mul3A_709 = arith.muli %scan3A_583, %mul3A_708 : i32
        %add3A_710 = arith.constant 512 : i32
        %add3A_711 = arith.addi %add3A_710, %mul3A_709 : i32
        %swap3A_712 = arith.constant 0 : i32
        %swap3A_713 = arith.constant 1 : i32
        %swap3A_714 = arith.index_cast %swap3A_712 : i32 to index
        %swap3A_715 = arith.index_cast %swap3A_713 : i32 to index
        %swap3A_716 = arith.index_cast %add3A_711 : i32 to index
        %swap3A_717 = tpu.vector_load %arg8[%swap3A_714, %swap3A_715, %swap3A_716] {strides = array<i32>} : memref<2x8x1024xf32, #tpu.memory_space<vmem>>, vector<16xf32>,
        tpu.vector_store %arg8[%swap3A_714, %swap3A_715, %swap3A_716], %add3A_701 {strides = array<i32>} : memref<2x8x1024xf32, #tpu.memory_space<vmem>>, vector<16xf32>,
        %scan3A_718 = arith.constant 0 : i32
        scf.yield %scan3A_718 : i32
      }
      %scan3A_211 = arith.constant 32 : i32
      %slice3A_212 = vector.extract_strided_slice %mul3A_161 {offsets = [12], sizes = [1], strides = [1]} : vector<16xf32> to vector<1xf32>
      %squeeze3A_213 = vector.extract %slice3A_212[0] : f32 from vector<1xf32>
      %slice3A_214 = vector.extract_strided_slice %mul3A_161 {offsets = [13], sizes = [1], strides = [1]} : vector<16xf32> to vector<1xf32>
      %squeeze3A_215 = vector.extract %slice3A_214[0] : f32 from vector<1xf32>
      %slice3A_216 = vector.extract_strided_slice %mul3A_161 {offsets = [14], sizes = [1], strides = [1]} : vector<16xf32> to vector<1xf32>
      %squeeze3A_217 = vector.extract %slice3A_216[0] : f32 from vector<1xf32>
      %slice3A_218 = vector.extract_strided_slice %mul3A_161 {offsets = [15], sizes = [1], strides = [1]} : vector<16xf32> to vector<1xf32>
      %squeeze3A_219 = vector.extract %slice3A_218[0] : f32 from vector<1xf32>
      %slice3A_220 = vector.extract_strided_slice %mul3A_168 {offsets = [0], sizes = [1], strides = [1]} : vector<16xf32> to vector<1xf32>
      %squeeze3A_221 = vector.extract %slice3A_220[0] : f32 from vector<1xf32>
      %slice3A_222 = vector.extract_strided_slice %mul3A_168 {offsets = [1], sizes = [1], strides = [1]} : vector<16xf32> to vector<1xf32>
      %squeeze3A_223 = vector.extract %slice3A_222[0] : f32 from vector<1xf32>
      %scan3A_224 = arith.constant 0 : i32
      %scan3A_225 = arith.constant 0 : i32
      %scan3A_226 = arith.constant 32 : i32
      %scan3A_227 = arith.addi %scan3A_225, %scan3A_226 : i32
      %scan3A_228 = arith.constant 1 : i32
      %scan3A_229 = scf.for %scan3A_583 = %scan3A_225 to %scan3A_227 step %scan3A_228 iter_args(%scan3A_584 = %scan3A_224) -> (i32)  : i32 {
        %mul3A_585 = arith.constant 16 : i32
        %mul3A_586 = arith.muli %scan3A_583, %mul3A_585 : i32
        %get3A = arith.constant 0 : i32
        %get3A_587 = arith.constant 12 : i32
        %get3A_588 = arith.index_cast %get3A : i32 to index
        %get3A_589 = arith.index_cast %get3A_587 : i32 to index
        %get3A_590 = arith.index_cast %mul3A_586 : i32 to index
        %get3A_591 = tpu.vector_load %arg7[%get3A_588, %get3A_589, %get3A_590] {strides = array<i32>} : memref<2x48x512xi32, #tpu.memory_space<vmem>>, vector<16xi32>,
        %shift_left3A = arith.constant 16 : i32
        %shift_left3A_592 = vector.broadcast %shift_left3A : i32 to vector<16xi32>
        %shift_left3A_593 = arith.shli %get3A_591, %shift_left3A_592 : vector<16xi32>
        %bitcast3A = vector.bitcast %shift_left3A_593 : vector<16xi32> to vector<16xf32>
        %and3A_594 = arith.constant -65536 : i32
        %and3A_595 = vector.broadcast %and3A_594 : i32 to vector<16xi32>
        %and3A_596 = arith.andi %get3A_591, %and3A_595 : vector<16xi32>
        %bitcast3A_597 = vector.bitcast %and3A_596 : vector<16xi32> to vector<16xf32>
        %mul3A_598 = vector.broadcast %squeeze3A_213 : f32 to vector<16xf32>
        %mul3A_599 = arith.mulf %bitcast3A, %mul3A_598 : vector<16xf32>
        %mul3A_600 = vector.broadcast %squeeze3A_213 : f32 to vector<16xf32>
        %mul3A_601 = arith.mulf %bitcast3A_597, %mul3A_600 : vector<16xf32>
        %get3A_602 = arith.constant 0 : i32
        %get3A_603 = arith.constant 13 : i32
        %get3A_604 = arith.index_cast %get3A_602 : i32 to index
        %get3A_605 = arith.index_cast %get3A_603 : i32 to index
        %get3A_606 = arith.index_cast %mul3A_586 : i32 to index
        %get3A_607 = tpu.vector_load %arg7[%get3A_604, %get3A_605, %get3A_606] {strides = array<i32>} : memref<2x48x512xi32, #tpu.memory_space<vmem>>, vector<16xi32>,
        %shift_left3A_608 = arith.constant 16 : i32
        %shift_left3A_609 = vector.broadcast %shift_left3A_608 : i32 to vector<16xi32>
        %shift_left3A_610 = arith.shli %get3A_607, %shift_left3A_609 : vector<16xi32>
        %bitcast3A_611 = vector.bitcast %shift_left3A_610 : vector<16xi32> to vector<16xf32>
        %and3A_612 = arith.constant -65536 : i32
        %and3A_613 = vector.broadcast %and3A_612 : i32 to vector<16xi32>
        %and3A_614 = arith.andi %get3A_607, %and3A_613 : vector<16xi32>
        %bitcast3A_615 = vector.bitcast %and3A_614 : vector<16xi32> to vector<16xf32>
        %mul3A_616 = vector.broadcast %squeeze3A_215 : f32 to vector<16xf32>
        %mul3A_617 = arith.mulf %bitcast3A_611, %mul3A_616 : vector<16xf32>
        %add3A_618 = arith.addf %mul3A_599, %mul3A_617 : vector<16xf32>
        %mul3A_619 = vector.broadcast %squeeze3A_215 : f32 to vector<16xf32>
        %mul3A_620 = arith.mulf %bitcast3A_615, %mul3A_619 : vector<16xf32>
        %add3A_621 = arith.addf %mul3A_601, %mul3A_620 : vector<16xf32>
        %get3A_622 = arith.constant 0 : i32
        %get3A_623 = arith.constant 14 : i32
        %get3A_624 = arith.index_cast %get3A_622 : i32 to index
        %get3A_625 = arith.index_cast %get3A_623 : i32 to index
        %get3A_626 = arith.index_cast %mul3A_586 : i32 to index
        %get3A_627 = tpu.vector_load %arg7[%get3A_624, %get3A_625, %get3A_626] {strides = array<i32>} : memref<2x48x512xi32, #tpu.memory_space<vmem>>, vector<16xi32>,
        %shift_left3A_628 = arith.constant 16 : i32
        %shift_left3A_629 = vector.broadcast %shift_left3A_628 : i32 to vector<16xi32>
        %shift_left3A_630 = arith.shli %get3A_627, %shift_left3A_629 : vector<16xi32>
        %bitcast3A_631 = vector.bitcast %shift_left3A_630 : vector<16xi32> to vector<16xf32>
        %and3A_632 = arith.constant -65536 : i32
        %and3A_633 = vector.broadcast %and3A_632 : i32 to vector<16xi32>
        %and3A_634 = arith.andi %get3A_627, %and3A_633 : vector<16xi32>
        %bitcast3A_635 = vector.bitcast %and3A_634 : vector<16xi32> to vector<16xf32>
        %mul3A_636 = vector.broadcast %squeeze3A_217 : f32 to vector<16xf32>
        %mul3A_637 = arith.mulf %bitcast3A_631, %mul3A_636 : vector<16xf32>
        %add3A_638 = arith.addf %add3A_618, %mul3A_637 : vector<16xf32>
        %mul3A_639 = vector.broadcast %squeeze3A_217 : f32 to vector<16xf32>
        %mul3A_640 = arith.mulf %bitcast3A_635, %mul3A_639 : vector<16xf32>
        %add3A_641 = arith.addf %add3A_621, %mul3A_640 : vector<16xf32>
        %get3A_642 = arith.constant 0 : i32
        %get3A_643 = arith.constant 15 : i32
        %get3A_644 = arith.index_cast %get3A_642 : i32 to index
        %get3A_645 = arith.index_cast %get3A_643 : i32 to index
        %get3A_646 = arith.index_cast %mul3A_586 : i32 to index
        %get3A_647 = tpu.vector_load %arg7[%get3A_644, %get3A_645, %get3A_646] {strides = array<i32>} : memref<2x48x512xi32, #tpu.memory_space<vmem>>, vector<16xi32>,
        %shift_left3A_648 = arith.constant 16 : i32
        %shift_left3A_649 = vector.broadcast %shift_left3A_648 : i32 to vector<16xi32>
        %shift_left3A_650 = arith.shli %get3A_647, %shift_left3A_649 : vector<16xi32>
        %bitcast3A_651 = vector.bitcast %shift_left3A_650 : vector<16xi32> to vector<16xf32>
        %and3A_652 = arith.constant -65536 : i32
        %and3A_653 = vector.broadcast %and3A_652 : i32 to vector<16xi32>
        %and3A_654 = arith.andi %get3A_647, %and3A_653 : vector<16xi32>
        %bitcast3A_655 = vector.bitcast %and3A_654 : vector<16xi32> to vector<16xf32>
        %mul3A_656 = vector.broadcast %squeeze3A_219 : f32 to vector<16xf32>
        %mul3A_657 = arith.mulf %bitcast3A_651, %mul3A_656 : vector<16xf32>
        %add3A_658 = arith.addf %add3A_638, %mul3A_657 : vector<16xf32>
        %mul3A_659 = vector.broadcast %squeeze3A_219 : f32 to vector<16xf32>
        %mul3A_660 = arith.mulf %bitcast3A_655, %mul3A_659 : vector<16xf32>
        %add3A_661 = arith.addf %add3A_641, %mul3A_660 : vector<16xf32>
        %get3A_662 = arith.constant 0 : i32
        %get3A_663 = arith.constant 16 : i32
        %get3A_664 = arith.index_cast %get3A_662 : i32 to index
        %get3A_665 = arith.index_cast %get3A_663 : i32 to index
        %get3A_666 = arith.index_cast %mul3A_586 : i32 to index
        %get3A_667 = tpu.vector_load %arg7[%get3A_664, %get3A_665, %get3A_666] {strides = array<i32>} : memref<2x48x512xi32, #tpu.memory_space<vmem>>, vector<16xi32>,
        %shift_left3A_668 = arith.constant 16 : i32
        %shift_left3A_669 = vector.broadcast %shift_left3A_668 : i32 to vector<16xi32>
        %shift_left3A_670 = arith.shli %get3A_667, %shift_left3A_669 : vector<16xi32>
        %bitcast3A_671 = vector.bitcast %shift_left3A_670 : vector<16xi32> to vector<16xf32>
        %and3A_672 = arith.constant -65536 : i32
        %and3A_673 = vector.broadcast %and3A_672 : i32 to vector<16xi32>
        %and3A_674 = arith.andi %get3A_667, %and3A_673 : vector<16xi32>
        %bitcast3A_675 = vector.bitcast %and3A_674 : vector<16xi32> to vector<16xf32>
        %mul3A_676 = vector.broadcast %squeeze3A_221 : f32 to vector<16xf32>
        %mul3A_677 = arith.mulf %bitcast3A_671, %mul3A_676 : vector<16xf32>
        %add3A_678 = arith.addf %add3A_658, %mul3A_677 : vector<16xf32>
        %mul3A_679 = vector.broadcast %squeeze3A_221 : f32 to vector<16xf32>
        %mul3A_680 = arith.mulf %bitcast3A_675, %mul3A_679 : vector<16xf32>
        %add3A_681 = arith.addf %add3A_661, %mul3A_680 : vector<16xf32>
        %get3A_682 = arith.constant 0 : i32
        %get3A_683 = arith.constant 17 : i32
        %get3A_684 = arith.index_cast %get3A_682 : i32 to index
        %get3A_685 = arith.index_cast %get3A_683 : i32 to index
        %get3A_686 = arith.index_cast %mul3A_586 : i32 to index
        %get3A_687 = tpu.vector_load %arg7[%get3A_684, %get3A_685, %get3A_686] {strides = array<i32>} : memref<2x48x512xi32, #tpu.memory_space<vmem>>, vector<16xi32>,
        %shift_left3A_688 = arith.constant 16 : i32
        %shift_left3A_689 = vector.broadcast %shift_left3A_688 : i32 to vector<16xi32>
        %shift_left3A_690 = arith.shli %get3A_687, %shift_left3A_689 : vector<16xi32>
        %bitcast3A_691 = vector.bitcast %shift_left3A_690 : vector<16xi32> to vector<16xf32>
        %and3A_692 = arith.constant -65536 : i32
        %and3A_693 = vector.broadcast %and3A_692 : i32 to vector<16xi32>
        %and3A_694 = arith.andi %get3A_687, %and3A_693 : vector<16xi32>
        %bitcast3A_695 = vector.bitcast %and3A_694 : vector<16xi32> to vector<16xf32>
        %mul3A_696 = vector.broadcast %squeeze3A_223 : f32 to vector<16xf32>
        %mul3A_697 = arith.mulf %bitcast3A_691, %mul3A_696 : vector<16xf32>
        %add3A_698 = arith.addf %add3A_678, %mul3A_697 : vector<16xf32>
        %mul3A_699 = vector.broadcast %squeeze3A_223 : f32 to vector<16xf32>
        %mul3A_700 = arith.mulf %bitcast3A_695, %mul3A_699 : vector<16xf32>
        %add3A_701 = arith.addf %add3A_681, %mul3A_700 : vector<16xf32>
        %swap3A_702 = arith.constant 0 : i32
        %swap3A_703 = arith.constant 2 : i32
        %swap3A_704 = arith.index_cast %swap3A_702 : i32 to index
        %swap3A_705 = arith.index_cast %swap3A_703 : i32 to index
        %swap3A_706 = arith.index_cast %mul3A_586 : i32 to index
        %swap3A_707 = tpu.vector_load %arg8[%swap3A_704, %swap3A_705, %swap3A_706] {strides = array<i32>} : memref<2x8x1024xf32, #tpu.memory_space<vmem>>, vector<16xf32>,
        tpu.vector_store %arg8[%swap3A_704, %swap3A_705, %swap3A_706], %add3A_698 {strides = array<i32>} : memref<2x8x1024xf32, #tpu.memory_space<vmem>>, vector<16xf32>,
        %mul3A_708 = arith.constant 16 : i32
        %mul3A_709 = arith.muli %scan3A_583, %mul3A_708 : i32
        %add3A_710 = arith.constant 512 : i32
        %add3A_711 = arith.addi %add3A_710, %mul3A_709 : i32
        %swap3A_712 = arith.constant 0 : i32
        %swap3A_713 = arith.constant 2 : i32
        %swap3A_714 = arith.index_cast %swap3A_712 : i32 to index
        %swap3A_715 = arith.index_cast %swap3A_713 : i32 to index
        %swap3A_716 = arith.index_cast %add3A_711 : i32 to index
        %swap3A_717 = tpu.vector_load %arg8[%swap3A_714, %swap3A_715, %swap3A_716] {strides = array<i32>} : memref<2x8x1024xf32, #tpu.memory_space<vmem>>, vector<16xf32>,
        tpu.vector_store %arg8[%swap3A_714, %swap3A_715, %swap3A_716], %add3A_701 {strides = array<i32>} : memref<2x8x1024xf32, #tpu.memory_space<vmem>>, vector<16xf32>,
        %scan3A_718 = arith.constant 0 : i32
        scf.yield %scan3A_718 : i32
      }
      %scan3A_230 = arith.constant 32 : i32
      %slice3A_231 = vector.extract_strided_slice %mul3A_168 {offsets = [2], sizes = [1], strides = [1]} : vector<16xf32> to vector<1xf32>
      %squeeze3A_232 = vector.extract %slice3A_231[0] : f32 from vector<1xf32>
      %slice3A_233 = vector.extract_strided_slice %mul3A_168 {offsets = [3], sizes = [1], strides = [1]} : vector<16xf32> to vector<1xf32>
      %squeeze3A_234 = vector.extract %slice3A_233[0] : f32 from vector<1xf32>
      %slice3A_235 = vector.extract_strided_slice %mul3A_168 {offsets = [4], sizes = [1], strides = [1]} : vector<16xf32> to vector<1xf32>
      %squeeze3A_236 = vector.extract %slice3A_235[0] : f32 from vector<1xf32>
      %slice3A_237 = vector.extract_strided_slice %mul3A_168 {offsets = [5], sizes = [1], strides = [1]} : vector<16xf32> to vector<1xf32>
      %squeeze3A_238 = vector.extract %slice3A_237[0] : f32 from vector<1xf32>
      %slice3A_239 = vector.extract_strided_slice %mul3A_168 {offsets = [6], sizes = [1], strides = [1]} : vector<16xf32> to vector<1xf32>
      %squeeze3A_240 = vector.extract %slice3A_239[0] : f32 from vector<1xf32>
      %slice3A_241 = vector.extract_strided_slice %mul3A_168 {offsets = [7], sizes = [1], strides = [1]} : vector<16xf32> to vector<1xf32>
      %squeeze3A_242 = vector.extract %slice3A_241[0] : f32 from vector<1xf32>
      %scan3A_243 = arith.constant 0 : i32
      %scan3A_244 = arith.constant 0 : i32
      %scan3A_245 = arith.constant 32 : i32
      %scan3A_246 = arith.addi %scan3A_244, %scan3A_245 : i32
      %scan3A_247 = arith.constant 1 : i32
      %scan3A_248 = scf.for %scan3A_583 = %scan3A_244 to %scan3A_246 step %scan3A_247 iter_args(%scan3A_584 = %scan3A_243) -> (i32)  : i32 {
        %mul3A_585 = arith.constant 16 : i32
        %mul3A_586 = arith.muli %scan3A_583, %mul3A_585 : i32
        %get3A = arith.constant 0 : i32
        %get3A_587 = arith.constant 18 : i32
        %get3A_588 = arith.index_cast %get3A : i32 to index
        %get3A_589 = arith.index_cast %get3A_587 : i32 to index
        %get3A_590 = arith.index_cast %mul3A_586 : i32 to index
        %get3A_591 = tpu.vector_load %arg7[%get3A_588, %get3A_589, %get3A_590] {strides = array<i32>} : memref<2x48x512xi32, #tpu.memory_space<vmem>>, vector<16xi32>,
        %shift_left3A = arith.constant 16 : i32
        %shift_left3A_592 = vector.broadcast %shift_left3A : i32 to vector<16xi32>
        %shift_left3A_593 = arith.shli %get3A_591, %shift_left3A_592 : vector<16xi32>
        %bitcast3A = vector.bitcast %shift_left3A_593 : vector<16xi32> to vector<16xf32>
        %and3A_594 = arith.constant -65536 : i32
        %and3A_595 = vector.broadcast %and3A_594 : i32 to vector<16xi32>
        %and3A_596 = arith.andi %get3A_591, %and3A_595 : vector<16xi32>
        %bitcast3A_597 = vector.bitcast %and3A_596 : vector<16xi32> to vector<16xf32>
        %mul3A_598 = vector.broadcast %squeeze3A_232 : f32 to vector<16xf32>
        %mul3A_599 = arith.mulf %bitcast3A, %mul3A_598 : vector<16xf32>
        %mul3A_600 = vector.broadcast %squeeze3A_232 : f32 to vector<16xf32>
        %mul3A_601 = arith.mulf %bitcast3A_597, %mul3A_600 : vector<16xf32>
        %get3A_602 = arith.constant 0 : i32
        %get3A_603 = arith.constant 19 : i32
        %get3A_604 = arith.index_cast %get3A_602 : i32 to index
        %get3A_605 = arith.index_cast %get3A_603 : i32 to index
        %get3A_606 = arith.index_cast %mul3A_586 : i32 to index
        %get3A_607 = tpu.vector_load %arg7[%get3A_604, %get3A_605, %get3A_606] {strides = array<i32>} : memref<2x48x512xi32, #tpu.memory_space<vmem>>, vector<16xi32>,
        %shift_left3A_608 = arith.constant 16 : i32
        %shift_left3A_609 = vector.broadcast %shift_left3A_608 : i32 to vector<16xi32>
        %shift_left3A_610 = arith.shli %get3A_607, %shift_left3A_609 : vector<16xi32>
        %bitcast3A_611 = vector.bitcast %shift_left3A_610 : vector<16xi32> to vector<16xf32>
        %and3A_612 = arith.constant -65536 : i32
        %and3A_613 = vector.broadcast %and3A_612 : i32 to vector<16xi32>
        %and3A_614 = arith.andi %get3A_607, %and3A_613 : vector<16xi32>
        %bitcast3A_615 = vector.bitcast %and3A_614 : vector<16xi32> to vector<16xf32>
        %mul3A_616 = vector.broadcast %squeeze3A_234 : f32 to vector<16xf32>
        %mul3A_617 = arith.mulf %bitcast3A_611, %mul3A_616 : vector<16xf32>
        %add3A_618 = arith.addf %mul3A_599, %mul3A_617 : vector<16xf32>
        %mul3A_619 = vector.broadcast %squeeze3A_234 : f32 to vector<16xf32>
        %mul3A_620 = arith.mulf %bitcast3A_615, %mul3A_619 : vector<16xf32>
        %add3A_621 = arith.addf %mul3A_601, %mul3A_620 : vector<16xf32>
        %get3A_622 = arith.constant 0 : i32
        %get3A_623 = arith.constant 20 : i32
        %get3A_624 = arith.index_cast %get3A_622 : i32 to index
        %get3A_625 = arith.index_cast %get3A_623 : i32 to index
        %get3A_626 = arith.index_cast %mul3A_586 : i32 to index
        %get3A_627 = tpu.vector_load %arg7[%get3A_624, %get3A_625, %get3A_626] {strides = array<i32>} : memref<2x48x512xi32, #tpu.memory_space<vmem>>, vector<16xi32>,
        %shift_left3A_628 = arith.constant 16 : i32
        %shift_left3A_629 = vector.broadcast %shift_left3A_628 : i32 to vector<16xi32>
        %shift_left3A_630 = arith.shli %get3A_627, %shift_left3A_629 : vector<16xi32>
        %bitcast3A_631 = vector.bitcast %shift_left3A_630 : vector<16xi32> to vector<16xf32>
        %and3A_632 = arith.constant -65536 : i32
        %and3A_633 = vector.broadcast %and3A_632 : i32 to vector<16xi32>
        %and3A_634 = arith.andi %get3A_627, %and3A_633 : vector<16xi32>
        %bitcast3A_635 = vector.bitcast %and3A_634 : vector<16xi32> to vector<16xf32>
        %mul3A_636 = vector.broadcast %squeeze3A_236 : f32 to vector<16xf32>
        %mul3A_637 = arith.mulf %bitcast3A_631, %mul3A_636 : vector<16xf32>
        %add3A_638 = arith.addf %add3A_618, %mul3A_637 : vector<16xf32>
        %mul3A_639 = vector.broadcast %squeeze3A_236 : f32 to vector<16xf32>
        %mul3A_640 = arith.mulf %bitcast3A_635, %mul3A_639 : vector<16xf32>
        %add3A_641 = arith.addf %add3A_621, %mul3A_640 : vector<16xf32>
        %get3A_642 = arith.constant 0 : i32
        %get3A_643 = arith.constant 21 : i32
        %get3A_644 = arith.index_cast %get3A_642 : i32 to index
        %get3A_645 = arith.index_cast %get3A_643 : i32 to index
        %get3A_646 = arith.index_cast %mul3A_586 : i32 to index
        %get3A_647 = tpu.vector_load %arg7[%get3A_644, %get3A_645, %get3A_646] {strides = array<i32>} : memref<2x48x512xi32, #tpu.memory_space<vmem>>, vector<16xi32>,
        %shift_left3A_648 = arith.constant 16 : i32
        %shift_left3A_649 = vector.broadcast %shift_left3A_648 : i32 to vector<16xi32>
        %shift_left3A_650 = arith.shli %get3A_647, %shift_left3A_649 : vector<16xi32>
        %bitcast3A_651 = vector.bitcast %shift_left3A_650 : vector<16xi32> to vector<16xf32>
        %and3A_652 = arith.constant -65536 : i32
        %and3A_653 = vector.broadcast %and3A_652 : i32 to vector<16xi32>
        %and3A_654 = arith.andi %get3A_647, %and3A_653 : vector<16xi32>
        %bitcast3A_655 = vector.bitcast %and3A_654 : vector<16xi32> to vector<16xf32>
        %mul3A_656 = vector.broadcast %squeeze3A_238 : f32 to vector<16xf32>
        %mul3A_657 = arith.mulf %bitcast3A_651, %mul3A_656 : vector<16xf32>
        %add3A_658 = arith.addf %add3A_638, %mul3A_657 : vector<16xf32>
        %mul3A_659 = vector.broadcast %squeeze3A_238 : f32 to vector<16xf32>
        %mul3A_660 = arith.mulf %bitcast3A_655, %mul3A_659 : vector<16xf32>
        %add3A_661 = arith.addf %add3A_641, %mul3A_660 : vector<16xf32>
        %get3A_662 = arith.constant 0 : i32
        %get3A_663 = arith.constant 22 : i32
        %get3A_664 = arith.index_cast %get3A_662 : i32 to index
        %get3A_665 = arith.index_cast %get3A_663 : i32 to index
        %get3A_666 = arith.index_cast %mul3A_586 : i32 to index
        %get3A_667 = tpu.vector_load %arg7[%get3A_664, %get3A_665, %get3A_666] {strides = array<i32>} : memref<2x48x512xi32, #tpu.memory_space<vmem>>, vector<16xi32>,
        %shift_left3A_668 = arith.constant 16 : i32
        %shift_left3A_669 = vector.broadcast %shift_left3A_668 : i32 to vector<16xi32>
        %shift_left3A_670 = arith.shli %get3A_667, %shift_left3A_669 : vector<16xi32>
        %bitcast3A_671 = vector.bitcast %shift_left3A_670 : vector<16xi32> to vector<16xf32>
        %and3A_672 = arith.constant -65536 : i32
        %and3A_673 = vector.broadcast %and3A_672 : i32 to vector<16xi32>
        %and3A_674 = arith.andi %get3A_667, %and3A_673 : vector<16xi32>
        %bitcast3A_675 = vector.bitcast %and3A_674 : vector<16xi32> to vector<16xf32>
        %mul3A_676 = vector.broadcast %squeeze3A_240 : f32 to vector<16xf32>
        %mul3A_677 = arith.mulf %bitcast3A_671, %mul3A_676 : vector<16xf32>
        %add3A_678 = arith.addf %add3A_658, %mul3A_677 : vector<16xf32>
        %mul3A_679 = vector.broadcast %squeeze3A_240 : f32 to vector<16xf32>
        %mul3A_680 = arith.mulf %bitcast3A_675, %mul3A_679 : vector<16xf32>
        %add3A_681 = arith.addf %add3A_661, %mul3A_680 : vector<16xf32>
        %get3A_682 = arith.constant 0 : i32
        %get3A_683 = arith.constant 23 : i32
        %get3A_684 = arith.index_cast %get3A_682 : i32 to index
        %get3A_685 = arith.index_cast %get3A_683 : i32 to index
        %get3A_686 = arith.index_cast %mul3A_586 : i32 to index
        %get3A_687 = tpu.vector_load %arg7[%get3A_684, %get3A_685, %get3A_686] {strides = array<i32>} : memref<2x48x512xi32, #tpu.memory_space<vmem>>, vector<16xi32>,
        %shift_left3A_688 = arith.constant 16 : i32
        %shift_left3A_689 = vector.broadcast %shift_left3A_688 : i32 to vector<16xi32>
        %shift_left3A_690 = arith.shli %get3A_687, %shift_left3A_689 : vector<16xi32>
        %bitcast3A_691 = vector.bitcast %shift_left3A_690 : vector<16xi32> to vector<16xf32>
        %and3A_692 = arith.constant -65536 : i32
        %and3A_693 = vector.broadcast %and3A_692 : i32 to vector<16xi32>
        %and3A_694 = arith.andi %get3A_687, %and3A_693 : vector<16xi32>
        %bitcast3A_695 = vector.bitcast %and3A_694 : vector<16xi32> to vector<16xf32>
        %mul3A_696 = vector.broadcast %squeeze3A_242 : f32 to vector<16xf32>
        %mul3A_697 = arith.mulf %bitcast3A_691, %mul3A_696 : vector<16xf32>
        %add3A_698 = arith.addf %add3A_678, %mul3A_697 : vector<16xf32>
        %mul3A_699 = vector.broadcast %squeeze3A_242 : f32 to vector<16xf32>
        %mul3A_700 = arith.mulf %bitcast3A_695, %mul3A_699 : vector<16xf32>
        %add3A_701 = arith.addf %add3A_681, %mul3A_700 : vector<16xf32>
        %swap3A_702 = arith.constant 0 : i32
        %swap3A_703 = arith.constant 3 : i32
        %swap3A_704 = arith.index_cast %swap3A_702 : i32 to index
        %swap3A_705 = arith.index_cast %swap3A_703 : i32 to index
        %swap3A_706 = arith.index_cast %mul3A_586 : i32 to index
        %swap3A_707 = tpu.vector_load %arg8[%swap3A_704, %swap3A_705, %swap3A_706] {strides = array<i32>} : memref<2x8x1024xf32, #tpu.memory_space<vmem>>, vector<16xf32>,
        tpu.vector_store %arg8[%swap3A_704, %swap3A_705, %swap3A_706], %add3A_698 {strides = array<i32>} : memref<2x8x1024xf32, #tpu.memory_space<vmem>>, vector<16xf32>,
        %mul3A_708 = arith.constant 16 : i32
        %mul3A_709 = arith.muli %scan3A_583, %mul3A_708 : i32
        %add3A_710 = arith.constant 512 : i32
        %add3A_711 = arith.addi %add3A_710, %mul3A_709 : i32
        %swap3A_712 = arith.constant 0 : i32
        %swap3A_713 = arith.constant 3 : i32
        %swap3A_714 = arith.index_cast %swap3A_712 : i32 to index
        %swap3A_715 = arith.index_cast %swap3A_713 : i32 to index
        %swap3A_716 = arith.index_cast %add3A_711 : i32 to index
        %swap3A_717 = tpu.vector_load %arg8[%swap3A_714, %swap3A_715, %swap3A_716] {strides = array<i32>} : memref<2x8x1024xf32, #tpu.memory_space<vmem>>, vector<16xf32>,
        tpu.vector_store %arg8[%swap3A_714, %swap3A_715, %swap3A_716], %add3A_701 {strides = array<i32>} : memref<2x8x1024xf32, #tpu.memory_space<vmem>>, vector<16xf32>,
        %scan3A_718 = arith.constant 0 : i32
        scf.yield %scan3A_718 : i32
      }
      %scan3A_249 = arith.constant 32 : i32
      %slice3A_250 = vector.extract_strided_slice %mul3A_168 {offsets = [8], sizes = [1], strides = [1]} : vector<16xf32> to vector<1xf32>
      %squeeze3A_251 = vector.extract %slice3A_250[0] : f32 from vector<1xf32>
      %slice3A_252 = vector.extract_strided_slice %mul3A_168 {offsets = [9], sizes = [1], strides = [1]} : vector<16xf32> to vector<1xf32>
      %squeeze3A_253 = vector.extract %slice3A_252[0] : f32 from vector<1xf32>
      %slice3A_254 = vector.extract_strided_slice %mul3A_168 {offsets = [10], sizes = [1], strides = [1]} : vector<16xf32> to vector<1xf32>
      %squeeze3A_255 = vector.extract %slice3A_254[0] : f32 from vector<1xf32>
      %slice3A_256 = vector.extract_strided_slice %mul3A_168 {offsets = [11], sizes = [1], strides = [1]} : vector<16xf32> to vector<1xf32>
      %squeeze3A_257 = vector.extract %slice3A_256[0] : f32 from vector<1xf32>
      %slice3A_258 = vector.extract_strided_slice %mul3A_168 {offsets = [12], sizes = [1], strides = [1]} : vector<16xf32> to vector<1xf32>
      %squeeze3A_259 = vector.extract %slice3A_258[0] : f32 from vector<1xf32>
      %slice3A_260 = vector.extract_strided_slice %mul3A_168 {offsets = [13], sizes = [1], strides = [1]} : vector<16xf32> to vector<1xf32>
      %squeeze3A_261 = vector.extract %slice3A_260[0] : f32 from vector<1xf32>
      %scan3A_262 = arith.constant 0 : i32
      %scan3A_263 = arith.constant 0 : i32
      %scan3A_264 = arith.constant 32 : i32
      %scan3A_265 = arith.addi %scan3A_263, %scan3A_264 : i32
      %scan3A_266 = arith.constant 1 : i32
      %scan3A_267 = scf.for %scan3A_583 = %scan3A_263 to %scan3A_265 step %scan3A_266 iter_args(%scan3A_584 = %scan3A_262) -> (i32)  : i32 {
        %mul3A_585 = arith.constant 16 : i32
        %mul3A_586 = arith.muli %scan3A_583, %mul3A_585 : i32
        %get3A = arith.constant 0 : i32
        %get3A_587 = arith.constant 24 : i32
        %get3A_588 = arith.index_cast %get3A : i32 to index
        %get3A_589 = arith.index_cast %get3A_587 : i32 to index
        %get3A_590 = arith.index_cast %mul3A_586 : i32 to index
        %get3A_591 = tpu.vector_load %arg7[%get3A_588, %get3A_589, %get3A_590] {strides = array<i32>} : memref<2x48x512xi32, #tpu.memory_space<vmem>>, vector<16xi32>,
        %shift_left3A = arith.constant 16 : i32
        %shift_left3A_592 = vector.broadcast %shift_left3A : i32 to vector<16xi32>
        %shift_left3A_593 = arith.shli %get3A_591, %shift_left3A_592 : vector<16xi32>
        %bitcast3A = vector.bitcast %shift_left3A_593 : vector<16xi32> to vector<16xf32>
        %and3A_594 = arith.constant -65536 : i32
        %and3A_595 = vector.broadcast %and3A_594 : i32 to vector<16xi32>
        %and3A_596 = arith.andi %get3A_591, %and3A_595 : vector<16xi32>
        %bitcast3A_597 = vector.bitcast %and3A_596 : vector<16xi32> to vector<16xf32>
        %mul3A_598 = vector.broadcast %squeeze3A_251 : f32 to vector<16xf32>
        %mul3A_599 = arith.mulf %bitcast3A, %mul3A_598 : vector<16xf32>
        %mul3A_600 = vector.broadcast %squeeze3A_251 : f32 to vector<16xf32>
        %mul3A_601 = arith.mulf %bitcast3A_597, %mul3A_600 : vector<16xf32>
        %get3A_602 = arith.constant 0 : i32
        %get3A_603 = arith.constant 25 : i32
        %get3A_604 = arith.index_cast %get3A_602 : i32 to index
        %get3A_605 = arith.index_cast %get3A_603 : i32 to index
        %get3A_606 = arith.index_cast %mul3A_586 : i32 to index
        %get3A_607 = tpu.vector_load %arg7[%get3A_604, %get3A_605, %get3A_606] {strides = array<i32>} : memref<2x48x512xi32, #tpu.memory_space<vmem>>, vector<16xi32>,
        %shift_left3A_608 = arith.constant 16 : i32
        %shift_left3A_609 = vector.broadcast %shift_left3A_608 : i32 to vector<16xi32>
        %shift_left3A_610 = arith.shli %get3A_607, %shift_left3A_609 : vector<16xi32>
        %bitcast3A_611 = vector.bitcast %shift_left3A_610 : vector<16xi32> to vector<16xf32>
        %and3A_612 = arith.constant -65536 : i32
        %and3A_613 = vector.broadcast %and3A_612 : i32 to vector<16xi32>
        %and3A_614 = arith.andi %get3A_607, %and3A_613 : vector<16xi32>
        %bitcast3A_615 = vector.bitcast %and3A_614 : vector<16xi32> to vector<16xf32>
        %mul3A_616 = vector.broadcast %squeeze3A_253 : f32 to vector<16xf32>
        %mul3A_617 = arith.mulf %bitcast3A_611, %mul3A_616 : vector<16xf32>
        %add3A_618 = arith.addf %mul3A_599, %mul3A_617 : vector<16xf32>
        %mul3A_619 = vector.broadcast %squeeze3A_253 : f32 to vector<16xf32>
        %mul3A_620 = arith.mulf %bitcast3A_615, %mul3A_619 : vector<16xf32>
        %add3A_621 = arith.addf %mul3A_601, %mul3A_620 : vector<16xf32>
        %get3A_622 = arith.constant 0 : i32
        %get3A_623 = arith.constant 26 : i32
        %get3A_624 = arith.index_cast %get3A_622 : i32 to index
        %get3A_625 = arith.index_cast %get3A_623 : i32 to index
        %get3A_626 = arith.index_cast %mul3A_586 : i32 to index
        %get3A_627 = tpu.vector_load %arg7[%get3A_624, %get3A_625, %get3A_626] {strides = array<i32>} : memref<2x48x512xi32, #tpu.memory_space<vmem>>, vector<16xi32>,
        %shift_left3A_628 = arith.constant 16 : i32
        %shift_left3A_629 = vector.broadcast %shift_left3A_628 : i32 to vector<16xi32>
        %shift_left3A_630 = arith.shli %get3A_627, %shift_left3A_629 : vector<16xi32>
        %bitcast3A_631 = vector.bitcast %shift_left3A_630 : vector<16xi32> to vector<16xf32>
        %and3A_632 = arith.constant -65536 : i32
        %and3A_633 = vector.broadcast %and3A_632 : i32 to vector<16xi32>
        %and3A_634 = arith.andi %get3A_627, %and3A_633 : vector<16xi32>
        %bitcast3A_635 = vector.bitcast %and3A_634 : vector<16xi32> to vector<16xf32>
        %mul3A_636 = vector.broadcast %squeeze3A_255 : f32 to vector<16xf32>
        %mul3A_637 = arith.mulf %bitcast3A_631, %mul3A_636 : vector<16xf32>
        %add3A_638 = arith.addf %add3A_618, %mul3A_637 : vector<16xf32>
        %mul3A_639 = vector.broadcast %squeeze3A_255 : f32 to vector<16xf32>
        %mul3A_640 = arith.mulf %bitcast3A_635, %mul3A_639 : vector<16xf32>
        %add3A_641 = arith.addf %add3A_621, %mul3A_640 : vector<16xf32>
        %get3A_642 = arith.constant 0 : i32
        %get3A_643 = arith.constant 27 : i32
        %get3A_644 = arith.index_cast %get3A_642 : i32 to index
        %get3A_645 = arith.index_cast %get3A_643 : i32 to index
        %get3A_646 = arith.index_cast %mul3A_586 : i32 to index
        %get3A_647 = tpu.vector_load %arg7[%get3A_644, %get3A_645, %get3A_646] {strides = array<i32>} : memref<2x48x512xi32, #tpu.memory_space<vmem>>, vector<16xi32>,
        %shift_left3A_648 = arith.constant 16 : i32
        %shift_left3A_649 = vector.broadcast %shift_left3A_648 : i32 to vector<16xi32>
        %shift_left3A_650 = arith.shli %get3A_647, %shift_left3A_649 : vector<16xi32>
        %bitcast3A_651 = vector.bitcast %shift_left3A_650 : vector<16xi32> to vector<16xf32>
        %and3A_652 = arith.constant -65536 : i32
        %and3A_653 = vector.broadcast %and3A_652 : i32 to vector<16xi32>
        %and3A_654 = arith.andi %get3A_647, %and3A_653 : vector<16xi32>
        %bitcast3A_655 = vector.bitcast %and3A_654 : vector<16xi32> to vector<16xf32>
        %mul3A_656 = vector.broadcast %squeeze3A_257 : f32 to vector<16xf32>
        %mul3A_657 = arith.mulf %bitcast3A_651, %mul3A_656 : vector<16xf32>
        %add3A_658 = arith.addf %add3A_638, %mul3A_657 : vector<16xf32>
        %mul3A_659 = vector.broadcast %squeeze3A_257 : f32 to vector<16xf32>
        %mul3A_660 = arith.mulf %bitcast3A_655, %mul3A_659 : vector<16xf32>
        %add3A_661 = arith.addf %add3A_641, %mul3A_660 : vector<16xf32>
        %get3A_662 = arith.constant 0 : i32
        %get3A_663 = arith.constant 28 : i32
        %get3A_664 = arith.index_cast %get3A_662 : i32 to index
        %get3A_665 = arith.index_cast %get3A_663 : i32 to index
        %get3A_666 = arith.index_cast %mul3A_586 : i32 to index
        %get3A_667 = tpu.vector_load %arg7[%get3A_664, %get3A_665, %get3A_666] {strides = array<i32>} : memref<2x48x512xi32, #tpu.memory_space<vmem>>, vector<16xi32>,
        %shift_left3A_668 = arith.constant 16 : i32
        %shift_left3A_669 = vector.broadcast %shift_left3A_668 : i32 to vector<16xi32>
        %shift_left3A_670 = arith.shli %get3A_667, %shift_left3A_669 : vector<16xi32>
        %bitcast3A_671 = vector.bitcast %shift_left3A_670 : vector<16xi32> to vector<16xf32>
        %and3A_672 = arith.constant -65536 : i32
        %and3A_673 = vector.broadcast %and3A_672 : i32 to vector<16xi32>
        %and3A_674 = arith.andi %get3A_667, %and3A_673 : vector<16xi32>
        %bitcast3A_675 = vector.bitcast %and3A_674 : vector<16xi32> to vector<16xf32>
        %mul3A_676 = vector.broadcast %squeeze3A_259 : f32 to vector<16xf32>
        %mul3A_677 = arith.mulf %bitcast3A_671, %mul3A_676 : vector<16xf32>
        %add3A_678 = arith.addf %add3A_658, %mul3A_677 : vector<16xf32>
        %mul3A_679 = vector.broadcast %squeeze3A_259 : f32 to vector<16xf32>
        %mul3A_680 = arith.mulf %bitcast3A_675, %mul3A_679 : vector<16xf32>
        %add3A_681 = arith.addf %add3A_661, %mul3A_680 : vector<16xf32>
        %get3A_682 = arith.constant 0 : i32
        %get3A_683 = arith.constant 29 : i32
        %get3A_684 = arith.index_cast %get3A_682 : i32 to index
        %get3A_685 = arith.index_cast %get3A_683 : i32 to index
        %get3A_686 = arith.index_cast %mul3A_586 : i32 to index
        %get3A_687 = tpu.vector_load %arg7[%get3A_684, %get3A_685, %get3A_686] {strides = array<i32>} : memref<2x48x512xi32, #tpu.memory_space<vmem>>, vector<16xi32>,
        %shift_left3A_688 = arith.constant 16 : i32
        %shift_left3A_689 = vector.broadcast %shift_left3A_688 : i32 to vector<16xi32>
        %shift_left3A_690 = arith.shli %get3A_687, %shift_left3A_689 : vector<16xi32>
        %bitcast3A_691 = vector.bitcast %shift_left3A_690 : vector<16xi32> to vector<16xf32>
        %and3A_692 = arith.constant -65536 : i32
        %and3A_693 = vector.broadcast %and3A_692 : i32 to vector<16xi32>
        %and3A_694 = arith.andi %get3A_687, %and3A_693 : vector<16xi32>
        %bitcast3A_695 = vector.bitcast %and3A_694 : vector<16xi32> to vector<16xf32>
        %mul3A_696 = vector.broadcast %squeeze3A_261 : f32 to vector<16xf32>
        %mul3A_697 = arith.mulf %bitcast3A_691, %mul3A_696 : vector<16xf32>
        %add3A_698 = arith.addf %add3A_678, %mul3A_697 : vector<16xf32>
        %mul3A_699 = vector.broadcast %squeeze3A_261 : f32 to vector<16xf32>
        %mul3A_700 = arith.mulf %bitcast3A_695, %mul3A_699 : vector<16xf32>
        %add3A_701 = arith.addf %add3A_681, %mul3A_700 : vector<16xf32>
        %swap3A_702 = arith.constant 0 : i32
        %swap3A_703 = arith.constant 4 : i32
        %swap3A_704 = arith.index_cast %swap3A_702 : i32 to index
        %swap3A_705 = arith.index_cast %swap3A_703 : i32 to index
        %swap3A_706 = arith.index_cast %mul3A_586 : i32 to index
        %swap3A_707 = tpu.vector_load %arg8[%swap3A_704, %swap3A_705, %swap3A_706] {strides = array<i32>} : memref<2x8x1024xf32, #tpu.memory_space<vmem>>, vector<16xf32>,
        tpu.vector_store %arg8[%swap3A_704, %swap3A_705, %swap3A_706], %add3A_698 {strides = array<i32>} : memref<2x8x1024xf32, #tpu.memory_space<vmem>>, vector<16xf32>,
        %mul3A_708 = arith.constant 16 : i32
        %mul3A_709 = arith.muli %scan3A_583, %mul3A_708 : i32
        %add3A_710 = arith.constant 512 : i32
        %add3A_711 = arith.addi %add3A_710, %mul3A_709 : i32
        %swap3A_712 = arith.constant 0 : i32
        %swap3A_713 = arith.constant 4 : i32
        %swap3A_714 = arith.index_cast %swap3A_712 : i32 to index
        %swap3A_715 = arith.index_cast %swap3A_713 : i32 to index
        %swap3A_716 = arith.index_cast %add3A_711 : i32 to index
        %swap3A_717 = tpu.vector_load %arg8[%swap3A_714, %swap3A_715, %swap3A_716] {strides = array<i32>} : memref<2x8x1024xf32, #tpu.memory_space<vmem>>, vector<16xf32>,
        tpu.vector_store %arg8[%swap3A_714, %swap3A_715, %swap3A_716], %add3A_701 {strides = array<i32>} : memref<2x8x1024xf32, #tpu.memory_space<vmem>>, vector<16xf32>,
        %scan3A_718 = arith.constant 0 : i32
        scf.yield %scan3A_718 : i32
      }
      %scan3A_268 = arith.constant 32 : i32
      %slice3A_269 = vector.extract_strided_slice %mul3A_168 {offsets = [14], sizes = [1], strides = [1]} : vector<16xf32> to vector<1xf32>
      %squeeze3A_270 = vector.extract %slice3A_269[0] : f32 from vector<1xf32>
      %slice3A_271 = vector.extract_strided_slice %mul3A_168 {offsets = [15], sizes = [1], strides = [1]} : vector<16xf32> to vector<1xf32>
      %squeeze3A_272 = vector.extract %slice3A_271[0] : f32 from vector<1xf32>
      %slice3A_273 = vector.extract_strided_slice %mul3A_175 {offsets = [0], sizes = [1], strides = [1]} : vector<16xf32> to vector<1xf32>
      %squeeze3A_274 = vector.extract %slice3A_273[0] : f32 from vector<1xf32>
      %slice3A_275 = vector.extract_strided_slice %mul3A_175 {offsets = [1], sizes = [1], strides = [1]} : vector<16xf32> to vector<1xf32>
      %squeeze3A_276 = vector.extract %slice3A_275[0] : f32 from vector<1xf32>
      %slice3A_277 = vector.extract_strided_slice %mul3A_175 {offsets = [2], sizes = [1], strides = [1]} : vector<16xf32> to vector<1xf32>
      %squeeze3A_278 = vector.extract %slice3A_277[0] : f32 from vector<1xf32>
      %slice3A_279 = vector.extract_strided_slice %mul3A_175 {offsets = [3], sizes = [1], strides = [1]} : vector<16xf32> to vector<1xf32>
      %squeeze3A_280 = vector.extract %slice3A_279[0] : f32 from vector<1xf32>
      %scan3A_281 = arith.constant 0 : i32
      %scan3A_282 = arith.constant 0 : i32
      %scan3A_283 = arith.constant 32 : i32
      %scan3A_284 = arith.addi %scan3A_282, %scan3A_283 : i32
      %scan3A_285 = arith.constant 1 : i32
      %scan3A_286 = scf.for %scan3A_583 = %scan3A_282 to %scan3A_284 step %scan3A_285 iter_args(%scan3A_584 = %scan3A_281) -> (i32)  : i32 {
        %mul3A_585 = arith.constant 16 : i32
        %mul3A_586 = arith.muli %scan3A_583, %mul3A_585 : i32
        %get3A = arith.constant 0 : i32
        %get3A_587 = arith.constant 30 : i32
        %get3A_588 = arith.index_cast %get3A : i32 to index
        %get3A_589 = arith.index_cast %get3A_587 : i32 to index
        %get3A_590 = arith.index_cast %mul3A_586 : i32 to index
        %get3A_591 = tpu.vector_load %arg7[%get3A_588, %get3A_589, %get3A_590] {strides = array<i32>} : memref<2x48x512xi32, #tpu.memory_space<vmem>>, vector<16xi32>,
        %shift_left3A = arith.constant 16 : i32
        %shift_left3A_592 = vector.broadcast %shift_left3A : i32 to vector<16xi32>
        %shift_left3A_593 = arith.shli %get3A_591, %shift_left3A_592 : vector<16xi32>
        %bitcast3A = vector.bitcast %shift_left3A_593 : vector<16xi32> to vector<16xf32>
        %and3A_594 = arith.constant -65536 : i32
        %and3A_595 = vector.broadcast %and3A_594 : i32 to vector<16xi32>
        %and3A_596 = arith.andi %get3A_591, %and3A_595 : vector<16xi32>
        %bitcast3A_597 = vector.bitcast %and3A_596 : vector<16xi32> to vector<16xf32>
        %mul3A_598 = vector.broadcast %squeeze3A_270 : f32 to vector<16xf32>
        %mul3A_599 = arith.mulf %bitcast3A, %mul3A_598 : vector<16xf32>
        %mul3A_600 = vector.broadcast %squeeze3A_270 : f32 to vector<16xf32>
        %mul3A_601 = arith.mulf %bitcast3A_597, %mul3A_600 : vector<16xf32>
        %get3A_602 = arith.constant 0 : i32
        %get3A_603 = arith.constant 31 : i32
        %get3A_604 = arith.index_cast %get3A_602 : i32 to index
        %get3A_605 = arith.index_cast %get3A_603 : i32 to index
        %get3A_606 = arith.index_cast %mul3A_586 : i32 to index
        %get3A_607 = tpu.vector_load %arg7[%get3A_604, %get3A_605, %get3A_606] {strides = array<i32>} : memref<2x48x512xi32, #tpu.memory_space<vmem>>, vector<16xi32>,
        %shift_left3A_608 = arith.constant 16 : i32
        %shift_left3A_609 = vector.broadcast %shift_left3A_608 : i32 to vector<16xi32>
        %shift_left3A_610 = arith.shli %get3A_607, %shift_left3A_609 : vector<16xi32>
        %bitcast3A_611 = vector.bitcast %shift_left3A_610 : vector<16xi32> to vector<16xf32>
        %and3A_612 = arith.constant -65536 : i32
        %and3A_613 = vector.broadcast %and3A_612 : i32 to vector<16xi32>
        %and3A_614 = arith.andi %get3A_607, %and3A_613 : vector<16xi32>
        %bitcast3A_615 = vector.bitcast %and3A_614 : vector<16xi32> to vector<16xf32>
        %mul3A_616 = vector.broadcast %squeeze3A_272 : f32 to vector<16xf32>
        %mul3A_617 = arith.mulf %bitcast3A_611, %mul3A_616 : vector<16xf32>
        %add3A_618 = arith.addf %mul3A_599, %mul3A_617 : vector<16xf32>
        %mul3A_619 = vector.broadcast %squeeze3A_272 : f32 to vector<16xf32>
        %mul3A_620 = arith.mulf %bitcast3A_615, %mul3A_619 : vector<16xf32>
        %add3A_621 = arith.addf %mul3A_601, %mul3A_620 : vector<16xf32>
        %get3A_622 = arith.constant 0 : i32
        %get3A_623 = arith.constant 32 : i32
        %get3A_624 = arith.index_cast %get3A_622 : i32 to index
        %get3A_625 = arith.index_cast %get3A_623 : i32 to index
        %get3A_626 = arith.index_cast %mul3A_586 : i32 to index
        %get3A_627 = tpu.vector_load %arg7[%get3A_624, %get3A_625, %get3A_626] {strides = array<i32>} : memref<2x48x512xi32, #tpu.memory_space<vmem>>, vector<16xi32>,
        %shift_left3A_628 = arith.constant 16 : i32
        %shift_left3A_629 = vector.broadcast %shift_left3A_628 : i32 to vector<16xi32>
        %shift_left3A_630 = arith.shli %get3A_627, %shift_left3A_629 : vector<16xi32>
        %bitcast3A_631 = vector.bitcast %shift_left3A_630 : vector<16xi32> to vector<16xf32>
        %and3A_632 = arith.constant -65536 : i32
        %and3A_633 = vector.broadcast %and3A_632 : i32 to vector<16xi32>
        %and3A_634 = arith.andi %get3A_627, %and3A_633 : vector<16xi32>
        %bitcast3A_635 = vector.bitcast %and3A_634 : vector<16xi32> to vector<16xf32>
        %mul3A_636 = vector.broadcast %squeeze3A_274 : f32 to vector<16xf32>
        %mul3A_637 = arith.mulf %bitcast3A_631, %mul3A_636 : vector<16xf32>
        %add3A_638 = arith.addf %add3A_618, %mul3A_637 : vector<16xf32>
        %mul3A_639 = vector.broadcast %squeeze3A_274 : f32 to vector<16xf32>
        %mul3A_640 = arith.mulf %bitcast3A_635, %mul3A_639 : vector<16xf32>
        %add3A_641 = arith.addf %add3A_621, %mul3A_640 : vector<16xf32>
        %get3A_642 = arith.constant 0 : i32
        %get3A_643 = arith.constant 33 : i32
        %get3A_644 = arith.index_cast %get3A_642 : i32 to index
        %get3A_645 = arith.index_cast %get3A_643 : i32 to index
        %get3A_646 = arith.index_cast %mul3A_586 : i32 to index
        %get3A_647 = tpu.vector_load %arg7[%get3A_644, %get3A_645, %get3A_646] {strides = array<i32>} : memref<2x48x512xi32, #tpu.memory_space<vmem>>, vector<16xi32>,
        %shift_left3A_648 = arith.constant 16 : i32
        %shift_left3A_649 = vector.broadcast %shift_left3A_648 : i32 to vector<16xi32>
        %shift_left3A_650 = arith.shli %get3A_647, %shift_left3A_649 : vector<16xi32>
        %bitcast3A_651 = vector.bitcast %shift_left3A_650 : vector<16xi32> to vector<16xf32>
        %and3A_652 = arith.constant -65536 : i32
        %and3A_653 = vector.broadcast %and3A_652 : i32 to vector<16xi32>
        %and3A_654 = arith.andi %get3A_647, %and3A_653 : vector<16xi32>
        %bitcast3A_655 = vector.bitcast %and3A_654 : vector<16xi32> to vector<16xf32>
        %mul3A_656 = vector.broadcast %squeeze3A_276 : f32 to vector<16xf32>
        %mul3A_657 = arith.mulf %bitcast3A_651, %mul3A_656 : vector<16xf32>
        %add3A_658 = arith.addf %add3A_638, %mul3A_657 : vector<16xf32>
        %mul3A_659 = vector.broadcast %squeeze3A_276 : f32 to vector<16xf32>
        %mul3A_660 = arith.mulf %bitcast3A_655, %mul3A_659 : vector<16xf32>
        %add3A_661 = arith.addf %add3A_641, %mul3A_660 : vector<16xf32>
        %get3A_662 = arith.constant 0 : i32
        %get3A_663 = arith.constant 34 : i32
        %get3A_664 = arith.index_cast %get3A_662 : i32 to index
        %get3A_665 = arith.index_cast %get3A_663 : i32 to index
        %get3A_666 = arith.index_cast %mul3A_586 : i32 to index
        %get3A_667 = tpu.vector_load %arg7[%get3A_664, %get3A_665, %get3A_666] {strides = array<i32>} : memref<2x48x512xi32, #tpu.memory_space<vmem>>, vector<16xi32>,
        %shift_left3A_668 = arith.constant 16 : i32
        %shift_left3A_669 = vector.broadcast %shift_left3A_668 : i32 to vector<16xi32>
        %shift_left3A_670 = arith.shli %get3A_667, %shift_left3A_669 : vector<16xi32>
        %bitcast3A_671 = vector.bitcast %shift_left3A_670 : vector<16xi32> to vector<16xf32>
        %and3A_672 = arith.constant -65536 : i32
        %and3A_673 = vector.broadcast %and3A_672 : i32 to vector<16xi32>
        %and3A_674 = arith.andi %get3A_667, %and3A_673 : vector<16xi32>
        %bitcast3A_675 = vector.bitcast %and3A_674 : vector<16xi32> to vector<16xf32>
        %mul3A_676 = vector.broadcast %squeeze3A_278 : f32 to vector<16xf32>
        %mul3A_677 = arith.mulf %bitcast3A_671, %mul3A_676 : vector<16xf32>
        %add3A_678 = arith.addf %add3A_658, %mul3A_677 : vector<16xf32>
        %mul3A_679 = vector.broadcast %squeeze3A_278 : f32 to vector<16xf32>
        %mul3A_680 = arith.mulf %bitcast3A_675, %mul3A_679 : vector<16xf32>
        %add3A_681 = arith.addf %add3A_661, %mul3A_680 : vector<16xf32>
        %get3A_682 = arith.constant 0 : i32
        %get3A_683 = arith.constant 35 : i32
        %get3A_684 = arith.index_cast %get3A_682 : i32 to index
        %get3A_685 = arith.index_cast %get3A_683 : i32 to index
        %get3A_686 = arith.index_cast %mul3A_586 : i32 to index
        %get3A_687 = tpu.vector_load %arg7[%get3A_684, %get3A_685, %get3A_686] {strides = array<i32>} : memref<2x48x512xi32, #tpu.memory_space<vmem>>, vector<16xi32>,
        %shift_left3A_688 = arith.constant 16 : i32
        %shift_left3A_689 = vector.broadcast %shift_left3A_688 : i32 to vector<16xi32>
        %shift_left3A_690 = arith.shli %get3A_687, %shift_left3A_689 : vector<16xi32>
        %bitcast3A_691 = vector.bitcast %shift_left3A_690 : vector<16xi32> to vector<16xf32>
        %and3A_692 = arith.constant -65536 : i32
        %and3A_693 = vector.broadcast %and3A_692 : i32 to vector<16xi32>
        %and3A_694 = arith.andi %get3A_687, %and3A_693 : vector<16xi32>
        %bitcast3A_695 = vector.bitcast %and3A_694 : vector<16xi32> to vector<16xf32>
        %mul3A_696 = vector.broadcast %squeeze3A_280 : f32 to vector<16xf32>
        %mul3A_697 = arith.mulf %bitcast3A_691, %mul3A_696 : vector<16xf32>
        %add3A_698 = arith.addf %add3A_678, %mul3A_697 : vector<16xf32>
        %mul3A_699 = vector.broadcast %squeeze3A_280 : f32 to vector<16xf32>
        %mul3A_700 = arith.mulf %bitcast3A_695, %mul3A_699 : vector<16xf32>
        %add3A_701 = arith.addf %add3A_681, %mul3A_700 : vector<16xf32>
        %swap3A_702 = arith.constant 0 : i32
        %swap3A_703 = arith.constant 5 : i32
        %swap3A_704 = arith.index_cast %swap3A_702 : i32 to index
        %swap3A_705 = arith.index_cast %swap3A_703 : i32 to index
        %swap3A_706 = arith.index_cast %mul3A_586 : i32 to index
        %swap3A_707 = tpu.vector_load %arg8[%swap3A_704, %swap3A_705, %swap3A_706] {strides = array<i32>} : memref<2x8x1024xf32, #tpu.memory_space<vmem>>, vector<16xf32>,
        tpu.vector_store %arg8[%swap3A_704, %swap3A_705, %swap3A_706], %add3A_698 {strides = array<i32>} : memref<2x8x1024xf32, #tpu.memory_space<vmem>>, vector<16xf32>,
        %mul3A_708 = arith.constant 16 : i32
        %mul3A_709 = arith.muli %scan3A_583, %mul3A_708 : i32
        %add3A_710 = arith.constant 512 : i32
        %add3A_711 = arith.addi %add3A_710, %mul3A_709 : i32
        %swap3A_712 = arith.constant 0 : i32
        %swap3A_713 = arith.constant 5 : i32
        %swap3A_714 = arith.index_cast %swap3A_712 : i32 to index
        %swap3A_715 = arith.index_cast %swap3A_713 : i32 to index
        %swap3A_716 = arith.index_cast %add3A_711 : i32 to index
        %swap3A_717 = tpu.vector_load %arg8[%swap3A_714, %swap3A_715, %swap3A_716] {strides = array<i32>} : memref<2x8x1024xf32, #tpu.memory_space<vmem>>, vector<16xf32>,
        tpu.vector_store %arg8[%swap3A_714, %swap3A_715, %swap3A_716], %add3A_701 {strides = array<i32>} : memref<2x8x1024xf32, #tpu.memory_space<vmem>>, vector<16xf32>,
        %scan3A_718 = arith.constant 0 : i32
        scf.yield %scan3A_718 : i32
      }
      %scan3A_287 = arith.constant 32 : i32
      %slice3A_288 = vector.extract_strided_slice %mul3A_175 {offsets = [4], sizes = [1], strides = [1]} : vector<16xf32> to vector<1xf32>
      %squeeze3A_289 = vector.extract %slice3A_288[0] : f32 from vector<1xf32>
      %slice3A_290 = vector.extract_strided_slice %mul3A_175 {offsets = [5], sizes = [1], strides = [1]} : vector<16xf32> to vector<1xf32>
      %squeeze3A_291 = vector.extract %slice3A_290[0] : f32 from vector<1xf32>
      %slice3A_292 = vector.extract_strided_slice %mul3A_175 {offsets = [6], sizes = [1], strides = [1]} : vector<16xf32> to vector<1xf32>
      %squeeze3A_293 = vector.extract %slice3A_292[0] : f32 from vector<1xf32>
      %slice3A_294 = vector.extract_strided_slice %mul3A_175 {offsets = [7], sizes = [1], strides = [1]} : vector<16xf32> to vector<1xf32>
      %squeeze3A_295 = vector.extract %slice3A_294[0] : f32 from vector<1xf32>
      %slice3A_296 = vector.extract_strided_slice %mul3A_175 {offsets = [8], sizes = [1], strides = [1]} : vector<16xf32> to vector<1xf32>
      %squeeze3A_297 = vector.extract %slice3A_296[0] : f32 from vector<1xf32>
      %slice3A_298 = vector.extract_strided_slice %mul3A_175 {offsets = [9], sizes = [1], strides = [1]} : vector<16xf32> to vector<1xf32>
      %squeeze3A_299 = vector.extract %slice3A_298[0] : f32 from vector<1xf32>
      %scan3A_300 = arith.constant 0 : i32
      %scan3A_301 = arith.constant 0 : i32
      %scan3A_302 = arith.constant 32 : i32
      %scan3A_303 = arith.addi %scan3A_301, %scan3A_302 : i32
      %scan3A_304 = arith.constant 1 : i32
      %scan3A_305 = scf.for %scan3A_583 = %scan3A_301 to %scan3A_303 step %scan3A_304 iter_args(%scan3A_584 = %scan3A_300) -> (i32)  : i32 {
        %mul3A_585 = arith.constant 16 : i32
        %mul3A_586 = arith.muli %scan3A_583, %mul3A_585 : i32
        %get3A = arith.constant 0 : i32
        %get3A_587 = arith.constant 36 : i32
        %get3A_588 = arith.index_cast %get3A : i32 to index
        %get3A_589 = arith.index_cast %get3A_587 : i32 to index
        %get3A_590 = arith.index_cast %mul3A_586 : i32 to index
        %get3A_591 = tpu.vector_load %arg7[%get3A_588, %get3A_589, %get3A_590] {strides = array<i32>} : memref<2x48x512xi32, #tpu.memory_space<vmem>>, vector<16xi32>,
        %shift_left3A = arith.constant 16 : i32
        %shift_left3A_592 = vector.broadcast %shift_left3A : i32 to vector<16xi32>
        %shift_left3A_593 = arith.shli %get3A_591, %shift_left3A_592 : vector<16xi32>
        %bitcast3A = vector.bitcast %shift_left3A_593 : vector<16xi32> to vector<16xf32>
        %and3A_594 = arith.constant -65536 : i32
        %and3A_595 = vector.broadcast %and3A_594 : i32 to vector<16xi32>
        %and3A_596 = arith.andi %get3A_591, %and3A_595 : vector<16xi32>
        %bitcast3A_597 = vector.bitcast %and3A_596 : vector<16xi32> to vector<16xf32>
        %mul3A_598 = vector.broadcast %squeeze3A_289 : f32 to vector<16xf32>
        %mul3A_599 = arith.mulf %bitcast3A, %mul3A_598 : vector<16xf32>
        %mul3A_600 = vector.broadcast %squeeze3A_289 : f32 to vector<16xf32>
        %mul3A_601 = arith.mulf %bitcast3A_597, %mul3A_600 : vector<16xf32>
        %get3A_602 = arith.constant 0 : i32
        %get3A_603 = arith.constant 37 : i32
        %get3A_604 = arith.index_cast %get3A_602 : i32 to index
        %get3A_605 = arith.index_cast %get3A_603 : i32 to index
        %get3A_606 = arith.index_cast %mul3A_586 : i32 to index
        %get3A_607 = tpu.vector_load %arg7[%get3A_604, %get3A_605, %get3A_606] {strides = array<i32>} : memref<2x48x512xi32, #tpu.memory_space<vmem>>, vector<16xi32>,
        %shift_left3A_608 = arith.constant 16 : i32
        %shift_left3A_609 = vector.broadcast %shift_left3A_608 : i32 to vector<16xi32>
        %shift_left3A_610 = arith.shli %get3A_607, %shift_left3A_609 : vector<16xi32>
        %bitcast3A_611 = vector.bitcast %shift_left3A_610 : vector<16xi32> to vector<16xf32>
        %and3A_612 = arith.constant -65536 : i32
        %and3A_613 = vector.broadcast %and3A_612 : i32 to vector<16xi32>
        %and3A_614 = arith.andi %get3A_607, %and3A_613 : vector<16xi32>
        %bitcast3A_615 = vector.bitcast %and3A_614 : vector<16xi32> to vector<16xf32>
        %mul3A_616 = vector.broadcast %squeeze3A_291 : f32 to vector<16xf32>
        %mul3A_617 = arith.mulf %bitcast3A_611, %mul3A_616 : vector<16xf32>
        %add3A_618 = arith.addf %mul3A_599, %mul3A_617 : vector<16xf32>
        %mul3A_619 = vector.broadcast %squeeze3A_291 : f32 to vector<16xf32>
        %mul3A_620 = arith.mulf %bitcast3A_615, %mul3A_619 : vector<16xf32>
        %add3A_621 = arith.addf %mul3A_601, %mul3A_620 : vector<16xf32>
        %get3A_622 = arith.constant 0 : i32
        %get3A_623 = arith.constant 38 : i32
        %get3A_624 = arith.index_cast %get3A_622 : i32 to index
        %get3A_625 = arith.index_cast %get3A_623 : i32 to index
        %get3A_626 = arith.index_cast %mul3A_586 : i32 to index
        %get3A_627 = tpu.vector_load %arg7[%get3A_624, %get3A_625, %get3A_626] {strides = array<i32>} : memref<2x48x512xi32, #tpu.memory_space<vmem>>, vector<16xi32>,
        %shift_left3A_628 = arith.constant 16 : i32
        %shift_left3A_629 = vector.broadcast %shift_left3A_628 : i32 to vector<16xi32>
        %shift_left3A_630 = arith.shli %get3A_627, %shift_left3A_629 : vector<16xi32>
        %bitcast3A_631 = vector.bitcast %shift_left3A_630 : vector<16xi32> to vector<16xf32>
        %and3A_632 = arith.constant -65536 : i32
        %and3A_633 = vector.broadcast %and3A_632 : i32 to vector<16xi32>
        %and3A_634 = arith.andi %get3A_627, %and3A_633 : vector<16xi32>
        %bitcast3A_635 = vector.bitcast %and3A_634 : vector<16xi32> to vector<16xf32>
        %mul3A_636 = vector.broadcast %squeeze3A_293 : f32 to vector<16xf32>
        %mul3A_637 = arith.mulf %bitcast3A_631, %mul3A_636 : vector<16xf32>
        %add3A_638 = arith.addf %add3A_618, %mul3A_637 : vector<16xf32>
        %mul3A_639 = vector.broadcast %squeeze3A_293 : f32 to vector<16xf32>
        %mul3A_640 = arith.mulf %bitcast3A_635, %mul3A_639 : vector<16xf32>
        %add3A_641 = arith.addf %add3A_621, %mul3A_640 : vector<16xf32>
        %get3A_642 = arith.constant 0 : i32
        %get3A_643 = arith.constant 39 : i32
        %get3A_644 = arith.index_cast %get3A_642 : i32 to index
        %get3A_645 = arith.index_cast %get3A_643 : i32 to index
        %get3A_646 = arith.index_cast %mul3A_586 : i32 to index
        %get3A_647 = tpu.vector_load %arg7[%get3A_644, %get3A_645, %get3A_646] {strides = array<i32>} : memref<2x48x512xi32, #tpu.memory_space<vmem>>, vector<16xi32>,
        %shift_left3A_648 = arith.constant 16 : i32
        %shift_left3A_649 = vector.broadcast %shift_left3A_648 : i32 to vector<16xi32>
        %shift_left3A_650 = arith.shli %get3A_647, %shift_left3A_649 : vector<16xi32>
        %bitcast3A_651 = vector.bitcast %shift_left3A_650 : vector<16xi32> to vector<16xf32>
        %and3A_652 = arith.constant -65536 : i32
        %and3A_653 = vector.broadcast %and3A_652 : i32 to vector<16xi32>
        %and3A_654 = arith.andi %get3A_647, %and3A_653 : vector<16xi32>
        %bitcast3A_655 = vector.bitcast %and3A_654 : vector<16xi32> to vector<16xf32>
        %mul3A_656 = vector.broadcast %squeeze3A_295 : f32 to vector<16xf32>
        %mul3A_657 = arith.mulf %bitcast3A_651, %mul3A_656 : vector<16xf32>
        %add3A_658 = arith.addf %add3A_638, %mul3A_657 : vector<16xf32>
        %mul3A_659 = vector.broadcast %squeeze3A_295 : f32 to vector<16xf32>
        %mul3A_660 = arith.mulf %bitcast3A_655, %mul3A_659 : vector<16xf32>
        %add3A_661 = arith.addf %add3A_641, %mul3A_660 : vector<16xf32>
        %get3A_662 = arith.constant 0 : i32
        %get3A_663 = arith.constant 40 : i32
        %get3A_664 = arith.index_cast %get3A_662 : i32 to index
        %get3A_665 = arith.index_cast %get3A_663 : i32 to index
        %get3A_666 = arith.index_cast %mul3A_586 : i32 to index
        %get3A_667 = tpu.vector_load %arg7[%get3A_664, %get3A_665, %get3A_666] {strides = array<i32>} : memref<2x48x512xi32, #tpu.memory_space<vmem>>, vector<16xi32>,
        %shift_left3A_668 = arith.constant 16 : i32
        %shift_left3A_669 = vector.broadcast %shift_left3A_668 : i32 to vector<16xi32>
        %shift_left3A_670 = arith.shli %get3A_667, %shift_left3A_669 : vector<16xi32>
        %bitcast3A_671 = vector.bitcast %shift_left3A_670 : vector<16xi32> to vector<16xf32>
        %and3A_672 = arith.constant -65536 : i32
        %and3A_673 = vector.broadcast %and3A_672 : i32 to vector<16xi32>
        %and3A_674 = arith.andi %get3A_667, %and3A_673 : vector<16xi32>
        %bitcast3A_675 = vector.bitcast %and3A_674 : vector<16xi32> to vector<16xf32>
        %mul3A_676 = vector.broadcast %squeeze3A_297 : f32 to vector<16xf32>
        %mul3A_677 = arith.mulf %bitcast3A_671, %mul3A_676 : vector<16xf32>
        %add3A_678 = arith.addf %add3A_658, %mul3A_677 : vector<16xf32>
        %mul3A_679 = vector.broadcast %squeeze3A_297 : f32 to vector<16xf32>
        %mul3A_680 = arith.mulf %bitcast3A_675, %mul3A_679 : vector<16xf32>
        %add3A_681 = arith.addf %add3A_661, %mul3A_680 : vector<16xf32>
        %get3A_682 = arith.constant 0 : i32
        %get3A_683 = arith.constant 41 : i32
        %get3A_684 = arith.index_cast %get3A_682 : i32 to index
        %get3A_685 = arith.index_cast %get3A_683 : i32 to index
        %get3A_686 = arith.index_cast %mul3A_586 : i32 to index
        %get3A_687 = tpu.vector_load %arg7[%get3A_684, %get3A_685, %get3A_686] {strides = array<i32>} : memref<2x48x512xi32, #tpu.memory_space<vmem>>, vector<16xi32>,
        %shift_left3A_688 = arith.constant 16 : i32
        %shift_left3A_689 = vector.broadcast %shift_left3A_688 : i32 to vector<16xi32>
        %shift_left3A_690 = arith.shli %get3A_687, %shift_left3A_689 : vector<16xi32>
        %bitcast3A_691 = vector.bitcast %shift_left3A_690 : vector<16xi32> to vector<16xf32>
        %and3A_692 = arith.constant -65536 : i32
        %and3A_693 = vector.broadcast %and3A_692 : i32 to vector<16xi32>
        %and3A_694 = arith.andi %get3A_687, %and3A_693 : vector<16xi32>
        %bitcast3A_695 = vector.bitcast %and3A_694 : vector<16xi32> to vector<16xf32>
        %mul3A_696 = vector.broadcast %squeeze3A_299 : f32 to vector<16xf32>
        %mul3A_697 = arith.mulf %bitcast3A_691, %mul3A_696 : vector<16xf32>
        %add3A_698 = arith.addf %add3A_678, %mul3A_697 : vector<16xf32>
        %mul3A_699 = vector.broadcast %squeeze3A_299 : f32 to vector<16xf32>
        %mul3A_700 = arith.mulf %bitcast3A_695, %mul3A_699 : vector<16xf32>
        %add3A_701 = arith.addf %add3A_681, %mul3A_700 : vector<16xf32>
        %swap3A_702 = arith.constant 0 : i32
        %swap3A_703 = arith.constant 6 : i32
        %swap3A_704 = arith.index_cast %swap3A_702 : i32 to index
        %swap3A_705 = arith.index_cast %swap3A_703 : i32 to index
        %swap3A_706 = arith.index_cast %mul3A_586 : i32 to index
        %swap3A_707 = tpu.vector_load %arg8[%swap3A_704, %swap3A_705, %swap3A_706] {strides = array<i32>} : memref<2x8x1024xf32, #tpu.memory_space<vmem>>, vector<16xf32>,
        tpu.vector_store %arg8[%swap3A_704, %swap3A_705, %swap3A_706], %add3A_698 {strides = array<i32>} : memref<2x8x1024xf32, #tpu.memory_space<vmem>>, vector<16xf32>,
        %mul3A_708 = arith.constant 16 : i32
        %mul3A_709 = arith.muli %scan3A_583, %mul3A_708 : i32
        %add3A_710 = arith.constant 512 : i32
        %add3A_711 = arith.addi %add3A_710, %mul3A_709 : i32
        %swap3A_712 = arith.constant 0 : i32
        %swap3A_713 = arith.constant 6 : i32
        %swap3A_714 = arith.index_cast %swap3A_712 : i32 to index
        %swap3A_715 = arith.index_cast %swap3A_713 : i32 to index
        %swap3A_716 = arith.index_cast %add3A_711 : i32 to index
        %swap3A_717 = tpu.vector_load %arg8[%swap3A_714, %swap3A_715, %swap3A_716] {strides = array<i32>} : memref<2x8x1024xf32, #tpu.memory_space<vmem>>, vector<16xf32>,
        tpu.vector_store %arg8[%swap3A_714, %swap3A_715, %swap3A_716], %add3A_701 {strides = array<i32>} : memref<2x8x1024xf32, #tpu.memory_space<vmem>>, vector<16xf32>,
        %scan3A_718 = arith.constant 0 : i32
        scf.yield %scan3A_718 : i32
      }
      %scan3A_306 = arith.constant 32 : i32
      %slice3A_307 = vector.extract_strided_slice %mul3A_175 {offsets = [10], sizes = [1], strides = [1]} : vector<16xf32> to vector<1xf32>
      %squeeze3A_308 = vector.extract %slice3A_307[0] : f32 from vector<1xf32>
      %slice3A_309 = vector.extract_strided_slice %mul3A_175 {offsets = [11], sizes = [1], strides = [1]} : vector<16xf32> to vector<1xf32>
      %squeeze3A_310 = vector.extract %slice3A_309[0] : f32 from vector<1xf32>
      %slice3A_311 = vector.extract_strided_slice %mul3A_175 {offsets = [12], sizes = [1], strides = [1]} : vector<16xf32> to vector<1xf32>
      %squeeze3A_312 = vector.extract %slice3A_311[0] : f32 from vector<1xf32>
      %slice3A_313 = vector.extract_strided_slice %mul3A_175 {offsets = [13], sizes = [1], strides = [1]} : vector<16xf32> to vector<1xf32>
      %squeeze3A_314 = vector.extract %slice3A_313[0] : f32 from vector<1xf32>
      %slice3A_315 = vector.extract_strided_slice %mul3A_175 {offsets = [14], sizes = [1], strides = [1]} : vector<16xf32> to vector<1xf32>
      %squeeze3A_316 = vector.extract %slice3A_315[0] : f32 from vector<1xf32>
      %slice3A_317 = vector.extract_strided_slice %mul3A_175 {offsets = [15], sizes = [1], strides = [1]} : vector<16xf32> to vector<1xf32>
      %squeeze3A_318 = vector.extract %slice3A_317[0] : f32 from vector<1xf32>
      %scan3A_319 = arith.constant 0 : i32
      %scan3A_320 = arith.constant 0 : i32
      %scan3A_321 = arith.constant 32 : i32
      %scan3A_322 = arith.addi %scan3A_320, %scan3A_321 : i32
      %scan3A_323 = arith.constant 1 : i32
      %scan3A_324 = scf.for %scan3A_583 = %scan3A_320 to %scan3A_322 step %scan3A_323 iter_args(%scan3A_584 = %scan3A_319) -> (i32)  : i32 {
        %mul3A_585 = arith.constant 16 : i32
        %mul3A_586 = arith.muli %scan3A_583, %mul3A_585 : i32
        %get3A = arith.constant 0 : i32
        %get3A_587 = arith.constant 42 : i32
        %get3A_588 = arith.index_cast %get3A : i32 to index
        %get3A_589 = arith.index_cast %get3A_587 : i32 to index
        %get3A_590 = arith.index_cast %mul3A_586 : i32 to index
        %get3A_591 = tpu.vector_load %arg7[%get3A_588, %get3A_589, %get3A_590] {strides = array<i32>} : memref<2x48x512xi32, #tpu.memory_space<vmem>>, vector<16xi32>,
        %shift_left3A = arith.constant 16 : i32
        %shift_left3A_592 = vector.broadcast %shift_left3A : i32 to vector<16xi32>
        %shift_left3A_593 = arith.shli %get3A_591, %shift_left3A_592 : vector<16xi32>
        %bitcast3A = vector.bitcast %shift_left3A_593 : vector<16xi32> to vector<16xf32>
        %and3A_594 = arith.constant -65536 : i32
        %and3A_595 = vector.broadcast %and3A_594 : i32 to vector<16xi32>
        %and3A_596 = arith.andi %get3A_591, %and3A_595 : vector<16xi32>
        %bitcast3A_597 = vector.bitcast %and3A_596 : vector<16xi32> to vector<16xf32>
        %mul3A_598 = vector.broadcast %squeeze3A_308 : f32 to vector<16xf32>
        %mul3A_599 = arith.mulf %bitcast3A, %mul3A_598 : vector<16xf32>
        %mul3A_600 = vector.broadcast %squeeze3A_308 : f32 to vector<16xf32>
        %mul3A_601 = arith.mulf %bitcast3A_597, %mul3A_600 : vector<16xf32>
        %get3A_602 = arith.constant 0 : i32
        %get3A_603 = arith.constant 43 : i32
        %get3A_604 = arith.index_cast %get3A_602 : i32 to index
        %get3A_605 = arith.index_cast %get3A_603 : i32 to index
        %get3A_606 = arith.index_cast %mul3A_586 : i32 to index
        %get3A_607 = tpu.vector_load %arg7[%get3A_604, %get3A_605, %get3A_606] {strides = array<i32>} : memref<2x48x512xi32, #tpu.memory_space<vmem>>, vector<16xi32>,
        %shift_left3A_608 = arith.constant 16 : i32
        %shift_left3A_609 = vector.broadcast %shift_left3A_608 : i32 to vector<16xi32>
        %shift_left3A_610 = arith.shli %get3A_607, %shift_left3A_609 : vector<16xi32>
        %bitcast3A_611 = vector.bitcast %shift_left3A_610 : vector<16xi32> to vector<16xf32>
        %and3A_612 = arith.constant -65536 : i32
        %and3A_613 = vector.broadcast %and3A_612 : i32 to vector<16xi32>
        %and3A_614 = arith.andi %get3A_607, %and3A_613 : vector<16xi32>
        %bitcast3A_615 = vector.bitcast %and3A_614 : vector<16xi32> to vector<16xf32>
        %mul3A_616 = vector.broadcast %squeeze3A_310 : f32 to vector<16xf32>
        %mul3A_617 = arith.mulf %bitcast3A_611, %mul3A_616 : vector<16xf32>
        %add3A_618 = arith.addf %mul3A_599, %mul3A_617 : vector<16xf32>
        %mul3A_619 = vector.broadcast %squeeze3A_310 : f32 to vector<16xf32>
        %mul3A_620 = arith.mulf %bitcast3A_615, %mul3A_619 : vector<16xf32>
        %add3A_621 = arith.addf %mul3A_601, %mul3A_620 : vector<16xf32>
        %get3A_622 = arith.constant 0 : i32
        %get3A_623 = arith.constant 44 : i32
        %get3A_624 = arith.index_cast %get3A_622 : i32 to index
        %get3A_625 = arith.index_cast %get3A_623 : i32 to index
        %get3A_626 = arith.index_cast %mul3A_586 : i32 to index
        %get3A_627 = tpu.vector_load %arg7[%get3A_624, %get3A_625, %get3A_626] {strides = array<i32>} : memref<2x48x512xi32, #tpu.memory_space<vmem>>, vector<16xi32>,
        %shift_left3A_628 = arith.constant 16 : i32
        %shift_left3A_629 = vector.broadcast %shift_left3A_628 : i32 to vector<16xi32>
        %shift_left3A_630 = arith.shli %get3A_627, %shift_left3A_629 : vector<16xi32>
        %bitcast3A_631 = vector.bitcast %shift_left3A_630 : vector<16xi32> to vector<16xf32>
        %and3A_632 = arith.constant -65536 : i32
        %and3A_633 = vector.broadcast %and3A_632 : i32 to vector<16xi32>
        %and3A_634 = arith.andi %get3A_627, %and3A_633 : vector<16xi32>
        %bitcast3A_635 = vector.bitcast %and3A_634 : vector<16xi32> to vector<16xf32>
        %mul3A_636 = vector.broadcast %squeeze3A_312 : f32 to vector<16xf32>
        %mul3A_637 = arith.mulf %bitcast3A_631, %mul3A_636 : vector<16xf32>
        %add3A_638 = arith.addf %add3A_618, %mul3A_637 : vector<16xf32>
        %mul3A_639 = vector.broadcast %squeeze3A_312 : f32 to vector<16xf32>
        %mul3A_640 = arith.mulf %bitcast3A_635, %mul3A_639 : vector<16xf32>
        %add3A_641 = arith.addf %add3A_621, %mul3A_640 : vector<16xf32>
        %get3A_642 = arith.constant 0 : i32
        %get3A_643 = arith.constant 45 : i32
        %get3A_644 = arith.index_cast %get3A_642 : i32 to index
        %get3A_645 = arith.index_cast %get3A_643 : i32 to index
        %get3A_646 = arith.index_cast %mul3A_586 : i32 to index
        %get3A_647 = tpu.vector_load %arg7[%get3A_644, %get3A_645, %get3A_646] {strides = array<i32>} : memref<2x48x512xi32, #tpu.memory_space<vmem>>, vector<16xi32>,
        %shift_left3A_648 = arith.constant 16 : i32
        %shift_left3A_649 = vector.broadcast %shift_left3A_648 : i32 to vector<16xi32>
        %shift_left3A_650 = arith.shli %get3A_647, %shift_left3A_649 : vector<16xi32>
        %bitcast3A_651 = vector.bitcast %shift_left3A_650 : vector<16xi32> to vector<16xf32>
        %and3A_652 = arith.constant -65536 : i32
        %and3A_653 = vector.broadcast %and3A_652 : i32 to vector<16xi32>
        %and3A_654 = arith.andi %get3A_647, %and3A_653 : vector<16xi32>
        %bitcast3A_655 = vector.bitcast %and3A_654 : vector<16xi32> to vector<16xf32>
        %mul3A_656 = vector.broadcast %squeeze3A_314 : f32 to vector<16xf32>
        %mul3A_657 = arith.mulf %bitcast3A_651, %mul3A_656 : vector<16xf32>
        %add3A_658 = arith.addf %add3A_638, %mul3A_657 : vector<16xf32>
        %mul3A_659 = vector.broadcast %squeeze3A_314 : f32 to vector<16xf32>
        %mul3A_660 = arith.mulf %bitcast3A_655, %mul3A_659 : vector<16xf32>
        %add3A_661 = arith.addf %add3A_641, %mul3A_660 : vector<16xf32>
        %get3A_662 = arith.constant 0 : i32
        %get3A_663 = arith.constant 46 : i32
        %get3A_664 = arith.index_cast %get3A_662 : i32 to index
        %get3A_665 = arith.index_cast %get3A_663 : i32 to index
        %get3A_666 = arith.index_cast %mul3A_586 : i32 to index
        %get3A_667 = tpu.vector_load %arg7[%get3A_664, %get3A_665, %get3A_666] {strides = array<i32>} : memref<2x48x512xi32, #tpu.memory_space<vmem>>, vector<16xi32>,
        %shift_left3A_668 = arith.constant 16 : i32
        %shift_left3A_669 = vector.broadcast %shift_left3A_668 : i32 to vector<16xi32>
        %shift_left3A_670 = arith.shli %get3A_667, %shift_left3A_669 : vector<16xi32>
        %bitcast3A_671 = vector.bitcast %shift_left3A_670 : vector<16xi32> to vector<16xf32>
        %and3A_672 = arith.constant -65536 : i32
        %and3A_673 = vector.broadcast %and3A_672 : i32 to vector<16xi32>
        %and3A_674 = arith.andi %get3A_667, %and3A_673 : vector<16xi32>
        %bitcast3A_675 = vector.bitcast %and3A_674 : vector<16xi32> to vector<16xf32>
        %mul3A_676 = vector.broadcast %squeeze3A_316 : f32 to vector<16xf32>
        %mul3A_677 = arith.mulf %bitcast3A_671, %mul3A_676 : vector<16xf32>
        %add3A_678 = arith.addf %add3A_658, %mul3A_677 : vector<16xf32>
        %mul3A_679 = vector.broadcast %squeeze3A_316 : f32 to vector<16xf32>
        %mul3A_680 = arith.mulf %bitcast3A_675, %mul3A_679 : vector<16xf32>
        %add3A_681 = arith.addf %add3A_661, %mul3A_680 : vector<16xf32>
        %get3A_682 = arith.constant 0 : i32
        %get3A_683 = arith.constant 47 : i32
        %get3A_684 = arith.index_cast %get3A_682 : i32 to index
        %get3A_685 = arith.index_cast %get3A_683 : i32 to index
        %get3A_686 = arith.index_cast %mul3A_586 : i32 to index
        %get3A_687 = tpu.vector_load %arg7[%get3A_684, %get3A_685, %get3A_686] {strides = array<i32>} : memref<2x48x512xi32, #tpu.memory_space<vmem>>, vector<16xi32>,
        %shift_left3A_688 = arith.constant 16 : i32
        %shift_left3A_689 = vector.broadcast %shift_left3A_688 : i32 to vector<16xi32>
        %shift_left3A_690 = arith.shli %get3A_687, %shift_left3A_689 : vector<16xi32>
        %bitcast3A_691 = vector.bitcast %shift_left3A_690 : vector<16xi32> to vector<16xf32>
        %and3A_692 = arith.constant -65536 : i32
        %and3A_693 = vector.broadcast %and3A_692 : i32 to vector<16xi32>
        %and3A_694 = arith.andi %get3A_687, %and3A_693 : vector<16xi32>
        %bitcast3A_695 = vector.bitcast %and3A_694 : vector<16xi32> to vector<16xf32>
        %mul3A_696 = vector.broadcast %squeeze3A_318 : f32 to vector<16xf32>
        %mul3A_697 = arith.mulf %bitcast3A_691, %mul3A_696 : vector<16xf32>
        %add3A_698 = arith.addf %add3A_678, %mul3A_697 : vector<16xf32>
        %mul3A_699 = vector.broadcast %squeeze3A_318 : f32 to vector<16xf32>
        %mul3A_700 = arith.mulf %bitcast3A_695, %mul3A_699 : vector<16xf32>
        %add3A_701 = arith.addf %add3A_681, %mul3A_700 : vector<16xf32>
        %swap3A_702 = arith.constant 0 : i32
        %swap3A_703 = arith.constant 7 : i32
        %swap3A_704 = arith.index_cast %swap3A_702 : i32 to index
        %swap3A_705 = arith.index_cast %swap3A_703 : i32 to index
        %swap3A_706 = arith.index_cast %mul3A_586 : i32 to index
        %swap3A_707 = tpu.vector_load %arg8[%swap3A_704, %swap3A_705, %swap3A_706] {strides = array<i32>} : memref<2x8x1024xf32, #tpu.memory_space<vmem>>, vector<16xf32>,
        tpu.vector_store %arg8[%swap3A_704, %swap3A_705, %swap3A_706], %add3A_698 {strides = array<i32>} : memref<2x8x1024xf32, #tpu.memory_space<vmem>>, vector<16xf32>,
        %mul3A_708 = arith.constant 16 : i32
        %mul3A_709 = arith.muli %scan3A_583, %mul3A_708 : i32
        %add3A_710 = arith.constant 512 : i32
        %add3A_711 = arith.addi %add3A_710, %mul3A_709 : i32
        %swap3A_712 = arith.constant 0 : i32
        %swap3A_713 = arith.constant 7 : i32
        %swap3A_714 = arith.index_cast %swap3A_712 : i32 to index
        %swap3A_715 = arith.index_cast %swap3A_713 : i32 to index
        %swap3A_716 = arith.index_cast %add3A_711 : i32 to index
        %swap3A_717 = tpu.vector_load %arg8[%swap3A_714, %swap3A_715, %swap3A_716] {strides = array<i32>} : memref<2x8x1024xf32, #tpu.memory_space<vmem>>, vector<16xf32>,
        tpu.vector_store %arg8[%swap3A_714, %swap3A_715, %swap3A_716], %add3A_701 {strides = array<i32>} : memref<2x8x1024xf32, #tpu.memory_space<vmem>>, vector<16xf32>,
        %scan3A_718 = arith.constant 0 : i32
        scf.yield %scan3A_718 : i32
      }
      %scan3A_325 = arith.constant 32 : i32
      %mul3A_326 = arith.constant 8 : i32
      %mul3A_327 = arith.muli %mul3A_117, %mul3A_326 : i32
      %add3A_328 = arith.addi %mul3A_2, %mul3A_327 : i32
      %dma_start3A_329 = arith.constant 0 : i32
      %dma_start3A_330 = arith.constant 0 : i32
      %dma_start3A_331 = arith.constant 0 : i32
      %dma_start3A_332 = arith.constant 0 : i32
      %dma_start3A_333 = tpu.memref_slice %arg8[%dma_start3A_329, %dma_start3A_331, %dma_start3A_332] : memref<2x8x1024xf32, #tpu.memory_space<vmem>> -> memref<1x8x1024xf32, #tpu.memory_space<vmem>>
      %dma_start3A_334 = tpu.memref_squeeze %dma_start3A_333 : memref<1x8x1024xf32, #tpu.memory_space<vmem>> -> memref<8x1024xf32, #tpu.memory_space<vmem>>
      %dma_start3A_335 = arith.constant 0 : i32
      %dma_start3A_336 = tpu.memref_slice %arg4[%add3A_328, %dma_start3A_335] : memref<4096x1024xf32, #tpu.memory_space<hbm>> -> memref<8x1024xf32, #tpu.memory_space<hbm>>
      %dma_start3A_337 = tpu.memref_slice %arg10[%dma_start3A_330] : memref<2x!tpu.dma_semaphore, #tpu.memory_space<semaphore_mem>> -> memref<1x!tpu.dma_semaphore, #tpu.memory_space<semaphore_mem>>
      %dma_start3A_338 = tpu.memref_squeeze %dma_start3A_337 : memref<1x!tpu.dma_semaphore, #tpu.memory_space<semaphore_mem>> -> memref<!tpu.dma_semaphore, #tpu.memory_space<semaphore_mem>>
      %dma_start3A_339 = arith.constant 0 : i32
      %dma_start3A_340 = tpu.memref_slice %arg4[%add3A_328, %dma_start3A_339] : memref<4096x1024xf32, #tpu.memory_space<hbm>> -> memref<8x1024xf32, #tpu.memory_space<hbm>>
      %dma_start3A_341 = arith.constant 0 : i32
      %dma_start3A_342 = arith.constant 0 : i32
      %dma_start3A_343 = tpu.memref_slice %arg8[%dma_start3A_329, %dma_start3A_341, %dma_start3A_342] : memref<2x8x1024xf32, #tpu.memory_space<vmem>> -> memref<1x8x1024xf32, #tpu.memory_space<vmem>>
      %dma_start3A_344 = tpu.memref_squeeze %dma_start3A_343 : memref<1x8x1024xf32, #tpu.memory_space<vmem>> -> memref<8x1024xf32, #tpu.memory_space<vmem>>
      tpu.enqueue_dma source(%dma_start3A_344 : memref<8x1024xf32, #tpu.memory_space<vmem>>) target(%dma_start3A_340 : memref<8x1024xf32, #tpu.memory_space<hbm>>) target_semaphore(%dma_start3A_338 : memref<!tpu.dma_semaphore, #tpu.memory_space<semaphore_mem>>)
      %mul3A_345 = arith.constant 2 : i32
      %mul3A_346 = arith.muli %mul3A_345, %scan3A_115 : i32
      %add3A_347 = arith.constant 1 : i32
      %add3A_348 = arith.addi %mul3A_346, %add3A_347 : i32
      %dma_wait3A_349 = arith.constant 1 : i32
      %dma_wait3A_350 = arith.constant 1 : i32
      %dma_wait3A_351 = arith.constant 1 : i32
      %dma_wait3A_352 = arith.constant 0 : i32
      %dma_wait3A_353 = arith.constant 0 : i32
      %dma_wait3A_354 = tpu.memref_slice %arg7[%dma_wait3A_350, %dma_wait3A_352, %dma_wait3A_353] : memref<2x48x512xi32, #tpu.memory_space<vmem>> -> memref<1x48x512xi32, #tpu.memory_space<vmem>>
      %dma_wait3A_355 = tpu.memref_squeeze %dma_wait3A_354 : memref<1x48x512xi32, #tpu.memory_space<vmem>> -> memref<48x512xi32, #tpu.memory_space<vmem>>
      %dma_wait3A_356 = arith.constant 0 : i32
      %dma_wait3A_357 = tpu.memref_slice %arg6[%dma_wait3A_349, %dma_wait3A_356] : memref<2x48xi32, #tpu.memory_space<vmem>> -> memref<1x48xi32, #tpu.memory_space<vmem>>
      %dma_wait3A_358 = tpu.memref_squeeze %dma_wait3A_357 : memref<1x48xi32, #tpu.memory_space<vmem>> -> memref<48xi32, #tpu.memory_space<vmem>>
      %dma_wait3A_359 = arith.constant 0 : i32
      %dma_wait3A_360 = arith.constant 0 : i32
      %dma_wait3A_361 = tpu.memref_slice %arg2[%dma_wait3A_359, %dma_wait3A_360] : memref<4096x512xi32, #tpu.memory_space<hbm>> -> memref<4096x512xi32, #tpu.memory_space<hbm>>
      %dma_wait3A_362 = tpu.memref_slice %arg9[%dma_wait3A_351] : memref<2x!tpu.dma_semaphore, #tpu.memory_space<semaphore_mem>> -> memref<1x!tpu.dma_semaphore, #tpu.memory_space<semaphore_mem>>
      %dma_wait3A_363 = tpu.memref_squeeze %dma_wait3A_362 : memref<1x!tpu.dma_semaphore, #tpu.memory_space<semaphore_mem>> -> memref<!tpu.dma_semaphore, #tpu.memory_space<semaphore_mem>>
      tpu.wait_indirect_dma semaphore(%dma_wait3A_363 : memref<!tpu.dma_semaphore, #tpu.memory_space<semaphore_mem>>) src(%dma_wait3A_361 : memref<4096x512xi32, #tpu.memory_space<hbm>>) dst(%dma_wait3A_355 : memref<48x512xi32, #tpu.memory_space<vmem>>)
      %add3A_364 = arith.constant 1 : i32
      %add3A_365 = arith.addi %add3A_348, %add3A_364 : i32
      %lt3A_366 = arith.constant 16 : i32
      %lt3A_367 = arith.cmpi slt, %add3A_365, %lt3A_366 : i32
      %convert_element_type3A_368 = arith.extui %lt3A_367 : i1 to i32
      %cond3A_369 = arith.constant 0 : i32
      %cond3A_370 = arith.cmpi ne, %convert_element_type3A_368, %cond3A_369 : i32
      scf.if %cond3A_370 {
        %add3A_583 = arith.constant 1 : i32
        %add3A_584 = arith.addi %add3A_348, %add3A_583 : i32
        %mul3A_585 = arith.constant 8 : i32
        %mul3A_586 = arith.muli %add3A_584, %mul3A_585 : i32
        %add3A_587 = vector.broadcast %mul3A_586 : i32 to vector<16xi32>
        %add3A_588 = arith.addi %div3A_7, %add3A_587 : vector<16xi32>
        %gather3A_589 = tpu.vector_load_idx %arg5[%add3A_588, %sub3A] : memref<128x8xi32, #tpu.memory_space<vmem>>[vector<16xi32>, vector<16xi32>], vector<16xi32>,
        %mul3A_590 = arith.constant 8 : i32
        %mul3A_591 = arith.muli %add3A_584, %mul3A_590 : i32
        %add3A_592 = vector.broadcast %mul3A_591 : i32 to vector<16xi32>
        %add3A_593 = arith.addi %div3A_16, %add3A_592 : vector<16xi32>
        %gather3A_594 = tpu.vector_load_idx %arg5[%add3A_593, %sub3A_20] : memref<128x8xi32, #tpu.memory_space<vmem>>[vector<16xi32>, vector<16xi32>], vector<16xi32>,
        %mul3A_595 = arith.constant 8 : i32
        %mul3A_596 = arith.muli %add3A_584, %mul3A_595 : i32
        %add3A_597 = vector.broadcast %mul3A_596 : i32 to vector<16xi32>
        %add3A_598 = arith.addi %div3A_26, %add3A_597 : vector<16xi32>
        %gather3A_599 = tpu.vector_load_idx %arg5[%add3A_598, %sub3A_30] : memref<128x8xi32, #tpu.memory_space<vmem>>[vector<16xi32>, vector<16xi32>], vector<16xi32>,
        %and3A_600 = arith.constant 4095 : i32
        %and3A_601 = vector.broadcast %and3A_600 : i32 to vector<16xi32>
        %and3A_602 = arith.andi %gather3A_589, %and3A_601 : vector<16xi32>
        %swap3A_603 = arith.constant 0 : i32
        %swap3A_604 = arith.index_cast %swap3A_603 : i32 to index
        %swap3A_605 = arith.constant 0 : index
        %swap3A_606 = tpu.vector_load %arg6[%swap3A_604, %swap3A_605] {strides = array<i32>} : memref<2x48xi32, #tpu.memory_space<vmem>>, vector<16xi32>,
        tpu.vector_store %arg6[%swap3A_604, %swap3A_605], %and3A_602 {strides = array<i32>} : memref<2x48xi32, #tpu.memory_space<vmem>>, vector<16xi32>,
        %and3A_607 = arith.constant 4095 : i32
        %and3A_608 = vector.broadcast %and3A_607 : i32 to vector<16xi32>
        %and3A_609 = arith.andi %gather3A_594, %and3A_608 : vector<16xi32>
        %swap3A_610 = arith.constant 0 : i32
        %swap3A_611 = arith.index_cast %swap3A_610 : i32 to index
        %swap3A_612 = arith.constant 16 : index
        %swap3A_613 = tpu.vector_load %arg6[%swap3A_611, %swap3A_612] {strides = array<i32>} : memref<2x48xi32, #tpu.memory_space<vmem>>, vector<16xi32>,
        tpu.vector_store %arg6[%swap3A_611, %swap3A_612], %and3A_609 {strides = array<i32>} : memref<2x48xi32, #tpu.memory_space<vmem>>, vector<16xi32>,
        %and3A_614 = arith.constant 4095 : i32
        %and3A_615 = vector.broadcast %and3A_614 : i32 to vector<16xi32>
        %and3A_616 = arith.andi %gather3A_599, %and3A_615 : vector<16xi32>
        %swap3A_617 = arith.constant 0 : i32
        %swap3A_618 = arith.index_cast %swap3A_617 : i32 to index
        %swap3A_619 = arith.constant 32 : index
        %swap3A_620 = tpu.vector_load %arg6[%swap3A_618, %swap3A_619] {strides = array<i32>} : memref<2x48xi32, #tpu.memory_space<vmem>>, vector<16xi32>,
        tpu.vector_store %arg6[%swap3A_618, %swap3A_619], %and3A_616 {strides = array<i32>} : memref<2x48xi32, #tpu.memory_space<vmem>>, vector<16xi32>,
        %add3A_621 = arith.constant 1 : i32
        %add3A_622 = arith.addi %add3A_348, %add3A_621 : i32
        %dma_start3A_623 = arith.constant 0 : i32
        %dma_start3A_624 = arith.constant 0 : i32
        %dma_start3A_625 = arith.constant 0 : i32
        %dma_start3A_626 = arith.constant 0 : i32
        %dma_start3A_627 = arith.constant 0 : i32
        %dma_start3A_628 = tpu.memref_slice %arg7[%dma_start3A_624, %dma_start3A_626, %dma_start3A_627] : memref<2x48x512xi32, #tpu.memory_space<vmem>> -> memref<1x48x512xi32, #tpu.memory_space<vmem>>
        %dma_start3A_629 = tpu.memref_squeeze %dma_start3A_628 : memref<1x48x512xi32, #tpu.memory_space<vmem>> -> memref<48x512xi32, #tpu.memory_space<vmem>>
        %dma_start3A_630 = arith.constant 0 : i32
        %dma_start3A_631 = tpu.memref_slice %arg6[%dma_start3A_623, %dma_start3A_630] : memref<2x48xi32, #tpu.memory_space<vmem>> -> memref<1x48xi32, #tpu.memory_space<vmem>>
        %dma_start3A_632 = tpu.memref_squeeze %dma_start3A_631 : memref<1x48xi32, #tpu.memory_space<vmem>> -> memref<48xi32, #tpu.memory_space<vmem>>
        %dma_start3A_633 = arith.constant 0 : i32
        %dma_start3A_634 = arith.constant 0 : i32
        %dma_start3A_635 = tpu.memref_slice %arg2[%dma_start3A_633, %dma_start3A_634] : memref<4096x512xi32, #tpu.memory_space<hbm>> -> memref<4096x512xi32, #tpu.memory_space<hbm>>
        %dma_start3A_636 = tpu.memref_slice %arg9[%dma_start3A_625] : memref<2x!tpu.dma_semaphore, #tpu.memory_space<semaphore_mem>> -> memref<1x!tpu.dma_semaphore, #tpu.memory_space<semaphore_mem>>
        %dma_start3A_637 = tpu.memref_squeeze %dma_start3A_636 : memref<1x!tpu.dma_semaphore, #tpu.memory_space<semaphore_mem>> -> memref<!tpu.dma_semaphore, #tpu.memory_space<semaphore_mem>>
        tpu.enqueue_indirect_dma source(%dma_start3A_635 : memref<4096x512xi32, #tpu.memory_space<hbm>>) target(%dma_start3A_629 : memref<48x512xi32, #tpu.memory_space<vmem>>) offsets(%dma_start3A_632 : memref<48xi32, #tpu.memory_space<vmem>>) semaphore(%dma_start3A_637 : memref<!tpu.dma_semaphore, #tpu.memory_space<semaphore_mem>>)
      } else {
      }
      %ge3A_371 = arith.constant 2 : i32
      %ge3A_372 = arith.cmpi sge, %add3A_348, %ge3A_371 : i32
      %convert_element_type3A_373 = arith.extui %ge3A_372 : i1 to i32
      %cond3A_374 = arith.constant 0 : i32
      %cond3A_375 = arith.cmpi ne, %convert_element_type3A_373, %cond3A_374 : i32
      scf.if %cond3A_375 {
        %sub3A_583 = arith.constant 2 : i32
        %sub3A_584 = arith.subi %add3A_348, %sub3A_583 : i32
        %mul3A_585 = arith.constant 8 : i32
        %mul3A_586 = arith.muli %sub3A_584, %mul3A_585 : i32
        %add3A_587 = arith.addi %mul3A_2, %mul3A_586 : i32
        %dma_wait3A_588 = arith.constant 1 : i32
        %dma_wait3A_589 = arith.constant 1 : i32
        %dma_wait3A_590 = arith.constant 0 : i32
        %dma_wait3A_591 = arith.constant 0 : i32
        %dma_wait3A_592 = tpu.memref_slice %arg8[%dma_wait3A_588, %dma_wait3A_590, %dma_wait3A_591] : memref<2x8x1024xf32, #tpu.memory_space<vmem>> -> memref<1x8x1024xf32, #tpu.memory_space<vmem>>
        %dma_wait3A_593 = tpu.memref_squeeze %dma_wait3A_592 : memref<1x8x1024xf32, #tpu.memory_space<vmem>> -> memref<8x1024xf32, #tpu.memory_space<vmem>>
        %dma_wait3A_594 = arith.constant 0 : i32
        %dma_wait3A_595 = tpu.memref_slice %arg4[%add3A_587, %dma_wait3A_594] : memref<4096x1024xf32, #tpu.memory_space<hbm>> -> memref<8x1024xf32, #tpu.memory_space<hbm>>
        %dma_wait3A_596 = tpu.memref_slice %arg10[%dma_wait3A_589] : memref<2x!tpu.dma_semaphore, #tpu.memory_space<semaphore_mem>> -> memref<1x!tpu.dma_semaphore, #tpu.memory_space<semaphore_mem>>
        %dma_wait3A_597 = tpu.memref_squeeze %dma_wait3A_596 : memref<1x!tpu.dma_semaphore, #tpu.memory_space<semaphore_mem>> -> memref<!tpu.dma_semaphore, #tpu.memory_space<semaphore_mem>>
        %dma_wait3A_598 = arith.constant 0 : i32
        %dma_wait3A_599 = tpu.memref_slice %arg4[%add3A_587, %dma_wait3A_598] : memref<4096x1024xf32, #tpu.memory_space<hbm>> -> memref<8x1024xf32, #tpu.memory_space<hbm>>
        %dma_wait3A_600 = arith.constant 0 : i32
        %dma_wait3A_601 = arith.constant 0 : i32
        %dma_wait3A_602 = tpu.memref_slice %arg8[%dma_wait3A_588, %dma_wait3A_600, %dma_wait3A_601] : memref<2x8x1024xf32, #tpu.memory_space<vmem>> -> memref<1x8x1024xf32, #tpu.memory_space<vmem>>
        %dma_wait3A_603 = tpu.memref_squeeze %dma_wait3A_602 : memref<1x8x1024xf32, #tpu.memory_space<vmem>> -> memref<8x1024xf32, #tpu.memory_space<vmem>>
        tpu.wait_dma2 semaphore(%dma_wait3A_597 : memref<!tpu.dma_semaphore, #tpu.memory_space<semaphore_mem>>) src(%dma_wait3A_603 : memref<8x1024xf32, #tpu.memory_space<vmem>>) dst(%dma_wait3A_599 : memref<8x1024xf32, #tpu.memory_space<hbm>>)
      } else {
      }
      %mul3A_376 = arith.constant 8 : i32
      %mul3A_377 = arith.muli %add3A_348, %mul3A_376 : i32
      %add3A_378 = vector.broadcast %mul3A_377 : i32 to vector<16xi32>
      %add3A_379 = arith.addi %div3A_7, %add3A_378 : vector<16xi32>
      %gather3A_380 = tpu.vector_load_idx %arg5[%add3A_379, %sub3A] : memref<128x8xi32, #tpu.memory_space<vmem>>[vector<16xi32>, vector<16xi32>], vector<16xi32>,
      %mul3A_381 = arith.constant 8 : i32
      %mul3A_382 = arith.muli %add3A_348, %mul3A_381 : i32
      %add3A_383 = vector.broadcast %mul3A_382 : i32 to vector<16xi32>
      %add3A_384 = arith.addi %div3A_16, %add3A_383 : vector<16xi32>
      %gather3A_385 = tpu.vector_load_idx %arg5[%add3A_384, %sub3A_20] : memref<128x8xi32, #tpu.memory_space<vmem>>[vector<16xi32>, vector<16xi32>], vector<16xi32>,
      %mul3A_386 = arith.constant 8 : i32
      %mul3A_387 = arith.muli %add3A_348, %mul3A_386 : i32
      %add3A_388 = vector.broadcast %mul3A_387 : i32 to vector<16xi32>
      %add3A_389 = arith.addi %div3A_26, %add3A_388 : vector<16xi32>
      %gather3A_390 = tpu.vector_load_idx %arg5[%add3A_389, %sub3A_30] : memref<128x8xi32, #tpu.memory_space<vmem>>[vector<16xi32>, vector<16xi32>], vector<16xi32>,
      %shift_right_logical3A_391 = arith.constant 12 : i32
      %shift_right_logical3A_392 = vector.broadcast %shift_right_logical3A_391 : i32 to vector<16xi32>
      %shift_right_logical3A_393 = arith.shrui %gather3A_380, %shift_right_logical3A_392 : vector<16xi32>
      %convert_element_type3A_394 = arith.sitofp %shift_right_logical3A_393 : vector<16xi32> to vector<16xf32>
      %mul3A_395 = arith.constant 9.53675226E-7 : f32
      %mul3A_396 = vector.broadcast %mul3A_395 : f32 to vector<16xf32>
      %mul3A_397 = arith.mulf %convert_element_type3A_394, %mul3A_396 : vector<16xf32>
      %shift_right_logical3A_398 = arith.constant 12 : i32
      %shift_right_logical3A_399 = vector.broadcast %shift_right_logical3A_398 : i32 to vector<16xi32>
      %shift_right_logical3A_400 = arith.shrui %gather3A_385, %shift_right_logical3A_399 : vector<16xi32>
      %convert_element_type3A_401 = arith.sitofp %shift_right_logical3A_400 : vector<16xi32> to vector<16xf32>
      %mul3A_402 = arith.constant 9.53675226E-7 : f32
      %mul3A_403 = vector.broadcast %mul3A_402 : f32 to vector<16xf32>
      %mul3A_404 = arith.mulf %convert_element_type3A_401, %mul3A_403 : vector<16xf32>
      %shift_right_logical3A_405 = arith.constant 12 : i32
      %shift_right_logical3A_406 = vector.broadcast %shift_right_logical3A_405 : i32 to vector<16xi32>
      %shift_right_logical3A_407 = arith.shrui %gather3A_390, %shift_right_logical3A_406 : vector<16xi32>
      %convert_element_type3A_408 = arith.sitofp %shift_right_logical3A_407 : vector<16xi32> to vector<16xf32>
      %mul3A_409 = arith.constant 9.53675226E-7 : f32
      %mul3A_410 = vector.broadcast %mul3A_409 : f32 to vector<16xf32>
      %mul3A_411 = arith.mulf %convert_element_type3A_408, %mul3A_410 : vector<16xf32>
      %slice3A_412 = vector.extract_strided_slice %mul3A_397 {offsets = [0], sizes = [1], strides = [1]} : vector<16xf32> to vector<1xf32>
      %squeeze3A_413 = vector.extract %slice3A_412[0] : f32 from vector<1xf32>
      %slice3A_414 = vector.extract_strided_slice %mul3A_397 {offsets = [1], sizes = [1], strides = [1]} : vector<16xf32> to vector<1xf32>
      %squeeze3A_415 = vector.extract %slice3A_414[0] : f32 from vector<1xf32>
      %slice3A_416 = vector.extract_strided_slice %mul3A_397 {offsets = [2], sizes = [1], strides = [1]} : vector<16xf32> to vector<1xf32>
      %squeeze3A_417 = vector.extract %slice3A_416[0] : f32 from vector<1xf32>
      %slice3A_418 = vector.extract_strided_slice %mul3A_397 {offsets = [3], sizes = [1], strides = [1]} : vector<16xf32> to vector<1xf32>
      %squeeze3A_419 = vector.extract %slice3A_418[0] : f32 from vector<1xf32>
      %slice3A_420 = vector.extract_strided_slice %mul3A_397 {offsets = [4], sizes = [1], strides = [1]} : vector<16xf32> to vector<1xf32>
      %squeeze3A_421 = vector.extract %slice3A_420[0] : f32 from vector<1xf32>
      %slice3A_422 = vector.extract_strided_slice %mul3A_397 {offsets = [5], sizes = [1], strides = [1]} : vector<16xf32> to vector<1xf32>
      %squeeze3A_423 = vector.extract %slice3A_422[0] : f32 from vector<1xf32>
      %scan3A_424 = arith.constant 0 : i32
      %scan3A_425 = arith.constant 0 : i32
      %scan3A_426 = arith.constant 32 : i32
      %scan3A_427 = arith.addi %scan3A_425, %scan3A_426 : i32
      %scan3A_428 = arith.constant 1 : i32
      %scan3A_429 = scf.for %scan3A_583 = %scan3A_425 to %scan3A_427 step %scan3A_428 iter_args(%scan3A_584 = %scan3A_424) -> (i32)  : i32 {
        %mul3A_585 = arith.constant 16 : i32
        %mul3A_586 = arith.muli %scan3A_583, %mul3A_585 : i32
        %get3A = arith.constant 1 : i32
        %get3A_587 = arith.constant 0 : i32
        %get3A_588 = arith.index_cast %get3A : i32 to index
        %get3A_589 = arith.index_cast %get3A_587 : i32 to index
        %get3A_590 = arith.index_cast %mul3A_586 : i32 to index
        %get3A_591 = tpu.vector_load %arg7[%get3A_588, %get3A_589, %get3A_590] {strides = array<i32>} : memref<2x48x512xi32, #tpu.memory_space<vmem>>, vector<16xi32>,
        %shift_left3A = arith.constant 16 : i32
        %shift_left3A_592 = vector.broadcast %shift_left3A : i32 to vector<16xi32>
        %shift_left3A_593 = arith.shli %get3A_591, %shift_left3A_592 : vector<16xi32>
        %bitcast3A = vector.bitcast %shift_left3A_593 : vector<16xi32> to vector<16xf32>
        %and3A_594 = arith.constant -65536 : i32
        %and3A_595 = vector.broadcast %and3A_594 : i32 to vector<16xi32>
        %and3A_596 = arith.andi %get3A_591, %and3A_595 : vector<16xi32>
        %bitcast3A_597 = vector.bitcast %and3A_596 : vector<16xi32> to vector<16xf32>
        %mul3A_598 = vector.broadcast %squeeze3A_413 : f32 to vector<16xf32>
        %mul3A_599 = arith.mulf %bitcast3A, %mul3A_598 : vector<16xf32>
        %mul3A_600 = vector.broadcast %squeeze3A_413 : f32 to vector<16xf32>
        %mul3A_601 = arith.mulf %bitcast3A_597, %mul3A_600 : vector<16xf32>
        %get3A_602 = arith.constant 1 : i32
        %get3A_603 = arith.constant 1 : i32
        %get3A_604 = arith.index_cast %get3A_602 : i32 to index
        %get3A_605 = arith.index_cast %get3A_603 : i32 to index
        %get3A_606 = arith.index_cast %mul3A_586 : i32 to index
        %get3A_607 = tpu.vector_load %arg7[%get3A_604, %get3A_605, %get3A_606] {strides = array<i32>} : memref<2x48x512xi32, #tpu.memory_space<vmem>>, vector<16xi32>,
        %shift_left3A_608 = arith.constant 16 : i32
        %shift_left3A_609 = vector.broadcast %shift_left3A_608 : i32 to vector<16xi32>
        %shift_left3A_610 = arith.shli %get3A_607, %shift_left3A_609 : vector<16xi32>
        %bitcast3A_611 = vector.bitcast %shift_left3A_610 : vector<16xi32> to vector<16xf32>
        %and3A_612 = arith.constant -65536 : i32
        %and3A_613 = vector.broadcast %and3A_612 : i32 to vector<16xi32>
        %and3A_614 = arith.andi %get3A_607, %and3A_613 : vector<16xi32>
        %bitcast3A_615 = vector.bitcast %and3A_614 : vector<16xi32> to vector<16xf32>
        %mul3A_616 = vector.broadcast %squeeze3A_415 : f32 to vector<16xf32>
        %mul3A_617 = arith.mulf %bitcast3A_611, %mul3A_616 : vector<16xf32>
        %add3A_618 = arith.addf %mul3A_599, %mul3A_617 : vector<16xf32>
        %mul3A_619 = vector.broadcast %squeeze3A_415 : f32 to vector<16xf32>
        %mul3A_620 = arith.mulf %bitcast3A_615, %mul3A_619 : vector<16xf32>
        %add3A_621 = arith.addf %mul3A_601, %mul3A_620 : vector<16xf32>
        %get3A_622 = arith.constant 1 : i32
        %get3A_623 = arith.constant 2 : i32
        %get3A_624 = arith.index_cast %get3A_622 : i32 to index
        %get3A_625 = arith.index_cast %get3A_623 : i32 to index
        %get3A_626 = arith.index_cast %mul3A_586 : i32 to index
        %get3A_627 = tpu.vector_load %arg7[%get3A_624, %get3A_625, %get3A_626] {strides = array<i32>} : memref<2x48x512xi32, #tpu.memory_space<vmem>>, vector<16xi32>,
        %shift_left3A_628 = arith.constant 16 : i32
        %shift_left3A_629 = vector.broadcast %shift_left3A_628 : i32 to vector<16xi32>
        %shift_left3A_630 = arith.shli %get3A_627, %shift_left3A_629 : vector<16xi32>
        %bitcast3A_631 = vector.bitcast %shift_left3A_630 : vector<16xi32> to vector<16xf32>
        %and3A_632 = arith.constant -65536 : i32
        %and3A_633 = vector.broadcast %and3A_632 : i32 to vector<16xi32>
        %and3A_634 = arith.andi %get3A_627, %and3A_633 : vector<16xi32>
        %bitcast3A_635 = vector.bitcast %and3A_634 : vector<16xi32> to vector<16xf32>
        %mul3A_636 = vector.broadcast %squeeze3A_417 : f32 to vector<16xf32>
        %mul3A_637 = arith.mulf %bitcast3A_631, %mul3A_636 : vector<16xf32>
        %add3A_638 = arith.addf %add3A_618, %mul3A_637 : vector<16xf32>
        %mul3A_639 = vector.broadcast %squeeze3A_417 : f32 to vector<16xf32>
        %mul3A_640 = arith.mulf %bitcast3A_635, %mul3A_639 : vector<16xf32>
        %add3A_641 = arith.addf %add3A_621, %mul3A_640 : vector<16xf32>
        %get3A_642 = arith.constant 1 : i32
        %get3A_643 = arith.constant 3 : i32
        %get3A_644 = arith.index_cast %get3A_642 : i32 to index
        %get3A_645 = arith.index_cast %get3A_643 : i32 to index
        %get3A_646 = arith.index_cast %mul3A_586 : i32 to index
        %get3A_647 = tpu.vector_load %arg7[%get3A_644, %get3A_645, %get3A_646] {strides = array<i32>} : memref<2x48x512xi32, #tpu.memory_space<vmem>>, vector<16xi32>,
        %shift_left3A_648 = arith.constant 16 : i32
        %shift_left3A_649 = vector.broadcast %shift_left3A_648 : i32 to vector<16xi32>
        %shift_left3A_650 = arith.shli %get3A_647, %shift_left3A_649 : vector<16xi32>
        %bitcast3A_651 = vector.bitcast %shift_left3A_650 : vector<16xi32> to vector<16xf32>
        %and3A_652 = arith.constant -65536 : i32
        %and3A_653 = vector.broadcast %and3A_652 : i32 to vector<16xi32>
        %and3A_654 = arith.andi %get3A_647, %and3A_653 : vector<16xi32>
        %bitcast3A_655 = vector.bitcast %and3A_654 : vector<16xi32> to vector<16xf32>
        %mul3A_656 = vector.broadcast %squeeze3A_419 : f32 to vector<16xf32>
        %mul3A_657 = arith.mulf %bitcast3A_651, %mul3A_656 : vector<16xf32>
        %add3A_658 = arith.addf %add3A_638, %mul3A_657 : vector<16xf32>
        %mul3A_659 = vector.broadcast %squeeze3A_419 : f32 to vector<16xf32>
        %mul3A_660 = arith.mulf %bitcast3A_655, %mul3A_659 : vector<16xf32>
        %add3A_661 = arith.addf %add3A_641, %mul3A_660 : vector<16xf32>
        %get3A_662 = arith.constant 1 : i32
        %get3A_663 = arith.constant 4 : i32
        %get3A_664 = arith.index_cast %get3A_662 : i32 to index
        %get3A_665 = arith.index_cast %get3A_663 : i32 to index
        %get3A_666 = arith.index_cast %mul3A_586 : i32 to index
        %get3A_667 = tpu.vector_load %arg7[%get3A_664, %get3A_665, %get3A_666] {strides = array<i32>} : memref<2x48x512xi32, #tpu.memory_space<vmem>>, vector<16xi32>,
        %shift_left3A_668 = arith.constant 16 : i32
        %shift_left3A_669 = vector.broadcast %shift_left3A_668 : i32 to vector<16xi32>
        %shift_left3A_670 = arith.shli %get3A_667, %shift_left3A_669 : vector<16xi32>
        %bitcast3A_671 = vector.bitcast %shift_left3A_670 : vector<16xi32> to vector<16xf32>
        %and3A_672 = arith.constant -65536 : i32
        %and3A_673 = vector.broadcast %and3A_672 : i32 to vector<16xi32>
        %and3A_674 = arith.andi %get3A_667, %and3A_673 : vector<16xi32>
        %bitcast3A_675 = vector.bitcast %and3A_674 : vector<16xi32> to vector<16xf32>
        %mul3A_676 = vector.broadcast %squeeze3A_421 : f32 to vector<16xf32>
        %mul3A_677 = arith.mulf %bitcast3A_671, %mul3A_676 : vector<16xf32>
        %add3A_678 = arith.addf %add3A_658, %mul3A_677 : vector<16xf32>
        %mul3A_679 = vector.broadcast %squeeze3A_421 : f32 to vector<16xf32>
        %mul3A_680 = arith.mulf %bitcast3A_675, %mul3A_679 : vector<16xf32>
        %add3A_681 = arith.addf %add3A_661, %mul3A_680 : vector<16xf32>
        %get3A_682 = arith.constant 1 : i32
        %get3A_683 = arith.constant 5 : i32
        %get3A_684 = arith.index_cast %get3A_682 : i32 to index
        %get3A_685 = arith.index_cast %get3A_683 : i32 to index
        %get3A_686 = arith.index_cast %mul3A_586 : i32 to index
        %get3A_687 = tpu.vector_load %arg7[%get3A_684, %get3A_685, %get3A_686] {strides = array<i32>} : memref<2x48x512xi32, #tpu.memory_space<vmem>>, vector<16xi32>,
        %shift_left3A_688 = arith.constant 16 : i32
        %shift_left3A_689 = vector.broadcast %shift_left3A_688 : i32 to vector<16xi32>
        %shift_left3A_690 = arith.shli %get3A_687, %shift_left3A_689 : vector<16xi32>
        %bitcast3A_691 = vector.bitcast %shift_left3A_690 : vector<16xi32> to vector<16xf32>
        %and3A_692 = arith.constant -65536 : i32
        %and3A_693 = vector.broadcast %and3A_692 : i32 to vector<16xi32>
        %and3A_694 = arith.andi %get3A_687, %and3A_693 : vector<16xi32>
        %bitcast3A_695 = vector.bitcast %and3A_694 : vector<16xi32> to vector<16xf32>
        %mul3A_696 = vector.broadcast %squeeze3A_423 : f32 to vector<16xf32>
        %mul3A_697 = arith.mulf %bitcast3A_691, %mul3A_696 : vector<16xf32>
        %add3A_698 = arith.addf %add3A_678, %mul3A_697 : vector<16xf32>
        %mul3A_699 = vector.broadcast %squeeze3A_423 : f32 to vector<16xf32>
        %mul3A_700 = arith.mulf %bitcast3A_695, %mul3A_699 : vector<16xf32>
        %add3A_701 = arith.addf %add3A_681, %mul3A_700 : vector<16xf32>
        %swap3A_702 = arith.constant 1 : i32
        %swap3A_703 = arith.constant 0 : i32
        %swap3A_704 = arith.index_cast %swap3A_702 : i32 to index
        %swap3A_705 = arith.index_cast %swap3A_703 : i32 to index
        %swap3A_706 = arith.index_cast %mul3A_586 : i32 to index
        %swap3A_707 = tpu.vector_load %arg8[%swap3A_704, %swap3A_705, %swap3A_706] {strides = array<i32>} : memref<2x8x1024xf32, #tpu.memory_space<vmem>>, vector<16xf32>,
        tpu.vector_store %arg8[%swap3A_704, %swap3A_705, %swap3A_706], %add3A_698 {strides = array<i32>} : memref<2x8x1024xf32, #tpu.memory_space<vmem>>, vector<16xf32>,
        %mul3A_708 = arith.constant 16 : i32
        %mul3A_709 = arith.muli %scan3A_583, %mul3A_708 : i32
        %add3A_710 = arith.constant 512 : i32
        %add3A_711 = arith.addi %add3A_710, %mul3A_709 : i32
        %swap3A_712 = arith.constant 1 : i32
        %swap3A_713 = arith.constant 0 : i32
        %swap3A_714 = arith.index_cast %swap3A_712 : i32 to index
        %swap3A_715 = arith.index_cast %swap3A_713 : i32 to index
        %swap3A_716 = arith.index_cast %add3A_711 : i32 to index
        %swap3A_717 = tpu.vector_load %arg8[%swap3A_714, %swap3A_715, %swap3A_716] {strides = array<i32>} : memref<2x8x1024xf32, #tpu.memory_space<vmem>>, vector<16xf32>,
        tpu.vector_store %arg8[%swap3A_714, %swap3A_715, %swap3A_716], %add3A_701 {strides = array<i32>} : memref<2x8x1024xf32, #tpu.memory_space<vmem>>, vector<16xf32>,
        %scan3A_718 = arith.constant 0 : i32
        scf.yield %scan3A_718 : i32
      }
      %scan3A_430 = arith.constant 32 : i32
      %slice3A_431 = vector.extract_strided_slice %mul3A_397 {offsets = [6], sizes = [1], strides = [1]} : vector<16xf32> to vector<1xf32>
      %squeeze3A_432 = vector.extract %slice3A_431[0] : f32 from vector<1xf32>
      %slice3A_433 = vector.extract_strided_slice %mul3A_397 {offsets = [7], sizes = [1], strides = [1]} : vector<16xf32> to vector<1xf32>
      %squeeze3A_434 = vector.extract %slice3A_433[0] : f32 from vector<1xf32>
      %slice3A_435 = vector.extract_strided_slice %mul3A_397 {offsets = [8], sizes = [1], strides = [1]} : vector<16xf32> to vector<1xf32>
      %squeeze3A_436 = vector.extract %slice3A_435[0] : f32 from vector<1xf32>
      %slice3A_437 = vector.extract_strided_slice %mul3A_397 {offsets = [9], sizes = [1], strides = [1]} : vector<16xf32> to vector<1xf32>
      %squeeze3A_438 = vector.extract %slice3A_437[0] : f32 from vector<1xf32>
      %slice3A_439 = vector.extract_strided_slice %mul3A_397 {offsets = [10], sizes = [1], strides = [1]} : vector<16xf32> to vector<1xf32>
      %squeeze3A_440 = vector.extract %slice3A_439[0] : f32 from vector<1xf32>
      %slice3A_441 = vector.extract_strided_slice %mul3A_397 {offsets = [11], sizes = [1], strides = [1]} : vector<16xf32> to vector<1xf32>
      %squeeze3A_442 = vector.extract %slice3A_441[0] : f32 from vector<1xf32>
      %scan3A_443 = arith.constant 0 : i32
      %scan3A_444 = arith.constant 0 : i32
      %scan3A_445 = arith.constant 32 : i32
      %scan3A_446 = arith.addi %scan3A_444, %scan3A_445 : i32
      %scan3A_447 = arith.constant 1 : i32
      %scan3A_448 = scf.for %scan3A_583 = %scan3A_444 to %scan3A_446 step %scan3A_447 iter_args(%scan3A_584 = %scan3A_443) -> (i32)  : i32 {
        %mul3A_585 = arith.constant 16 : i32
        %mul3A_586 = arith.muli %scan3A_583, %mul3A_585 : i32
        %get3A = arith.constant 1 : i32
        %get3A_587 = arith.constant 6 : i32
        %get3A_588 = arith.index_cast %get3A : i32 to index
        %get3A_589 = arith.index_cast %get3A_587 : i32 to index
        %get3A_590 = arith.index_cast %mul3A_586 : i32 to index
        %get3A_591 = tpu.vector_load %arg7[%get3A_588, %get3A_589, %get3A_590] {strides = array<i32>} : memref<2x48x512xi32, #tpu.memory_space<vmem>>, vector<16xi32>,
        %shift_left3A = arith.constant 16 : i32
        %shift_left3A_592 = vector.broadcast %shift_left3A : i32 to vector<16xi32>
        %shift_left3A_593 = arith.shli %get3A_591, %shift_left3A_592 : vector<16xi32>
        %bitcast3A = vector.bitcast %shift_left3A_593 : vector<16xi32> to vector<16xf32>
        %and3A_594 = arith.constant -65536 : i32
        %and3A_595 = vector.broadcast %and3A_594 : i32 to vector<16xi32>
        %and3A_596 = arith.andi %get3A_591, %and3A_595 : vector<16xi32>
        %bitcast3A_597 = vector.bitcast %and3A_596 : vector<16xi32> to vector<16xf32>
        %mul3A_598 = vector.broadcast %squeeze3A_432 : f32 to vector<16xf32>
        %mul3A_599 = arith.mulf %bitcast3A, %mul3A_598 : vector<16xf32>
        %mul3A_600 = vector.broadcast %squeeze3A_432 : f32 to vector<16xf32>
        %mul3A_601 = arith.mulf %bitcast3A_597, %mul3A_600 : vector<16xf32>
        %get3A_602 = arith.constant 1 : i32
        %get3A_603 = arith.constant 7 : i32
        %get3A_604 = arith.index_cast %get3A_602 : i32 to index
        %get3A_605 = arith.index_cast %get3A_603 : i32 to index
        %get3A_606 = arith.index_cast %mul3A_586 : i32 to index
        %get3A_607 = tpu.vector_load %arg7[%get3A_604, %get3A_605, %get3A_606] {strides = array<i32>} : memref<2x48x512xi32, #tpu.memory_space<vmem>>, vector<16xi32>,
        %shift_left3A_608 = arith.constant 16 : i32
        %shift_left3A_609 = vector.broadcast %shift_left3A_608 : i32 to vector<16xi32>
        %shift_left3A_610 = arith.shli %get3A_607, %shift_left3A_609 : vector<16xi32>
        %bitcast3A_611 = vector.bitcast %shift_left3A_610 : vector<16xi32> to vector<16xf32>
        %and3A_612 = arith.constant -65536 : i32
        %and3A_613 = vector.broadcast %and3A_612 : i32 to vector<16xi32>
        %and3A_614 = arith.andi %get3A_607, %and3A_613 : vector<16xi32>
        %bitcast3A_615 = vector.bitcast %and3A_614 : vector<16xi32> to vector<16xf32>
        %mul3A_616 = vector.broadcast %squeeze3A_434 : f32 to vector<16xf32>
        %mul3A_617 = arith.mulf %bitcast3A_611, %mul3A_616 : vector<16xf32>
        %add3A_618 = arith.addf %mul3A_599, %mul3A_617 : vector<16xf32>
        %mul3A_619 = vector.broadcast %squeeze3A_434 : f32 to vector<16xf32>
        %mul3A_620 = arith.mulf %bitcast3A_615, %mul3A_619 : vector<16xf32>
        %add3A_621 = arith.addf %mul3A_601, %mul3A_620 : vector<16xf32>
        %get3A_622 = arith.constant 1 : i32
        %get3A_623 = arith.constant 8 : i32
        %get3A_624 = arith.index_cast %get3A_622 : i32 to index
        %get3A_625 = arith.index_cast %get3A_623 : i32 to index
        %get3A_626 = arith.index_cast %mul3A_586 : i32 to index
        %get3A_627 = tpu.vector_load %arg7[%get3A_624, %get3A_625, %get3A_626] {strides = array<i32>} : memref<2x48x512xi32, #tpu.memory_space<vmem>>, vector<16xi32>,
        %shift_left3A_628 = arith.constant 16 : i32
        %shift_left3A_629 = vector.broadcast %shift_left3A_628 : i32 to vector<16xi32>
        %shift_left3A_630 = arith.shli %get3A_627, %shift_left3A_629 : vector<16xi32>
        %bitcast3A_631 = vector.bitcast %shift_left3A_630 : vector<16xi32> to vector<16xf32>
        %and3A_632 = arith.constant -65536 : i32
        %and3A_633 = vector.broadcast %and3A_632 : i32 to vector<16xi32>
        %and3A_634 = arith.andi %get3A_627, %and3A_633 : vector<16xi32>
        %bitcast3A_635 = vector.bitcast %and3A_634 : vector<16xi32> to vector<16xf32>
        %mul3A_636 = vector.broadcast %squeeze3A_436 : f32 to vector<16xf32>
        %mul3A_637 = arith.mulf %bitcast3A_631, %mul3A_636 : vector<16xf32>
        %add3A_638 = arith.addf %add3A_618, %mul3A_637 : vector<16xf32>
        %mul3A_639 = vector.broadcast %squeeze3A_436 : f32 to vector<16xf32>
        %mul3A_640 = arith.mulf %bitcast3A_635, %mul3A_639 : vector<16xf32>
        %add3A_641 = arith.addf %add3A_621, %mul3A_640 : vector<16xf32>
        %get3A_642 = arith.constant 1 : i32
        %get3A_643 = arith.constant 9 : i32
        %get3A_644 = arith.index_cast %get3A_642 : i32 to index
        %get3A_645 = arith.index_cast %get3A_643 : i32 to index
        %get3A_646 = arith.index_cast %mul3A_586 : i32 to index
        %get3A_647 = tpu.vector_load %arg7[%get3A_644, %get3A_645, %get3A_646] {strides = array<i32>} : memref<2x48x512xi32, #tpu.memory_space<vmem>>, vector<16xi32>,
        %shift_left3A_648 = arith.constant 16 : i32
        %shift_left3A_649 = vector.broadcast %shift_left3A_648 : i32 to vector<16xi32>
        %shift_left3A_650 = arith.shli %get3A_647, %shift_left3A_649 : vector<16xi32>
        %bitcast3A_651 = vector.bitcast %shift_left3A_650 : vector<16xi32> to vector<16xf32>
        %and3A_652 = arith.constant -65536 : i32
        %and3A_653 = vector.broadcast %and3A_652 : i32 to vector<16xi32>
        %and3A_654 = arith.andi %get3A_647, %and3A_653 : vector<16xi32>
        %bitcast3A_655 = vector.bitcast %and3A_654 : vector<16xi32> to vector<16xf32>
        %mul3A_656 = vector.broadcast %squeeze3A_438 : f32 to vector<16xf32>
        %mul3A_657 = arith.mulf %bitcast3A_651, %mul3A_656 : vector<16xf32>
        %add3A_658 = arith.addf %add3A_638, %mul3A_657 : vector<16xf32>
        %mul3A_659 = vector.broadcast %squeeze3A_438 : f32 to vector<16xf32>
        %mul3A_660 = arith.mulf %bitcast3A_655, %mul3A_659 : vector<16xf32>
        %add3A_661 = arith.addf %add3A_641, %mul3A_660 : vector<16xf32>
        %get3A_662 = arith.constant 1 : i32
        %get3A_663 = arith.constant 10 : i32
        %get3A_664 = arith.index_cast %get3A_662 : i32 to index
        %get3A_665 = arith.index_cast %get3A_663 : i32 to index
        %get3A_666 = arith.index_cast %mul3A_586 : i32 to index
        %get3A_667 = tpu.vector_load %arg7[%get3A_664, %get3A_665, %get3A_666] {strides = array<i32>} : memref<2x48x512xi32, #tpu.memory_space<vmem>>, vector<16xi32>,
        %shift_left3A_668 = arith.constant 16 : i32
        %shift_left3A_669 = vector.broadcast %shift_left3A_668 : i32 to vector<16xi32>
        %shift_left3A_670 = arith.shli %get3A_667, %shift_left3A_669 : vector<16xi32>
        %bitcast3A_671 = vector.bitcast %shift_left3A_670 : vector<16xi32> to vector<16xf32>
        %and3A_672 = arith.constant -65536 : i32
        %and3A_673 = vector.broadcast %and3A_672 : i32 to vector<16xi32>
        %and3A_674 = arith.andi %get3A_667, %and3A_673 : vector<16xi32>
        %bitcast3A_675 = vector.bitcast %and3A_674 : vector<16xi32> to vector<16xf32>
        %mul3A_676 = vector.broadcast %squeeze3A_440 : f32 to vector<16xf32>
        %mul3A_677 = arith.mulf %bitcast3A_671, %mul3A_676 : vector<16xf32>
        %add3A_678 = arith.addf %add3A_658, %mul3A_677 : vector<16xf32>
        %mul3A_679 = vector.broadcast %squeeze3A_440 : f32 to vector<16xf32>
        %mul3A_680 = arith.mulf %bitcast3A_675, %mul3A_679 : vector<16xf32>
        %add3A_681 = arith.addf %add3A_661, %mul3A_680 : vector<16xf32>
        %get3A_682 = arith.constant 1 : i32
        %get3A_683 = arith.constant 11 : i32
        %get3A_684 = arith.index_cast %get3A_682 : i32 to index
        %get3A_685 = arith.index_cast %get3A_683 : i32 to index
        %get3A_686 = arith.index_cast %mul3A_586 : i32 to index
        %get3A_687 = tpu.vector_load %arg7[%get3A_684, %get3A_685, %get3A_686] {strides = array<i32>} : memref<2x48x512xi32, #tpu.memory_space<vmem>>, vector<16xi32>,
        %shift_left3A_688 = arith.constant 16 : i32
        %shift_left3A_689 = vector.broadcast %shift_left3A_688 : i32 to vector<16xi32>
        %shift_left3A_690 = arith.shli %get3A_687, %shift_left3A_689 : vector<16xi32>
        %bitcast3A_691 = vector.bitcast %shift_left3A_690 : vector<16xi32> to vector<16xf32>
        %and3A_692 = arith.constant -65536 : i32
        %and3A_693 = vector.broadcast %and3A_692 : i32 to vector<16xi32>
        %and3A_694 = arith.andi %get3A_687, %and3A_693 : vector<16xi32>
        %bitcast3A_695 = vector.bitcast %and3A_694 : vector<16xi32> to vector<16xf32>
        %mul3A_696 = vector.broadcast %squeeze3A_442 : f32 to vector<16xf32>
        %mul3A_697 = arith.mulf %bitcast3A_691, %mul3A_696 : vector<16xf32>
        %add3A_698 = arith.addf %add3A_678, %mul3A_697 : vector<16xf32>
        %mul3A_699 = vector.broadcast %squeeze3A_442 : f32 to vector<16xf32>
        %mul3A_700 = arith.mulf %bitcast3A_695, %mul3A_699 : vector<16xf32>
        %add3A_701 = arith.addf %add3A_681, %mul3A_700 : vector<16xf32>
        %swap3A_702 = arith.constant 1 : i32
        %swap3A_703 = arith.constant 1 : i32
        %swap3A_704 = arith.index_cast %swap3A_702 : i32 to index
        %swap3A_705 = arith.index_cast %swap3A_703 : i32 to index
        %swap3A_706 = arith.index_cast %mul3A_586 : i32 to index
        %swap3A_707 = tpu.vector_load %arg8[%swap3A_704, %swap3A_705, %swap3A_706] {strides = array<i32>} : memref<2x8x1024xf32, #tpu.memory_space<vmem>>, vector<16xf32>,
        tpu.vector_store %arg8[%swap3A_704, %swap3A_705, %swap3A_706], %add3A_698 {strides = array<i32>} : memref<2x8x1024xf32, #tpu.memory_space<vmem>>, vector<16xf32>,
        %mul3A_708 = arith.constant 16 : i32
        %mul3A_709 = arith.muli %scan3A_583, %mul3A_708 : i32
        %add3A_710 = arith.constant 512 : i32
        %add3A_711 = arith.addi %add3A_710, %mul3A_709 : i32
        %swap3A_712 = arith.constant 1 : i32
        %swap3A_713 = arith.constant 1 : i32
        %swap3A_714 = arith.index_cast %swap3A_712 : i32 to index
        %swap3A_715 = arith.index_cast %swap3A_713 : i32 to index
        %swap3A_716 = arith.index_cast %add3A_711 : i32 to index
        %swap3A_717 = tpu.vector_load %arg8[%swap3A_714, %swap3A_715, %swap3A_716] {strides = array<i32>} : memref<2x8x1024xf32, #tpu.memory_space<vmem>>, vector<16xf32>,
        tpu.vector_store %arg8[%swap3A_714, %swap3A_715, %swap3A_716], %add3A_701 {strides = array<i32>} : memref<2x8x1024xf32, #tpu.memory_space<vmem>>, vector<16xf32>,
        %scan3A_718 = arith.constant 0 : i32
        scf.yield %scan3A_718 : i32
      }
      %scan3A_449 = arith.constant 32 : i32
      %slice3A_450 = vector.extract_strided_slice %mul3A_397 {offsets = [12], sizes = [1], strides = [1]} : vector<16xf32> to vector<1xf32>
      %squeeze3A_451 = vector.extract %slice3A_450[0] : f32 from vector<1xf32>
      %slice3A_452 = vector.extract_strided_slice %mul3A_397 {offsets = [13], sizes = [1], strides = [1]} : vector<16xf32> to vector<1xf32>
      %squeeze3A_453 = vector.extract %slice3A_452[0] : f32 from vector<1xf32>
      %slice3A_454 = vector.extract_strided_slice %mul3A_397 {offsets = [14], sizes = [1], strides = [1]} : vector<16xf32> to vector<1xf32>
      %squeeze3A_455 = vector.extract %slice3A_454[0] : f32 from vector<1xf32>
      %slice3A_456 = vector.extract_strided_slice %mul3A_397 {offsets = [15], sizes = [1], strides = [1]} : vector<16xf32> to vector<1xf32>
      %squeeze3A_457 = vector.extract %slice3A_456[0] : f32 from vector<1xf32>
      %slice3A_458 = vector.extract_strided_slice %mul3A_404 {offsets = [0], sizes = [1], strides = [1]} : vector<16xf32> to vector<1xf32>
      %squeeze3A_459 = vector.extract %slice3A_458[0] : f32 from vector<1xf32>
      %slice3A_460 = vector.extract_strided_slice %mul3A_404 {offsets = [1], sizes = [1], strides = [1]} : vector<16xf32> to vector<1xf32>
      %squeeze3A_461 = vector.extract %slice3A_460[0] : f32 from vector<1xf32>
      %scan3A_462 = arith.constant 0 : i32
      %scan3A_463 = arith.constant 0 : i32
      %scan3A_464 = arith.constant 32 : i32
      %scan3A_465 = arith.addi %scan3A_463, %scan3A_464 : i32
      %scan3A_466 = arith.constant 1 : i32
      %scan3A_467 = scf.for %scan3A_583 = %scan3A_463 to %scan3A_465 step %scan3A_466 iter_args(%scan3A_584 = %scan3A_462) -> (i32)  : i32 {
        %mul3A_585 = arith.constant 16 : i32
        %mul3A_586 = arith.muli %scan3A_583, %mul3A_585 : i32
        %get3A = arith.constant 1 : i32
        %get3A_587 = arith.constant 12 : i32
        %get3A_588 = arith.index_cast %get3A : i32 to index
        %get3A_589 = arith.index_cast %get3A_587 : i32 to index
        %get3A_590 = arith.index_cast %mul3A_586 : i32 to index
        %get3A_591 = tpu.vector_load %arg7[%get3A_588, %get3A_589, %get3A_590] {strides = array<i32>} : memref<2x48x512xi32, #tpu.memory_space<vmem>>, vector<16xi32>,
        %shift_left3A = arith.constant 16 : i32
        %shift_left3A_592 = vector.broadcast %shift_left3A : i32 to vector<16xi32>
        %shift_left3A_593 = arith.shli %get3A_591, %shift_left3A_592 : vector<16xi32>
        %bitcast3A = vector.bitcast %shift_left3A_593 : vector<16xi32> to vector<16xf32>
        %and3A_594 = arith.constant -65536 : i32
        %and3A_595 = vector.broadcast %and3A_594 : i32 to vector<16xi32>
        %and3A_596 = arith.andi %get3A_591, %and3A_595 : vector<16xi32>
        %bitcast3A_597 = vector.bitcast %and3A_596 : vector<16xi32> to vector<16xf32>
        %mul3A_598 = vector.broadcast %squeeze3A_451 : f32 to vector<16xf32>
        %mul3A_599 = arith.mulf %bitcast3A, %mul3A_598 : vector<16xf32>
        %mul3A_600 = vector.broadcast %squeeze3A_451 : f32 to vector<16xf32>
        %mul3A_601 = arith.mulf %bitcast3A_597, %mul3A_600 : vector<16xf32>
        %get3A_602 = arith.constant 1 : i32
        %get3A_603 = arith.constant 13 : i32
        %get3A_604 = arith.index_cast %get3A_602 : i32 to index
        %get3A_605 = arith.index_cast %get3A_603 : i32 to index
        %get3A_606 = arith.index_cast %mul3A_586 : i32 to index
        %get3A_607 = tpu.vector_load %arg7[%get3A_604, %get3A_605, %get3A_606] {strides = array<i32>} : memref<2x48x512xi32, #tpu.memory_space<vmem>>, vector<16xi32>,
        %shift_left3A_608 = arith.constant 16 : i32
        %shift_left3A_609 = vector.broadcast %shift_left3A_608 : i32 to vector<16xi32>
        %shift_left3A_610 = arith.shli %get3A_607, %shift_left3A_609 : vector<16xi32>
        %bitcast3A_611 = vector.bitcast %shift_left3A_610 : vector<16xi32> to vector<16xf32>
        %and3A_612 = arith.constant -65536 : i32
        %and3A_613 = vector.broadcast %and3A_612 : i32 to vector<16xi32>
        %and3A_614 = arith.andi %get3A_607, %and3A_613 : vector<16xi32>
        %bitcast3A_615 = vector.bitcast %and3A_614 : vector<16xi32> to vector<16xf32>
        %mul3A_616 = vector.broadcast %squeeze3A_453 : f32 to vector<16xf32>
        %mul3A_617 = arith.mulf %bitcast3A_611, %mul3A_616 : vector<16xf32>
        %add3A_618 = arith.addf %mul3A_599, %mul3A_617 : vector<16xf32>
        %mul3A_619 = vector.broadcast %squeeze3A_453 : f32 to vector<16xf32>
        %mul3A_620 = arith.mulf %bitcast3A_615, %mul3A_619 : vector<16xf32>
        %add3A_621 = arith.addf %mul3A_601, %mul3A_620 : vector<16xf32>
        %get3A_622 = arith.constant 1 : i32
        %get3A_623 = arith.constant 14 : i32
        %get3A_624 = arith.index_cast %get3A_622 : i32 to index
        %get3A_625 = arith.index_cast %get3A_623 : i32 to index
        %get3A_626 = arith.index_cast %mul3A_586 : i32 to index
        %get3A_627 = tpu.vector_load %arg7[%get3A_624, %get3A_625, %get3A_626] {strides = array<i32>} : memref<2x48x512xi32, #tpu.memory_space<vmem>>, vector<16xi32>,
        %shift_left3A_628 = arith.constant 16 : i32
        %shift_left3A_629 = vector.broadcast %shift_left3A_628 : i32 to vector<16xi32>
        %shift_left3A_630 = arith.shli %get3A_627, %shift_left3A_629 : vector<16xi32>
        %bitcast3A_631 = vector.bitcast %shift_left3A_630 : vector<16xi32> to vector<16xf32>
        %and3A_632 = arith.constant -65536 : i32
        %and3A_633 = vector.broadcast %and3A_632 : i32 to vector<16xi32>
        %and3A_634 = arith.andi %get3A_627, %and3A_633 : vector<16xi32>
        %bitcast3A_635 = vector.bitcast %and3A_634 : vector<16xi32> to vector<16xf32>
        %mul3A_636 = vector.broadcast %squeeze3A_455 : f32 to vector<16xf32>
        %mul3A_637 = arith.mulf %bitcast3A_631, %mul3A_636 : vector<16xf32>
        %add3A_638 = arith.addf %add3A_618, %mul3A_637 : vector<16xf32>
        %mul3A_639 = vector.broadcast %squeeze3A_455 : f32 to vector<16xf32>
        %mul3A_640 = arith.mulf %bitcast3A_635, %mul3A_639 : vector<16xf32>
        %add3A_641 = arith.addf %add3A_621, %mul3A_640 : vector<16xf32>
        %get3A_642 = arith.constant 1 : i32
        %get3A_643 = arith.constant 15 : i32
        %get3A_644 = arith.index_cast %get3A_642 : i32 to index
        %get3A_645 = arith.index_cast %get3A_643 : i32 to index
        %get3A_646 = arith.index_cast %mul3A_586 : i32 to index
        %get3A_647 = tpu.vector_load %arg7[%get3A_644, %get3A_645, %get3A_646] {strides = array<i32>} : memref<2x48x512xi32, #tpu.memory_space<vmem>>, vector<16xi32>,
        %shift_left3A_648 = arith.constant 16 : i32
        %shift_left3A_649 = vector.broadcast %shift_left3A_648 : i32 to vector<16xi32>
        %shift_left3A_650 = arith.shli %get3A_647, %shift_left3A_649 : vector<16xi32>
        %bitcast3A_651 = vector.bitcast %shift_left3A_650 : vector<16xi32> to vector<16xf32>
        %and3A_652 = arith.constant -65536 : i32
        %and3A_653 = vector.broadcast %and3A_652 : i32 to vector<16xi32>
        %and3A_654 = arith.andi %get3A_647, %and3A_653 : vector<16xi32>
        %bitcast3A_655 = vector.bitcast %and3A_654 : vector<16xi32> to vector<16xf32>
        %mul3A_656 = vector.broadcast %squeeze3A_457 : f32 to vector<16xf32>
        %mul3A_657 = arith.mulf %bitcast3A_651, %mul3A_656 : vector<16xf32>
        %add3A_658 = arith.addf %add3A_638, %mul3A_657 : vector<16xf32>
        %mul3A_659 = vector.broadcast %squeeze3A_457 : f32 to vector<16xf32>
        %mul3A_660 = arith.mulf %bitcast3A_655, %mul3A_659 : vector<16xf32>
        %add3A_661 = arith.addf %add3A_641, %mul3A_660 : vector<16xf32>
        %get3A_662 = arith.constant 1 : i32
        %get3A_663 = arith.constant 16 : i32
        %get3A_664 = arith.index_cast %get3A_662 : i32 to index
        %get3A_665 = arith.index_cast %get3A_663 : i32 to index
        %get3A_666 = arith.index_cast %mul3A_586 : i32 to index
        %get3A_667 = tpu.vector_load %arg7[%get3A_664, %get3A_665, %get3A_666] {strides = array<i32>} : memref<2x48x512xi32, #tpu.memory_space<vmem>>, vector<16xi32>,
        %shift_left3A_668 = arith.constant 16 : i32
        %shift_left3A_669 = vector.broadcast %shift_left3A_668 : i32 to vector<16xi32>
        %shift_left3A_670 = arith.shli %get3A_667, %shift_left3A_669 : vector<16xi32>
        %bitcast3A_671 = vector.bitcast %shift_left3A_670 : vector<16xi32> to vector<16xf32>
        %and3A_672 = arith.constant -65536 : i32
        %and3A_673 = vector.broadcast %and3A_672 : i32 to vector<16xi32>
        %and3A_674 = arith.andi %get3A_667, %and3A_673 : vector<16xi32>
        %bitcast3A_675 = vector.bitcast %and3A_674 : vector<16xi32> to vector<16xf32>
        %mul3A_676 = vector.broadcast %squeeze3A_459 : f32 to vector<16xf32>
        %mul3A_677 = arith.mulf %bitcast3A_671, %mul3A_676 : vector<16xf32>
        %add3A_678 = arith.addf %add3A_658, %mul3A_677 : vector<16xf32>
        %mul3A_679 = vector.broadcast %squeeze3A_459 : f32 to vector<16xf32>
        %mul3A_680 = arith.mulf %bitcast3A_675, %mul3A_679 : vector<16xf32>
        %add3A_681 = arith.addf %add3A_661, %mul3A_680 : vector<16xf32>
        %get3A_682 = arith.constant 1 : i32
        %get3A_683 = arith.constant 17 : i32
        %get3A_684 = arith.index_cast %get3A_682 : i32 to index
        %get3A_685 = arith.index_cast %get3A_683 : i32 to index
        %get3A_686 = arith.index_cast %mul3A_586 : i32 to index
        %get3A_687 = tpu.vector_load %arg7[%get3A_684, %get3A_685, %get3A_686] {strides = array<i32>} : memref<2x48x512xi32, #tpu.memory_space<vmem>>, vector<16xi32>,
        %shift_left3A_688 = arith.constant 16 : i32
        %shift_left3A_689 = vector.broadcast %shift_left3A_688 : i32 to vector<16xi32>
        %shift_left3A_690 = arith.shli %get3A_687, %shift_left3A_689 : vector<16xi32>
        %bitcast3A_691 = vector.bitcast %shift_left3A_690 : vector<16xi32> to vector<16xf32>
        %and3A_692 = arith.constant -65536 : i32
        %and3A_693 = vector.broadcast %and3A_692 : i32 to vector<16xi32>
        %and3A_694 = arith.andi %get3A_687, %and3A_693 : vector<16xi32>
        %bitcast3A_695 = vector.bitcast %and3A_694 : vector<16xi32> to vector<16xf32>
        %mul3A_696 = vector.broadcast %squeeze3A_461 : f32 to vector<16xf32>
        %mul3A_697 = arith.mulf %bitcast3A_691, %mul3A_696 : vector<16xf32>
        %add3A_698 = arith.addf %add3A_678, %mul3A_697 : vector<16xf32>
        %mul3A_699 = vector.broadcast %squeeze3A_461 : f32 to vector<16xf32>
        %mul3A_700 = arith.mulf %bitcast3A_695, %mul3A_699 : vector<16xf32>
        %add3A_701 = arith.addf %add3A_681, %mul3A_700 : vector<16xf32>
        %swap3A_702 = arith.constant 1 : i32
        %swap3A_703 = arith.constant 2 : i32
        %swap3A_704 = arith.index_cast %swap3A_702 : i32 to index
        %swap3A_705 = arith.index_cast %swap3A_703 : i32 to index
        %swap3A_706 = arith.index_cast %mul3A_586 : i32 to index
        %swap3A_707 = tpu.vector_load %arg8[%swap3A_704, %swap3A_705, %swap3A_706] {strides = array<i32>} : memref<2x8x1024xf32, #tpu.memory_space<vmem>>, vector<16xf32>,
        tpu.vector_store %arg8[%swap3A_704, %swap3A_705, %swap3A_706], %add3A_698 {strides = array<i32>} : memref<2x8x1024xf32, #tpu.memory_space<vmem>>, vector<16xf32>,
        %mul3A_708 = arith.constant 16 : i32
        %mul3A_709 = arith.muli %scan3A_583, %mul3A_708 : i32
        %add3A_710 = arith.constant 512 : i32
        %add3A_711 = arith.addi %add3A_710, %mul3A_709 : i32
        %swap3A_712 = arith.constant 1 : i32
        %swap3A_713 = arith.constant 2 : i32
        %swap3A_714 = arith.index_cast %swap3A_712 : i32 to index
        %swap3A_715 = arith.index_cast %swap3A_713 : i32 to index
        %swap3A_716 = arith.index_cast %add3A_711 : i32 to index
        %swap3A_717 = tpu.vector_load %arg8[%swap3A_714, %swap3A_715, %swap3A_716] {strides = array<i32>} : memref<2x8x1024xf32, #tpu.memory_space<vmem>>, vector<16xf32>,
        tpu.vector_store %arg8[%swap3A_714, %swap3A_715, %swap3A_716], %add3A_701 {strides = array<i32>} : memref<2x8x1024xf32, #tpu.memory_space<vmem>>, vector<16xf32>,
        %scan3A_718 = arith.constant 0 : i32
        scf.yield %scan3A_718 : i32
      }
      %scan3A_468 = arith.constant 32 : i32
      %slice3A_469 = vector.extract_strided_slice %mul3A_404 {offsets = [2], sizes = [1], strides = [1]} : vector<16xf32> to vector<1xf32>
      %squeeze3A_470 = vector.extract %slice3A_469[0] : f32 from vector<1xf32>
      %slice3A_471 = vector.extract_strided_slice %mul3A_404 {offsets = [3], sizes = [1], strides = [1]} : vector<16xf32> to vector<1xf32>
      %squeeze3A_472 = vector.extract %slice3A_471[0] : f32 from vector<1xf32>
      %slice3A_473 = vector.extract_strided_slice %mul3A_404 {offsets = [4], sizes = [1], strides = [1]} : vector<16xf32> to vector<1xf32>
      %squeeze3A_474 = vector.extract %slice3A_473[0] : f32 from vector<1xf32>
      %slice3A_475 = vector.extract_strided_slice %mul3A_404 {offsets = [5], sizes = [1], strides = [1]} : vector<16xf32> to vector<1xf32>
      %squeeze3A_476 = vector.extract %slice3A_475[0] : f32 from vector<1xf32>
      %slice3A_477 = vector.extract_strided_slice %mul3A_404 {offsets = [6], sizes = [1], strides = [1]} : vector<16xf32> to vector<1xf32>
      %squeeze3A_478 = vector.extract %slice3A_477[0] : f32 from vector<1xf32>
      %slice3A_479 = vector.extract_strided_slice %mul3A_404 {offsets = [7], sizes = [1], strides = [1]} : vector<16xf32> to vector<1xf32>
      %squeeze3A_480 = vector.extract %slice3A_479[0] : f32 from vector<1xf32>
      %scan3A_481 = arith.constant 0 : i32
      %scan3A_482 = arith.constant 0 : i32
      %scan3A_483 = arith.constant 32 : i32
      %scan3A_484 = arith.addi %scan3A_482, %scan3A_483 : i32
      %scan3A_485 = arith.constant 1 : i32
      %scan3A_486 = scf.for %scan3A_583 = %scan3A_482 to %scan3A_484 step %scan3A_485 iter_args(%scan3A_584 = %scan3A_481) -> (i32)  : i32 {
        %mul3A_585 = arith.constant 16 : i32
        %mul3A_586 = arith.muli %scan3A_583, %mul3A_585 : i32
        %get3A = arith.constant 1 : i32
        %get3A_587 = arith.constant 18 : i32
        %get3A_588 = arith.index_cast %get3A : i32 to index
        %get3A_589 = arith.index_cast %get3A_587 : i32 to index
        %get3A_590 = arith.index_cast %mul3A_586 : i32 to index
        %get3A_591 = tpu.vector_load %arg7[%get3A_588, %get3A_589, %get3A_590] {strides = array<i32>} : memref<2x48x512xi32, #tpu.memory_space<vmem>>, vector<16xi32>,
        %shift_left3A = arith.constant 16 : i32
        %shift_left3A_592 = vector.broadcast %shift_left3A : i32 to vector<16xi32>
        %shift_left3A_593 = arith.shli %get3A_591, %shift_left3A_592 : vector<16xi32>
        %bitcast3A = vector.bitcast %shift_left3A_593 : vector<16xi32> to vector<16xf32>
        %and3A_594 = arith.constant -65536 : i32
        %and3A_595 = vector.broadcast %and3A_594 : i32 to vector<16xi32>
        %and3A_596 = arith.andi %get3A_591, %and3A_595 : vector<16xi32>
        %bitcast3A_597 = vector.bitcast %and3A_596 : vector<16xi32> to vector<16xf32>
        %mul3A_598 = vector.broadcast %squeeze3A_470 : f32 to vector<16xf32>
        %mul3A_599 = arith.mulf %bitcast3A, %mul3A_598 : vector<16xf32>
        %mul3A_600 = vector.broadcast %squeeze3A_470 : f32 to vector<16xf32>
        %mul3A_601 = arith.mulf %bitcast3A_597, %mul3A_600 : vector<16xf32>
        %get3A_602 = arith.constant 1 : i32
        %get3A_603 = arith.constant 19 : i32
        %get3A_604 = arith.index_cast %get3A_602 : i32 to index
        %get3A_605 = arith.index_cast %get3A_603 : i32 to index
        %get3A_606 = arith.index_cast %mul3A_586 : i32 to index
        %get3A_607 = tpu.vector_load %arg7[%get3A_604, %get3A_605, %get3A_606] {strides = array<i32>} : memref<2x48x512xi32, #tpu.memory_space<vmem>>, vector<16xi32>,
        %shift_left3A_608 = arith.constant 16 : i32
        %shift_left3A_609 = vector.broadcast %shift_left3A_608 : i32 to vector<16xi32>
        %shift_left3A_610 = arith.shli %get3A_607, %shift_left3A_609 : vector<16xi32>
        %bitcast3A_611 = vector.bitcast %shift_left3A_610 : vector<16xi32> to vector<16xf32>
        %and3A_612 = arith.constant -65536 : i32
        %and3A_613 = vector.broadcast %and3A_612 : i32 to vector<16xi32>
        %and3A_614 = arith.andi %get3A_607, %and3A_613 : vector<16xi32>
        %bitcast3A_615 = vector.bitcast %and3A_614 : vector<16xi32> to vector<16xf32>
        %mul3A_616 = vector.broadcast %squeeze3A_472 : f32 to vector<16xf32>
        %mul3A_617 = arith.mulf %bitcast3A_611, %mul3A_616 : vector<16xf32>
        %add3A_618 = arith.addf %mul3A_599, %mul3A_617 : vector<16xf32>
        %mul3A_619 = vector.broadcast %squeeze3A_472 : f32 to vector<16xf32>
        %mul3A_620 = arith.mulf %bitcast3A_615, %mul3A_619 : vector<16xf32>
        %add3A_621 = arith.addf %mul3A_601, %mul3A_620 : vector<16xf32>
        %get3A_622 = arith.constant 1 : i32
        %get3A_623 = arith.constant 20 : i32
        %get3A_624 = arith.index_cast %get3A_622 : i32 to index
        %get3A_625 = arith.index_cast %get3A_623 : i32 to index
        %get3A_626 = arith.index_cast %mul3A_586 : i32 to index
        %get3A_627 = tpu.vector_load %arg7[%get3A_624, %get3A_625, %get3A_626] {strides = array<i32>} : memref<2x48x512xi32, #tpu.memory_space<vmem>>, vector<16xi32>,
        %shift_left3A_628 = arith.constant 16 : i32
        %shift_left3A_629 = vector.broadcast %shift_left3A_628 : i32 to vector<16xi32>
        %shift_left3A_630 = arith.shli %get3A_627, %shift_left3A_629 : vector<16xi32>
        %bitcast3A_631 = vector.bitcast %shift_left3A_630 : vector<16xi32> to vector<16xf32>
        %and3A_632 = arith.constant -65536 : i32
        %and3A_633 = vector.broadcast %and3A_632 : i32 to vector<16xi32>
        %and3A_634 = arith.andi %get3A_627, %and3A_633 : vector<16xi32>
        %bitcast3A_635 = vector.bitcast %and3A_634 : vector<16xi32> to vector<16xf32>
        %mul3A_636 = vector.broadcast %squeeze3A_474 : f32 to vector<16xf32>
        %mul3A_637 = arith.mulf %bitcast3A_631, %mul3A_636 : vector<16xf32>
        %add3A_638 = arith.addf %add3A_618, %mul3A_637 : vector<16xf32>
        %mul3A_639 = vector.broadcast %squeeze3A_474 : f32 to vector<16xf32>
        %mul3A_640 = arith.mulf %bitcast3A_635, %mul3A_639 : vector<16xf32>
        %add3A_641 = arith.addf %add3A_621, %mul3A_640 : vector<16xf32>
        %get3A_642 = arith.constant 1 : i32
        %get3A_643 = arith.constant 21 : i32
        %get3A_644 = arith.index_cast %get3A_642 : i32 to index
        %get3A_645 = arith.index_cast %get3A_643 : i32 to index
        %get3A_646 = arith.index_cast %mul3A_586 : i32 to index
        %get3A_647 = tpu.vector_load %arg7[%get3A_644, %get3A_645, %get3A_646] {strides = array<i32>} : memref<2x48x512xi32, #tpu.memory_space<vmem>>, vector<16xi32>,
        %shift_left3A_648 = arith.constant 16 : i32
        %shift_left3A_649 = vector.broadcast %shift_left3A_648 : i32 to vector<16xi32>
        %shift_left3A_650 = arith.shli %get3A_647, %shift_left3A_649 : vector<16xi32>
        %bitcast3A_651 = vector.bitcast %shift_left3A_650 : vector<16xi32> to vector<16xf32>
        %and3A_652 = arith.constant -65536 : i32
        %and3A_653 = vector.broadcast %and3A_652 : i32 to vector<16xi32>
        %and3A_654 = arith.andi %get3A_647, %and3A_653 : vector<16xi32>
        %bitcast3A_655 = vector.bitcast %and3A_654 : vector<16xi32> to vector<16xf32>
        %mul3A_656 = vector.broadcast %squeeze3A_476 : f32 to vector<16xf32>
        %mul3A_657 = arith.mulf %bitcast3A_651, %mul3A_656 : vector<16xf32>
        %add3A_658 = arith.addf %add3A_638, %mul3A_657 : vector<16xf32>
        %mul3A_659 = vector.broadcast %squeeze3A_476 : f32 to vector<16xf32>
        %mul3A_660 = arith.mulf %bitcast3A_655, %mul3A_659 : vector<16xf32>
        %add3A_661 = arith.addf %add3A_641, %mul3A_660 : vector<16xf32>
        %get3A_662 = arith.constant 1 : i32
        %get3A_663 = arith.constant 22 : i32
        %get3A_664 = arith.index_cast %get3A_662 : i32 to index
        %get3A_665 = arith.index_cast %get3A_663 : i32 to index
        %get3A_666 = arith.index_cast %mul3A_586 : i32 to index
        %get3A_667 = tpu.vector_load %arg7[%get3A_664, %get3A_665, %get3A_666] {strides = array<i32>} : memref<2x48x512xi32, #tpu.memory_space<vmem>>, vector<16xi32>,
        %shift_left3A_668 = arith.constant 16 : i32
        %shift_left3A_669 = vector.broadcast %shift_left3A_668 : i32 to vector<16xi32>
        %shift_left3A_670 = arith.shli %get3A_667, %shift_left3A_669 : vector<16xi32>
        %bitcast3A_671 = vector.bitcast %shift_left3A_670 : vector<16xi32> to vector<16xf32>
        %and3A_672 = arith.constant -65536 : i32
        %and3A_673 = vector.broadcast %and3A_672 : i32 to vector<16xi32>
        %and3A_674 = arith.andi %get3A_667, %and3A_673 : vector<16xi32>
        %bitcast3A_675 = vector.bitcast %and3A_674 : vector<16xi32> to vector<16xf32>
        %mul3A_676 = vector.broadcast %squeeze3A_478 : f32 to vector<16xf32>
        %mul3A_677 = arith.mulf %bitcast3A_671, %mul3A_676 : vector<16xf32>
        %add3A_678 = arith.addf %add3A_658, %mul3A_677 : vector<16xf32>
        %mul3A_679 = vector.broadcast %squeeze3A_478 : f32 to vector<16xf32>
        %mul3A_680 = arith.mulf %bitcast3A_675, %mul3A_679 : vector<16xf32>
        %add3A_681 = arith.addf %add3A_661, %mul3A_680 : vector<16xf32>
        %get3A_682 = arith.constant 1 : i32
        %get3A_683 = arith.constant 23 : i32
        %get3A_684 = arith.index_cast %get3A_682 : i32 to index
        %get3A_685 = arith.index_cast %get3A_683 : i32 to index
        %get3A_686 = arith.index_cast %mul3A_586 : i32 to index
        %get3A_687 = tpu.vector_load %arg7[%get3A_684, %get3A_685, %get3A_686] {strides = array<i32>} : memref<2x48x512xi32, #tpu.memory_space<vmem>>, vector<16xi32>,
        %shift_left3A_688 = arith.constant 16 : i32
        %shift_left3A_689 = vector.broadcast %shift_left3A_688 : i32 to vector<16xi32>
        %shift_left3A_690 = arith.shli %get3A_687, %shift_left3A_689 : vector<16xi32>
        %bitcast3A_691 = vector.bitcast %shift_left3A_690 : vector<16xi32> to vector<16xf32>
        %and3A_692 = arith.constant -65536 : i32
        %and3A_693 = vector.broadcast %and3A_692 : i32 to vector<16xi32>
        %and3A_694 = arith.andi %get3A_687, %and3A_693 : vector<16xi32>
        %bitcast3A_695 = vector.bitcast %and3A_694 : vector<16xi32> to vector<16xf32>
        %mul3A_696 = vector.broadcast %squeeze3A_480 : f32 to vector<16xf32>
        %mul3A_697 = arith.mulf %bitcast3A_691, %mul3A_696 : vector<16xf32>
        %add3A_698 = arith.addf %add3A_678, %mul3A_697 : vector<16xf32>
        %mul3A_699 = vector.broadcast %squeeze3A_480 : f32 to vector<16xf32>
        %mul3A_700 = arith.mulf %bitcast3A_695, %mul3A_699 : vector<16xf32>
        %add3A_701 = arith.addf %add3A_681, %mul3A_700 : vector<16xf32>
        %swap3A_702 = arith.constant 1 : i32
        %swap3A_703 = arith.constant 3 : i32
        %swap3A_704 = arith.index_cast %swap3A_702 : i32 to index
        %swap3A_705 = arith.index_cast %swap3A_703 : i32 to index
        %swap3A_706 = arith.index_cast %mul3A_586 : i32 to index
        %swap3A_707 = tpu.vector_load %arg8[%swap3A_704, %swap3A_705, %swap3A_706] {strides = array<i32>} : memref<2x8x1024xf32, #tpu.memory_space<vmem>>, vector<16xf32>,
        tpu.vector_store %arg8[%swap3A_704, %swap3A_705, %swap3A_706], %add3A_698 {strides = array<i32>} : memref<2x8x1024xf32, #tpu.memory_space<vmem>>, vector<16xf32>,
        %mul3A_708 = arith.constant 16 : i32
        %mul3A_709 = arith.muli %scan3A_583, %mul3A_708 : i32
        %add3A_710 = arith.constant 512 : i32
        %add3A_711 = arith.addi %add3A_710, %mul3A_709 : i32
        %swap3A_712 = arith.constant 1 : i32
        %swap3A_713 = arith.constant 3 : i32
        %swap3A_714 = arith.index_cast %swap3A_712 : i32 to index
        %swap3A_715 = arith.index_cast %swap3A_713 : i32 to index
        %swap3A_716 = arith.index_cast %add3A_711 : i32 to index
        %swap3A_717 = tpu.vector_load %arg8[%swap3A_714, %swap3A_715, %swap3A_716] {strides = array<i32>} : memref<2x8x1024xf32, #tpu.memory_space<vmem>>, vector<16xf32>,
        tpu.vector_store %arg8[%swap3A_714, %swap3A_715, %swap3A_716], %add3A_701 {strides = array<i32>} : memref<2x8x1024xf32, #tpu.memory_space<vmem>>, vector<16xf32>,
        %scan3A_718 = arith.constant 0 : i32
        scf.yield %scan3A_718 : i32
      }
      %scan3A_487 = arith.constant 32 : i32
      %slice3A_488 = vector.extract_strided_slice %mul3A_404 {offsets = [8], sizes = [1], strides = [1]} : vector<16xf32> to vector<1xf32>
      %squeeze3A_489 = vector.extract %slice3A_488[0] : f32 from vector<1xf32>
      %slice3A_490 = vector.extract_strided_slice %mul3A_404 {offsets = [9], sizes = [1], strides = [1]} : vector<16xf32> to vector<1xf32>
      %squeeze3A_491 = vector.extract %slice3A_490[0] : f32 from vector<1xf32>
      %slice3A_492 = vector.extract_strided_slice %mul3A_404 {offsets = [10], sizes = [1], strides = [1]} : vector<16xf32> to vector<1xf32>
      %squeeze3A_493 = vector.extract %slice3A_492[0] : f32 from vector<1xf32>
      %slice3A_494 = vector.extract_strided_slice %mul3A_404 {offsets = [11], sizes = [1], strides = [1]} : vector<16xf32> to vector<1xf32>
      %squeeze3A_495 = vector.extract %slice3A_494[0] : f32 from vector<1xf32>
      %slice3A_496 = vector.extract_strided_slice %mul3A_404 {offsets = [12], sizes = [1], strides = [1]} : vector<16xf32> to vector<1xf32>
      %squeeze3A_497 = vector.extract %slice3A_496[0] : f32 from vector<1xf32>
      %slice3A_498 = vector.extract_strided_slice %mul3A_404 {offsets = [13], sizes = [1], strides = [1]} : vector<16xf32> to vector<1xf32>
      %squeeze3A_499 = vector.extract %slice3A_498[0] : f32 from vector<1xf32>
      %scan3A_500 = arith.constant 0 : i32
      %scan3A_501 = arith.constant 0 : i32
      %scan3A_502 = arith.constant 32 : i32
      %scan3A_503 = arith.addi %scan3A_501, %scan3A_502 : i32
      %scan3A_504 = arith.constant 1 : i32
      %scan3A_505 = scf.for %scan3A_583 = %scan3A_501 to %scan3A_503 step %scan3A_504 iter_args(%scan3A_584 = %scan3A_500) -> (i32)  : i32 {
        %mul3A_585 = arith.constant 16 : i32
        %mul3A_586 = arith.muli %scan3A_583, %mul3A_585 : i32
        %get3A = arith.constant 1 : i32
        %get3A_587 = arith.constant 24 : i32
        %get3A_588 = arith.index_cast %get3A : i32 to index
        %get3A_589 = arith.index_cast %get3A_587 : i32 to index
        %get3A_590 = arith.index_cast %mul3A_586 : i32 to index
        %get3A_591 = tpu.vector_load %arg7[%get3A_588, %get3A_589, %get3A_590] {strides = array<i32>} : memref<2x48x512xi32, #tpu.memory_space<vmem>>, vector<16xi32>,
        %shift_left3A = arith.constant 16 : i32
        %shift_left3A_592 = vector.broadcast %shift_left3A : i32 to vector<16xi32>
        %shift_left3A_593 = arith.shli %get3A_591, %shift_left3A_592 : vector<16xi32>
        %bitcast3A = vector.bitcast %shift_left3A_593 : vector<16xi32> to vector<16xf32>
        %and3A_594 = arith.constant -65536 : i32
        %and3A_595 = vector.broadcast %and3A_594 : i32 to vector<16xi32>
        %and3A_596 = arith.andi %get3A_591, %and3A_595 : vector<16xi32>
        %bitcast3A_597 = vector.bitcast %and3A_596 : vector<16xi32> to vector<16xf32>
        %mul3A_598 = vector.broadcast %squeeze3A_489 : f32 to vector<16xf32>
        %mul3A_599 = arith.mulf %bitcast3A, %mul3A_598 : vector<16xf32>
        %mul3A_600 = vector.broadcast %squeeze3A_489 : f32 to vector<16xf32>
        %mul3A_601 = arith.mulf %bitcast3A_597, %mul3A_600 : vector<16xf32>
        %get3A_602 = arith.constant 1 : i32
        %get3A_603 = arith.constant 25 : i32
        %get3A_604 = arith.index_cast %get3A_602 : i32 to index
        %get3A_605 = arith.index_cast %get3A_603 : i32 to index
        %get3A_606 = arith.index_cast %mul3A_586 : i32 to index
        %get3A_607 = tpu.vector_load %arg7[%get3A_604, %get3A_605, %get3A_606] {strides = array<i32>} : memref<2x48x512xi32, #tpu.memory_space<vmem>>, vector<16xi32>,
        %shift_left3A_608 = arith.constant 16 : i32
        %shift_left3A_609 = vector.broadcast %shift_left3A_608 : i32 to vector<16xi32>
        %shift_left3A_610 = arith.shli %get3A_607, %shift_left3A_609 : vector<16xi32>
        %bitcast3A_611 = vector.bitcast %shift_left3A_610 : vector<16xi32> to vector<16xf32>
        %and3A_612 = arith.constant -65536 : i32
        %and3A_613 = vector.broadcast %and3A_612 : i32 to vector<16xi32>
        %and3A_614 = arith.andi %get3A_607, %and3A_613 : vector<16xi32>
        %bitcast3A_615 = vector.bitcast %and3A_614 : vector<16xi32> to vector<16xf32>
        %mul3A_616 = vector.broadcast %squeeze3A_491 : f32 to vector<16xf32>
        %mul3A_617 = arith.mulf %bitcast3A_611, %mul3A_616 : vector<16xf32>
        %add3A_618 = arith.addf %mul3A_599, %mul3A_617 : vector<16xf32>
        %mul3A_619 = vector.broadcast %squeeze3A_491 : f32 to vector<16xf32>
        %mul3A_620 = arith.mulf %bitcast3A_615, %mul3A_619 : vector<16xf32>
        %add3A_621 = arith.addf %mul3A_601, %mul3A_620 : vector<16xf32>
        %get3A_622 = arith.constant 1 : i32
        %get3A_623 = arith.constant 26 : i32
        %get3A_624 = arith.index_cast %get3A_622 : i32 to index
        %get3A_625 = arith.index_cast %get3A_623 : i32 to index
        %get3A_626 = arith.index_cast %mul3A_586 : i32 to index
        %get3A_627 = tpu.vector_load %arg7[%get3A_624, %get3A_625, %get3A_626] {strides = array<i32>} : memref<2x48x512xi32, #tpu.memory_space<vmem>>, vector<16xi32>,
        %shift_left3A_628 = arith.constant 16 : i32
        %shift_left3A_629 = vector.broadcast %shift_left3A_628 : i32 to vector<16xi32>
        %shift_left3A_630 = arith.shli %get3A_627, %shift_left3A_629 : vector<16xi32>
        %bitcast3A_631 = vector.bitcast %shift_left3A_630 : vector<16xi32> to vector<16xf32>
        %and3A_632 = arith.constant -65536 : i32
        %and3A_633 = vector.broadcast %and3A_632 : i32 to vector<16xi32>
        %and3A_634 = arith.andi %get3A_627, %and3A_633 : vector<16xi32>
        %bitcast3A_635 = vector.bitcast %and3A_634 : vector<16xi32> to vector<16xf32>
        %mul3A_636 = vector.broadcast %squeeze3A_493 : f32 to vector<16xf32>
        %mul3A_637 = arith.mulf %bitcast3A_631, %mul3A_636 : vector<16xf32>
        %add3A_638 = arith.addf %add3A_618, %mul3A_637 : vector<16xf32>
        %mul3A_639 = vector.broadcast %squeeze3A_493 : f32 to vector<16xf32>
        %mul3A_640 = arith.mulf %bitcast3A_635, %mul3A_639 : vector<16xf32>
        %add3A_641 = arith.addf %add3A_621, %mul3A_640 : vector<16xf32>
        %get3A_642 = arith.constant 1 : i32
        %get3A_643 = arith.constant 27 : i32
        %get3A_644 = arith.index_cast %get3A_642 : i32 to index
        %get3A_645 = arith.index_cast %get3A_643 : i32 to index
        %get3A_646 = arith.index_cast %mul3A_586 : i32 to index
        %get3A_647 = tpu.vector_load %arg7[%get3A_644, %get3A_645, %get3A_646] {strides = array<i32>} : memref<2x48x512xi32, #tpu.memory_space<vmem>>, vector<16xi32>,
        %shift_left3A_648 = arith.constant 16 : i32
        %shift_left3A_649 = vector.broadcast %shift_left3A_648 : i32 to vector<16xi32>
        %shift_left3A_650 = arith.shli %get3A_647, %shift_left3A_649 : vector<16xi32>
        %bitcast3A_651 = vector.bitcast %shift_left3A_650 : vector<16xi32> to vector<16xf32>
        %and3A_652 = arith.constant -65536 : i32
        %and3A_653 = vector.broadcast %and3A_652 : i32 to vector<16xi32>
        %and3A_654 = arith.andi %get3A_647, %and3A_653 : vector<16xi32>
        %bitcast3A_655 = vector.bitcast %and3A_654 : vector<16xi32> to vector<16xf32>
        %mul3A_656 = vector.broadcast %squeeze3A_495 : f32 to vector<16xf32>
        %mul3A_657 = arith.mulf %bitcast3A_651, %mul3A_656 : vector<16xf32>
        %add3A_658 = arith.addf %add3A_638, %mul3A_657 : vector<16xf32>
        %mul3A_659 = vector.broadcast %squeeze3A_495 : f32 to vector<16xf32>
        %mul3A_660 = arith.mulf %bitcast3A_655, %mul3A_659 : vector<16xf32>
        %add3A_661 = arith.addf %add3A_641, %mul3A_660 : vector<16xf32>
        %get3A_662 = arith.constant 1 : i32
        %get3A_663 = arith.constant 28 : i32
        %get3A_664 = arith.index_cast %get3A_662 : i32 to index
        %get3A_665 = arith.index_cast %get3A_663 : i32 to index
        %get3A_666 = arith.index_cast %mul3A_586 : i32 to index
        %get3A_667 = tpu.vector_load %arg7[%get3A_664, %get3A_665, %get3A_666] {strides = array<i32>} : memref<2x48x512xi32, #tpu.memory_space<vmem>>, vector<16xi32>,
        %shift_left3A_668 = arith.constant 16 : i32
        %shift_left3A_669 = vector.broadcast %shift_left3A_668 : i32 to vector<16xi32>
        %shift_left3A_670 = arith.shli %get3A_667, %shift_left3A_669 : vector<16xi32>
        %bitcast3A_671 = vector.bitcast %shift_left3A_670 : vector<16xi32> to vector<16xf32>
        %and3A_672 = arith.constant -65536 : i32
        %and3A_673 = vector.broadcast %and3A_672 : i32 to vector<16xi32>
        %and3A_674 = arith.andi %get3A_667, %and3A_673 : vector<16xi32>
        %bitcast3A_675 = vector.bitcast %and3A_674 : vector<16xi32> to vector<16xf32>
        %mul3A_676 = vector.broadcast %squeeze3A_497 : f32 to vector<16xf32>
        %mul3A_677 = arith.mulf %bitcast3A_671, %mul3A_676 : vector<16xf32>
        %add3A_678 = arith.addf %add3A_658, %mul3A_677 : vector<16xf32>
        %mul3A_679 = vector.broadcast %squeeze3A_497 : f32 to vector<16xf32>
        %mul3A_680 = arith.mulf %bitcast3A_675, %mul3A_679 : vector<16xf32>
        %add3A_681 = arith.addf %add3A_661, %mul3A_680 : vector<16xf32>
        %get3A_682 = arith.constant 1 : i32
        %get3A_683 = arith.constant 29 : i32
        %get3A_684 = arith.index_cast %get3A_682 : i32 to index
        %get3A_685 = arith.index_cast %get3A_683 : i32 to index
        %get3A_686 = arith.index_cast %mul3A_586 : i32 to index
        %get3A_687 = tpu.vector_load %arg7[%get3A_684, %get3A_685, %get3A_686] {strides = array<i32>} : memref<2x48x512xi32, #tpu.memory_space<vmem>>, vector<16xi32>,
        %shift_left3A_688 = arith.constant 16 : i32
        %shift_left3A_689 = vector.broadcast %shift_left3A_688 : i32 to vector<16xi32>
        %shift_left3A_690 = arith.shli %get3A_687, %shift_left3A_689 : vector<16xi32>
        %bitcast3A_691 = vector.bitcast %shift_left3A_690 : vector<16xi32> to vector<16xf32>
        %and3A_692 = arith.constant -65536 : i32
        %and3A_693 = vector.broadcast %and3A_692 : i32 to vector<16xi32>
        %and3A_694 = arith.andi %get3A_687, %and3A_693 : vector<16xi32>
        %bitcast3A_695 = vector.bitcast %and3A_694 : vector<16xi32> to vector<16xf32>
        %mul3A_696 = vector.broadcast %squeeze3A_499 : f32 to vector<16xf32>
        %mul3A_697 = arith.mulf %bitcast3A_691, %mul3A_696 : vector<16xf32>
        %add3A_698 = arith.addf %add3A_678, %mul3A_697 : vector<16xf32>
        %mul3A_699 = vector.broadcast %squeeze3A_499 : f32 to vector<16xf32>
        %mul3A_700 = arith.mulf %bitcast3A_695, %mul3A_699 : vector<16xf32>
        %add3A_701 = arith.addf %add3A_681, %mul3A_700 : vector<16xf32>
        %swap3A_702 = arith.constant 1 : i32
        %swap3A_703 = arith.constant 4 : i32
        %swap3A_704 = arith.index_cast %swap3A_702 : i32 to index
        %swap3A_705 = arith.index_cast %swap3A_703 : i32 to index
        %swap3A_706 = arith.index_cast %mul3A_586 : i32 to index
        %swap3A_707 = tpu.vector_load %arg8[%swap3A_704, %swap3A_705, %swap3A_706] {strides = array<i32>} : memref<2x8x1024xf32, #tpu.memory_space<vmem>>, vector<16xf32>,
        tpu.vector_store %arg8[%swap3A_704, %swap3A_705, %swap3A_706], %add3A_698 {strides = array<i32>} : memref<2x8x1024xf32, #tpu.memory_space<vmem>>, vector<16xf32>,
        %mul3A_708 = arith.constant 16 : i32
        %mul3A_709 = arith.muli %scan3A_583, %mul3A_708 : i32
        %add3A_710 = arith.constant 512 : i32
        %add3A_711 = arith.addi %add3A_710, %mul3A_709 : i32
        %swap3A_712 = arith.constant 1 : i32
        %swap3A_713 = arith.constant 4 : i32
        %swap3A_714 = arith.index_cast %swap3A_712 : i32 to index
        %swap3A_715 = arith.index_cast %swap3A_713 : i32 to index
        %swap3A_716 = arith.index_cast %add3A_711 : i32 to index
        %swap3A_717 = tpu.vector_load %arg8[%swap3A_714, %swap3A_715, %swap3A_716] {strides = array<i32>} : memref<2x8x1024xf32, #tpu.memory_space<vmem>>, vector<16xf32>,
        tpu.vector_store %arg8[%swap3A_714, %swap3A_715, %swap3A_716], %add3A_701 {strides = array<i32>} : memref<2x8x1024xf32, #tpu.memory_space<vmem>>, vector<16xf32>,
        %scan3A_718 = arith.constant 0 : i32
        scf.yield %scan3A_718 : i32
      }
      %scan3A_506 = arith.constant 32 : i32
      %slice3A_507 = vector.extract_strided_slice %mul3A_404 {offsets = [14], sizes = [1], strides = [1]} : vector<16xf32> to vector<1xf32>
      %squeeze3A_508 = vector.extract %slice3A_507[0] : f32 from vector<1xf32>
      %slice3A_509 = vector.extract_strided_slice %mul3A_404 {offsets = [15], sizes = [1], strides = [1]} : vector<16xf32> to vector<1xf32>
      %squeeze3A_510 = vector.extract %slice3A_509[0] : f32 from vector<1xf32>
      %slice3A_511 = vector.extract_strided_slice %mul3A_411 {offsets = [0], sizes = [1], strides = [1]} : vector<16xf32> to vector<1xf32>
      %squeeze3A_512 = vector.extract %slice3A_511[0] : f32 from vector<1xf32>
      %slice3A_513 = vector.extract_strided_slice %mul3A_411 {offsets = [1], sizes = [1], strides = [1]} : vector<16xf32> to vector<1xf32>
      %squeeze3A_514 = vector.extract %slice3A_513[0] : f32 from vector<1xf32>
      %slice3A_515 = vector.extract_strided_slice %mul3A_411 {offsets = [2], sizes = [1], strides = [1]} : vector<16xf32> to vector<1xf32>
      %squeeze3A_516 = vector.extract %slice3A_515[0] : f32 from vector<1xf32>
      %slice3A_517 = vector.extract_strided_slice %mul3A_411 {offsets = [3], sizes = [1], strides = [1]} : vector<16xf32> to vector<1xf32>
      %squeeze3A_518 = vector.extract %slice3A_517[0] : f32 from vector<1xf32>
      %scan3A_519 = arith.constant 0 : i32
      %scan3A_520 = arith.constant 0 : i32
      %scan3A_521 = arith.constant 32 : i32
      %scan3A_522 = arith.addi %scan3A_520, %scan3A_521 : i32
      %scan3A_523 = arith.constant 1 : i32
      %scan3A_524 = scf.for %scan3A_583 = %scan3A_520 to %scan3A_522 step %scan3A_523 iter_args(%scan3A_584 = %scan3A_519) -> (i32)  : i32 {
        %mul3A_585 = arith.constant 16 : i32
        %mul3A_586 = arith.muli %scan3A_583, %mul3A_585 : i32
        %get3A = arith.constant 1 : i32
        %get3A_587 = arith.constant 30 : i32
        %get3A_588 = arith.index_cast %get3A : i32 to index
        %get3A_589 = arith.index_cast %get3A_587 : i32 to index
        %get3A_590 = arith.index_cast %mul3A_586 : i32 to index
        %get3A_591 = tpu.vector_load %arg7[%get3A_588, %get3A_589, %get3A_590] {strides = array<i32>} : memref<2x48x512xi32, #tpu.memory_space<vmem>>, vector<16xi32>,
        %shift_left3A = arith.constant 16 : i32
        %shift_left3A_592 = vector.broadcast %shift_left3A : i32 to vector<16xi32>
        %shift_left3A_593 = arith.shli %get3A_591, %shift_left3A_592 : vector<16xi32>
        %bitcast3A = vector.bitcast %shift_left3A_593 : vector<16xi32> to vector<16xf32>
        %and3A_594 = arith.constant -65536 : i32
        %and3A_595 = vector.broadcast %and3A_594 : i32 to vector<16xi32>
        %and3A_596 = arith.andi %get3A_591, %and3A_595 : vector<16xi32>
        %bitcast3A_597 = vector.bitcast %and3A_596 : vector<16xi32> to vector<16xf32>
        %mul3A_598 = vector.broadcast %squeeze3A_508 : f32 to vector<16xf32>
        %mul3A_599 = arith.mulf %bitcast3A, %mul3A_598 : vector<16xf32>
        %mul3A_600 = vector.broadcast %squeeze3A_508 : f32 to vector<16xf32>
        %mul3A_601 = arith.mulf %bitcast3A_597, %mul3A_600 : vector<16xf32>
        %get3A_602 = arith.constant 1 : i32
        %get3A_603 = arith.constant 31 : i32
        %get3A_604 = arith.index_cast %get3A_602 : i32 to index
        %get3A_605 = arith.index_cast %get3A_603 : i32 to index
        %get3A_606 = arith.index_cast %mul3A_586 : i32 to index
        %get3A_607 = tpu.vector_load %arg7[%get3A_604, %get3A_605, %get3A_606] {strides = array<i32>} : memref<2x48x512xi32, #tpu.memory_space<vmem>>, vector<16xi32>,
        %shift_left3A_608 = arith.constant 16 : i32
        %shift_left3A_609 = vector.broadcast %shift_left3A_608 : i32 to vector<16xi32>
        %shift_left3A_610 = arith.shli %get3A_607, %shift_left3A_609 : vector<16xi32>
        %bitcast3A_611 = vector.bitcast %shift_left3A_610 : vector<16xi32> to vector<16xf32>
        %and3A_612 = arith.constant -65536 : i32
        %and3A_613 = vector.broadcast %and3A_612 : i32 to vector<16xi32>
        %and3A_614 = arith.andi %get3A_607, %and3A_613 : vector<16xi32>
        %bitcast3A_615 = vector.bitcast %and3A_614 : vector<16xi32> to vector<16xf32>
        %mul3A_616 = vector.broadcast %squeeze3A_510 : f32 to vector<16xf32>
        %mul3A_617 = arith.mulf %bitcast3A_611, %mul3A_616 : vector<16xf32>
        %add3A_618 = arith.addf %mul3A_599, %mul3A_617 : vector<16xf32>
        %mul3A_619 = vector.broadcast %squeeze3A_510 : f32 to vector<16xf32>
        %mul3A_620 = arith.mulf %bitcast3A_615, %mul3A_619 : vector<16xf32>
        %add3A_621 = arith.addf %mul3A_601, %mul3A_620 : vector<16xf32>
        %get3A_622 = arith.constant 1 : i32
        %get3A_623 = arith.constant 32 : i32
        %get3A_624 = arith.index_cast %get3A_622 : i32 to index
        %get3A_625 = arith.index_cast %get3A_623 : i32 to index
        %get3A_626 = arith.index_cast %mul3A_586 : i32 to index
        %get3A_627 = tpu.vector_load %arg7[%get3A_624, %get3A_625, %get3A_626] {strides = array<i32>} : memref<2x48x512xi32, #tpu.memory_space<vmem>>, vector<16xi32>,
        %shift_left3A_628 = arith.constant 16 : i32
        %shift_left3A_629 = vector.broadcast %shift_left3A_628 : i32 to vector<16xi32>
        %shift_left3A_630 = arith.shli %get3A_627, %shift_left3A_629 : vector<16xi32>
        %bitcast3A_631 = vector.bitcast %shift_left3A_630 : vector<16xi32> to vector<16xf32>
        %and3A_632 = arith.constant -65536 : i32
        %and3A_633 = vector.broadcast %and3A_632 : i32 to vector<16xi32>
        %and3A_634 = arith.andi %get3A_627, %and3A_633 : vector<16xi32>
        %bitcast3A_635 = vector.bitcast %and3A_634 : vector<16xi32> to vector<16xf32>
        %mul3A_636 = vector.broadcast %squeeze3A_512 : f32 to vector<16xf32>
        %mul3A_637 = arith.mulf %bitcast3A_631, %mul3A_636 : vector<16xf32>
        %add3A_638 = arith.addf %add3A_618, %mul3A_637 : vector<16xf32>
        %mul3A_639 = vector.broadcast %squeeze3A_512 : f32 to vector<16xf32>
        %mul3A_640 = arith.mulf %bitcast3A_635, %mul3A_639 : vector<16xf32>
        %add3A_641 = arith.addf %add3A_621, %mul3A_640 : vector<16xf32>
        %get3A_642 = arith.constant 1 : i32
        %get3A_643 = arith.constant 33 : i32
        %get3A_644 = arith.index_cast %get3A_642 : i32 to index
        %get3A_645 = arith.index_cast %get3A_643 : i32 to index
        %get3A_646 = arith.index_cast %mul3A_586 : i32 to index
        %get3A_647 = tpu.vector_load %arg7[%get3A_644, %get3A_645, %get3A_646] {strides = array<i32>} : memref<2x48x512xi32, #tpu.memory_space<vmem>>, vector<16xi32>,
        %shift_left3A_648 = arith.constant 16 : i32
        %shift_left3A_649 = vector.broadcast %shift_left3A_648 : i32 to vector<16xi32>
        %shift_left3A_650 = arith.shli %get3A_647, %shift_left3A_649 : vector<16xi32>
        %bitcast3A_651 = vector.bitcast %shift_left3A_650 : vector<16xi32> to vector<16xf32>
        %and3A_652 = arith.constant -65536 : i32
        %and3A_653 = vector.broadcast %and3A_652 : i32 to vector<16xi32>
        %and3A_654 = arith.andi %get3A_647, %and3A_653 : vector<16xi32>
        %bitcast3A_655 = vector.bitcast %and3A_654 : vector<16xi32> to vector<16xf32>
        %mul3A_656 = vector.broadcast %squeeze3A_514 : f32 to vector<16xf32>
        %mul3A_657 = arith.mulf %bitcast3A_651, %mul3A_656 : vector<16xf32>
        %add3A_658 = arith.addf %add3A_638, %mul3A_657 : vector<16xf32>
        %mul3A_659 = vector.broadcast %squeeze3A_514 : f32 to vector<16xf32>
        %mul3A_660 = arith.mulf %bitcast3A_655, %mul3A_659 : vector<16xf32>
        %add3A_661 = arith.addf %add3A_641, %mul3A_660 : vector<16xf32>
        %get3A_662 = arith.constant 1 : i32
        %get3A_663 = arith.constant 34 : i32
        %get3A_664 = arith.index_cast %get3A_662 : i32 to index
        %get3A_665 = arith.index_cast %get3A_663 : i32 to index
        %get3A_666 = arith.index_cast %mul3A_586 : i32 to index
        %get3A_667 = tpu.vector_load %arg7[%get3A_664, %get3A_665, %get3A_666] {strides = array<i32>} : memref<2x48x512xi32, #tpu.memory_space<vmem>>, vector<16xi32>,
        %shift_left3A_668 = arith.constant 16 : i32
        %shift_left3A_669 = vector.broadcast %shift_left3A_668 : i32 to vector<16xi32>
        %shift_left3A_670 = arith.shli %get3A_667, %shift_left3A_669 : vector<16xi32>
        %bitcast3A_671 = vector.bitcast %shift_left3A_670 : vector<16xi32> to vector<16xf32>
        %and3A_672 = arith.constant -65536 : i32
        %and3A_673 = vector.broadcast %and3A_672 : i32 to vector<16xi32>
        %and3A_674 = arith.andi %get3A_667, %and3A_673 : vector<16xi32>
        %bitcast3A_675 = vector.bitcast %and3A_674 : vector<16xi32> to vector<16xf32>
        %mul3A_676 = vector.broadcast %squeeze3A_516 : f32 to vector<16xf32>
        %mul3A_677 = arith.mulf %bitcast3A_671, %mul3A_676 : vector<16xf32>
        %add3A_678 = arith.addf %add3A_658, %mul3A_677 : vector<16xf32>
        %mul3A_679 = vector.broadcast %squeeze3A_516 : f32 to vector<16xf32>
        %mul3A_680 = arith.mulf %bitcast3A_675, %mul3A_679 : vector<16xf32>
        %add3A_681 = arith.addf %add3A_661, %mul3A_680 : vector<16xf32>
        %get3A_682 = arith.constant 1 : i32
        %get3A_683 = arith.constant 35 : i32
        %get3A_684 = arith.index_cast %get3A_682 : i32 to index
        %get3A_685 = arith.index_cast %get3A_683 : i32 to index
        %get3A_686 = arith.index_cast %mul3A_586 : i32 to index
        %get3A_687 = tpu.vector_load %arg7[%get3A_684, %get3A_685, %get3A_686] {strides = array<i32>} : memref<2x48x512xi32, #tpu.memory_space<vmem>>, vector<16xi32>,
        %shift_left3A_688 = arith.constant 16 : i32
        %shift_left3A_689 = vector.broadcast %shift_left3A_688 : i32 to vector<16xi32>
        %shift_left3A_690 = arith.shli %get3A_687, %shift_left3A_689 : vector<16xi32>
        %bitcast3A_691 = vector.bitcast %shift_left3A_690 : vector<16xi32> to vector<16xf32>
        %and3A_692 = arith.constant -65536 : i32
        %and3A_693 = vector.broadcast %and3A_692 : i32 to vector<16xi32>
        %and3A_694 = arith.andi %get3A_687, %and3A_693 : vector<16xi32>
        %bitcast3A_695 = vector.bitcast %and3A_694 : vector<16xi32> to vector<16xf32>
        %mul3A_696 = vector.broadcast %squeeze3A_518 : f32 to vector<16xf32>
        %mul3A_697 = arith.mulf %bitcast3A_691, %mul3A_696 : vector<16xf32>
        %add3A_698 = arith.addf %add3A_678, %mul3A_697 : vector<16xf32>
        %mul3A_699 = vector.broadcast %squeeze3A_518 : f32 to vector<16xf32>
        %mul3A_700 = arith.mulf %bitcast3A_695, %mul3A_699 : vector<16xf32>
        %add3A_701 = arith.addf %add3A_681, %mul3A_700 : vector<16xf32>
        %swap3A_702 = arith.constant 1 : i32
        %swap3A_703 = arith.constant 5 : i32
        %swap3A_704 = arith.index_cast %swap3A_702 : i32 to index
        %swap3A_705 = arith.index_cast %swap3A_703 : i32 to index
        %swap3A_706 = arith.index_cast %mul3A_586 : i32 to index
        %swap3A_707 = tpu.vector_load %arg8[%swap3A_704, %swap3A_705, %swap3A_706] {strides = array<i32>} : memref<2x8x1024xf32, #tpu.memory_space<vmem>>, vector<16xf32>,
        tpu.vector_store %arg8[%swap3A_704, %swap3A_705, %swap3A_706], %add3A_698 {strides = array<i32>} : memref<2x8x1024xf32, #tpu.memory_space<vmem>>, vector<16xf32>,
        %mul3A_708 = arith.constant 16 : i32
        %mul3A_709 = arith.muli %scan3A_583, %mul3A_708 : i32
        %add3A_710 = arith.constant 512 : i32
        %add3A_711 = arith.addi %add3A_710, %mul3A_709 : i32
        %swap3A_712 = arith.constant 1 : i32
        %swap3A_713 = arith.constant 5 : i32
        %swap3A_714 = arith.index_cast %swap3A_712 : i32 to index
        %swap3A_715 = arith.index_cast %swap3A_713 : i32 to index
        %swap3A_716 = arith.index_cast %add3A_711 : i32 to index
        %swap3A_717 = tpu.vector_load %arg8[%swap3A_714, %swap3A_715, %swap3A_716] {strides = array<i32>} : memref<2x8x1024xf32, #tpu.memory_space<vmem>>, vector<16xf32>,
        tpu.vector_store %arg8[%swap3A_714, %swap3A_715, %swap3A_716], %add3A_701 {strides = array<i32>} : memref<2x8x1024xf32, #tpu.memory_space<vmem>>, vector<16xf32>,
        %scan3A_718 = arith.constant 0 : i32
        scf.yield %scan3A_718 : i32
      }
      %scan3A_525 = arith.constant 32 : i32
      %slice3A_526 = vector.extract_strided_slice %mul3A_411 {offsets = [4], sizes = [1], strides = [1]} : vector<16xf32> to vector<1xf32>
      %squeeze3A_527 = vector.extract %slice3A_526[0] : f32 from vector<1xf32>
      %slice3A_528 = vector.extract_strided_slice %mul3A_411 {offsets = [5], sizes = [1], strides = [1]} : vector<16xf32> to vector<1xf32>
      %squeeze3A_529 = vector.extract %slice3A_528[0] : f32 from vector<1xf32>
      %slice3A_530 = vector.extract_strided_slice %mul3A_411 {offsets = [6], sizes = [1], strides = [1]} : vector<16xf32> to vector<1xf32>
      %squeeze3A_531 = vector.extract %slice3A_530[0] : f32 from vector<1xf32>
      %slice3A_532 = vector.extract_strided_slice %mul3A_411 {offsets = [7], sizes = [1], strides = [1]} : vector<16xf32> to vector<1xf32>
      %squeeze3A_533 = vector.extract %slice3A_532[0] : f32 from vector<1xf32>
      %slice3A_534 = vector.extract_strided_slice %mul3A_411 {offsets = [8], sizes = [1], strides = [1]} : vector<16xf32> to vector<1xf32>
      %squeeze3A_535 = vector.extract %slice3A_534[0] : f32 from vector<1xf32>
      %slice3A_536 = vector.extract_strided_slice %mul3A_411 {offsets = [9], sizes = [1], strides = [1]} : vector<16xf32> to vector<1xf32>
      %squeeze3A_537 = vector.extract %slice3A_536[0] : f32 from vector<1xf32>
      %scan3A_538 = arith.constant 0 : i32
      %scan3A_539 = arith.constant 0 : i32
      %scan3A_540 = arith.constant 32 : i32
      %scan3A_541 = arith.addi %scan3A_539, %scan3A_540 : i32
      %scan3A_542 = arith.constant 1 : i32
      %scan3A_543 = scf.for %scan3A_583 = %scan3A_539 to %scan3A_541 step %scan3A_542 iter_args(%scan3A_584 = %scan3A_538) -> (i32)  : i32 {
        %mul3A_585 = arith.constant 16 : i32
        %mul3A_586 = arith.muli %scan3A_583, %mul3A_585 : i32
        %get3A = arith.constant 1 : i32
        %get3A_587 = arith.constant 36 : i32
        %get3A_588 = arith.index_cast %get3A : i32 to index
        %get3A_589 = arith.index_cast %get3A_587 : i32 to index
        %get3A_590 = arith.index_cast %mul3A_586 : i32 to index
        %get3A_591 = tpu.vector_load %arg7[%get3A_588, %get3A_589, %get3A_590] {strides = array<i32>} : memref<2x48x512xi32, #tpu.memory_space<vmem>>, vector<16xi32>,
        %shift_left3A = arith.constant 16 : i32
        %shift_left3A_592 = vector.broadcast %shift_left3A : i32 to vector<16xi32>
        %shift_left3A_593 = arith.shli %get3A_591, %shift_left3A_592 : vector<16xi32>
        %bitcast3A = vector.bitcast %shift_left3A_593 : vector<16xi32> to vector<16xf32>
        %and3A_594 = arith.constant -65536 : i32
        %and3A_595 = vector.broadcast %and3A_594 : i32 to vector<16xi32>
        %and3A_596 = arith.andi %get3A_591, %and3A_595 : vector<16xi32>
        %bitcast3A_597 = vector.bitcast %and3A_596 : vector<16xi32> to vector<16xf32>
        %mul3A_598 = vector.broadcast %squeeze3A_527 : f32 to vector<16xf32>
        %mul3A_599 = arith.mulf %bitcast3A, %mul3A_598 : vector<16xf32>
        %mul3A_600 = vector.broadcast %squeeze3A_527 : f32 to vector<16xf32>
        %mul3A_601 = arith.mulf %bitcast3A_597, %mul3A_600 : vector<16xf32>
        %get3A_602 = arith.constant 1 : i32
        %get3A_603 = arith.constant 37 : i32
        %get3A_604 = arith.index_cast %get3A_602 : i32 to index
        %get3A_605 = arith.index_cast %get3A_603 : i32 to index
        %get3A_606 = arith.index_cast %mul3A_586 : i32 to index
        %get3A_607 = tpu.vector_load %arg7[%get3A_604, %get3A_605, %get3A_606] {strides = array<i32>} : memref<2x48x512xi32, #tpu.memory_space<vmem>>, vector<16xi32>,
        %shift_left3A_608 = arith.constant 16 : i32
        %shift_left3A_609 = vector.broadcast %shift_left3A_608 : i32 to vector<16xi32>
        %shift_left3A_610 = arith.shli %get3A_607, %shift_left3A_609 : vector<16xi32>
        %bitcast3A_611 = vector.bitcast %shift_left3A_610 : vector<16xi32> to vector<16xf32>
        %and3A_612 = arith.constant -65536 : i32
        %and3A_613 = vector.broadcast %and3A_612 : i32 to vector<16xi32>
        %and3A_614 = arith.andi %get3A_607, %and3A_613 : vector<16xi32>
        %bitcast3A_615 = vector.bitcast %and3A_614 : vector<16xi32> to vector<16xf32>
        %mul3A_616 = vector.broadcast %squeeze3A_529 : f32 to vector<16xf32>
        %mul3A_617 = arith.mulf %bitcast3A_611, %mul3A_616 : vector<16xf32>
        %add3A_618 = arith.addf %mul3A_599, %mul3A_617 : vector<16xf32>
        %mul3A_619 = vector.broadcast %squeeze3A_529 : f32 to vector<16xf32>
        %mul3A_620 = arith.mulf %bitcast3A_615, %mul3A_619 : vector<16xf32>
        %add3A_621 = arith.addf %mul3A_601, %mul3A_620 : vector<16xf32>
        %get3A_622 = arith.constant 1 : i32
        %get3A_623 = arith.constant 38 : i32
        %get3A_624 = arith.index_cast %get3A_622 : i32 to index
        %get3A_625 = arith.index_cast %get3A_623 : i32 to index
        %get3A_626 = arith.index_cast %mul3A_586 : i32 to index
        %get3A_627 = tpu.vector_load %arg7[%get3A_624, %get3A_625, %get3A_626] {strides = array<i32>} : memref<2x48x512xi32, #tpu.memory_space<vmem>>, vector<16xi32>,
        %shift_left3A_628 = arith.constant 16 : i32
        %shift_left3A_629 = vector.broadcast %shift_left3A_628 : i32 to vector<16xi32>
        %shift_left3A_630 = arith.shli %get3A_627, %shift_left3A_629 : vector<16xi32>
        %bitcast3A_631 = vector.bitcast %shift_left3A_630 : vector<16xi32> to vector<16xf32>
        %and3A_632 = arith.constant -65536 : i32
        %and3A_633 = vector.broadcast %and3A_632 : i32 to vector<16xi32>
        %and3A_634 = arith.andi %get3A_627, %and3A_633 : vector<16xi32>
        %bitcast3A_635 = vector.bitcast %and3A_634 : vector<16xi32> to vector<16xf32>
        %mul3A_636 = vector.broadcast %squeeze3A_531 : f32 to vector<16xf32>
        %mul3A_637 = arith.mulf %bitcast3A_631, %mul3A_636 : vector<16xf32>
        %add3A_638 = arith.addf %add3A_618, %mul3A_637 : vector<16xf32>
        %mul3A_639 = vector.broadcast %squeeze3A_531 : f32 to vector<16xf32>
        %mul3A_640 = arith.mulf %bitcast3A_635, %mul3A_639 : vector<16xf32>
        %add3A_641 = arith.addf %add3A_621, %mul3A_640 : vector<16xf32>
        %get3A_642 = arith.constant 1 : i32
        %get3A_643 = arith.constant 39 : i32
        %get3A_644 = arith.index_cast %get3A_642 : i32 to index
        %get3A_645 = arith.index_cast %get3A_643 : i32 to index
        %get3A_646 = arith.index_cast %mul3A_586 : i32 to index
        %get3A_647 = tpu.vector_load %arg7[%get3A_644, %get3A_645, %get3A_646] {strides = array<i32>} : memref<2x48x512xi32, #tpu.memory_space<vmem>>, vector<16xi32>,
        %shift_left3A_648 = arith.constant 16 : i32
        %shift_left3A_649 = vector.broadcast %shift_left3A_648 : i32 to vector<16xi32>
        %shift_left3A_650 = arith.shli %get3A_647, %shift_left3A_649 : vector<16xi32>
        %bitcast3A_651 = vector.bitcast %shift_left3A_650 : vector<16xi32> to vector<16xf32>
        %and3A_652 = arith.constant -65536 : i32
        %and3A_653 = vector.broadcast %and3A_652 : i32 to vector<16xi32>
        %and3A_654 = arith.andi %get3A_647, %and3A_653 : vector<16xi32>
        %bitcast3A_655 = vector.bitcast %and3A_654 : vector<16xi32> to vector<16xf32>
        %mul3A_656 = vector.broadcast %squeeze3A_533 : f32 to vector<16xf32>
        %mul3A_657 = arith.mulf %bitcast3A_651, %mul3A_656 : vector<16xf32>
        %add3A_658 = arith.addf %add3A_638, %mul3A_657 : vector<16xf32>
        %mul3A_659 = vector.broadcast %squeeze3A_533 : f32 to vector<16xf32>
        %mul3A_660 = arith.mulf %bitcast3A_655, %mul3A_659 : vector<16xf32>
        %add3A_661 = arith.addf %add3A_641, %mul3A_660 : vector<16xf32>
        %get3A_662 = arith.constant 1 : i32
        %get3A_663 = arith.constant 40 : i32
        %get3A_664 = arith.index_cast %get3A_662 : i32 to index
        %get3A_665 = arith.index_cast %get3A_663 : i32 to index
        %get3A_666 = arith.index_cast %mul3A_586 : i32 to index
        %get3A_667 = tpu.vector_load %arg7[%get3A_664, %get3A_665, %get3A_666] {strides = array<i32>} : memref<2x48x512xi32, #tpu.memory_space<vmem>>, vector<16xi32>,
        %shift_left3A_668 = arith.constant 16 : i32
        %shift_left3A_669 = vector.broadcast %shift_left3A_668 : i32 to vector<16xi32>
        %shift_left3A_670 = arith.shli %get3A_667, %shift_left3A_669 : vector<16xi32>
        %bitcast3A_671 = vector.bitcast %shift_left3A_670 : vector<16xi32> to vector<16xf32>
        %and3A_672 = arith.constant -65536 : i32
        %and3A_673 = vector.broadcast %and3A_672 : i32 to vector<16xi32>
        %and3A_674 = arith.andi %get3A_667, %and3A_673 : vector<16xi32>
        %bitcast3A_675 = vector.bitcast %and3A_674 : vector<16xi32> to vector<16xf32>
        %mul3A_676 = vector.broadcast %squeeze3A_535 : f32 to vector<16xf32>
        %mul3A_677 = arith.mulf %bitcast3A_671, %mul3A_676 : vector<16xf32>
        %add3A_678 = arith.addf %add3A_658, %mul3A_677 : vector<16xf32>
        %mul3A_679 = vector.broadcast %squeeze3A_535 : f32 to vector<16xf32>
        %mul3A_680 = arith.mulf %bitcast3A_675, %mul3A_679 : vector<16xf32>
        %add3A_681 = arith.addf %add3A_661, %mul3A_680 : vector<16xf32>
        %get3A_682 = arith.constant 1 : i32
        %get3A_683 = arith.constant 41 : i32
        %get3A_684 = arith.index_cast %get3A_682 : i32 to index
        %get3A_685 = arith.index_cast %get3A_683 : i32 to index
        %get3A_686 = arith.index_cast %mul3A_586 : i32 to index
        %get3A_687 = tpu.vector_load %arg7[%get3A_684, %get3A_685, %get3A_686] {strides = array<i32>} : memref<2x48x512xi32, #tpu.memory_space<vmem>>, vector<16xi32>,
        %shift_left3A_688 = arith.constant 16 : i32
        %shift_left3A_689 = vector.broadcast %shift_left3A_688 : i32 to vector<16xi32>
        %shift_left3A_690 = arith.shli %get3A_687, %shift_left3A_689 : vector<16xi32>
        %bitcast3A_691 = vector.bitcast %shift_left3A_690 : vector<16xi32> to vector<16xf32>
        %and3A_692 = arith.constant -65536 : i32
        %and3A_693 = vector.broadcast %and3A_692 : i32 to vector<16xi32>
        %and3A_694 = arith.andi %get3A_687, %and3A_693 : vector<16xi32>
        %bitcast3A_695 = vector.bitcast %and3A_694 : vector<16xi32> to vector<16xf32>
        %mul3A_696 = vector.broadcast %squeeze3A_537 : f32 to vector<16xf32>
        %mul3A_697 = arith.mulf %bitcast3A_691, %mul3A_696 : vector<16xf32>
        %add3A_698 = arith.addf %add3A_678, %mul3A_697 : vector<16xf32>
        %mul3A_699 = vector.broadcast %squeeze3A_537 : f32 to vector<16xf32>
        %mul3A_700 = arith.mulf %bitcast3A_695, %mul3A_699 : vector<16xf32>
        %add3A_701 = arith.addf %add3A_681, %mul3A_700 : vector<16xf32>
        %swap3A_702 = arith.constant 1 : i32
        %swap3A_703 = arith.constant 6 : i32
        %swap3A_704 = arith.index_cast %swap3A_702 : i32 to index
        %swap3A_705 = arith.index_cast %swap3A_703 : i32 to index
        %swap3A_706 = arith.index_cast %mul3A_586 : i32 to index
        %swap3A_707 = tpu.vector_load %arg8[%swap3A_704, %swap3A_705, %swap3A_706] {strides = array<i32>} : memref<2x8x1024xf32, #tpu.memory_space<vmem>>, vector<16xf32>,
        tpu.vector_store %arg8[%swap3A_704, %swap3A_705, %swap3A_706], %add3A_698 {strides = array<i32>} : memref<2x8x1024xf32, #tpu.memory_space<vmem>>, vector<16xf32>,
        %mul3A_708 = arith.constant 16 : i32
        %mul3A_709 = arith.muli %scan3A_583, %mul3A_708 : i32
        %add3A_710 = arith.constant 512 : i32
        %add3A_711 = arith.addi %add3A_710, %mul3A_709 : i32
        %swap3A_712 = arith.constant 1 : i32
        %swap3A_713 = arith.constant 6 : i32
        %swap3A_714 = arith.index_cast %swap3A_712 : i32 to index
        %swap3A_715 = arith.index_cast %swap3A_713 : i32 to index
        %swap3A_716 = arith.index_cast %add3A_711 : i32 to index
        %swap3A_717 = tpu.vector_load %arg8[%swap3A_714, %swap3A_715, %swap3A_716] {strides = array<i32>} : memref<2x8x1024xf32, #tpu.memory_space<vmem>>, vector<16xf32>,
        tpu.vector_store %arg8[%swap3A_714, %swap3A_715, %swap3A_716], %add3A_701 {strides = array<i32>} : memref<2x8x1024xf32, #tpu.memory_space<vmem>>, vector<16xf32>,
        %scan3A_718 = arith.constant 0 : i32
        scf.yield %scan3A_718 : i32
      }
      %scan3A_544 = arith.constant 32 : i32
      %slice3A_545 = vector.extract_strided_slice %mul3A_411 {offsets = [10], sizes = [1], strides = [1]} : vector<16xf32> to vector<1xf32>
      %squeeze3A_546 = vector.extract %slice3A_545[0] : f32 from vector<1xf32>
      %slice3A_547 = vector.extract_strided_slice %mul3A_411 {offsets = [11], sizes = [1], strides = [1]} : vector<16xf32> to vector<1xf32>
      %squeeze3A_548 = vector.extract %slice3A_547[0] : f32 from vector<1xf32>
      %slice3A_549 = vector.extract_strided_slice %mul3A_411 {offsets = [12], sizes = [1], strides = [1]} : vector<16xf32> to vector<1xf32>
      %squeeze3A_550 = vector.extract %slice3A_549[0] : f32 from vector<1xf32>
      %slice3A_551 = vector.extract_strided_slice %mul3A_411 {offsets = [13], sizes = [1], strides = [1]} : vector<16xf32> to vector<1xf32>
      %squeeze3A_552 = vector.extract %slice3A_551[0] : f32 from vector<1xf32>
      %slice3A_553 = vector.extract_strided_slice %mul3A_411 {offsets = [14], sizes = [1], strides = [1]} : vector<16xf32> to vector<1xf32>
      %squeeze3A_554 = vector.extract %slice3A_553[0] : f32 from vector<1xf32>
      %slice3A_555 = vector.extract_strided_slice %mul3A_411 {offsets = [15], sizes = [1], strides = [1]} : vector<16xf32> to vector<1xf32>
      %squeeze3A_556 = vector.extract %slice3A_555[0] : f32 from vector<1xf32>
      %scan3A_557 = arith.constant 0 : i32
      %scan3A_558 = arith.constant 0 : i32
      %scan3A_559 = arith.constant 32 : i32
      %scan3A_560 = arith.addi %scan3A_558, %scan3A_559 : i32
      %scan3A_561 = arith.constant 1 : i32
      %scan3A_562 = scf.for %scan3A_583 = %scan3A_558 to %scan3A_560 step %scan3A_561 iter_args(%scan3A_584 = %scan3A_557) -> (i32)  : i32 {
        %mul3A_585 = arith.constant 16 : i32
        %mul3A_586 = arith.muli %scan3A_583, %mul3A_585 : i32
        %get3A = arith.constant 1 : i32
        %get3A_587 = arith.constant 42 : i32
        %get3A_588 = arith.index_cast %get3A : i32 to index
        %get3A_589 = arith.index_cast %get3A_587 : i32 to index
        %get3A_590 = arith.index_cast %mul3A_586 : i32 to index
        %get3A_591 = tpu.vector_load %arg7[%get3A_588, %get3A_589, %get3A_590] {strides = array<i32>} : memref<2x48x512xi32, #tpu.memory_space<vmem>>, vector<16xi32>,
        %shift_left3A = arith.constant 16 : i32
        %shift_left3A_592 = vector.broadcast %shift_left3A : i32 to vector<16xi32>
        %shift_left3A_593 = arith.shli %get3A_591, %shift_left3A_592 : vector<16xi32>
        %bitcast3A = vector.bitcast %shift_left3A_593 : vector<16xi32> to vector<16xf32>
        %and3A_594 = arith.constant -65536 : i32
        %and3A_595 = vector.broadcast %and3A_594 : i32 to vector<16xi32>
        %and3A_596 = arith.andi %get3A_591, %and3A_595 : vector<16xi32>
        %bitcast3A_597 = vector.bitcast %and3A_596 : vector<16xi32> to vector<16xf32>
        %mul3A_598 = vector.broadcast %squeeze3A_546 : f32 to vector<16xf32>
        %mul3A_599 = arith.mulf %bitcast3A, %mul3A_598 : vector<16xf32>
        %mul3A_600 = vector.broadcast %squeeze3A_546 : f32 to vector<16xf32>
        %mul3A_601 = arith.mulf %bitcast3A_597, %mul3A_600 : vector<16xf32>
        %get3A_602 = arith.constant 1 : i32
        %get3A_603 = arith.constant 43 : i32
        %get3A_604 = arith.index_cast %get3A_602 : i32 to index
        %get3A_605 = arith.index_cast %get3A_603 : i32 to index
        %get3A_606 = arith.index_cast %mul3A_586 : i32 to index
        %get3A_607 = tpu.vector_load %arg7[%get3A_604, %get3A_605, %get3A_606] {strides = array<i32>} : memref<2x48x512xi32, #tpu.memory_space<vmem>>, vector<16xi32>,
        %shift_left3A_608 = arith.constant 16 : i32
        %shift_left3A_609 = vector.broadcast %shift_left3A_608 : i32 to vector<16xi32>
        %shift_left3A_610 = arith.shli %get3A_607, %shift_left3A_609 : vector<16xi32>
        %bitcast3A_611 = vector.bitcast %shift_left3A_610 : vector<16xi32> to vector<16xf32>
        %and3A_612 = arith.constant -65536 : i32
        %and3A_613 = vector.broadcast %and3A_612 : i32 to vector<16xi32>
        %and3A_614 = arith.andi %get3A_607, %and3A_613 : vector<16xi32>
        %bitcast3A_615 = vector.bitcast %and3A_614 : vector<16xi32> to vector<16xf32>
        %mul3A_616 = vector.broadcast %squeeze3A_548 : f32 to vector<16xf32>
        %mul3A_617 = arith.mulf %bitcast3A_611, %mul3A_616 : vector<16xf32>
        %add3A_618 = arith.addf %mul3A_599, %mul3A_617 : vector<16xf32>
        %mul3A_619 = vector.broadcast %squeeze3A_548 : f32 to vector<16xf32>
        %mul3A_620 = arith.mulf %bitcast3A_615, %mul3A_619 : vector<16xf32>
        %add3A_621 = arith.addf %mul3A_601, %mul3A_620 : vector<16xf32>
        %get3A_622 = arith.constant 1 : i32
        %get3A_623 = arith.constant 44 : i32
        %get3A_624 = arith.index_cast %get3A_622 : i32 to index
        %get3A_625 = arith.index_cast %get3A_623 : i32 to index
        %get3A_626 = arith.index_cast %mul3A_586 : i32 to index
        %get3A_627 = tpu.vector_load %arg7[%get3A_624, %get3A_625, %get3A_626] {strides = array<i32>} : memref<2x48x512xi32, #tpu.memory_space<vmem>>, vector<16xi32>,
        %shift_left3A_628 = arith.constant 16 : i32
        %shift_left3A_629 = vector.broadcast %shift_left3A_628 : i32 to vector<16xi32>
        %shift_left3A_630 = arith.shli %get3A_627, %shift_left3A_629 : vector<16xi32>
        %bitcast3A_631 = vector.bitcast %shift_left3A_630 : vector<16xi32> to vector<16xf32>
        %and3A_632 = arith.constant -65536 : i32
        %and3A_633 = vector.broadcast %and3A_632 : i32 to vector<16xi32>
        %and3A_634 = arith.andi %get3A_627, %and3A_633 : vector<16xi32>
        %bitcast3A_635 = vector.bitcast %and3A_634 : vector<16xi32> to vector<16xf32>
        %mul3A_636 = vector.broadcast %squeeze3A_550 : f32 to vector<16xf32>
        %mul3A_637 = arith.mulf %bitcast3A_631, %mul3A_636 : vector<16xf32>
        %add3A_638 = arith.addf %add3A_618, %mul3A_637 : vector<16xf32>
        %mul3A_639 = vector.broadcast %squeeze3A_550 : f32 to vector<16xf32>
        %mul3A_640 = arith.mulf %bitcast3A_635, %mul3A_639 : vector<16xf32>
        %add3A_641 = arith.addf %add3A_621, %mul3A_640 : vector<16xf32>
        %get3A_642 = arith.constant 1 : i32
        %get3A_643 = arith.constant 45 : i32
        %get3A_644 = arith.index_cast %get3A_642 : i32 to index
        %get3A_645 = arith.index_cast %get3A_643 : i32 to index
        %get3A_646 = arith.index_cast %mul3A_586 : i32 to index
        %get3A_647 = tpu.vector_load %arg7[%get3A_644, %get3A_645, %get3A_646] {strides = array<i32>} : memref<2x48x512xi32, #tpu.memory_space<vmem>>, vector<16xi32>,
        %shift_left3A_648 = arith.constant 16 : i32
        %shift_left3A_649 = vector.broadcast %shift_left3A_648 : i32 to vector<16xi32>
        %shift_left3A_650 = arith.shli %get3A_647, %shift_left3A_649 : vector<16xi32>
        %bitcast3A_651 = vector.bitcast %shift_left3A_650 : vector<16xi32> to vector<16xf32>
        %and3A_652 = arith.constant -65536 : i32
        %and3A_653 = vector.broadcast %and3A_652 : i32 to vector<16xi32>
        %and3A_654 = arith.andi %get3A_647, %and3A_653 : vector<16xi32>
        %bitcast3A_655 = vector.bitcast %and3A_654 : vector<16xi32> to vector<16xf32>
        %mul3A_656 = vector.broadcast %squeeze3A_552 : f32 to vector<16xf32>
        %mul3A_657 = arith.mulf %bitcast3A_651, %mul3A_656 : vector<16xf32>
        %add3A_658 = arith.addf %add3A_638, %mul3A_657 : vector<16xf32>
        %mul3A_659 = vector.broadcast %squeeze3A_552 : f32 to vector<16xf32>
        %mul3A_660 = arith.mulf %bitcast3A_655, %mul3A_659 : vector<16xf32>
        %add3A_661 = arith.addf %add3A_641, %mul3A_660 : vector<16xf32>
        %get3A_662 = arith.constant 1 : i32
        %get3A_663 = arith.constant 46 : i32
        %get3A_664 = arith.index_cast %get3A_662 : i32 to index
        %get3A_665 = arith.index_cast %get3A_663 : i32 to index
        %get3A_666 = arith.index_cast %mul3A_586 : i32 to index
        %get3A_667 = tpu.vector_load %arg7[%get3A_664, %get3A_665, %get3A_666] {strides = array<i32>} : memref<2x48x512xi32, #tpu.memory_space<vmem>>, vector<16xi32>,
        %shift_left3A_668 = arith.constant 16 : i32
        %shift_left3A_669 = vector.broadcast %shift_left3A_668 : i32 to vector<16xi32>
        %shift_left3A_670 = arith.shli %get3A_667, %shift_left3A_669 : vector<16xi32>
        %bitcast3A_671 = vector.bitcast %shift_left3A_670 : vector<16xi32> to vector<16xf32>
        %and3A_672 = arith.constant -65536 : i32
        %and3A_673 = vector.broadcast %and3A_672 : i32 to vector<16xi32>
        %and3A_674 = arith.andi %get3A_667, %and3A_673 : vector<16xi32>
        %bitcast3A_675 = vector.bitcast %and3A_674 : vector<16xi32> to vector<16xf32>
        %mul3A_676 = vector.broadcast %squeeze3A_554 : f32 to vector<16xf32>
        %mul3A_677 = arith.mulf %bitcast3A_671, %mul3A_676 : vector<16xf32>
        %add3A_678 = arith.addf %add3A_658, %mul3A_677 : vector<16xf32>
        %mul3A_679 = vector.broadcast %squeeze3A_554 : f32 to vector<16xf32>
        %mul3A_680 = arith.mulf %bitcast3A_675, %mul3A_679 : vector<16xf32>
        %add3A_681 = arith.addf %add3A_661, %mul3A_680 : vector<16xf32>
        %get3A_682 = arith.constant 1 : i32
        %get3A_683 = arith.constant 47 : i32
        %get3A_684 = arith.index_cast %get3A_682 : i32 to index
        %get3A_685 = arith.index_cast %get3A_683 : i32 to index
        %get3A_686 = arith.index_cast %mul3A_586 : i32 to index
        %get3A_687 = tpu.vector_load %arg7[%get3A_684, %get3A_685, %get3A_686] {strides = array<i32>} : memref<2x48x512xi32, #tpu.memory_space<vmem>>, vector<16xi32>,
        %shift_left3A_688 = arith.constant 16 : i32
        %shift_left3A_689 = vector.broadcast %shift_left3A_688 : i32 to vector<16xi32>
        %shift_left3A_690 = arith.shli %get3A_687, %shift_left3A_689 : vector<16xi32>
        %bitcast3A_691 = vector.bitcast %shift_left3A_690 : vector<16xi32> to vector<16xf32>
        %and3A_692 = arith.constant -65536 : i32
        %and3A_693 = vector.broadcast %and3A_692 : i32 to vector<16xi32>
        %and3A_694 = arith.andi %get3A_687, %and3A_693 : vector<16xi32>
        %bitcast3A_695 = vector.bitcast %and3A_694 : vector<16xi32> to vector<16xf32>
        %mul3A_696 = vector.broadcast %squeeze3A_556 : f32 to vector<16xf32>
        %mul3A_697 = arith.mulf %bitcast3A_691, %mul3A_696 : vector<16xf32>
        %add3A_698 = arith.addf %add3A_678, %mul3A_697 : vector<16xf32>
        %mul3A_699 = vector.broadcast %squeeze3A_556 : f32 to vector<16xf32>
        %mul3A_700 = arith.mulf %bitcast3A_695, %mul3A_699 : vector<16xf32>
        %add3A_701 = arith.addf %add3A_681, %mul3A_700 : vector<16xf32>
        %swap3A_702 = arith.constant 1 : i32
        %swap3A_703 = arith.constant 7 : i32
        %swap3A_704 = arith.index_cast %swap3A_702 : i32 to index
        %swap3A_705 = arith.index_cast %swap3A_703 : i32 to index
        %swap3A_706 = arith.index_cast %mul3A_586 : i32 to index
        %swap3A_707 = tpu.vector_load %arg8[%swap3A_704, %swap3A_705, %swap3A_706] {strides = array<i32>} : memref<2x8x1024xf32, #tpu.memory_space<vmem>>, vector<16xf32>,
        tpu.vector_store %arg8[%swap3A_704, %swap3A_705, %swap3A_706], %add3A_698 {strides = array<i32>} : memref<2x8x1024xf32, #tpu.memory_space<vmem>>, vector<16xf32>,
        %mul3A_708 = arith.constant 16 : i32
        %mul3A_709 = arith.muli %scan3A_583, %mul3A_708 : i32
        %add3A_710 = arith.constant 512 : i32
        %add3A_711 = arith.addi %add3A_710, %mul3A_709 : i32
        %swap3A_712 = arith.constant 1 : i32
        %swap3A_713 = arith.constant 7 : i32
        %swap3A_714 = arith.index_cast %swap3A_712 : i32 to index
        %swap3A_715 = arith.index_cast %swap3A_713 : i32 to index
        %swap3A_716 = arith.index_cast %add3A_711 : i32 to index
        %swap3A_717 = tpu.vector_load %arg8[%swap3A_714, %swap3A_715, %swap3A_716] {strides = array<i32>} : memref<2x8x1024xf32, #tpu.memory_space<vmem>>, vector<16xf32>,
        tpu.vector_store %arg8[%swap3A_714, %swap3A_715, %swap3A_716], %add3A_701 {strides = array<i32>} : memref<2x8x1024xf32, #tpu.memory_space<vmem>>, vector<16xf32>,
        %scan3A_718 = arith.constant 0 : i32
        scf.yield %scan3A_718 : i32
      }
      %scan3A_563 = arith.constant 32 : i32
      %mul3A_564 = arith.constant 8 : i32
      %mul3A_565 = arith.muli %add3A_348, %mul3A_564 : i32
      %add3A_566 = arith.addi %mul3A_2, %mul3A_565 : i32
      %dma_start3A_567 = arith.constant 1 : i32
      %dma_start3A_568 = arith.constant 1 : i32
      %dma_start3A_569 = arith.constant 0 : i32
      %dma_start3A_570 = arith.constant 0 : i32
      %dma_start3A_571 = tpu.memref_slice %arg8[%dma_start3A_567, %dma_start3A_569, %dma_start3A_570] : memref<2x8x1024xf32, #tpu.memory_space<vmem>> -> memref<1x8x1024xf32, #tpu.memory_space<vmem>>
      %dma_start3A_572 = tpu.memref_squeeze %dma_start3A_571 : memref<1x8x1024xf32, #tpu.memory_space<vmem>> -> memref<8x1024xf32, #tpu.memory_space<vmem>>
      %dma_start3A_573 = arith.constant 0 : i32
      %dma_start3A_574 = tpu.memref_slice %arg4[%add3A_566, %dma_start3A_573] : memref<4096x1024xf32, #tpu.memory_space<hbm>> -> memref<8x1024xf32, #tpu.memory_space<hbm>>
      %dma_start3A_575 = tpu.memref_slice %arg10[%dma_start3A_568] : memref<2x!tpu.dma_semaphore, #tpu.memory_space<semaphore_mem>> -> memref<1x!tpu.dma_semaphore, #tpu.memory_space<semaphore_mem>>
      %dma_start3A_576 = tpu.memref_squeeze %dma_start3A_575 : memref<1x!tpu.dma_semaphore, #tpu.memory_space<semaphore_mem>> -> memref<!tpu.dma_semaphore, #tpu.memory_space<semaphore_mem>>
      %dma_start3A_577 = arith.constant 0 : i32
      %dma_start3A_578 = tpu.memref_slice %arg4[%add3A_566, %dma_start3A_577] : memref<4096x1024xf32, #tpu.memory_space<hbm>> -> memref<8x1024xf32, #tpu.memory_space<hbm>>
      %dma_start3A_579 = arith.constant 0 : i32
      %dma_start3A_580 = arith.constant 0 : i32
      %dma_start3A_581 = tpu.memref_slice %arg8[%dma_start3A_567, %dma_start3A_579, %dma_start3A_580] : memref<2x8x1024xf32, #tpu.memory_space<vmem>> -> memref<1x8x1024xf32, #tpu.memory_space<vmem>>
      %dma_start3A_582 = tpu.memref_squeeze %dma_start3A_581 : memref<1x8x1024xf32, #tpu.memory_space<vmem>> -> memref<8x1024xf32, #tpu.memory_space<vmem>>
      tpu.enqueue_dma source(%dma_start3A_582 : memref<8x1024xf32, #tpu.memory_space<vmem>>) target(%dma_start3A_578 : memref<8x1024xf32, #tpu.memory_space<hbm>>) target_semaphore(%dma_start3A_576 : memref<!tpu.dma_semaphore, #tpu.memory_space<semaphore_mem>>)
    }
    %scan3A_79 = arith.constant 8 : i32
    %add3A_80 = arith.constant 112 : i32
    %add3A_81 = arith.addi %mul3A_2, %add3A_80 : i32
    %dma_wait3A = arith.constant 0 : i32
    %dma_wait3A_82 = arith.constant 0 : i32
    %dma_wait3A_83 = arith.constant 0 : i32
    %dma_wait3A_84 = arith.constant 0 : i32
    %dma_wait3A_85 = tpu.memref_slice %arg8[%dma_wait3A, %dma_wait3A_83, %dma_wait3A_84] : memref<2x8x1024xf32, #tpu.memory_space<vmem>> -> memref<1x8x1024xf32, #tpu.memory_space<vmem>>
    %dma_wait3A_86 = tpu.memref_squeeze %dma_wait3A_85 : memref<1x8x1024xf32, #tpu.memory_space<vmem>> -> memref<8x1024xf32, #tpu.memory_space<vmem>>
    %dma_wait3A_87 = arith.constant 0 : i32
    %dma_wait3A_88 = tpu.memref_slice %arg4[%add3A_81, %dma_wait3A_87] : memref<4096x1024xf32, #tpu.memory_space<hbm>> -> memref<8x1024xf32, #tpu.memory_space<hbm>>
    %dma_wait3A_89 = tpu.memref_slice %arg10[%dma_wait3A_82] : memref<2x!tpu.dma_semaphore, #tpu.memory_space<semaphore_mem>> -> memref<1x!tpu.dma_semaphore, #tpu.memory_space<semaphore_mem>>
    %dma_wait3A_90 = tpu.memref_squeeze %dma_wait3A_89 : memref<1x!tpu.dma_semaphore, #tpu.memory_space<semaphore_mem>> -> memref<!tpu.dma_semaphore, #tpu.memory_space<semaphore_mem>>
    %dma_wait3A_91 = arith.constant 0 : i32
    %dma_wait3A_92 = tpu.memref_slice %arg4[%add3A_81, %dma_wait3A_91] : memref<4096x1024xf32, #tpu.memory_space<hbm>> -> memref<8x1024xf32, #tpu.memory_space<hbm>>
    %dma_wait3A_93 = arith.constant 0 : i32
    %dma_wait3A_94 = arith.constant 0 : i32
    %dma_wait3A_95 = tpu.memref_slice %arg8[%dma_wait3A, %dma_wait3A_93, %dma_wait3A_94] : memref<2x8x1024xf32, #tpu.memory_space<vmem>> -> memref<1x8x1024xf32, #tpu.memory_space<vmem>>
    %dma_wait3A_96 = tpu.memref_squeeze %dma_wait3A_95 : memref<1x8x1024xf32, #tpu.memory_space<vmem>> -> memref<8x1024xf32, #tpu.memory_space<vmem>>
    tpu.wait_dma2 semaphore(%dma_wait3A_90 : memref<!tpu.dma_semaphore, #tpu.memory_space<semaphore_mem>>) src(%dma_wait3A_96 : memref<8x1024xf32, #tpu.memory_space<vmem>>) dst(%dma_wait3A_92 : memref<8x1024xf32, #tpu.memory_space<hbm>>)
    %add3A_97 = arith.constant 120 : i32
    %add3A_98 = arith.addi %mul3A_2, %add3A_97 : i32
    %dma_wait3A_99 = arith.constant 1 : i32
    %dma_wait3A_100 = arith.constant 1 : i32
    %dma_wait3A_101 = arith.constant 0 : i32
    %dma_wait3A_102 = arith.constant 0 : i32
    %dma_wait3A_103 = tpu.memref_slice %arg8[%dma_wait3A_99, %dma_wait3A_101, %dma_wait3A_102] : memref<2x8x1024xf32, #tpu.memory_space<vmem>> -> memref<1x8x1024xf32, #tpu.memory_space<vmem>>
    %dma_wait3A_104 = tpu.memref_squeeze %dma_wait3A_103 : memref<1x8x1024xf32, #tpu.memory_space<vmem>> -> memref<8x1024xf32, #tpu.memory_space<vmem>>
    %dma_wait3A_105 = arith.constant 0 : i32
    %dma_wait3A_106 = tpu.memref_slice %arg4[%add3A_98, %dma_wait3A_105] : memref<4096x1024xf32, #tpu.memory_space<hbm>> -> memref<8x1024xf32, #tpu.memory_space<hbm>>
    %dma_wait3A_107 = tpu.memref_slice %arg10[%dma_wait3A_100] : memref<2x!tpu.dma_semaphore, #tpu.memory_space<semaphore_mem>> -> memref<1x!tpu.dma_semaphore, #tpu.memory_space<semaphore_mem>>
    %dma_wait3A_108 = tpu.memref_squeeze %dma_wait3A_107 : memref<1x!tpu.dma_semaphore, #tpu.memory_space<semaphore_mem>> -> memref<!tpu.dma_semaphore, #tpu.memory_space<semaphore_mem>>
    %dma_wait3A_109 = arith.constant 0 : i32
    %dma_wait3A_110 = tpu.memref_slice %arg4[%add3A_98, %dma_wait3A_109] : memref<4096x1024xf32, #tpu.memory_space<hbm>> -> memref<8x1024xf32, #tpu.memory_space<hbm>>
    %dma_wait3A_111 = arith.constant 0 : i32
    %dma_wait3A_112 = arith.constant 0 : i32
    %dma_wait3A_113 = tpu.memref_slice %arg8[%dma_wait3A_99, %dma_wait3A_111, %dma_wait3A_112] : memref<2x8x1024xf32, #tpu.memory_space<vmem>> -> memref<1x8x1024xf32, #tpu.memory_space<vmem>>
    %dma_wait3A_114 = tpu.memref_squeeze %dma_wait3A_113 : memref<1x8x1024xf32, #tpu.memory_space<vmem>> -> memref<8x1024xf32, #tpu.memory_space<vmem>>
    tpu.wait_dma2 semaphore(%dma_wait3A_108 : memref<!tpu.dma_semaphore, #tpu.memory_space<semaphore_mem>>) src(%dma_wait3A_114 : memref<8x1024xf32, #tpu.memory_space<vmem>>) dst(%dma_wait3A_110 : memref<8x1024xf32, #tpu.memory_space<hbm>>)
    return
  }
}

module attributes {stable_mosaic.version = 14 : i64} {
  func.func @_prep_kernel(%arg0: memref<4096x1024xf32, #tpu.memory_space<vmem>>, %arg1: memref<1024x24xf32, #tpu.memory_space<vmem>>, %arg2: memref<1x8xf32, #tpu.memory_space<vmem>>, %arg3: memref<4096x8xi32, #tpu.memory_space<vmem>>, %arg4: memref<4096x512xi32, #tpu.memory_space<vmem>>) attributes {dimension_semantics = [], scalar_prefetch = 0 : i64, scratch_operands = 0 : i64, tpu.core_type = #tpu.core_type<tc>} {
    %get3A = arith.constant 0 : index
    %get3A_0 = arith.constant 0 : index
    %get3A_1 = vector.load %arg0[%get3A, %get3A_0] : memref<4096x1024xf32, #tpu.memory_space<vmem>>, vector<4096x1024xf32>
    %get3A_2 = arith.constant 0 : index
    %get3A_3 = arith.constant 0 : index
    %get3A_4 = vector.load %arg1[%get3A_2, %get3A_3] : memref<1024x24xf32, #tpu.memory_space<vmem>>, vector<1024x24xf32>
    %dot_general3A = arith.constant dense<0.000000e+00> : vector<4096x24xf32>
    %dot_general3A_5 = tpu.matmul %get3A_1, %get3A_4, %dot_general3A {dimension_numbers = #tpu.dot_dimension_numbers<[1], [0], [0], [1], [0, 0, 1, 1], [], []>, transpose_lhs_hint = false} : vector<4096x1024xf32>, vector<1024x24xf32>, vector<4096x24xf32> -> vector<4096x24xf32>
    %broadcast_in_dim3A = arith.constant 0.000000e+00 : f32
    %broadcast_in_dim3A_6 = vector.broadcast %broadcast_in_dim3A : f32 to vector<1x8xf32>
    %slice3A = vector.extract_strided_slice %dot_general3A_5 {offsets = [0, 0], sizes = [4095, 8], strides = [1, 1]} : vector<4096x24xf32> to vector<4095x8xf32>
    %concatenate3A = tpu.concatenate %broadcast_in_dim3A_6, %slice3A in 0 : vector<1x8xf32>, vector<4095x8xf32> -> vector<4096x8xf32>
    %slice3A_7 = vector.extract_strided_slice %dot_general3A_5 {offsets = [1, 16], sizes = [4095, 8], strides = [1, 1]} : vector<4096x24xf32> to vector<4095x8xf32>
    %concatenate3A_8 = tpu.concatenate %slice3A_7, %broadcast_in_dim3A_6 in 0 : vector<4095x8xf32>, vector<1x8xf32> -> vector<4096x8xf32>
    %iota3A = tpu.iota {dimensions = array<i32: 0>} : vector<4096x1xi32>
    %and3A = arith.constant 2047 : i32
    %and3A_9 = vector.broadcast %and3A : i32 to vector<4096x1xi32>
    %and3A_10 = arith.andi %iota3A, %and3A_9 : vector<4096x1xi32>
    %ne3A = arith.constant 0 : i32
    %ne3A_11 = vector.broadcast %ne3A : i32 to vector<4096x1xi32>
    %ne3A_12 = arith.cmpi ne, %and3A_10, %ne3A_11 : vector<4096x1xi32>
    %jit3A = arith.constant 0.000000e+00 : f32
    %broadcast_in_dim3A_13 = vector.shape_cast %ne3A_12 : vector<4096x1xi1> to vector<4096x1xi1>
    %broadcast_in_dim3A_14 = vector.broadcast %broadcast_in_dim3A_13 : vector<4096x1xi1> to vector<4096x8xi1>
    %broadcast_in_dim3A_15 = vector.broadcast %jit3A : f32 to vector<4096x8xf32>
    %select_n3A = arith.select %broadcast_in_dim3A_14, %concatenate3A, %broadcast_in_dim3A_15 : vector<4096x8xi1>, vector<4096x8xf32>
    %ne3A_16 = arith.constant 2047 : i32
    %ne3A_17 = vector.broadcast %ne3A_16 : i32 to vector<4096x1xi32>
    %ne3A_18 = arith.cmpi ne, %and3A_10, %ne3A_17 : vector<4096x1xi32>
    %jit3A_19 = arith.constant 0.000000e+00 : f32
    %broadcast_in_dim3A_20 = vector.shape_cast %ne3A_18 : vector<4096x1xi1> to vector<4096x1xi1>
    %broadcast_in_dim3A_21 = vector.broadcast %broadcast_in_dim3A_20 : vector<4096x1xi1> to vector<4096x8xi1>
    %broadcast_in_dim3A_22 = vector.broadcast %jit3A_19 : f32 to vector<4096x8xf32>
    %select_n3A_23 = arith.select %broadcast_in_dim3A_21, %concatenate3A_8, %broadcast_in_dim3A_22 : vector<4096x8xi1>, vector<4096x8xf32>
    %slice3A_24 = vector.extract_strided_slice %dot_general3A_5 {offsets = [0, 8], sizes = [4096, 8], strides = [1, 1]} : vector<4096x24xf32> to vector<4096x8xf32>
    %add3A = arith.addf %select_n3A, %slice3A_24 : vector<4096x8xf32>
    %add3A_25 = arith.addf %add3A, %select_n3A_23 : vector<4096x8xf32>
    %get3A_26 = arith.constant 0 : index
    %get3A_27 = arith.constant 0 : index
    %get3A_28 = vector.load %arg2[%get3A_26, %get3A_27] : memref<1x8xf32, #tpu.memory_space<vmem>>, vector<1x8xf32>
    %add3A_29 = vector.broadcast %get3A_28 : vector<1x8xf32> to vector<4096x8xf32>
    %add3A_30 = arith.addf %add3A_25, %add3A_29 : vector<4096x8xf32>
    %slice3A_31 = vector.extract_strided_slice %add3A_30 {offsets = [0, 0], sizes = [4096, 3], strides = [1, 1]} : vector<4096x8xf32> to vector<4096x3xf32>
    %slice3A_32 = vector.extract_strided_slice %add3A_30 {offsets = [0, 3], sizes = [4096, 3], strides = [1, 1]} : vector<4096x8xf32> to vector<4096x3xf32>
    %logistic3A = arith.negf %slice3A_32 : vector<4096x3xf32>
    %logistic3A_33 = math.exp %logistic3A : vector<4096x3xf32>
    %logistic3A_34 = arith.constant 1.000000e+00 : f32
    %logistic3A_35 = vector.broadcast %logistic3A_34 : f32 to vector<4096x3xf32>
    %logistic3A_36 = arith.addf %logistic3A_35, %logistic3A_33 : vector<4096x3xf32>
    %logistic3A_37 = arith.divf %logistic3A_35, %logistic3A_36 : vector<4096x3xf32>
    %convert_element_type3A = arith.sitofp %and3A_10 : vector<4096x1xi32> to vector<4096x1xf32>
    %sub3A = arith.subi %iota3A, %and3A_10 : vector<4096x1xi32>
    %add3A_38 = vector.broadcast %convert_element_type3A : vector<4096x1xf32> to vector<4096x3xf32>
    %add3A_39 = arith.addf %add3A_38, %slice3A_31 : vector<4096x3xf32>
    %jit3A_40 = arith.constant 0.000000e+00 : f32
    %jit3A_41 = arith.constant 2.047000e+03 : f32
    %max3A = vector.broadcast %jit3A_40 : f32 to vector<4096x3xf32>
    %max3A_42 = arith.maximumf %max3A, %add3A_39 : vector<4096x3xf32>
    %min3A = vector.broadcast %jit3A_41 : f32 to vector<4096x3xf32>
    %min3A_43 = arith.minimumf %min3A, %max3A_42 : vector<4096x3xf32>
    %floor3A = math.floor %min3A_43 : vector<4096x3xf32>
    %sub3A_44 = arith.subf %min3A_43, %floor3A : vector<4096x3xf32>
    %convert_element_type3A_45 = arith.fptosi %floor3A : vector<4096x3xf32> to vector<4096x3xi32>
    %add3A_46 = arith.constant 1 : i32
    %add3A_47 = vector.broadcast %add3A_46 : i32 to vector<4096x3xi32>
    %add3A_48 = arith.addi %convert_element_type3A_45, %add3A_47 : vector<4096x3xi32>
    %min3A_49 = arith.constant 2047 : i32
    %min3A_50 = vector.broadcast %min3A_49 : i32 to vector<4096x3xi32>
    %min3A_51 = arith.minsi %add3A_48, %min3A_50 : vector<4096x3xi32>
    %add3A_52 = vector.broadcast %sub3A : vector<4096x1xi32> to vector<4096x3xi32>
    %add3A_53 = arith.addi %convert_element_type3A_45, %add3A_52 : vector<4096x3xi32>
    %add3A_54 = vector.broadcast %sub3A : vector<4096x1xi32> to vector<4096x3xi32>
    %add3A_55 = arith.addi %min3A_51, %add3A_54 : vector<4096x3xi32>
    %concatenate3A_56 = tpu.concatenate %add3A_53, %add3A_55 in 1 : vector<4096x3xi32>, vector<4096x3xi32> -> vector<4096x6xi32>
    %sub3A_57 = arith.constant 1.000000e+00 : f32
    %sub3A_58 = vector.broadcast %sub3A_57 : f32 to vector<4096x3xf32>
    %sub3A_59 = arith.subf %sub3A_58, %sub3A_44 : vector<4096x3xf32>
    %mul3A = arith.mulf %logistic3A_37, %sub3A_59 : vector<4096x3xf32>
    %mul3A_60 = arith.mulf %logistic3A_37, %sub3A_44 : vector<4096x3xf32>
    %concatenate3A_61 = tpu.concatenate %mul3A, %mul3A_60 in 1 : vector<4096x3xf32>, vector<4096x3xf32> -> vector<4096x6xf32>
    %mul3A_62 = arith.constant 0x497FFFF0 : f32
    %mul3A_63 = vector.broadcast %mul3A_62 : f32 to vector<4096x6xf32>
    %mul3A_64 = arith.mulf %concatenate3A_61, %mul3A_63 : vector<4096x6xf32>
    %add3A_65 = arith.constant 5.000000e-01 : f32
    %add3A_66 = vector.broadcast %add3A_65 : f32 to vector<4096x6xf32>
    %add3A_67 = arith.addf %mul3A_64, %add3A_66 : vector<4096x6xf32>
    %convert_element_type3A_68 = arith.fptosi %add3A_67 : vector<4096x6xf32> to vector<4096x6xi32>
    %shift_left3A = arith.constant 12 : i32
    %shift_left3A_69 = vector.broadcast %shift_left3A : i32 to vector<4096x6xi32>
    %shift_left3A_70 = arith.shli %convert_element_type3A_68, %shift_left3A_69 : vector<4096x6xi32>
    %or3A = arith.ori %concatenate3A_56, %shift_left3A_70 : vector<4096x6xi32>
    %broadcast_in_dim3A_71 = arith.constant 0 : i32
    %broadcast_in_dim3A_72 = vector.broadcast %broadcast_in_dim3A_71 : i32 to vector<4096x2xi32>
    %concatenate3A_73 = tpu.concatenate %or3A, %broadcast_in_dim3A_72 in 1 : vector<4096x6xi32>, vector<4096x2xi32> -> vector<4096x8xi32>
    %swap3A = arith.constant 0 : index
    %swap3A_74 = arith.constant 0 : index
    %swap3A_75 = vector.load %arg3[%swap3A, %swap3A_74] : memref<4096x8xi32, #tpu.memory_space<vmem>>, vector<4096x8xi32>
    tpu.vector_store %arg3[%swap3A, %swap3A_74], %concatenate3A_73 {strides = array<i32>} : memref<4096x8xi32, #tpu.memory_space<vmem>>, vector<4096x8xi32>,
    %convert_element_type3A_76 = arith.truncf %get3A_1 : vector<4096x1024xf32> to vector<4096x1024xbf16>
    %bitcast_convert_type3A = tpu.bitcast %convert_element_type3A_76 : vector<4096x1024xbf16> -> vector<4096x1024xi16>
    %convert_element_type3A_77 = arith.extsi %bitcast_convert_type3A : vector<4096x1024xi16> to vector<4096x1024xi32>
    %slice3A_78 = vector.extract_strided_slice %convert_element_type3A_77 {offsets = [0, 0], sizes = [4096, 512], strides = [1, 1]} : vector<4096x1024xi32> to vector<4096x512xi32>
    %and3A_79 = arith.constant 65535 : i32
    %and3A_80 = vector.broadcast %and3A_79 : i32 to vector<4096x512xi32>
    %and3A_81 = arith.andi %slice3A_78, %and3A_80 : vector<4096x512xi32>
    %slice3A_82 = vector.extract_strided_slice %convert_element_type3A_77 {offsets = [0, 512], sizes = [4096, 512], strides = [1, 1]} : vector<4096x1024xi32> to vector<4096x512xi32>
    %shift_left3A_83 = arith.constant 16 : i32
    %shift_left3A_84 = vector.broadcast %shift_left3A_83 : i32 to vector<4096x512xi32>
    %shift_left3A_85 = arith.shli %slice3A_82, %shift_left3A_84 : vector<4096x512xi32>
    %or3A_86 = arith.ori %shift_left3A_85, %and3A_81 : vector<4096x512xi32>
    %swap3A_87 = arith.constant 0 : index
    %swap3A_88 = arith.constant 0 : index
    %swap3A_89 = vector.load %arg4[%swap3A_87, %swap3A_88] : memref<4096x512xi32, #tpu.memory_space<vmem>>, vector<4096x512xi32>
    tpu.vector_store %arg4[%swap3A_87, %swap3A_88], %or3A_86 {strides = array<i32>} : memref<4096x512xi32, #tpu.memory_space<vmem>>, vector<4096x512xi32>,
    return
  }
}

</mosaic_0001>

<sc_bundles>
// kernel: kernel.4.cloned.1.call-start
scs
__scs_entry_jumppad:
0x0: {  	(pc) =	sbr.rel $0x88, $3  }
0x1: {  	(tag) =	ssettag $0x0;
	lr =	simm.s32 $0x1  }
0x2: {  	[smem:$0x3F9C] =	sst lr;
	_ =	strace $0xD0000000  }
0x3: {  	_ = 	snop  }
0x4: {  	_ = 	snop  }
0x5: {  	_ = 	snop  }
0x6: {  	_ = 	snop  }
0x7: {  	_ = 	snop  }
__scs_overlays_trampoline_lowered:
0x8: {  	[smem:$0x3FAB] =	sst s0  }
0x9: {  	[smem:$0x3FAC] =	sst s1  }
0xa: {  	[smem:$0x3FAD] =	sst s2  }
0xb: {  	[smem:$0x3FAE] =	sst s3  }
0xc: {  	[smem:$0x3FAF] =	sst s4  }
0xd: {  	[smem:$0x3FB0] =	sst s5  }
0xe: {  	[smem:$0x3FB1] =	sst s6  }
0xf: {  	[smem:$0x3FB2] =	sst s7  }
0x10: {  	[smem:$0x3FB3] =	sst s8  }
0x11: {  	[smem:$0x3FB4] =	sst s9;
	s0 =	simm.s32 @!p0 $0x0  }
0x12: {  	s1 =	sld [smem:$0x3F9A];
	s0 =	simm.s32 @p0 $0x1  }
0x13: {  	[smem:$0x3FB5] =	sst s0;
	s0 =	simm.s32 @!p1 $0x0  }
0x14: {  	s2 =	sld [smem:$0x3F99];
	s0 =	simm.s32 @p1 $0x1  }
0x15: {  	[smem:$0x3FB6] =	sst s0;
	s0 =	simm.s32 @!p2 $0x0  }
0x16: {  	s3 =	sld [smem:$0x3FDB];
	s0 =	simm.s32 @p2 $0x1  }
0x17: {  	s4 =	simm.s32 $0x1BF5;
	[smem:$0x3FB8] =	sst s0  }
0x18: {  	s0 =	sld [smem:$0x3F9B];
	_ =	swait.ge [sflag:s4], $0x0  }
0x19: {  	s7 =	sld [smem:$0x3F9C]  }
0x1a: {  	s8 =	sadd.s32 $0xFFFFE003, lr  }
0x1b: {  	s9 =	sadd.s32 $0xFFFFFEF7, lr;
	s5 =	simm.s32 $0xFFFFFFFF;
	p2 =	slt.u32 s8, $0xFFFFF086  }
0x1c: {  	p1 =	slt.u32 s9, $0xF7A;
	s5 =	simm.s32 @!p2 $0x0  }
0x1d: {  	s5 =	simm.s32 @p1 $0x1;
	p0 =	seq.s32 s7, s2  }
0x1e: {  	s7 =	smul.u32 @!p0 $0xF7A, s2;
	p2 =	seq.s32 @!p0 s5, $0x0  }
0x1f: {  	s9 =	smul.u32 $0xF7A, s1;
	s8 =	simm.s32 @!p0 $0x1BF5;
	p2 =	por !p2, p0  }
0x20: {  	[sflag:s8] =	ssyncset.s32 @!p0 $0xFFFFF086;
	s6 =	sadd.s32 @!p0 s3, s7;
	s7 =	simm.s32 @!p0 $0x108  }
0x21: {  	s3 =	sadd.s32 s3, s9;
	s6 =	sadd.s32 @!p0 $0x88, s6;
	s7 =	simm.s32 @p2 $0x1082  }
0x22: {  	[simem:s7], [sflag:s8] =	dma.local @!p0 [hbm:s6], $0xF7A  }
0x23: {  	s9 =	sor.u32 $0xD0000000, s2;
	s6 =	simm.s32 $0x108;
	_ =	swait.ge @!p0 [sflag:s8], $0x0  }
0x24: {  	s3 =	sadd.s32 $0x88, s3;
	s6 =	simm.s32 @!p1 $0x1082;
	[sflag:s4] =	ssyncset.s32 $0xFFFFF086  }
0x25: {  	[simem:s6], [sflag:s4] =	dma.local [hbm:s3], $0xF7A  }
0x26: {  	[smem:$0x3F9C] =	sst s1;
	(tag) =	ssettag s2;
	_ =	strace s9  }
0x27: {  	s1 =	sld [smem:$0x3FAC]  }
0x28: {  	s2 =	sld [smem:$0x3FAD]  }
0x29: {  	s4 =	sld [smem:$0x3FAF]  }
0x2a: {  	p0 =	seq.s32 s5, $0x0;
	s5 =	sld [smem:$0x3FB0]  }
0x2b: {  	s6 =	sld [smem:$0x3FB1]  }
0x2c: {  	s7 =	sld [smem:$0x3FB2]  }
0x2d: {  	s3 =	simm.s32 $0x108;
	s8 =	sld [smem:$0x3FB3]  }
0x2e: {  	s3 =	simm.s32 @!p0 $0x1082;
	s9 =	sld [smem:$0x3FB4]  }
0x2f: {  	lr =	sadd.s32 s0, s3;
	s0 =	sld [smem:$0x3FAB]  }
0x30: {  	s3 =	sld [smem:$0x3FAE]  }
0x31: {  	[smem:$0x3FB7] =	sst s10  }
0x32: {  	s10 =	sld [smem:$0x3FB5];
	_ =	sdelay $0x3  }
0x33: {  	p0 =	seq.s32 s10, $0x1;
	s10 =	sld [smem:$0x3FB7];
	_ =	sdelay $0x3  }
0x34: {  	[smem:$0x3FB7] =	sst s10  }
0x35: {  	s10 =	sld [smem:$0x3FB6];
	_ =	sdelay $0x3  }
0x36: {  	p1 =	seq.s32 s10, $0x1;
	s10 =	sld [smem:$0x3FB7];
	_ =	sdelay $0x3  }
0x37: {  	[smem:$0x3FB7] =	sst s10  }
0x38: {  	s10 =	sld [smem:$0x3FB8]  }
0x39: {  	_ = 	snop;
	(pc) =	sbr.ind lr, $3  }
0x3a: {  	_ = 	snop  }
0x3b: {  	_ = 	snop  }
0x3c: {  	p2 =	seq.s32 s10, $0x1;
	s10 =	sld [smem:$0x3FB7]  }
0x3d: {  	_ =	shalt  }
0x3e: {  	_ =	shalt  }
0x3f: {  	_ =	shalt  }
0x40: {  	_ =	shalt  }
0x41: {  	_ =	shalt  }
0x42: {  	_ =	shalt  }
0x43: {  	_ =	shalt  }
0x44: {  	_ =	shalt  }
0x45: {  	_ =	shalt  }
0x46: {  	_ =	shalt  }
0x47: {  	_ =	shalt  }
0x48: {  	_ =	shalt  }
0x49: {  	_ =	shalt  }
0x4a: {  	_ =	shalt  }
0x4b: {  	_ =	shalt  }
0x4c: {  	_ =	shalt  }
0x4d: {  	_ =	shalt  }
0x4e: {  	_ =	shalt  }
0x4f: {  	_ =	shalt  }
0x50: {  	_ =	shalt  }
0x51: {  	_ =	shalt  }
0x52: {  	_ =	shalt  }
0x53: {  	_ =	shalt  }
0x54: {  	_ =	shalt  }
0x55: {  	_ =	shalt  }
0x56: {  	_ =	shalt  }
0x57: {  	_ =	shalt  }
0x58: {  	_ =	shalt  }
0x59: {  	_ =	shalt  }
0x5a: {  	_ =	shalt  }
0x5b: {  	_ =	shalt  }
0x5c: {  	_ =	shalt  }
0x5d: {  	_ =	shalt  }
0x5e: {  	_ =	shalt  }
0x5f: {  	_ =	shalt  }
0x60: {  	_ =	shalt  }
0x61: {  	_ =	shalt  }
0x62: {  	_ =	shalt  }
0x63: {  	_ =	shalt  }
0x64: {  	_ =	shalt  }
0x65: {  	_ =	shalt  }
0x66: {  	_ =	shalt  }
0x67: {  	_ =	shalt  }
0x68: {  	_ =	shalt  }
0x69: {  	_ =	shalt  }
0x6a: {  	_ =	shalt  }
0x6b: {  	_ =	shalt  }
0x6c: {  	_ =	shalt  }
0x6d: {  	_ =	shalt  }
0x6e: {  	_ =	shalt  }
0x6f: {  	_ =	shalt  }
0x70: {  	_ =	shalt  }
0x71: {  	_ =	shalt  }
0x72: {  	_ =	shalt  }
0x73: {  	_ =	shalt  }
0x74: {  	_ =	shalt  }
0x75: {  	_ =	shalt  }
0x76: {  	_ =	shalt  }
0x77: {  	_ =	shalt  }
0x78: {  	_ =	shalt  }
0x79: {  	_ =	shalt  }
0x7a: {  	_ =	shalt  }
0x7b: {  	_ =	shalt  }
0x7c: {  	_ =	shalt  }
0x7d: {  	_ =	shalt  }
0x7e: {  	_ =	shalt  }
0x7f: {  	_ =	shalt  }
0x80: {  	_ =	shalt  }
0x81: {  	_ =	shalt  }
0x82: {  	_ =	shalt  }
0x83: {  	_ =	shalt  }
0x84: {  	_ =	shalt  }
0x85: {  	_ =	shalt  }
0x86: {  	_ =	shalt  }
0x87: {  	_ =	shalt  }
.Lfunc_end0:
.L_simem_size_0:
called_computation_lowered:
.L_overlay_start_0:
0x88: {  	s2 =	sld [smem:$0x3FD9]  }
0x89: {  	s3 =	sld [smem:$0x3FFE];
	_ =	sdelay $0x1  }
0x8a: {  	s1 =	srdreg.scid  }
0x8b: {  	s0 =	sand.u32 $0x1, s1  }
0x8c: {  	s17 =	sshll.u32 s0, $0xA;
	s2 =	sadd.s32 s3, s2  }
0x8d: {  	s2 =	sadd.s32 s2, s17  }
0x8e: {  	[smem:$0x3FC3] =	sst s2  }
0x8f: {  	_ = 	snop  }
0x90: {  	s2 =	sld [smem:$0x3FD0];
	(tm) =	ssettm $0x1  }
0x91: {  	s18 =	sld [smem:$0x3FFB];
	_ =	sdelay $0x3  }
0x92: {  	_ =	strace s18  }
0x93: {  	s3 =	sld [smem:$0x3FFC];
	_ =	sdelay $0x3  }
0x94: {  	_ =	strace s3  }
0x95: {  	s3 =	sld [smem:$0x3FFD];
	_ =	sdelay $0x3  }
0x96: {  	_ =	strace s3  }
0x97: {  	_ =	strace $0x8FFFFFFF  }
0x98: {  	s19 =	sld [smem:$0x3FDB];
	_ =	sdelay $0x1  }
0x99: {  	s4 =	simm.s32 $_scs_section_size  }
0x9a: {  	s5 =	simm.s32 $_size__tile_overlayer_lowered;
	s6 =	simm.s32 $_tile_overlayer_lowered  }
0x9b: {  	s22 =	simm.s32 $0x1BFF;
	s21 =	sshll.u32 s6, $0x1;
	s3 =	sadd.s32 s4, s19  }
0x9c: {  	s7 =	simm.s32 $0x0;
	s20 =	sshll.u32 s5, $0x1;
	s5 =	sadd.s32 s21, s3  }
0x9d: {  	[timem:s7], [sflag:s22] =	dma.local [hbm:s5], s20  }
0x9e: {  	_ =	swait.ge [sflag:s22], s20  }
0x9f: {  	s4 =	ssub.s32 $0x0, s20;
	[sflag:s22] =	ssyncset.done $0x0  }
0xa0: {  	[sflag:s22] =	ssyncadd.s32 s4;
	_ =	sdelay $0x1  }
0xa1: {  	s23 =	simm.s32 $0x1B8B  }
0xa2: {  	_ =	swait.ge [sflag:s23], $0x1  }
0xa3: {  	[sflag:s23] =	ssyncset.done $0x0  }
0xa4: {  	s25 =	simm.s32 $0x1B8E;
	s24 =	sld [smem:$0x3FFE];
	[sflag:s23] =	ssyncadd.s32 $0xFFFFFFFF  }
0xa5: {  	s26 =	simm.s32 $execute0_lowered;
	[smem:$0x3FD2] =	sst s25  }
0xa6: {  	s5 =	sshll.u32 s26, $0x1;
	_ =	strace $0x80000046;
	[dreg:$0x1] =	wrdreg $0xFFFFFFFF  }
0xa7: {  	s28 =	simm.s32 $_size_execute0_lowered;
	s3 =	sadd.s32 s3, s5;
	[dreg:$0x0] =	wrdreg $0x0  }
0xa8: {  	s5 =	sshll.u32 s28, $0x1;
	[dreg:$0x2] =	wrdreg s3  }
0xa9: {  	[dreg:$0x3] =	wrdreg s5  }
0xaa: {  	[dreg:$0x4] =	wrdreg $0xC0  }
0xab: {  	_ =	task [dreg:s7], $0x5FFFF  }
0xac: {  	[dreg:$0x1] =	wrdreg $0xFFFFFFFF  }
0xad: {  	[dreg:$0x0] =	wrdreg $0x60  }
0xae: {  	[dreg:$0x2] =	wrdreg s24  }
0xaf: {  	[dreg:$0x3] =	wrdreg s2  }
0xb0: {  	[dreg:$0x4] =	wrdreg $0x9  }
0xb1: {  	_ =	task.clear_ibuf [dreg:s7], $0x5FFFF;
	_ =	strace $0x90000046  }
0xb2: {  	s29 =	simm.s32 $0x9;
	_ =	strace $0x80000048  }
0xb3: {  	_ =	swait.ge [sflag:s29], $0x1  }
0xb4: {  	[sflag:s29] =	ssyncadd.s32 $0xFFFFFFFF  }
0xb5: {  	_ =	strace $0x90000048  }
0xb6: {  	_ =	sfence  }
0xb7: {  	s30 =	sld [smem:$0x0];
	_ =	sdelay $0x2  }
0xb8: {  	s31 =	sshll.u32 s1, $0xD;
	s1 =	sshrl.u32 s1, $0x2  }
0xb9: {  	s3 =	sand.u32 $0x4000, s31;
	s1 =	sadd.s32 s1, s30  }
0xba: {  	s0 =	sor.u32 s3, s0;
	s1 =	sshll.u32 s1, $0x11  }
0xbb: {  	s0 =	sor.u32 s1, s0  }
0xbc: {  	s0 =	sadd.s32 $0x8F2B, s0  }
0xbd: {  	[sflag:s0] =	ssyncadd.remote.s32 $0x1  }
0xbe: {  	_ =	sfence.sel $0xFFFF  }
0xbf: {  	[dreg:$0x0] =	wrdreg $0xFFFFFFFF;
	(pc) =	sbr.abs _section_cstart, $3  }
0xc0: {  	[dreg:$0x1] =	wrdreg $0xFFFFFFFF  }
0xc1: {  	_ =	task.clear_ibuf [dreg:s7], $0x2FFFF;
	_ =	strace $0x9FFFFFFF  }
0xc2: {  	(tm) =	ssettm $0x7FFFFFFF  }
0xc3: {  	_ =	shalt  }
tec
execute0_lowered:
.L_overlay_start_1:
0x0: {  	(tag) =	ssettag $0x1  }
0x1: {  	v0 =	vimm.s32 $0x543210;
	v1 =	vimm.s32 $0x81808382;
	vm0 =	vcmask $0x1700  }
0x2: {  	vm1 =	vcmask $0x2718;
	vm3 =	vcmask $0x2B28;
	vm2 =	vcmask $0x2F2C  }
0x3: {  	vm4 =	vcmask $0x300;
	v2 =	vimm.s32 $0x385;
	vm15 =	vcmask $0x704  }
0x4: {  	vm8 =	vcmask $0xB08;
	vm9 =	vcmask $0xF0C;
	vm10 =	vcmask $0x1310  }
0x5: {  	vm11 =	vcmask $0x1714;
	vm12 =	vcmask $0x1B18;
	vm13 =	vcmask $0x1F1C  }
0x6: {  	vm14 =	vcmask $0x2320;
	v3 =	vimm.s32 $0x380;
	v4 =	vimm.s32 $0x280  }
0x7: {  	v9 =	vlaneseq.u32;
	v5 =	vimm.s32 $0x100;
	v6 =	vimm.s32 $0x10543210  }
0x8: {  	v7 =	vimm.s32 $0x32105432;
	v8 =	vimm.s32 $0x54321054;
	v0 =	vunpack.c.l.s4.s8 v0  }
0x9: {  	v1 =	vunpack.c.0.s8.s32 v1;
	v2 =	vsel vm4, $0x282, v2;
	v6 =	vunpack.c.l.s4.s8 v6  }
0xa: {  	v7 =	vunpack.c.l.s4.s8 v7;
	v5 =	vsel vm0, $0x0, v5;
	v8 =	vunpack.c.l.s4.s8 v8  }
0xb: {  	v2 =	vsel vm15, $0x283, v2;
	v0 =	vunpack.c.0.s8.s32 v0;
	v1 =	vand.u32 $0xFF, v1  }
0xc: {  	v2 =	vsel vm8, $0x284, v2;
	v10 =	vunpack.c.0.s8.s32 v6;
	v11 =	vunpack.c.0.s8.s32 v7  }
0xd: {  	v7 =	vshrl.u32 v9, $0x3;
	v12 =	vunpack.c.0.s8.s32 v8;
	v0 =	vnsel vm0, $0x103, v0  }
0xe: {  	v6 =	vand.u32 $0x7, v9;
	v0 =	vsel vm1, v1, v0;
	v1 =	vimm.s32 $0x281  }
0xf: {  	v9 =	vor.u32 $0x8, v9;
	v2 =	vsel vm9, $0x285, v2;
	v1 =	vsel vm4, $0x104, v1  }
0x10: {  	v7 =	vmul.u32 $0x8, v7;
	v2 =	vsel vm10, $0x300, v2;
	v1 =	vsel vm15, $0x105, v1  }
0x11: {  	vm0 =	vcmask $0x2F18;
	v8 =	vcombine.low v10, v11;
	v1 =	vsel vm8, $0x180, v1  }
0x12: {  	v10 =	vcombine.low v12, v10;
	v11 =	vcombine.low v11, v12;
	v1 =	vsel vm9, $0x181, v1  }
0x13: {  	s1 =	rddreg [dreg:$0x0];
	vm1 =	vcmask $0x3330;
	v2 =	vsel vm11, $0x301, v2;
	v1 =	vsel vm10, $0x182, v1  }
0x14: {  	s0 =	rddreg [dreg:$0x1];
	v5 =	vsel vm0, $0x80, v5;
	v2 =	vsel vm12, $0x302, v2;
	v1 =	vsel vm11, $0x183, v1  }
0x15: {  	s2 =	srdreg.scid;
	s4 =	stileid.u32;
	s3 =	simm.s32 $0x0;
	v0 =	vsel vm3, $0x84, v0;
	v2 =	vsel vm13, $0x303, v2;
	v1 =	vsel vm12, $0x184, v1  }
0x16: {  	s22 =	simm.s32 $0x1;
	s25 =	simm.s32 $0xB100;
	s28 =	simm.s32 $0xC100;
	vm15 =	vcmask $0x2724;
	v2 =	vsel vm14, $0x304, v2;
	v1 =	vsel vm13, $0x185, v1  }
0x17: {  	s29 =	simm.s32 $0xC900;
	s30 =	simm.s32 $0xD100;
	s31 =	simm.s32 $0xD900;
	v0 =	vsel vm2, $0x85, v0;
	v2 =	vsel vm15, $0x305, v2;
	v1 =	vsel vm14, $0x200, v1  }
0x18: {  	s9 =	simm.s32 $0xF100;
	s10 =	simm.s32 $0xF900;
	s11 =	simm.s32 $0x10100;
	v0 =	vsel vm1, $0x100, v0;
	v2 =	vsel vm3, $0x380, v2;
	v1 =	vsel vm15, $0x201, v1  }
0x19: {  	s12 =	simm.s32 $0x2;
	s13 =	simm.s32 $0x12100;
	s15 =	simm.s32 $0x4;
	v2 =	vsel vm2, $0x381, v2;
	v1 =	vsel vm3, $0x202, v1;
	vm3 =	vcmask $0x3734  }
0x1a: {  	s8 =	simm.s32 $0x0;
	s2 =	sand.u32 $0x1, s2;
	s4 =	sshll.u32 s4, $0x8;
	v2 =	vsel vm1, $0x382, v2;
	v1 =	vsel vm2, $0x203, v1;
	v0 =	vsel vm3, $0x101, v0  }
0x1b: {  	[smem:$0x7FF] =	sst s3;
	s5 =	sshll.u32 s2, $0x7;
	s2 =	ssub.s32 $0x2, s2;
	v2 =	vsel vm3, $0x383, v2;
	v1 =	vsel vm1, $0x204, v1;
	vm1 =	vcmask $0x3B38  }
0x1c: {  	_ =	strace $0x80000047;
	s4 =	sor.u32 s5, s4;
	s7 =	sshrl.u32 s2, $0x1;
	vm2 =	vcmask $0x700;
	v0 =	vsel vm1, $0x102, v0;
	v1 =	vsel vm3, $0x205, v1  }
0x1d: {  	s5 =	sadd.s32 $0x1400, s1;
	s6 =	sshll.u32 s4, $0x4;
	s2 =	ssub.s32 s2, s7;
	v2 =	vsel vm1, $0x384, v2;
	v1 =	vsel vm1, $0x280, v1;
	vm1 =	vcmask $0xF00  }
0x1e: {  	s7 =	sadd.s32 $0x1500, s1;
	s6 =	sadd.s32 s6, s1;
	s26 =	smax.u32 s2, $0x1;
	v4 =	vsel vm2, $0x100, v4;
	v3 =	vsel vm1, $0x280, v3;
	vm1 =	vcmask $0x1F08  }
0x1f: {  	s1 =	simm.s32 $0xE100;
	s6 =	sadd.s32 $0x41400, s6;
	[dreg:$0x4] =	wrdreg s26;
	vm2 =	vcmask $0x2710;
	v4 =	vsel vm1, $0x180, v4;
	vm1 =	vcmask $0x3720  }
0x20: {  	s2 =	simm.s32 $0xE900;
	s26 =	simm.s32 $0xB900;
	vm0 =	vmmov $0xffff;
	[dreg:$0x3] =	wrdreg s6;
	v3 =	vsel vm2, $0x300, v3;
	v4 =	vsel vm1, $0x200, v4  }
.LBB2_1:
0x21: {  	[dreg:$0x5] =	wrdreg s8  }
0x22: {  	s6 =	rddreg [dreg:$0x3];
	s21 =	simm.s32 $0x5  }
0x23: {  	[tilespmem:s3], [sflag:$0x5] =	stream.linear.gather [hbm4b:s6+s3], $0x4000, $0x38;
	[tilespmem:$0x14100] =	vst v63  }
0x24: {  	_ =	swait.ge [sflag:s21], $0x4000  }
0x25: {  	[sflag:s21] =	ssyncset.done $0x0  }
0x26: {  	[sflag:s21] =	ssyncadd.s32 $0xFFFFC000  }
0x27: {  	v12 =	vld.idx.msk [tilespmem:v0+s3+$0x0], $0xffff;
	_ =	sdelay $0x4  }
0x28: {  	v13 =	vshll.u32 v12, $0x2  }
0x29: {  	v14 =	vand.u32 $0x7, v12;
	v13 =	vand.u32 $0x3FE0, v13  }
0x2a: {  	v15 =	vld.idx.msk [tilespmem:v1+s3+$0x0], $0xffff;
	v13 =	vor.u32 v14, v13  }
0x2b: {  	v58 =	vld.idx.msk [tilespmem:v2+s3+$0x0], $0xffff;
	v16 =	vperm.xlane v13, v6;
	_ =	sdelay $0x1  }
0x2c: {  	v16 =	vadd.s32 v7, v16  }
0x2d: {  	v12 =	vand.u32 $0xFFF, v12  }
0x2e: {  	v59 =	vand.u32 $0xFFF, v15;
	[tilespmem:$0x4000] =	vst v12;
	v13 =	vperm.xlane v13, v9  }
0x2f: {  	v60 =	vand.u32 $0xFFF, v58;
	[tilespmem:$0x4010] =	vst v59  }
0x30: {  	s23 =	simm.s32 $0x4100;
	[tilespmem:$0x4020] =	vst v60;
	v61 =	vadd.s32 v7, v13  }
0x31: {  	[tilespmem:s23], [sflag:$0x1] =	stream.indirect_vreg.gather [hbm4b:s5+s3], $0x80, v16, vm0, $0xb8;
	[tilespmem:$0x14100] =	vst v63  }
0x32: {  	s24 =	simm.s32 $0x4900  }
0x33: {  	[tilespmem:s24], [sflag:$0x1] =	stream.indirect_vreg.gather [hbm4b:s7+s3], $0x80, v16, vm0, $0xb8;
	[tilespmem:$0x14100] =	vst v63  }
0x34: {  	s8 =	simm.s32 $0x5100  }
0x35: {  	[tilespmem:s8], [sflag:$0x1] =	stream.indirect_vreg.gather [hbm4b:s5+s3], $0x80, v61, vm0, $0xb8;
	[tilespmem:$0x14100] =	vst v63  }
0x36: {  	s14 =	simm.s32 $0x5900  }
0x37: {  	[tilespmem:s14], [sflag:$0x1] =	stream.indirect_vreg.gather [hbm4b:s7+s3], $0x80, v61, vm0, $0xb8;
	[tilespmem:$0x14100] =	vst v63  }
0x38: {  	v12 =	vld [tilespmem:$0x4010];
	_ =	sdelay $0x4  }
0x39: {  	v62 =	vshll.u32 v12, $0x2  }
0x3a: {  	v12 =	vand.u32 $0x7, v12;
	v13 =	vand.u32 $0xFFFFFFE0, v62  }
0x3b: {  	v12 =	vor.u32 v12, v13  }
0x3c: {  	v13 =	vperm.xlane v12, v6;
	_ =	sdelay $0x1  }
0x3d: {  	v13 =	vadd.s32 v7, v13;
	_ =	sdelay $0x1  }
0x3e: {  	v12 =	vperm.xlane v12, v9;
	_ =	sdelay $0x1  }
0x3f: {  	s16 =	simm.s32 $0x6100;
	v12 =	vadd.s32 v7, v12  }
0x40: {  	[tilespmem:s16], [sflag:$0x1] =	stream.indirect_vreg.gather [hbm4b:s5+s3], $0x80, v13, vm0, $0xb8;
	[tilespmem:$0x14100] =	vst v63  }
0x41: {  	s17 =	simm.s32 $0x6900  }
0x42: {  	[tilespmem:s17], [sflag:$0x1] =	stream.indirect_vreg.gather [hbm4b:s7+s3], $0x80, v13, vm0, $0xb8;
	[tilespmem:$0x14100] =	vst v63  }
0x43: {  	s18 =	simm.s32 $0x7100  }
0x44: {  	[tilespmem:s18], [sflag:$0x1] =	stream.indirect_vreg.gather [hbm4b:s5+s3], $0x80, v12, vm0, $0xb8;
	[tilespmem:$0x14100] =	vst v63  }
0x45: {  	s19 =	simm.s32 $0x7900  }
0x46: {  	[tilespmem:s19], [sflag:$0x1] =	stream.indirect_vreg.gather [hbm4b:s7+s3], $0x80, v12, vm0, $0xb8;
	[tilespmem:$0x14100] =	vst v63  }
0x47: {  	v12 =	vld [tilespmem:$0x4020];
	_ =	sdelay $0x4  }
0x48: {  	v63 =	vshll.u32 v12, $0x2  }
0x49: {  	v12 =	vand.u32 $0x7, v12;
	v13 =	vand.u32 $0xFFFFFFE0, v63  }
0x4a: {  	v12 =	vor.u32 v12, v13  }
0x4b: {  	v13 =	vperm.xlane v12, v6;
	_ =	sdelay $0x1  }
0x4c: {  	v13 =	vadd.s32 v7, v13;
	_ =	sdelay $0x1  }
0x4d: {  	v12 =	vperm.xlane v12, v9;
	_ =	sdelay $0x1  }
0x4e: {  	s20 =	simm.s32 $0x8100;
	v12 =	vadd.s32 v7, v12  }
0x4f: {  	[tilespmem:s20], [sflag:$0x1] =	stream.indirect_vreg.gather [hbm4b:s5+s3], $0x80, v13, vm0, $0xb8;
	[tilespmem:$0x14100] =	vst v63  }
0x50: {  	s21 =	simm.s32 $0x8900  }
0x51: {  	[tilespmem:s21], [sflag:$0x1] =	stream.indirect_vreg.gather [hbm4b:s7+s3], $0x80, v13, vm0, $0xb8;
	[tilespmem:$0x14100] =	vst v63  }
0x52: {  	s23 =	simm.s32 $0x9100  }
0x53: {  	[tilespmem:s23], [sflag:$0x1] =	stream.indirect_vreg.gather [hbm4b:s5+s3], $0x80, v12, vm0, $0xb8;
	[tilespmem:$0x14100] =	vst v63  }
0x54: {  	s24 =	simm.s32 $0x9900;
	s17 =	simm.s32 $0x0  }
0x55: {  	[tilespmem:s24], [sflag:$0x1] =	stream.indirect_vreg.gather [hbm4b:s7+s3], $0x80, v12, vm0, $0xb8;
	[tilespmem:$0x14100] =	vst v63  }
.LBB2_2:
0x56: {  	s19 =	sshll.u32 s17, $0x4  }
0x57: {  	s18 =	sor.u32 $0x8, s19  }
0x58: {  	v12 =	vmov s18  }
0x59: {  	v12 =	vshll.u32 v12, $0x7  }
0x5a: {  	v13 =	vor.u32 v5, v12  }
0x5b: {  	v13 =	vor.u32 v8, v13;
	_ =	sdelay $0x1  }
0x5c: {  	_ =	swait.ge [sflag:s22], $0x6000  }
0x5d: {  	[sflag:s22] =	ssyncset.done $0x0  }
0x5e: {  	[sflag:s22] =	ssyncadd.s32 $0xFFFFA000  }
0x5f: {  	v15 =	vld.idx.msk [tilespmem:v13+s3+$0x0], $0xffff  }
0x60: {  	v14 =	vor.u32 v4, v12  }
0x61: {  	v12 =	vor.u32 v3, v12;
	v14 =	vor.u32 v10, v14  }
0x62: {  	v12 =	vor.u32 v11, v12;
	_ =	sdelay $0x1  }
0x63: {  	v16 =	vshll.u32 v15, $0x2  }
0x64: {  	v17 =	vand.u32 $0x7, v15;
	v16 =	vand.u32 $0x3FE0, v16  }
0x65: {  	v18 =	vld.idx.msk [tilespmem:v14+s3+$0x0], $0xffff;
	v16 =	vor.u32 v17, v16  }
0x66: {  	v17 =	vld.idx.msk [tilespmem:v12+s3+$0x0], $0xffff;
	v19 =	vperm.xlane v16, v6;
	_ =	sdelay $0x1  }
0x67: {  	v19 =	vadd.s32 v7, v19  }
0x68: {  	v15 =	vand.u32 $0xFFF, v15  }
0x69: {  	[tilespmem:$0x4080] =	vst v15;
	v15 =	vand.u32 $0xFFF, v18;
	v16 =	vperm.xlane v16, v9  }
0x6a: {  	[tilespmem:$0x4090] =	vst v15;
	v15 =	vand.u32 $0xFFF, v17  }
0x6b: {  	s6 =	simm.s32 $0xA100;
	[tilespmem:$0x40A0] =	vst v15;
	v15 =	vadd.s32 v7, v16  }
0x6c: {  	[tilespmem:s6], [sflag:$0x2] =	stream.indirect_vreg.gather [hbm4b:s5+s3], $0x80, v19, vm0, $0xb8;
	[tilespmem:$0x14100] =	vst v63  }
0x6d: {  	s21 =	simm.s32 $0xA900  }
0x6e: {  	[tilespmem:s21], [sflag:$0x2] =	stream.indirect_vreg.gather [hbm4b:s7+s3], $0x80, v19, vm0, $0xb8;
	[tilespmem:$0x14100] =	vst v63  }
0x6f: {  	_ = 	snop  }
0x70: {  	[tilespmem:s25], [sflag:$0x2] =	stream.indirect_vreg.gather [hbm4b:s5+s3], $0x80, v15, vm0, $0xb8;
	[tilespmem:$0x14100] =	vst v63  }
0x71: {  	_ = 	snop  }
0x72: {  	[tilespmem:s26], [sflag:$0x2] =	stream.indirect_vreg.gather [hbm4b:s7+s3], $0x80, v15, vm0, $0xb8;
	[tilespmem:$0x14100] =	vst v63  }
0x73: {  	v15 =	vld [tilespmem:$0x4090];
	_ =	sdelay $0x4  }
0x74: {  	v16 =	vshll.u32 v15, $0x2  }
0x75: {  	v15 =	vand.u32 $0x7, v15;
	v16 =	vand.u32 $0xFFFFFFE0, v16  }
0x76: {  	v15 =	vor.u32 v15, v16  }
0x77: {  	v16 =	vperm.xlane v15, v6;
	_ =	sdelay $0x1  }
0x78: {  	v16 =	vadd.s32 v7, v16;
	_ =	sdelay $0x1  }
0x79: {  	v15 =	vperm.xlane v15, v9;
	_ =	sdelay $0x1  }
0x7a: {  	v15 =	vadd.s32 v7, v15  }
0x7b: {  	[tilespmem:s28], [sflag:$0x2] =	stream.indirect_vreg.gather [hbm4b:s5+s3], $0x80, v16, vm0, $0xb8;
	[tilespmem:$0x14100] =	vst v63  }
0x7c: {  	_ = 	snop  }
0x7d: {  	[tilespmem:s29], [sflag:$0x2] =	stream.indirect_vreg.gather [hbm4b:s7+s3], $0x80, v16, vm0, $0xb8;
	[tilespmem:$0x14100] =	vst v63  }
0x7e: {  	_ = 	snop  }
0x7f: {  	[tilespmem:s30], [sflag:$0x2] =	stream.indirect_vreg.gather [hbm4b:s5+s3], $0x80, v15, vm0, $0xb8;
	[tilespmem:$0x14100] =	vst v63  }
0x80: {  	_ = 	snop  }
0x81: {  	[tilespmem:s31], [sflag:$0x2] =	stream.indirect_vreg.gather [hbm4b:s7+s3], $0x80, v15, vm0, $0xb8;
	[tilespmem:$0x14100] =	vst v63  }
0x82: {  	v15 =	vld [tilespmem:$0x40A0];
	_ =	sdelay $0x4  }
0x83: {  	v16 =	vshll.u32 v15, $0x2  }
0x84: {  	v15 =	vand.u32 $0x7, v15;
	v16 =	vand.u32 $0xFFFFFFE0, v16  }
0x85: {  	v15 =	vor.u32 v15, v16  }
0x86: {  	v16 =	vperm.xlane v15, v6;
	_ =	sdelay $0x1  }
0x87: {  	v16 =	vadd.s32 v7, v16;
	_ =	sdelay $0x1  }
0x88: {  	v15 =	vperm.xlane v15, v9;
	_ =	sdelay $0x1  }
0x89: {  	v15 =	vadd.s32 v7, v15  }
0x8a: {  	[tilespmem:s1], [sflag:$0x2] =	stream.indirect_vreg.gather [hbm4b:s5+s3], $0x80, v16, vm0, $0xb8;
	[tilespmem:$0x14100] =	vst v63  }
0x8b: {  	_ = 	snop  }
0x8c: {  	[tilespmem:s2], [sflag:$0x2] =	stream.indirect_vreg.gather [hbm4b:s7+s3], $0x80, v16, vm0, $0xb8;
	[tilespmem:$0x14100] =	vst v63  }
0x8d: {  	_ = 	snop  }
0x8e: {  	v16 =	vmov s19;
	[tilespmem:s9], [sflag:$0x2] =	stream.indirect_vreg.gather [hbm4b:s5+s3], $0x80, v15, vm0, $0xb8;
	[tilespmem:$0x14100] =	vst v63  }
0x8f: {  	v16 =	vshll.u32 v16, $0x7  }
0x90: {  	[tilespmem:s10], [sflag:$0x2] =	stream.indirect_vreg.gather [hbm4b:s7+s3], $0x80, v15, vm0, $0xb8;
	v15 =	vor.u32 v5, v16;
	[tilespmem:$0x14100] =	vst v63  }
0x91: {  	p0 =	seq.s32 s17, $0x0;
	v15 =	vor.u32 v8, v15  }
0x92: {  	s6 =	simm.s32 @!p0 $0x3  }
0x93: {  	_ =	swait.ge @!p0 [sflag:s6], $0x2000  }
0x94: {  	[sflag:s6] =	ssyncset.done @!p0 $0x0  }
0x95: {  	s23 =	simm.s32 $0x0;
	[sflag:s6] =	ssyncadd.s32 @!p0 $0xFFFFE000  }
0x96: {  	v15 =	vld.idx.msk [tilespmem:v15+s23+$0x0], $0xffff;
	_ =	sdelay $0x2  }
0x97: {  	s8 =	sand.u32 $0x70, s23;
	s6 =	sand.u32 $0xC00, s23  }
0x98: {  	s21 =	sor.u32 s8, s6  }
0x99: {  	v24 =	vld [tilespmem:s21+$0x4100];
	v15 =	vshrl.u32 v15, $0xC  }
0x9a: {  	v25 =	vld [tilespmem:s21+$0x4180];
	v15 =	vcvt.s32.f32 v15  }
0x9b: {  	v17 =	vor.u32 v4, v16  }
0x9c: {  	v18 =	vor.u32 v10, v17;
	v17 =	vmul.f32 $9.536752260e-07, v15  }
0x9d: {  	v16 =	vor.u32 v3, v16  }
0x9e: {  	v19 =	vor.u32 v11, v16;
	v26 =	vld [tilespmem:s21+$0x4200];
	v22 =	vbroadcast v17, $0x0;
	v23 =	vbroadcast v17, $0x1  }
0x9f: {  	v27 =	vshll.u32 v24, $0x10;
	v24 =	vand.u32 $0xFFFF0000, v24;
	v28 =	vand.u32 $0xFFFF0000, v25  }
0xa0: {  	v29 =	vld [tilespmem:s21+$0x4280];
	v24 =	vmul.f32 v24, v22;
	v28 =	vmul.f32 v28, v23  }
0xa1: {  	v25 =	vshll.u32 v25, $0x10;
	v21 =	vbroadcast v17, $0x2  }
0xa2: {  	v27 =	vmul.f32 v27, v22;
	v25 =	vmul.f32 v25, v23;
	v28 =	vadd.f32 v28, v24;
	v24 =	vld [tilespmem:s21+$0x4300]  }
0xa3: {  	v30 =	vand.u32 $0xFFFF0000, v26;
	v31 =	vshll.u32 v26, $0x10;
	v15 =	vld.idx.msk [tilespmem:v19+s23+$0x0], $0xffff;
	v20 =	vbroadcast v17, $0x3  }
0xa4: {  	s24 =	simm.s32 $0x10;
	s8 =	simm.s32 $0x80;
	v19 =	vbroadcast v17, $0x4;
	v30 =	vmul.f32 v30, v21;
	v26 =	vadd.f32 v25, v27;
	v25 =	vld [tilespmem:s21+$0x4380]  }
0xa5: {  	v16 =	vld.idx.msk [tilespmem:v18+s23+$0x0], $0xffff;
	s6 =	sand.u32 $0x70, s24;
	s14 =	sand.u32 $0xC00, s8;
	v18 =	vbroadcast v17, $0x5;
	v27 =	vmul.f32 v31, v21;
	v31 =	vand.u32 $0xFFFF0000, v29  }
0xa6: {  	s6 =	sor.u32 s6, s14;
	s14 =	simm.s32 $0x20;
	v28 =	vadd.f32 v30, v28;
	v30 =	vshll.u32 v29, $0x10;
	v29 =	vmul.f32 v31, v20  }
.LBB2_3:
0xa7: {  	p0 =	seq.s32 s14, $0x1F0;
	v31 =	vld [tilespmem:s6+$0x4100];
	v26 =	vadd.f32 v27, v26;
	v27 =	vmul.f32 v30, v20;
	v30 =	vand.u32 $0xFFFF0000, v24  }
0xa8: {  	v24 =	vshll.u32 v24, $0x10;
	v32 =	vld [tilespmem:s6+$0x4180];
	v28 =	vadd.f32 v29, v28;
	v29 =	vmul.f32 v30, v19  }
0xa9: {  	v24 =	vmul.f32 v24, v19;
	v26 =	vadd.f32 v27, v26;
	v27 =	vand.u32 $0xFFFF0000, v25  }
0xaa: {  	v25 =	vshll.u32 v25, $0x10;
	v30 =	vld [tilespmem:s6+$0x4200];
	v28 =	vadd.f32 v29, v28;
	v27 =	vmul.f32 v27, v18  }
0xab: {  	v25 =	vmul.f32 v25, v18;
	v26 =	vadd.f32 v24, v26  }
0xac: {  	v29 =	vshll.u32 v31, $0x10;
	v33 =	vld [tilespmem:s6+$0x4280];
	v27 =	vadd.f32 v27, v28  }
0xad: {  	v24 =	vand.u32 $0xFFFF0000, v31;
	v28 =	vshll.u32 v32, $0x10;
	v31 =	vand.u32 $0xFFFF0000, v32  }
.Ltmp0:
0xae: {  	v32 =	vmul.f32 v24, v22;
	v26 =	vadd.f32 v25, v26;
	v31 =	vmul.f32 v31, v23;
	v24 =	vld [tilespmem:s6+$0x4300];
	[tilespmem:s21+$0x11100] =	vst v27;
	(pc) =	sbr.rel @!p0 .LBB2_3-.Ltmp0, $4  }
0xaf: {  	v27 =	vmul.f32 v29, v22;
	v28 =	vmul.f32 v28, v23;
	v25 =	vand.u32 $0xFFFF0000, v30  }
0xb0: {  	s8 =	sadd.s32 $0x80, s8;
	v30 =	vshll.u32 v30, $0x10;
	v29 =	vadd.f32 v31, v32;
	v31 =	vmul.f32 v25, v21;
	v25 =	vld [tilespmem:s6+$0x4380];
	[tilespmem:s21+$0x10100] =	vst v26;
	s21 =	smov.u32 s6  }
0xb1: {  	s16 =	sand.u32 $0xC00, s8;
	s6 =	sand.u32 $0x70, s14;
	v26 =	vadd.f32 v28, v27;
	v27 =	vmul.f32 v30, v21;
	v32 =	vand.u32 $0xFFFF0000, v33  }
0xb2: {  	s14 =	sadd.s32 $0x10, s14;
	s6 =	sor.u32 s6, s16;
	v30 =	vshll.u32 v33, $0x10;
	v28 =	vadd.f32 v31, v29;
	v29 =	vmul.f32 v32, v20  }
0xb3: {  	v31 =	vld [tilespmem:s6+$0x4100]  }
0xb4: {  	v26 =	vadd.f32 v27, v26;
	v27 =	vmul.f32 v30, v20;
	v46 =	vand.u32 $0xFFFF0000, v24;
	v32 =	vld [tilespmem:s6+$0x4180]  }
0xb5: {  	v24 =	vshll.u32 v24, $0x10;
	v28 =	vadd.f32 v29, v28;
	v47 =	vmul.f32 v46, v19  }
0xb6: {  	v48 =	vld [tilespmem:s6+$0x4200];
	v24 =	vmul.f32 v24, v19;
	v26 =	vadd.f32 v27, v26;
	v27 =	vand.u32 $0xFFFF0000, v25  }
0xb7: {  	v25 =	vshll.u32 v25, $0x10;
	v28 =	vadd.f32 v47, v28;
	v27 =	vmul.f32 v27, v18  }
0xb8: {  	v49 =	vld [tilespmem:s6+$0x4280];
	v25 =	vmul.f32 v25, v18;
	v24 =	vadd.f32 v24, v26;
	v26 =	vshll.u32 v31, $0x10  }
0xb9: {  	v27 =	vadd.f32 v27, v28;
	v50 =	vand.u32 $0xFFFF0000, v31;
	v51 =	vand.u32 $0xFFFF0000, v32  }
0xba: {  	v33 =	vld [tilespmem:s6+$0x4300];
	v32 =	vshll.u32 v32, $0x10;
	v28 =	vmul.f32 v50, v22;
	v31 =	vmul.f32 v51, v23  }
0xbb: {  	v22 =	vmul.f32 v26, v22;
	v23 =	vmul.f32 v32, v23;
	v26 =	vand.u32 $0xFFFF0000, v48;
	[tilespmem:s21+$0x11100] =	vst v27  }
0xbc: {  	v52 =	vshll.u32 v48, $0x10;
	v26 =	vmul.f32 v26, v21;
	v27 =	vadd.f32 v31, v28;
	v53 =	vld [tilespmem:s6+$0x4380]  }
0xbd: {  	v21 =	vmul.f32 v52, v21;
	v22 =	vadd.f32 v23, v22;
	v23 =	vand.u32 $0xFFFF0000, v49  }
0xbe: {  	v23 =	vmul.f32 v23, v20;
	v26 =	vadd.f32 v26, v27;
	v27 =	vshll.u32 v49, $0x10  }
0xbf: {  	v21 =	vadd.f32 v21, v22;
	v22 =	vand.u32 $0xFFFF0000, v33;
	v20 =	vmul.f32 v27, v20  }
0xc0: {  	v22 =	vmul.f32 v22, v19;
	v23 =	vadd.f32 v23, v26;
	v26 =	vshll.u32 v33, $0x10  }
0xc1: {  	v20 =	vadd.f32 v20, v21;
	v19 =	vmul.f32 v26, v19;
	v21 =	vand.u32 $0xFFFF0000, v53  }
0xc2: {  	v22 =	vadd.f32 v22, v23;
	v23 =	vshll.u32 v53, $0x10;
	v21 =	vmul.f32 v21, v18  }
0xc3: {  	v24 =	vadd.f32 v25, v24;
	v19 =	vadd.f32 v19, v20;
	v18 =	vmul.f32 v23, v18  }
0xc4: {  	v20 =	vadd.f32 v21, v22  }
0xc5: {  	s8 =	simm.s32 $0x0;
	[tilespmem:s21+$0x10100] =	vst v24;
	v18 =	vadd.f32 v18, v19  }
0xc6: {  	s23 =	sand.u32 $0x70, s8;
	s14 =	sand.u32 $0xC00, s8;
	[tilespmem:s6+$0x11100] =	vst v20  }
0xc7: {  	s8 =	sor.u32 s8, s8;
	[tilespmem:s6+$0x10100] =	vst v18;
	s6 =	sor.u32 s23, s14  }
0xc8: {  	s8 =	sor.u32 $0x380, s8;
	v24 =	vld [tilespmem:s6+$0x4400]  }
0xc9: {  	v25 =	vld [tilespmem:s8+$0x4100];
	_ =	sdelay $0x1  }
0xca: {  	v23 =	vbroadcast v17, $0x7;
	v22 =	vbroadcast v17, $0x6;
	v26 =	vld [tilespmem:s6+$0x5100]  }
0xcb: {  	v21 =	vbroadcast v17, $0x8;
	v19 =	vbroadcast v17, $0xA  }
0xcc: {  	v20 =	vbroadcast v17, $0x9;
	v18 =	vbroadcast v17, $0xB;
	v27 =	vld [tilespmem:s6+$0x5180]  }
0xcd: {  	v54 =	vshll.u32 v24, $0x10;
	v24 =	vand.u32 $0xFFFF0000, v24;
	v55 =	vshll.u32 v25, $0x10  }
0xce: {  	v56 =	vld [tilespmem:s6+$0x5200];
	v25 =	vand.u32 $0xFFFF0000, v25;
	v28 =	vmul.f32 v54, v22;
	v29 =	vmul.f32 v55, v23  }
0xcf: {  	v57 =	vshll.u32 v26, $0x10;
	v24 =	vmul.f32 v24, v22;
	v25 =	vmul.f32 v25, v23  }
0xd0: {  	v58 =	vld [tilespmem:s6+$0x5280];
	v26 =	vand.u32 $0xFFFF0000, v26;
	v31 =	vmul.f32 v57, v21;
	v28 =	vadd.f32 v29, v28  }
0xd1: {  	v59 =	vshll.u32 v27, $0x10;
	v24 =	vadd.f32 v25, v24;
	v25 =	vmul.f32 v26, v21  }
0xd2: {  	v26 =	vand.u32 $0xFFFF0000, v27;
	v27 =	vmul.f32 v59, v20;
	v28 =	vadd.f32 v31, v28  }
0xd3: {  	v60 =	vshll.u32 v56, $0x10;
	v24 =	vadd.f32 v25, v24;
	v25 =	vmul.f32 v26, v20  }
0xd4: {  	v61 =	vand.u32 $0xFFFF0000, v56;
	v26 =	vmul.f32 v60, v19;
	v27 =	vadd.f32 v27, v28  }
0xd5: {  	v62 =	vshll.u32 v58, $0x10;
	v24 =	vadd.f32 v25, v24;
	v25 =	vmul.f32 v61, v19  }
0xd6: {  	v63 =	vmul.f32 v62, v18;
	v26 =	vadd.f32 v26, v27;
	v27 =	vand.u32 $0xFFFF0000, v58  }
0xd7: {  	s24 =	simm.s32 $0x10;
	s8 =	simm.s32 $0x80;
	v25 =	vadd.f32 v25, v24;
	v27 =	vmul.f32 v27, v18  }
0xd8: {  	s16 =	sand.u32 $0x70, s24;
	s20 =	sand.u32 $0xC00, s8;
	v26 =	vadd.f32 v63, v26  }
0xd9: {  	s16 =	sor.u32 s16, s20;
	v25 =	vadd.f32 v27, v25  }
0xda: {  	s14 =	simm.s32 $0x20;
	s20 =	sor.u32 s8, s24;
	v24 =	vld [tilespmem:s16+$0x4400];
	[tilespmem:s6+$0x10180] =	vst v26  }
.LBB2_5:
0xdb: {  	p0 =	seq.s32 s14, $0x1F0;
	s20 =	sor.u32 $0x380, s20;
	[tilespmem:s6+$0x11180] =	vst v25;
	s6 =	smov.u32 s16  }
0xdc: {  	v25 =	vld [tilespmem:s20+$0x4100]  }
0xdd: {  	v26 =	vld [tilespmem:s6+$0x5100]  }
0xde: {  	v27 =	vld [tilespmem:s6+$0x5180]  }
0xdf: {  	v28 =	vshll.u32 v24, $0x10  }
0xe0: {  	v24 =	vand.u32 $0xFFFF0000, v24;
	v28 =	vmul.f32 v28, v22;
	v29 =	vld [tilespmem:s6+$0x5200]  }
0xe1: {  	v24 =	vmul.f32 v24, v22;
	v30 =	vshll.u32 v25, $0x10;
	v25 =	vand.u32 $0xFFFF0000, v25  }
0xe2: {  	v30 =	vmul.f32 v30, v23;
	v25 =	vmul.f32 v25, v23;
	v31 =	vshll.u32 v26, $0x10;
	v32 =	vld [tilespmem:s6+$0x5280]  }
0xe3: {  	v26 =	vand.u32 $0xFFFF0000, v26;
	v31 =	vmul.f32 v31, v21;
	v33 =	vshll.u32 v27, $0x10  }
0xe4: {  	v28 =	vadd.f32 v30, v28;
	v24 =	vadd.f32 v25, v24;
	v25 =	vmul.f32 v26, v21  }
0xe5: {  	v26 =	vand.u32 $0xFFFF0000, v27;
	v27 =	vmul.f32 v33, v20;
	v30 =	vshll.u32 v29, $0x10  }
0xe6: {  	v28 =	vadd.f32 v31, v28;
	v24 =	vadd.f32 v25, v24;
	v25 =	vmul.f32 v26, v20  }
0xe7: {  	v26 =	vand.u32 $0xFFFF0000, v29;
	v29 =	vmul.f32 v30, v19;
	v30 =	vshll.u32 v32, $0x10  }
0xe8: {  	v27 =	vadd.f32 v27, v28;
	v24 =	vadd.f32 v25, v24;
	v25 =	vmul.f32 v26, v19  }
0xe9: {  	v26 =	vand.u32 $0xFFFF0000, v32;
	v28 =	vmul.f32 v30, v18  }
.Ltmp1:
0xea: {  	v27 =	vadd.f32 v29, v27;
	v24 =	vadd.f32 v25, v24;
	v25 =	vmul.f32 v26, v18;
	(pc) =	sbr.rel @!p0 .LBB2_5-.Ltmp1, $4  }
0xeb: {  	s8 =	sadd.s32 $0x80, s8  }
0xec: {  	s16 =	sand.u32 $0x70, s14;
	s20 =	sand.u32 $0xC00, s8;
	v26 =	vadd.f32 v28, v27;
	v25 =	vadd.f32 v25, v24  }
0xed: {  	s16 =	sor.u32 s16, s20  }
0xee: {  	s20 =	sor.u32 s8, s14;
	s14 =	sadd.s32 $0x10, s14;
	v24 =	vld [tilespmem:s16+$0x4400];
	[tilespmem:s6+$0x10180] =	vst v26  }
0xef: {  	s8 =	sor.u32 $0x380, s20;
	[tilespmem:s6+$0x11180] =	vst v25  }
0xf0: {  	v25 =	vld [tilespmem:s8+$0x4100];
	_ =	sdelay $0x1  }
0xf1: {  	v26 =	vld [tilespmem:s16+$0x5100];
	_ =	sdelay $0x1  }
0xf2: {  	v27 =	vld [tilespmem:s16+$0x5180]  }
0xf3: {  	v28 =	vshll.u32 v24, $0x10;
	v24 =	vand.u32 $0xFFFF0000, v24;
	v29 =	vshll.u32 v25, $0x10  }
0xf4: {  	v30 =	vld [tilespmem:s16+$0x5200];
	v28 =	vmul.f32 v28, v22;
	v25 =	vand.u32 $0xFFFF0000, v25;
	v29 =	vmul.f32 v29, v23  }
0xf5: {  	v22 =	vmul.f32 v24, v22;
	v24 =	vshll.u32 v26, $0x10;
	v23 =	vmul.f32 v25, v23  }
0xf6: {  	v26 =	vand.u32 $0xFFFF0000, v26;
	v25 =	vld [tilespmem:s16+$0x5280];
	v24 =	vmul.f32 v24, v21;
	v28 =	vadd.f32 v29, v28  }
0xf7: {  	v21 =	vmul.f32 v26, v21;
	v29 =	vshll.u32 v27, $0x10;
	v22 =	vadd.f32 v23, v22  }
0xf8: {  	v23 =	vand.u32 $0xFFFF0000, v27;
	v26 =	vmul.f32 v29, v20;
	v24 =	vadd.f32 v24, v28  }
0xf9: {  	v27 =	vshll.u32 v30, $0x10;
	v20 =	vmul.f32 v23, v20;
	v21 =	vadd.f32 v21, v22  }
0xfa: {  	v23 =	vmul.f32 v27, v19;
	v22 =	vand.u32 $0xFFFF0000, v30;
	v24 =	vadd.f32 v26, v24  }
0xfb: {  	v19 =	vmul.f32 v22, v19;
	v26 =	vshll.u32 v25, $0x10;
	v20 =	vadd.f32 v20, v21  }
0xfc: {  	v21 =	vand.u32 $0xFFFF0000, v25;
	v22 =	vmul.f32 v26, v18;
	v23 =	vadd.f32 v23, v24  }
0xfd: {  	v18 =	vmul.f32 v21, v18;
	v19 =	vadd.f32 v19, v20  }
0xfe: {  	v20 =	vadd.f32 v22, v23  }
0xff: {  	s21 =	simm.s32 $0x0;
	v18 =	vadd.f32 v18, v19  }
0x100: {  	s23 =	sand.u32 $0x70, s21;
	s6 =	sand.u32 $0xC00, s21;
	[tilespmem:s16+$0x10180] =	vst v20  }
0x101: {  	s21 =	sor.u32 s23, s6;
	[tilespmem:s16+$0x11180] =	vst v18  }
0x102: {  	v23 =	vld [tilespmem:s21+$0x5300]  }
0x103: {  	v24 =	vld [tilespmem:s21+$0x5380];
	_ =	sdelay $0x1  }
0x104: {  	v16 =	vshrl.u32 v16, $0xC  }
0x105: {  	v16 =	vcvt.s32.f32 v16  }
0x106: {  	v21 =	vbroadcast v17, $0xC;
	v22 =	vbroadcast v17, $0xD;
	v25 =	vld [tilespmem:s21+$0x5400]  }
0x107: {  	v26 =	vshll.u32 v23, $0x10;
	v23 =	vand.u32 $0xFFFF0000, v23;
	v27 =	vand.u32 $0xFFFF0000, v24  }
0x108: {  	v28 =	vld [tilespmem:s21+$0x5480];
	v23 =	vmul.f32 v23, v21;
	v27 =	vmul.f32 v27, v22  }
0x109: {  	v16 =	vmul.f32 $9.536752260e-07, v16;
	v20 =	vbroadcast v17, $0xE;
	v24 =	vshll.u32 v24, $0x10  }
0x10a: {  	v26 =	vmul.f32 v26, v21;
	v24 =	vmul.f32 v24, v22;
	v27 =	vadd.f32 v27, v23;
	v23 =	vld [tilespmem:s21+$0x6100]  }
0x10b: {  	v19 =	vbroadcast v17, $0xF;
	v18 =	vbroadcast v16, $0x0;
	v29 =	vand.u32 $0xFFFF0000, v25  }
0x10c: {  	s24 =	simm.s32 $0x10;
	s8 =	simm.s32 $0x80;
	v30 =	vshll.u32 v25, $0x10;
	v29 =	vmul.f32 v29, v20;
	v25 =	vadd.f32 v24, v26;
	v24 =	vld [tilespmem:s21+$0x6180]  }
0x10d: {  	s6 =	sand.u32 $0x70, s24;
	s14 =	sand.u32 $0xC00, s8;
	v17 =	vbroadcast v16, $0x1;
	v26 =	vmul.f32 v30, v20;
	v30 =	vand.u32 $0xFFFF0000, v28  }
0x10e: {  	s6 =	sor.u32 s6, s14;
	s14 =	simm.s32 $0x20;
	v27 =	vadd.f32 v29, v27;
	v29 =	vshll.u32 v28, $0x10;
	v28 =	vmul.f32 v30, v19  }
.LBB2_7:
0x10f: {  	p0 =	seq.s32 s14, $0x1F0;
	v30 =	vld [tilespmem:s6+$0x5300];
	v25 =	vadd.f32 v26, v25;
	v26 =	vmul.f32 v29, v19;
	v29 =	vand.u32 $0xFFFF0000, v23  }
0x110: {  	v23 =	vshll.u32 v23, $0x10;
	v31 =	vld [tilespmem:s6+$0x5380];
	v27 =	vadd.f32 v28, v27;
	v28 =	vmul.f32 v29, v18  }
0x111: {  	v23 =	vmul.f32 v23, v18;
	v25 =	vadd.f32 v26, v25;
	v26 =	vand.u32 $0xFFFF0000, v24  }
0x112: {  	v24 =	vshll.u32 v24, $0x10;
	v29 =	vld [tilespmem:s6+$0x5400];
	v27 =	vadd.f32 v28, v27;
	v26 =	vmul.f32 v26, v17  }
0x113: {  	v24 =	vmul.f32 v24, v17;
	v25 =	vadd.f32 v23, v25  }
0x114: {  	v28 =	vshll.u32 v30, $0x10;
	v32 =	vld [tilespmem:s6+$0x5480];
	v26 =	vadd.f32 v26, v27  }
0x115: {  	v23 =	vand.u32 $0xFFFF0000, v30;
	v27 =	vshll.u32 v31, $0x10;
	v30 =	vand.u32 $0xFFFF0000, v31  }
.Ltmp2:
0x116: {  	v31 =	vmul.f32 v23, v21;
	v25 =	vadd.f32 v24, v25;
	v30 =	vmul.f32 v30, v22;
	v23 =	vld [tilespmem:s6+$0x6100];
	[tilespmem:s21+$0x11200] =	vst v26;
	(pc) =	sbr.rel @!p0 .LBB2_7-.Ltmp2, $4  }
0x117: {  	v26 =	vmul.f32 v28, v21;
	v27 =	vmul.f32 v27, v22;
	v24 =	vand.u32 $0xFFFF0000, v29  }
0x118: {  	s8 =	sadd.s32 $0x80, s8;
	v29 =	vshll.u32 v29, $0x10;
	v28 =	vadd.f32 v30, v31;
	v30 =	vmul.f32 v24, v20;
	v24 =	vld [tilespmem:s6+$0x6180];
	[tilespmem:s21+$0x10200] =	vst v25;
	s21 =	smov.u32 s6  }
0x119: {  	s16 =	sand.u32 $0xC00, s8;
	s6 =	sand.u32 $0x70, s14;
	v25 =	vadd.f32 v27, v26;
	v26 =	vmul.f32 v29, v20;
	v31 =	vand.u32 $0xFFFF0000, v32  }
0x11a: {  	s14 =	sadd.s32 $0x10, s14;
	s6 =	sor.u32 s6, s16;
	v29 =	vshll.u32 v32, $0x10;
	v27 =	vadd.f32 v30, v28;
	v28 =	vmul.f32 v31, v19  }
0x11b: {  	v30 =	vld [tilespmem:s6+$0x5300]  }
0x11c: {  	v25 =	vadd.f32 v26, v25;
	v26 =	vmul.f32 v29, v19;
	v29 =	vand.u32 $0xFFFF0000, v23;
	v31 =	vld [tilespmem:s6+$0x5380]  }
0x11d: {  	v23 =	vshll.u32 v23, $0x10;
	v27 =	vadd.f32 v28, v27;
	v28 =	vmul.f32 v29, v18  }
0x11e: {  	v23 =	vmul.f32 v23, v18;
	v29 =	vld [tilespmem:s6+$0x5400];
	v25 =	vadd.f32 v26, v25;
	v26 =	vand.u32 $0xFFFF0000, v24  }
0x11f: {  	v24 =	vshll.u32 v24, $0x10;
	v27 =	vadd.f32 v28, v27;
	v26 =	vmul.f32 v26, v17  }
0x120: {  	v24 =	vmul.f32 v24, v17;
	v28 =	vld [tilespmem:s6+$0x5480];
	v23 =	vadd.f32 v23, v25;
	v25 =	vshll.u32 v30, $0x10  }
0x121: {  	v26 =	vadd.f32 v26, v27;
	v27 =	vand.u32 $0xFFFF0000, v30;
	v30 =	vand.u32 $0xFFFF0000, v31  }
0x122: {  	v32 =	vld [tilespmem:s6+$0x6100];
	v31 =	vshll.u32 v31, $0x10;
	v27 =	vmul.f32 v27, v21;
	v30 =	vmul.f32 v30, v22  }
0x123: {  	v21 =	vmul.f32 v25, v21;
	v22 =	vmul.f32 v31, v22;
	v25 =	vand.u32 $0xFFFF0000, v29;
	[tilespmem:s21+$0x11200] =	vst v26  }
0x124: {  	v25 =	vmul.f32 v25, v20;
	v26 =	vadd.f32 v30, v27;
	v27 =	vshll.u32 v29, $0x10;
	v29 =	vld [tilespmem:s6+$0x6180]  }
0x125: {  	v21 =	vadd.f32 v22, v21;
	v22 =	vand.u32 $0xFFFF0000, v28;
	v20 =	vmul.f32 v27, v20  }
0x126: {  	v22 =	vmul.f32 v22, v19;
	v25 =	vadd.f32 v25, v26;
	v26 =	vshll.u32 v28, $0x10  }
0x127: {  	v20 =	vadd.f32 v20, v21;
	v19 =	vmul.f32 v26, v19;
	v21 =	vand.u32 $0xFFFF0000, v32  }
0x128: {  	v22 =	vadd.f32 v22, v25;
	v25 =	vshll.u32 v32, $0x10;
	v21 =	vmul.f32 v21, v18  }
0x129: {  	v19 =	vadd.f32 v19, v20;
	v18 =	vmul.f32 v25, v18;
	v20 =	vand.u32 $0xFFFF0000, v29  }
0x12a: {  	v21 =	vadd.f32 v21, v22;
	v22 =	vshll.u32 v29, $0x10;
	v20 =	vmul.f32 v20, v17  }
0x12b: {  	v23 =	vadd.f32 v24, v23;
	v18 =	vadd.f32 v18, v19;
	v17 =	vmul.f32 v22, v17  }
0x12c: {  	v19 =	vadd.f32 v20, v21  }
0x12d: {  	[tilespmem:s21+$0x10200] =	vst v23;
	v17 =	vadd.f32 v17, v18  }
0x12e: {  	s23 =	simm.s32 $0x0;
	[tilespmem:s6+$0x11200] =	vst v19  }
0x12f: {  	s8 =	sand.u32 $0x70, s23;
	[tilespmem:s6+$0x10200] =	vst v17;
	s6 =	sand.u32 $0xC00, s23  }
0x130: {  	s21 =	sor.u32 s8, s6  }
0x131: {  	v23 =	vld [tilespmem:s21+$0x6200]  }
0x132: {  	v24 =	vld [tilespmem:s21+$0x6280];
	_ =	sdelay $0x3  }
0x133: {  	v22 =	vbroadcast v16, $0x3;
	v21 =	vbroadcast v16, $0x2;
	v25 =	vld [tilespmem:s21+$0x6300]  }
0x134: {  	v26 =	vshll.u32 v23, $0x10;
	v23 =	vand.u32 $0xFFFF0000, v23;
	v27 =	vand.u32 $0xFFFF0000, v24  }
0x135: {  	v28 =	vld [tilespmem:s21+$0x6380];
	v23 =	vmul.f32 v23, v21;
	v27 =	vmul.f32 v27, v22  }
0x136: {  	v20 =	vbroadcast v16, $0x4;
	v24 =	vshll.u32 v24, $0x10  }
0x137: {  	v26 =	vmul.f32 v26, v21;
	v24 =	vmul.f32 v24, v22;
	v27 =	vadd.f32 v27, v23;
	v23 =	vld [tilespmem:s21+$0x6400]  }
0x138: {  	v18 =	vbroadcast v16, $0x6;
	v19 =	vbroadcast v16, $0x5;
	v29 =	vand.u32 $0xFFFF0000, v25  }
0x139: {  	s24 =	simm.s32 $0x10;
	s8 =	simm.s32 $0x80;
	v30 =	vshll.u32 v25, $0x10;
	v29 =	vmul.f32 v29, v20;
	v25 =	vadd.f32 v24, v26;
	v24 =	vld [tilespmem:s21+$0x6480]  }
0x13a: {  	v17 =	vbroadcast v16, $0x7;
	s6 =	sand.u32 $0x70, s24;
	s14 =	sand.u32 $0xC00, s8;
	v26 =	vmul.f32 v30, v20;
	v30 =	vand.u32 $0xFFFF0000, v28  }
0x13b: {  	s6 =	sor.u32 s6, s14;
	s14 =	simm.s32 $0x20;
	v27 =	vadd.f32 v29, v27;
	v29 =	vshll.u32 v28, $0x10;
	v28 =	vmul.f32 v30, v19  }
.LBB2_9:
0x13c: {  	p0 =	seq.s32 s14, $0x1F0;
	v30 =	vld [tilespmem:s6+$0x6200];
	v25 =	vadd.f32 v26, v25;
	v26 =	vmul.f32 v29, v19;
	v29 =	vand.u32 $0xFFFF0000, v23  }
0x13d: {  	v23 =	vshll.u32 v23, $0x10;
	v31 =	vld [tilespmem:s6+$0x6280];
	v27 =	vadd.f32 v28, v27;
	v28 =	vmul.f32 v29, v18  }
0x13e: {  	v23 =	vmul.f32 v23, v18;
	v25 =	vadd.f32 v26, v25;
	v26 =	vand.u32 $0xFFFF0000, v24  }
0x13f: {  	v24 =	vshll.u32 v24, $0x10;
	v29 =	vld [tilespmem:s6+$0x6300];
	v27 =	vadd.f32 v28, v27;
	v26 =	vmul.f32 v26, v17  }
0x140: {  	v24 =	vmul.f32 v24, v17;
	v25 =	vadd.f32 v23, v25  }
0x141: {  	v28 =	vshll.u32 v30, $0x10;
	v32 =	vld [tilespmem:s6+$0x6380];
	v26 =	vadd.f32 v26, v27  }
0x142: {  	v23 =	vand.u32 $0xFFFF0000, v30;
	v27 =	vshll.u32 v31, $0x10;
	v30 =	vand.u32 $0xFFFF0000, v31  }
.Ltmp3:
0x143: {  	v31 =	vmul.f32 v23, v21;
	v25 =	vadd.f32 v24, v25;
	v30 =	vmul.f32 v30, v22;
	v23 =	vld [tilespmem:s6+$0x6400];
	[tilespmem:s21+$0x11280] =	vst v26;
	(pc) =	sbr.rel @!p0 .LBB2_9-.Ltmp3, $4  }
0x144: {  	v26 =	vmul.f32 v28, v21;
	v27 =	vmul.f32 v27, v22;
	v24 =	vand.u32 $0xFFFF0000, v29  }
0x145: {  	s8 =	sadd.s32 $0x80, s8;
	v29 =	vshll.u32 v29, $0x10;
	v28 =	vadd.f32 v30, v31;
	v30 =	vmul.f32 v24, v20;
	v24 =	vld [tilespmem:s6+$0x6480];
	[tilespmem:s21+$0x10280] =	vst v25;
	s21 =	smov.u32 s6  }
0x146: {  	s16 =	sand.u32 $0xC00, s8;
	s6 =	sand.u32 $0x70, s14;
	v25 =	vadd.f32 v27, v26;
	v26 =	vmul.f32 v29, v20;
	v31 =	vand.u32 $0xFFFF0000, v32  }
0x147: {  	s14 =	sadd.s32 $0x10, s14;
	s6 =	sor.u32 s6, s16;
	v29 =	vshll.u32 v32, $0x10;
	v27 =	vadd.f32 v30, v28;
	v28 =	vmul.f32 v31, v19  }
0x148: {  	v30 =	vld [tilespmem:s6+$0x6200]  }
0x149: {  	v25 =	vadd.f32 v26, v25;
	v26 =	vmul.f32 v29, v19;
	v29 =	vand.u32 $0xFFFF0000, v23;
	v31 =	vld [tilespmem:s6+$0x6280]  }
0x14a: {  	v23 =	vshll.u32 v23, $0x10;
	v27 =	vadd.f32 v28, v27;
	v28 =	vmul.f32 v29, v18  }
0x14b: {  	v23 =	vmul.f32 v23, v18;
	v29 =	vld [tilespmem:s6+$0x6300];
	v25 =	vadd.f32 v26, v25;
	v26 =	vand.u32 $0xFFFF0000, v24  }
0x14c: {  	v24 =	vshll.u32 v24, $0x10;
	v27 =	vadd.f32 v28, v27;
	v26 =	vmul.f32 v26, v17  }
0x14d: {  	v24 =	vmul.f32 v24, v17;
	v28 =	vld [tilespmem:s6+$0x6380];
	v23 =	vadd.f32 v23, v25;
	v25 =	vshll.u32 v30, $0x10  }
0x14e: {  	v26 =	vadd.f32 v26, v27;
	v27 =	vand.u32 $0xFFFF0000, v30;
	v30 =	vand.u32 $0xFFFF0000, v31  }
0x14f: {  	v32 =	vld [tilespmem:s6+$0x6400];
	v31 =	vshll.u32 v31, $0x10;
	v27 =	vmul.f32 v27, v21;
	v30 =	vmul.f32 v30, v22  }
0x150: {  	v21 =	vmul.f32 v25, v21;
	v22 =	vmul.f32 v31, v22;
	v25 =	vand.u32 $0xFFFF0000, v29;
	[tilespmem:s21+$0x11280] =	vst v26  }
0x151: {  	v25 =	vmul.f32 v25, v20;
	v26 =	vadd.f32 v30, v27;
	v27 =	vshll.u32 v29, $0x10;
	v29 =	vld [tilespmem:s6+$0x6480]  }
0x152: {  	v21 =	vadd.f32 v22, v21;
	v22 =	vand.u32 $0xFFFF0000, v28;
	v20 =	vmul.f32 v27, v20  }
0x153: {  	v22 =	vmul.f32 v22, v19;
	v25 =	vadd.f32 v25, v26;
	v26 =	vshll.u32 v28, $0x10  }
0x154: {  	v20 =	vadd.f32 v20, v21;
	v19 =	vmul.f32 v26, v19;
	v21 =	vand.u32 $0xFFFF0000, v32  }
0x155: {  	v22 =	vadd.f32 v22, v25;
	v25 =	vshll.u32 v32, $0x10;
	v21 =	vmul.f32 v21, v18  }
0x156: {  	v19 =	vadd.f32 v19, v20;
	v18 =	vmul.f32 v25, v18;
	v20 =	vand.u32 $0xFFFF0000, v29  }
0x157: {  	v21 =	vadd.f32 v21, v22;
	v22 =	vshll.u32 v29, $0x10;
	v20 =	vmul.f32 v20, v17  }
0x158: {  	v23 =	vadd.f32 v24, v23;
	v18 =	vadd.f32 v18, v19;
	v17 =	vmul.f32 v22, v17  }
0x159: {  	v19 =	vadd.f32 v20, v21  }
0x15a: {  	[tilespmem:s21+$0x10280] =	vst v23;
	v17 =	vadd.f32 v17, v18  }
0x15b: {  	s23 =	simm.s32 $0x0;
	[tilespmem:s6+$0x11280] =	vst v19  }
0x15c: {  	s8 =	sand.u32 $0x70, s23;
	[tilespmem:s6+$0x10280] =	vst v17;
	s6 =	sand.u32 $0xC00, s23  }
0x15d: {  	s21 =	sor.u32 s8, s6  }
0x15e: {  	v23 =	vld [tilespmem:s21+$0x7100]  }
0x15f: {  	v24 =	vld [tilespmem:s21+$0x7180];
	_ =	sdelay $0x3  }
0x160: {  	v22 =	vbroadcast v16, $0x9;
	v21 =	vbroadcast v16, $0x8;
	v25 =	vld [tilespmem:s21+$0x7200]  }
0x161: {  	v26 =	vshll.u32 v23, $0x10;
	v23 =	vand.u32 $0xFFFF0000, v23;
	v27 =	vand.u32 $0xFFFF0000, v24  }
0x162: {  	v28 =	vld [tilespmem:s21+$0x7280];
	v23 =	vmul.f32 v23, v21;
	v27 =	vmul.f32 v27, v22  }
0x163: {  	v20 =	vbroadcast v16, $0xA;
	v24 =	vshll.u32 v24, $0x10  }
0x164: {  	v26 =	vmul.f32 v26, v21;
	v24 =	vmul.f32 v24, v22;
	v27 =	vadd.f32 v27, v23;
	v23 =	vld [tilespmem:s21+$0x7300]  }
0x165: {  	v18 =	vbroadcast v16, $0xC;
	v19 =	vbroadcast v16, $0xB;
	v29 =	vand.u32 $0xFFFF0000, v25  }
0x166: {  	s24 =	simm.s32 $0x10;
	s8 =	simm.s32 $0x80;
	v30 =	vshll.u32 v25, $0x10;
	v29 =	vmul.f32 v29, v20;
	v25 =	vadd.f32 v24, v26;
	v24 =	vld [tilespmem:s21+$0x7380]  }
0x167: {  	v17 =	vbroadcast v16, $0xD;
	s6 =	sand.u32 $0x70, s24;
	s14 =	sand.u32 $0xC00, s8;
	v26 =	vmul.f32 v30, v20;
	v30 =	vand.u32 $0xFFFF0000, v28  }
0x168: {  	s6 =	sor.u32 s6, s14;
	s14 =	simm.s32 $0x20;
	v27 =	vadd.f32 v29, v27;
	v29 =	vshll.u32 v28, $0x10;
	v28 =	vmul.f32 v30, v19  }
.LBB2_11:
0x169: {  	p0 =	seq.s32 s14, $0x1F0;
	v30 =	vld [tilespmem:s6+$0x7100];
	v25 =	vadd.f32 v26, v25;
	v26 =	vmul.f32 v29, v19;
	v29 =	vand.u32 $0xFFFF0000, v23  }
0x16a: {  	v23 =	vshll.u32 v23, $0x10;
	v31 =	vld [tilespmem:s6+$0x7180];
	v27 =	vadd.f32 v28, v27;
	v28 =	vmul.f32 v29, v18  }
0x16b: {  	v23 =	vmul.f32 v23, v18;
	v25 =	vadd.f32 v26, v25;
	v26 =	vand.u32 $0xFFFF0000, v24  }
0x16c: {  	v24 =	vshll.u32 v24, $0x10;
	v29 =	vld [tilespmem:s6+$0x7200];
	v27 =	vadd.f32 v28, v27;
	v26 =	vmul.f32 v26, v17  }
0x16d: {  	v24 =	vmul.f32 v24, v17;
	v25 =	vadd.f32 v23, v25  }
0x16e: {  	v28 =	vshll.u32 v30, $0x10;
	v32 =	vld [tilespmem:s6+$0x7280];
	v26 =	vadd.f32 v26, v27  }
0x16f: {  	v23 =	vand.u32 $0xFFFF0000, v30;
	v27 =	vshll.u32 v31, $0x10;
	v30 =	vand.u32 $0xFFFF0000, v31  }
.Ltmp4:
0x170: {  	v31 =	vmul.f32 v23, v21;
	v25 =	vadd.f32 v24, v25;
	v30 =	vmul.f32 v30, v22;
	v23 =	vld [tilespmem:s6+$0x7300];
	[tilespmem:s21+$0x11300] =	vst v26;
	(pc) =	sbr.rel @!p0 .LBB2_11-.Ltmp4, $4  }
0x171: {  	v26 =	vmul.f32 v28, v21;
	v27 =	vmul.f32 v27, v22;
	v24 =	vand.u32 $0xFFFF0000, v29  }
0x172: {  	s8 =	sadd.s32 $0x80, s8;
	v29 =	vshll.u32 v29, $0x10;
	v28 =	vadd.f32 v30, v31;
	v30 =	vmul.f32 v24, v20;
	v24 =	vld [tilespmem:s6+$0x7380];
	[tilespmem:s21+$0x10300] =	vst v25;
	s21 =	smov.u32 s6  }
0x173: {  	s16 =	sand.u32 $0xC00, s8;
	s6 =	sand.u32 $0x70, s14;
	v25 =	vadd.f32 v27, v26;
	v26 =	vmul.f32 v29, v20;
	v31 =	vand.u32 $0xFFFF0000, v32  }
0x174: {  	s14 =	sadd.s32 $0x10, s14;
	s6 =	sor.u32 s6, s16;
	v29 =	vshll.u32 v32, $0x10;
	v27 =	vadd.f32 v30, v28;
	v28 =	vmul.f32 v31, v19  }
0x175: {  	v30 =	vld [tilespmem:s6+$0x7100]  }
0x176: {  	v25 =	vadd.f32 v26, v25;
	v26 =	vmul.f32 v29, v19;
	v29 =	vand.u32 $0xFFFF0000, v23;
	v31 =	vld [tilespmem:s6+$0x7180]  }
0x177: {  	v23 =	vshll.u32 v23, $0x10;
	v27 =	vadd.f32 v28, v27;
	v28 =	vmul.f32 v29, v18  }
0x178: {  	v23 =	vmul.f32 v23, v18;
	v29 =	vld [tilespmem:s6+$0x7200];
	v25 =	vadd.f32 v26, v25;
	v26 =	vand.u32 $0xFFFF0000, v24  }
0x179: {  	v24 =	vshll.u32 v24, $0x10;
	v27 =	vadd.f32 v28, v27;
	v26 =	vmul.f32 v26, v17  }
0x17a: {  	v24 =	vmul.f32 v24, v17;
	v28 =	vld [tilespmem:s6+$0x7280];
	v23 =	vadd.f32 v23, v25;
	v25 =	vshll.u32 v30, $0x10  }
0x17b: {  	v26 =	vadd.f32 v26, v27;
	v27 =	vand.u32 $0xFFFF0000, v30;
	v30 =	vand.u32 $0xFFFF0000, v31  }
0x17c: {  	v32 =	vld [tilespmem:s6+$0x7300];
	v31 =	vshll.u32 v31, $0x10;
	v27 =	vmul.f32 v27, v21;
	v30 =	vmul.f32 v30, v22  }
0x17d: {  	v21 =	vmul.f32 v25, v21;
	v22 =	vmul.f32 v31, v22;
	v25 =	vand.u32 $0xFFFF0000, v29;
	[tilespmem:s21+$0x11300] =	vst v26  }
0x17e: {  	v25 =	vmul.f32 v25, v20;
	v26 =	vadd.f32 v30, v27;
	v27 =	vshll.u32 v29, $0x10;
	v29 =	vld [tilespmem:s6+$0x7380]  }
0x17f: {  	v21 =	vadd.f32 v22, v21;
	v22 =	vand.u32 $0xFFFF0000, v28;
	v20 =	vmul.f32 v27, v20  }
0x180: {  	v22 =	vmul.f32 v22, v19;
	v25 =	vadd.f32 v25, v26;
	v26 =	vshll.u32 v28, $0x10  }
0x181: {  	v20 =	vadd.f32 v20, v21;
	v19 =	vmul.f32 v26, v19;
	v21 =	vand.u32 $0xFFFF0000, v32  }
0x182: {  	v22 =	vadd.f32 v22, v25;
	v25 =	vshll.u32 v32, $0x10;
	v21 =	vmul.f32 v21, v18  }
0x183: {  	v19 =	vadd.f32 v19, v20;
	v18 =	vmul.f32 v25, v18;
	v20 =	vand.u32 $0xFFFF0000, v29  }
0x184: {  	v21 =	vadd.f32 v21, v22;
	v22 =	vshll.u32 v29, $0x10;
	v20 =	vmul.f32 v20, v17  }
0x185: {  	v23 =	vadd.f32 v24, v23;
	v18 =	vadd.f32 v18, v19;
	v17 =	vmul.f32 v22, v17  }
0x186: {  	v19 =	vadd.f32 v20, v21  }
0x187: {  	[tilespmem:s21+$0x10300] =	vst v23;
	v17 =	vadd.f32 v17, v18  }
0x188: {  	s23 =	simm.s32 $0x0;
	[tilespmem:s6+$0x11300] =	vst v19  }
0x189: {  	s8 =	sand.u32 $0x70, s23;
	[tilespmem:s6+$0x10300] =	vst v17;
	s6 =	sand.u32 $0xC00, s23  }
0x18a: {  	s21 =	sor.u32 s8, s6  }
0x18b: {  	v22 =	vld [tilespmem:s21+$0x7400]  }
0x18c: {  	v15 =	vshrl.u32 v15, $0xC;
	v23 =	vld [tilespmem:s21+$0x7480]  }
0x18d: {  	v15 =	vcvt.s32.f32 v15;
	_ =	sdelay $0x1  }
0x18e: {  	v15 =	vmul.f32 $9.536752260e-07, v15  }
0x18f: {  	v20 =	vbroadcast v16, $0xE;
	v21 =	vbroadcast v16, $0xF;
	v24 =	vld [tilespmem:s21+$0x8100]  }
0x190: {  	v25 =	vshll.u32 v22, $0x10;
	v22 =	vand.u32 $0xFFFF0000, v22;
	v26 =	vand.u32 $0xFFFF0000, v23  }
0x191: {  	v27 =	vld [tilespmem:s21+$0x8180];
	v22 =	vmul.f32 v22, v20;
	v26 =	vmul.f32 v26, v21  }
0x192: {  	v19 =	vbroadcast v15, $0x0;
	v23 =	vshll.u32 v23, $0x10  }
0x193: {  	v25 =	vmul.f32 v25, v20;
	v23 =	vmul.f32 v23, v21;
	v26 =	vadd.f32 v26, v22;
	v22 =	vld [tilespmem:s21+$0x8200]  }
0x194: {  	v16 =	vbroadcast v15, $0x3;
	v18 =	vbroadcast v15, $0x1;
	v28 =	vand.u32 $0xFFFF0000, v24  }
0x195: {  	s24 =	simm.s32 $0x10;
	s8 =	simm.s32 $0x80;
	v29 =	vshll.u32 v24, $0x10;
	v28 =	vmul.f32 v28, v19;
	v24 =	vadd.f32 v23, v25;
	v23 =	vld [tilespmem:s21+$0x8280]  }
0x196: {  	v17 =	vbroadcast v15, $0x2;
	s6 =	sand.u32 $0x70, s24;
	s14 =	sand.u32 $0xC00, s8;
	v25 =	vmul.f32 v29, v19;
	v29 =	vand.u32 $0xFFFF0000, v27  }
0x197: {  	s6 =	sor.u32 s6, s14;
	s14 =	simm.s32 $0x20;
	v26 =	vadd.f32 v28, v26;
	v28 =	vshll.u32 v27, $0x10;
	v27 =	vmul.f32 v29, v18  }
.LBB2_13:
0x198: {  	p0 =	seq.s32 s14, $0x1F0;
	v29 =	vld [tilespmem:s6+$0x7400];
	v24 =	vadd.f32 v25, v24;
	v25 =	vmul.f32 v28, v18;
	v28 =	vand.u32 $0xFFFF0000, v22  }
0x199: {  	v22 =	vshll.u32 v22, $0x10;
	v30 =	vld [tilespmem:s6+$0x7480];
	v26 =	vadd.f32 v27, v26;
	v27 =	vmul.f32 v28, v17  }
0x19a: {  	v22 =	vmul.f32 v22, v17;
	v24 =	vadd.f32 v25, v24;
	v25 =	vand.u32 $0xFFFF0000, v23  }
0x19b: {  	v23 =	vshll.u32 v23, $0x10;
	v28 =	vld [tilespmem:s6+$0x8100];
	v26 =	vadd.f32 v27, v26;
	v25 =	vmul.f32 v25, v16  }
0x19c: {  	v23 =	vmul.f32 v23, v16;
	v24 =	vadd.f32 v22, v24  }
0x19d: {  	v27 =	vshll.u32 v29, $0x10;
	v31 =	vld [tilespmem:s6+$0x8180];
	v25 =	vadd.f32 v25, v26  }
0x19e: {  	v22 =	vand.u32 $0xFFFF0000, v29;
	v26 =	vshll.u32 v30, $0x10;
	v29 =	vand.u32 $0xFFFF0000, v30  }
.Ltmp5:
0x19f: {  	v30 =	vmul.f32 v22, v20;
	v24 =	vadd.f32 v23, v24;
	v29 =	vmul.f32 v29, v21;
	v22 =	vld [tilespmem:s6+$0x8200];
	[tilespmem:s21+$0x11380] =	vst v25;
	(pc) =	sbr.rel @!p0 .LBB2_13-.Ltmp5, $4  }
0x1a0: {  	v25 =	vmul.f32 v27, v20;
	v26 =	vmul.f32 v26, v21;
	v23 =	vand.u32 $0xFFFF0000, v28  }
0x1a1: {  	s8 =	sadd.s32 $0x80, s8;
	v28 =	vshll.u32 v28, $0x10;
	v27 =	vadd.f32 v29, v30;
	v29 =	vmul.f32 v23, v19;
	v23 =	vld [tilespmem:s6+$0x8280];
	[tilespmem:s21+$0x10380] =	vst v24;
	s21 =	smov.u32 s6  }
0x1a2: {  	s16 =	sand.u32 $0xC00, s8;
	s6 =	sand.u32 $0x70, s14;
	v24 =	vadd.f32 v26, v25;
	v25 =	vmul.f32 v28, v19;
	v30 =	vand.u32 $0xFFFF0000, v31  }
0x1a3: {  	s14 =	sadd.s32 $0x10, s14;
	s6 =	sor.u32 s6, s16;
	v28 =	vshll.u32 v31, $0x10;
	v26 =	vadd.f32 v29, v27;
	v27 =	vmul.f32 v30, v18  }
0x1a4: {  	v29 =	vld [tilespmem:s6+$0x7400]  }
0x1a5: {  	v24 =	vadd.f32 v25, v24;
	v25 =	vmul.f32 v28, v18;
	v28 =	vand.u32 $0xFFFF0000, v22;
	v30 =	vld [tilespmem:s6+$0x7480]  }
0x1a6: {  	v22 =	vshll.u32 v22, $0x10;
	v26 =	vadd.f32 v27, v26;
	v27 =	vmul.f32 v28, v17  }
0x1a7: {  	v22 =	vmul.f32 v22, v17;
	v28 =	vld [tilespmem:s6+$0x8100];
	v24 =	vadd.f32 v25, v24;
	v25 =	vand.u32 $0xFFFF0000, v23  }
0x1a8: {  	v23 =	vshll.u32 v23, $0x10;
	v26 =	vadd.f32 v27, v26;
	v25 =	vmul.f32 v25, v16  }
0x1a9: {  	v23 =	vmul.f32 v23, v16;
	v27 =	vld [tilespmem:s6+$0x8180];
	v22 =	vadd.f32 v22, v24;
	v24 =	vshll.u32 v29, $0x10  }
0x1aa: {  	v25 =	vadd.f32 v25, v26;
	v26 =	vand.u32 $0xFFFF0000, v29;
	v29 =	vand.u32 $0xFFFF0000, v30  }
0x1ab: {  	v31 =	vld [tilespmem:s6+$0x8200];
	v30 =	vshll.u32 v30, $0x10;
	v26 =	vmul.f32 v26, v20;
	v29 =	vmul.f32 v29, v21  }
0x1ac: {  	v20 =	vmul.f32 v24, v20;
	v21 =	vmul.f32 v30, v21;
	v24 =	vand.u32 $0xFFFF0000, v28;
	[tilespmem:s21+$0x11380] =	vst v25  }
0x1ad: {  	v24 =	vmul.f32 v24, v19;
	v25 =	vadd.f32 v29, v26;
	v26 =	vshll.u32 v28, $0x10;
	v28 =	vld [tilespmem:s6+$0x8280]  }
0x1ae: {  	v20 =	vadd.f32 v21, v20;
	v21 =	vand.u32 $0xFFFF0000, v27;
	v19 =	vmul.f32 v26, v19  }
0x1af: {  	v21 =	vmul.f32 v21, v18;
	v24 =	vadd.f32 v24, v25;
	v25 =	vshll.u32 v27, $0x10  }
0x1b0: {  	v19 =	vadd.f32 v19, v20;
	v18 =	vmul.f32 v25, v18;
	v20 =	vand.u32 $0xFFFF0000, v31  }
0x1b1: {  	v21 =	vadd.f32 v21, v24;
	v24 =	vshll.u32 v31, $0x10;
	v20 =	vmul.f32 v20, v17  }
0x1b2: {  	v18 =	vadd.f32 v18, v19;
	v17 =	vmul.f32 v24, v17;
	v19 =	vand.u32 $0xFFFF0000, v28  }
0x1b3: {  	v20 =	vadd.f32 v20, v21;
	v21 =	vshll.u32 v28, $0x10;
	v19 =	vmul.f32 v19, v16  }
0x1b4: {  	v22 =	vadd.f32 v23, v22;
	v17 =	vadd.f32 v17, v18;
	v16 =	vmul.f32 v21, v16  }
0x1b5: {  	v18 =	vadd.f32 v19, v20  }
0x1b6: {  	[tilespmem:s21+$0x10380] =	vst v22;
	v16 =	vadd.f32 v16, v17  }
0x1b7: {  	s23 =	simm.s32 $0x0;
	[tilespmem:s6+$0x11380] =	vst v18  }
0x1b8: {  	s8 =	sand.u32 $0x70, s23;
	[tilespmem:s6+$0x10380] =	vst v16;
	s6 =	sand.u32 $0xC00, s23  }
0x1b9: {  	s21 =	sor.u32 s8, s6  }
0x1ba: {  	v22 =	vld [tilespmem:s21+$0x8300]  }
0x1bb: {  	v23 =	vld [tilespmem:s21+$0x8380];
	_ =	sdelay $0x3  }
0x1bc: {  	v21 =	vbroadcast v15, $0x5;
	v20 =	vbroadcast v15, $0x4;
	v24 =	vld [tilespmem:s21+$0x8400]  }
0x1bd: {  	v25 =	vshll.u32 v22, $0x10;
	v22 =	vand.u32 $0xFFFF0000, v22;
	v26 =	vand.u32 $0xFFFF0000, v23  }
0x1be: {  	v27 =	vld [tilespmem:s21+$0x8480];
	v22 =	vmul.f32 v22, v20;
	v26 =	vmul.f32 v26, v21  }
0x1bf: {  	v19 =	vbroadcast v15, $0x6;
	v23 =	vshll.u32 v23, $0x10  }
0x1c0: {  	v25 =	vmul.f32 v25, v20;
	v23 =	vmul.f32 v23, v21;
	v26 =	vadd.f32 v26, v22;
	v22 =	vld [tilespmem:s21+$0x9100]  }
0x1c1: {  	v17 =	vbroadcast v15, $0x8;
	v18 =	vbroadcast v15, $0x7;
	v28 =	vand.u32 $0xFFFF0000, v24  }
0x1c2: {  	s24 =	simm.s32 $0x10;
	s8 =	simm.s32 $0x80;
	v29 =	vshll.u32 v24, $0x10;
	v28 =	vmul.f32 v28, v19;
	v24 =	vadd.f32 v23, v25;
	v23 =	vld [tilespmem:s21+$0x9180]  }
0x1c3: {  	v16 =	vbroadcast v15, $0x9;
	s6 =	sand.u32 $0x70, s24;
	s14 =	sand.u32 $0xC00, s8;
	v25 =	vmul.f32 v29, v19;
	v29 =	vand.u32 $0xFFFF0000, v27  }
0x1c4: {  	s6 =	sor.u32 s6, s14;
	s14 =	simm.s32 $0x20;
	v26 =	vadd.f32 v28, v26;
	v28 =	vshll.u32 v27, $0x10;
	v27 =	vmul.f32 v29, v18  }
.LBB2_15:
0x1c5: {  	p0 =	seq.s32 s14, $0x1F0;
	v29 =	vld [tilespmem:s6+$0x8300];
	v24 =	vadd.f32 v25, v24;
	v25 =	vmul.f32 v28, v18;
	v28 =	vand.u32 $0xFFFF0000, v22  }
0x1c6: {  	v22 =	vshll.u32 v22, $0x10;
	v30 =	vld [tilespmem:s6+$0x8380];
	v26 =	vadd.f32 v27, v26;
	v27 =	vmul.f32 v28, v17  }
0x1c7: {  	v22 =	vmul.f32 v22, v17;
	v24 =	vadd.f32 v25, v24;
	v25 =	vand.u32 $0xFFFF0000, v23  }
0x1c8: {  	v23 =	vshll.u32 v23, $0x10;
	v28 =	vld [tilespmem:s6+$0x8400];
	v26 =	vadd.f32 v27, v26;
	v25 =	vmul.f32 v25, v16  }
0x1c9: {  	v23 =	vmul.f32 v23, v16;
	v24 =	vadd.f32 v22, v24  }
0x1ca: {  	v27 =	vshll.u32 v29, $0x10;
	v31 =	vld [tilespmem:s6+$0x8480];
	v25 =	vadd.f32 v25, v26  }
0x1cb: {  	v22 =	vand.u32 $0xFFFF0000, v29;
	v26 =	vshll.u32 v30, $0x10;
	v29 =	vand.u32 $0xFFFF0000, v30  }
.Ltmp6:
0x1cc: {  	v30 =	vmul.f32 v22, v20;
	v24 =	vadd.f32 v23, v24;
	v29 =	vmul.f32 v29, v21;
	v22 =	vld [tilespmem:s6+$0x9100];
	[tilespmem:s21+$0x11400] =	vst v25;
	(pc) =	sbr.rel @!p0 .LBB2_15-.Ltmp6, $4  }
0x1cd: {  	v25 =	vmul.f32 v27, v20;
	v26 =	vmul.f32 v26, v21;
	v23 =	vand.u32 $0xFFFF0000, v28  }
0x1ce: {  	s8 =	sadd.s32 $0x80, s8;
	v28 =	vshll.u32 v28, $0x10;
	v27 =	vadd.f32 v29, v30;
	v29 =	vmul.f32 v23, v19;
	v23 =	vld [tilespmem:s6+$0x9180];
	[tilespmem:s21+$0x10400] =	vst v24;
	s21 =	smov.u32 s6  }
0x1cf: {  	s16 =	sand.u32 $0xC00, s8;
	s6 =	sand.u32 $0x70, s14;
	v24 =	vadd.f32 v26, v25;
	v25 =	vmul.f32 v28, v19;
	v30 =	vand.u32 $0xFFFF0000, v31  }
0x1d0: {  	s14 =	sadd.s32 $0x10, s14;
	s6 =	sor.u32 s6, s16;
	v28 =	vshll.u32 v31, $0x10;
	v26 =	vadd.f32 v29, v27;
	v27 =	vmul.f32 v30, v18  }
0x1d1: {  	v29 =	vld [tilespmem:s6+$0x8300]  }
0x1d2: {  	v24 =	vadd.f32 v25, v24;
	v25 =	vmul.f32 v28, v18;
	v60 =	vand.u32 $0xFFFF0000, v22;
	v30 =	vld [tilespmem:s6+$0x8380]  }
0x1d3: {  	v22 =	vshll.u32 v22, $0x10;
	v26 =	vadd.f32 v27, v26;
	v27 =	vmul.f32 v60, v17  }
0x1d4: {  	v61 =	vld [tilespmem:s6+$0x8400];
	v22 =	vmul.f32 v22, v17;
	v24 =	vadd.f32 v25, v24;
	v25 =	vand.u32 $0xFFFF0000, v23  }
0x1d5: {  	v23 =	vshll.u32 v23, $0x10;
	v26 =	vadd.f32 v27, v26;
	v25 =	vmul.f32 v25, v16  }
0x1d6: {  	v23 =	vmul.f32 v23, v16;
	v27 =	vld [tilespmem:s6+$0x8480];
	v22 =	vadd.f32 v22, v24;
	v24 =	vshll.u32 v29, $0x10  }
0x1d7: {  	v25 =	vadd.f32 v25, v26;
	v26 =	vand.u32 $0xFFFF0000, v29;
	v62 =	vand.u32 $0xFFFF0000, v30  }
0x1d8: {  	v31 =	vld [tilespmem:s6+$0x9100];
	v30 =	vshll.u32 v30, $0x10;
	v26 =	vmul.f32 v26, v20;
	v29 =	vmul.f32 v62, v21  }
0x1d9: {  	v20 =	vmul.f32 v24, v20;
	v21 =	vmul.f32 v30, v21;
	v24 =	vand.u32 $0xFFFF0000, v61;
	[tilespmem:s21+$0x11400] =	vst v25  }
0x1da: {  	v24 =	vmul.f32 v24, v19;
	v25 =	vadd.f32 v29, v26;
	v26 =	vshll.u32 v61, $0x10;
	v63 =	vld [tilespmem:s6+$0x9180]  }
0x1db: {  	v20 =	vadd.f32 v21, v20;
	v21 =	vand.u32 $0xFFFF0000, v27;
	v19 =	vmul.f32 v26, v19  }
0x1dc: {  	v21 =	vmul.f32 v21, v18;
	v24 =	vadd.f32 v24, v25;
	v25 =	vshll.u32 v27, $0x10  }
0x1dd: {  	v19 =	vadd.f32 v19, v20;
	v18 =	vmul.f32 v25, v18;
	v20 =	vand.u32 $0xFFFF0000, v31  }
0x1de: {  	v21 =	vadd.f32 v21, v24;
	v24 =	vshll.u32 v31, $0x10;
	v20 =	vmul.f32 v20, v17  }
0x1df: {  	v18 =	vadd.f32 v18, v19;
	v17 =	vmul.f32 v24, v17;
	v19 =	vand.u32 $0xFFFF0000, v63  }
0x1e0: {  	v20 =	vadd.f32 v20, v21;
	v21 =	vshll.u32 v63, $0x10;
	v19 =	vmul.f32 v19, v16  }
0x1e1: {  	v22 =	vadd.f32 v23, v22;
	v17 =	vadd.f32 v17, v18;
	v16 =	vmul.f32 v21, v16  }
0x1e2: {  	v18 =	vadd.f32 v19, v20  }
0x1e3: {  	s8 =	simm.s32 $0x0;
	[tilespmem:s21+$0x10400] =	vst v22;
	v16 =	vadd.f32 v16, v17  }
0x1e4: {  	s24 =	sand.u32 $0x70, s8;
	s14 =	sand.u32 $0xC00, s8;
	[tilespmem:s6+$0x11400] =	vst v18  }
0x1e5: {  	[tilespmem:s6+$0x10400] =	vst v16;
	s6 =	sor.u32 s24, s14  }
0x1e6: {  	v24 =	vld [tilespmem:s6+$0x9280]  }
0x1e7: {  	s16 =	simm.s32 $0x10;
	v20 =	vbroadcast v15, $0xA;
	v19 =	vbroadcast v15, $0xB;
	v23 =	vld [tilespmem:s6+$0x9200]  }
0x1e8: {  	s20 =	simm.s32 $0x20;
	s8 =	sor.u32 s8, s8;
	v17 =	vbroadcast v15, $0xD;
	v18 =	vbroadcast v15, $0xC;
	s14 =	simm.s32 $0x80;
	v22 =	vld [tilespmem:s6+$0x9300]  }
0x1e9: {  	s23 =	sand.u32 $0x70, s16;
	v16 =	vbroadcast v15, $0xE;
	v15 =	vbroadcast v15, $0xF;
	s24 =	sand.u32 $0xC00, s14;
	s21 =	sor.u32 s14, s16;
	v21 =	vld [tilespmem:s6+$0x9380]  }
.LBB2_17:
0x1ea: {  	p0 =	sne.s32 s20, $0x1F0  }
0x1eb: {  	s23 =	sor.u32 s23, s24;
	v25 =	vshll.u32 v24, $0x10;
	v24 =	vand.u32 $0xFFFF0000, v24;
	s16 =	smov.u32 s20;
	s20 =	sadd.s32 $0x10, s20  }
0x1ec: {  	v26 =	vshll.u32 v23, $0x10;
	v23 =	vand.u32 $0xFFFF0000, v23;
	v25 =	vmul.f32 v25, v19;
	v27 =	vld [tilespmem:s6+$0x9400]  }
0x1ed: {  	v26 =	vmul.f32 v26, v20;
	v23 =	vmul.f32 v23, v20;
	v28 =	vshll.u32 v22, $0x10  }
0x1ee: {  	v24 =	vmul.f32 v24, v19;
	v22 =	vand.u32 $0xFFFF0000, v22;
	v28 =	vmul.f32 v28, v18;
	v29 =	vld [tilespmem:s6+$0x9480]  }
0x1ef: {  	v25 =	vadd.f32 v25, v26;
	v26 =	vshll.u32 v21, $0x10;
	v21 =	vand.u32 $0xFFFF0000, v21  }
0x1f0: {  	v22 =	vmul.f32 v22, v18;
	v23 =	vadd.f32 v24, v23;
	v24 =	vmul.f32 v26, v17  }
0x1f1: {  	v25 =	vadd.f32 v28, v25;
	v26 =	vshll.u32 v27, $0x10;
	v27 =	vand.u32 $0xFFFF0000, v27  }
0x1f2: {  	v21 =	vmul.f32 v21, v17;
	v22 =	vadd.f32 v22, v23;
	v23 =	vmul.f32 v26, v16  }
0x1f3: {  	v24 =	vadd.f32 v24, v25;
	v25 =	vshll.u32 v29, $0x10;
	v26 =	vand.u32 $0xFFFF0000, v29  }
0x1f4: {  	v21 =	vadd.f32 v21, v22;
	v22 =	vmul.f32 v27, v16;
	v25 =	vmul.f32 v25, v15  }
0x1f5: {  	v23 =	vadd.f32 v23, v24  }
0x1f6: {  	v21 =	vadd.f32 v22, v21;
	v22 =	vmul.f32 v26, v15  }
0x1f7: {  	s24 =	sor.u32 $0x380, s8;
	s8 =	smov.u32 s21;
	v23 =	vadd.f32 v25, v23  }
0x1f8: {  	v21 =	vadd.f32 v22, v21  }
0x1f9: {  	[tilespmem:s24+$0x10100] =	vst v23  }
.Ltmp7:
0x1fa: {  	v24 =	vld [tilespmem:s23+$0x9280];
	[tilespmem:s6+$0x11480] =	vst v21;
	s6 =	smov.u32 s23;
	(pc) =	sbr.rel @p0 .LBB2_17-.Ltmp7, $4  }
0x1fb: {  	v23 =	vld [tilespmem:s6+$0x9200]  }
0x1fc: {  	v22 =	vld [tilespmem:s6+$0x9300]  }
0x1fd: {  	s14 =	sadd.s32 $0x80, s14  }
0x1fe: {  	s21 =	sor.u32 s14, s16;
	s24 =	sand.u32 $0xC00, s14;
	s23 =	sand.u32 $0x70, s16;
	v21 =	vld [tilespmem:s6+$0x9380]  }
0x1ff: {  	_ = 	snop  }
0x200: {  	v25 =	vshll.u32 v24, $0x10;
	v24 =	vand.u32 $0xFFFF0000, v24;
	v26 =	vshll.u32 v23, $0x10  }
0x201: {  	v27 =	vld [tilespmem:s6+$0x9400];
	v23 =	vand.u32 $0xFFFF0000, v23;
	v25 =	vmul.f32 v25, v19;
	v26 =	vmul.f32 v26, v20  }
0x202: {  	v24 =	vmul.f32 v24, v19;
	v23 =	vmul.f32 v23, v20;
	v28 =	vshll.u32 v22, $0x10  }
0x203: {  	v29 =	vld [tilespmem:s6+$0x9480];
	v22 =	vand.u32 $0xFFFF0000, v22;
	v28 =	vmul.f32 v28, v18;
	v25 =	vadd.f32 v25, v26  }
0x204: {  	v22 =	vmul.f32 v22, v18;
	v26 =	vshll.u32 v21, $0x10;
	v23 =	vadd.f32 v24, v23  }
0x205: {  	v21 =	vand.u32 $0xFFFF0000, v21;
	v24 =	vmul.f32 v26, v17;
	v25 =	vadd.f32 v28, v25  }
0x206: {  	v26 =	vshll.u32 v27, $0x10;
	v21 =	vmul.f32 v21, v17;
	v22 =	vadd.f32 v22, v23  }
0x207: {  	v23 =	vmul.f32 v26, v16;
	v24 =	vadd.f32 v24, v25;
	v25 =	vand.u32 $0xFFFF0000, v27  }
0x208: {  	v26 =	vshll.u32 v29, $0x10;
	v21 =	vadd.f32 v21, v22;
	v22 =	vmul.f32 v25, v16  }
0x209: {  	v25 =	vmul.f32 v26, v15;
	v23 =	vadd.f32 v23, v24;
	v24 =	vand.u32 $0xFFFF0000, v29  }
0x20a: {  	v21 =	vadd.f32 v22, v21;
	v22 =	vmul.f32 v24, v15  }
0x20b: {  	v23 =	vadd.f32 v25, v23  }
0x20c: {  	s14 =	sor.u32 $0x380, s8;
	v21 =	vadd.f32 v22, v21  }
0x20d: {  	s24 =	sor.u32 s23, s24;
	[tilespmem:s14+$0x10100] =	vst v23  }
0x20e: {  	v22 =	vld [tilespmem:s24+$0x9280];
	[tilespmem:s6+$0x11480] =	vst v21  }
0x20f: {  	v21 =	vld [tilespmem:s24+$0x9200];
	_ =	sdelay $0x1  }
0x210: {  	v23 =	vld [tilespmem:s24+$0x9300];
	_ =	sdelay $0x1  }
0x211: {  	v24 =	vld [tilespmem:s24+$0x9380];
	v25 =	vshll.u32 v22, $0x10  }
0x212: {  	v22 =	vand.u32 $0xFFFF0000, v22;
	v26 =	vshll.u32 v21, $0x10;
	v25 =	vmul.f32 v25, v19  }
0x213: {  	v27 =	vld [tilespmem:s24+$0x9400];
	v21 =	vand.u32 $0xFFFF0000, v21;
	v19 =	vmul.f32 v22, v19;
	v26 =	vmul.f32 v26, v20  }
0x214: {  	v22 =	vand.u32 $0xFFFF0000, v23;
	v20 =	vmul.f32 v21, v20;
	v21 =	vshll.u32 v23, $0x10  }
0x215: {  	v21 =	vmul.f32 v21, v18;
	v18 =	vmul.f32 v22, v18;
	v23 =	vadd.f32 v25, v26  }
0x216: {  	v25 =	vld [tilespmem:s24+$0x9480];
	v26 =	vshll.u32 v24, $0x10;
	v19 =	vadd.f32 v19, v20;
	v20 =	vand.u32 $0xFFFF0000, v24  }
0x217: {  	v22 =	vmul.f32 v26, v17;
	v17 =	vmul.f32 v20, v17  }
0x218: {  	v21 =	vadd.f32 v21, v23;
	v23 =	vshll.u32 v27, $0x10;
	v18 =	vadd.f32 v18, v19  }
0x219: {  	v19 =	vand.u32 $0xFFFF0000, v27;
	v20 =	vmul.f32 v23, v16  }
0x21a: {  	v16 =	vmul.f32 v19, v16;
	v21 =	vadd.f32 v22, v21;
	v17 =	vadd.f32 v17, v18  }
0x21b: {  	v18 =	vshll.u32 v25, $0x10;
	v19 =	vand.u32 $0xFFFF0000, v25  }
0x21c: {  	p0 =	seq.s32 s17, $0x7;
	v18 =	vmul.f32 v18, v15;
	v20 =	vadd.f32 v20, v21;
	v16 =	vadd.f32 v16, v17  }
0x21d: {  	v15 =	vmul.f32 v19, v15;
	v17 =	vimm.s32 @!p0 $0x10543210;
	v19 =	vimm.s32 @!p0 $0x32105432  }
0x21e: {  	v17 =	vunpack.c.l.s4.s8 @!p0 v17;
	v19 =	vunpack.c.l.s4.s8 @!p0 v19  }
0x21f: {  	vm1 =	vcmask @!p0 $0x1700;
	v18 =	vadd.f32 v18, v20;
	v15 =	vadd.f32 v15, v16  }
0x220: {  	s6 =	sadd.s32 @!p0 $0x10, s19;
	v16 =	vimm.s32 @!p0 $0x100;
	v17 =	vunpack.c.0.s8.s32 @!p0 v17;
	v19 =	vunpack.c.0.s8.s32 @!p0 v19  }
0x221: {  	v20 =	vmov @!p0 s6;
	v16 =	vsel @!p0 vm1, $0x0, v16;
	vm1 =	vcmask @!p0 $0x2F18  }
0x222: {  	s16 =	sadd.s32 s4, s19;
	s14 =	sor.u32 $0x380, s21;
	v20 =	vshll.u32 @!p0 v20, $0x7;
	v16 =	vsel @!p0 vm1, $0x80, v16;
	v21 =	vcombine.low @!p0 v17, v19  }
0x223: {  	s19 =	sshll.u32 s16, $0x7;
	[tilespmem:s14+$0x10100] =	vst v18;
	v16 =	vor.u32 @!p0 v16, v20  }
0x224: {  	s6 =	sadd.s32 s0, s19;
	[tilespmem:s24+$0x11480] =	vst v15;
	v15 =	vor.u32 @!p0 v21, v16;
	v16 =	vimm.s32 @!p0 $0x54321054  }
0x225: {  	vm2 =	vcmask @!p0 $0x700;
	[hbm4b:s6+s3] =	stream.linear.scatter [tilespmem:s11], [sflag:$0x3], $0x2000, $0x38;
	v16 =	vunpack.c.l.s4.s8 @!p0 v16;
	[tilespmem:$0x14100] =	vst v63  }
0x226: {  	v18 =	vimm.s32 @!p0 $0x380;
	vm1 =	vcmask @!p0 $0xF00;
	_ =	swait.ge [sflag:s12], $0x6000;
	v21 =	vimm.s32 @!p0 $0x280  }
0x227: {  	[sflag:s12] =	ssyncset.done $0x0;
	v21 =	vsel @!p0 vm2, $0x100, v21;
	vm2 =	vcmask @!p0 $0x1F08;
	v16 =	vunpack.c.0.s8.s32 @!p0 v16  }
0x228: {  	v18 =	vsel @!p0 vm1, $0x280, v18;
	vm1 =	vcmask @!p0 $0x3720;
	s6 =	simm.s32 @!p0 $0x0;
	[sflag:s12] =	ssyncadd.s32 $0xFFFFA000;
	v21 =	vsel @!p0 vm2, $0x180, v21  }
0x229: {  	v21 =	vsel @!p0 vm1, $0x200, v21;
	vm1 =	vcmask @!p0 $0x2710;
	v15 =	vld.idx.msk @!p0 [tilespmem:v15+s6+$0x0], $0xffff;
	v17 =	vcombine.low @!p0 v16, v17  }
0x22a: {  	v18 =	vsel @!p0 vm1, $0x300, v18;
	v21 =	vor.u32 @!p0 v21, v20;
	v16 =	vcombine.low @!p0 v19, v16  }
0x22b: {  	v18 =	vor.u32 @!p0 v18, v20;
	v17 =	vor.u32 @!p0 v17, v21  }
0x22c: {  	v16 =	vor.u32 @!p0 v16, v18;
	_ =	sdelay $0x1  }
0x22d: {  	v18 =	vshll.u32 @!p0 v15, $0x2  }
0x22e: {  	v20 =	vlaneseq.u32 @!p0;
	v19 =	vand.u32 @!p0 $0x7, v15;
	v18 =	vand.u32 @!p0 $0x3FE0, v18  }
0x22f: {  	v21 =	vshrl.u32 @!p0 v20, $0x3;
	v17 =	vld.idx.msk @!p0 [tilespmem:v17+s6+$0x0], $0xffff;
	v18 =	vor.u32 @!p0 v19, v18;
	v19 =	vand.u32 @!p0 $0x7, v20  }
0x230: {  	v21 =	vmul.u32 @!p0 $0x8, v21;
	v16 =	vld.idx.msk @!p0 [tilespmem:v16+s6+$0x0], $0xffff;
	v22 =	vperm.xlane @!p0 v18, v19;
	_ =	sdelay $0x1  }
0x231: {  	v22 =	vadd.s32 @!p0 v21, v22  }
0x232: {  	v15 =	vand.u32 @!p0 $0xFFF, v15;
	v20 =	vor.u32 @!p0 $0x8, v20  }
0x233: {  	[tilespmem:$0x4000] =	vst @!p0 v15;
	v15 =	vand.u32 @!p0 $0xFFF, v17;
	v17 =	vperm.xlane @!p0 v18, v20  }
0x234: {  	[tilespmem:$0x4010] =	vst @!p0 v15;
	v15 =	vand.u32 @!p0 $0xFFF, v16  }
0x235: {  	s8 =	simm.s32 @!p0 $0x4100;
	vm1 =	vmmov @!p0 $0xffff;
	[tilespmem:$0x4020] =	vst @!p0 v15;
	v15 =	vadd.s32 @!p0 v21, v17  }
0x236: {  	[tilespmem:s8], [sflag:$0x1] =	stream.indirect_vreg.gather @!p0 [hbm4b:s5+s6], $0x80, v22, vm1, $0xb8;
	[tilespmem:$0x14100] =	vst v63  }
0x237: {  	s8 =	simm.s32 @!p0 $0x4900  }
0x238: {  	[tilespmem:s8], [sflag:$0x1] =	stream.indirect_vreg.gather @!p0 [hbm4b:s7+s6], $0x80, v22, vm1, $0xb8;
	[tilespmem:$0x14100] =	vst v63  }
0x239: {  	s8 =	simm.s32 @!p0 $0x5100  }
0x23a: {  	[tilespmem:s8], [sflag:$0x1] =	stream.indirect_vreg.gather @!p0 [hbm4b:s5+s6], $0x80, v15, vm1, $0xb8;
	[tilespmem:$0x14100] =	vst v63  }
0x23b: {  	s8 =	simm.s32 @!p0 $0x5900  }
0x23c: {  	[tilespmem:s8], [sflag:$0x1] =	stream.indirect_vreg.gather @!p0 [hbm4b:s7+s6], $0x80, v15, vm1, $0xb8;
	[tilespmem:$0x14100] =	vst v63  }
0x23d: {  	v15 =	vld @!p0 [tilespmem:$0x4010];
	_ =	sdelay $0x4  }
0x23e: {  	v16 =	vshll.u32 @!p0 v15, $0x2  }
0x23f: {  	v15 =	vand.u32 @!p0 $0x7, v15;
	v16 =	vand.u32 @!p0 $0xFFFFFFE0, v16  }
0x240: {  	v15 =	vor.u32 @!p0 v15, v16  }
0x241: {  	v16 =	vperm.xlane @!p0 v15, v19;
	_ =	sdelay $0x1  }
0x242: {  	v16 =	vadd.s32 @!p0 v21, v16;
	_ =	sdelay $0x1  }
0x243: {  	v15 =	vperm.xlane @!p0 v15, v20;
	_ =	sdelay $0x1  }
0x244: {  	s8 =	simm.s32 @!p0 $0x6100;
	v15 =	vadd.s32 @!p0 v21, v15  }
0x245: {  	[tilespmem:s8], [sflag:$0x1] =	stream.indirect_vreg.gather @!p0 [hbm4b:s5+s6], $0x80, v16, vm1, $0xb8;
	[tilespmem:$0x14100] =	vst v63  }
0x246: {  	s8 =	simm.s32 @!p0 $0x6900  }
0x247: {  	[tilespmem:s8], [sflag:$0x1] =	stream.indirect_vreg.gather @!p0 [hbm4b:s7+s6], $0x80, v16, vm1, $0xb8;
	[tilespmem:$0x14100] =	vst v63  }
0x248: {  	s8 =	simm.s32 @!p0 $0x7100  }
0x249: {  	[tilespmem:s8], [sflag:$0x1] =	stream.indirect_vreg.gather @!p0 [hbm4b:s5+s6], $0x80, v15, vm1, $0xb8;
	[tilespmem:$0x14100] =	vst v63  }
0x24a: {  	s8 =	simm.s32 @!p0 $0x7900  }
0x24b: {  	[tilespmem:s8], [sflag:$0x1] =	stream.indirect_vreg.gather @!p0 [hbm4b:s7+s6], $0x80, v15, vm1, $0xb8;
	[tilespmem:$0x14100] =	vst v63  }
0x24c: {  	v15 =	vld @!p0 [tilespmem:$0x4020];
	_ =	sdelay $0x4  }
0x24d: {  	v16 =	vshll.u32 @!p0 v15, $0x2  }
0x24e: {  	v15 =	vand.u32 @!p0 $0x7, v15;
	v16 =	vand.u32 @!p0 $0xFFFFFFE0, v16  }
0x24f: {  	v15 =	vor.u32 @!p0 v15, v16  }
0x250: {  	v16 =	vperm.xlane @!p0 v15, v19;
	_ =	sdelay $0x1  }
0x251: {  	v16 =	vadd.s32 @!p0 v21, v16;
	_ =	sdelay $0x1  }
0x252: {  	v15 =	vperm.xlane @!p0 v15, v20;
	_ =	sdelay $0x1  }
0x253: {  	s8 =	simm.s32 @!p0 $0x8100;
	v15 =	vadd.s32 @!p0 v21, v15  }
0x254: {  	[tilespmem:s8], [sflag:$0x1] =	stream.indirect_vreg.gather @!p0 [hbm4b:s5+s6], $0x80, v16, vm1, $0xb8;
	[tilespmem:$0x14100] =	vst v63  }
0x255: {  	s8 =	simm.s32 @!p0 $0x8900  }
0x256: {  	[tilespmem:s8], [sflag:$0x1] =	stream.indirect_vreg.gather @!p0 [hbm4b:s7+s6], $0x80, v16, vm1, $0xb8;
	[tilespmem:$0x14100] =	vst v63  }
0x257: {  	s8 =	simm.s32 @!p0 $0x9100  }
0x258: {  	[tilespmem:s8], [sflag:$0x1] =	stream.indirect_vreg.gather @!p0 [hbm4b:s5+s6], $0x80, v15, vm1, $0xb8;
	[tilespmem:$0x14100] =	vst v63  }
0x259: {  	p1 =	seq.s32 @!p0 s17, $0x0;
	s8 =	simm.s32 @!p0 $0x9900  }
0x25a: {  	[tilespmem:s8], [sflag:$0x1] =	stream.indirect_vreg.gather @!p0 [hbm4b:s7+s6], $0x80, v15, vm1, $0xb8;
	[tilespmem:$0x14100] =	vst v63  }
0x25b: {  	p0 =	por p0, !p1  }
0x25c: {  	_ =	swait.ge @p0 [sflag:s15], $0x2000  }
0x25d: {  	[sflag:s15] =	ssyncset.done @p0 $0x0  }
0x25e: {  	s20 =	simm.s32 $0x0;
	[sflag:s15] =	ssyncadd.s32 @p0 $0xFFFFE000  }
0x25f: {  	v13 =	vld.idx.msk [tilespmem:v13+s20+$0x0], $0xffff;
	_ =	sdelay $0x2  }
0x260: {  	s21 =	sand.u32 $0x70, s20;
	s6 =	sand.u32 $0xC00, s20  }
0x261: {  	s19 =	sor.u32 s21, s6  }
0x262: {  	v21 =	vld [tilespmem:s19+$0xA100];
	v13 =	vshrl.u32 v13, $0xC  }
0x263: {  	v22 =	vld [tilespmem:s19+$0xA180];
	v13 =	vcvt.s32.f32 v13;
	_ =	sdelay $0x1  }
0x264: {  	v15 =	vmul.f32 $9.536752260e-07, v13;
	_ =	sdelay $0x1  }
0x265: {  	v23 =	vld [tilespmem:s19+$0xA200];
	v19 =	vbroadcast v15, $0x0;
	v20 =	vbroadcast v15, $0x1  }
0x266: {  	v24 =	vshll.u32 v21, $0x10;
	v21 =	vand.u32 $0xFFFF0000, v21;
	v25 =	vand.u32 $0xFFFF0000, v22  }
0x267: {  	v26 =	vld [tilespmem:s19+$0xA280];
	v21 =	vmul.f32 v21, v19;
	v25 =	vmul.f32 v25, v20  }
0x268: {  	v22 =	vshll.u32 v22, $0x10;
	v18 =	vbroadcast v15, $0x2  }
0x269: {  	v24 =	vmul.f32 v24, v19;
	v22 =	vmul.f32 v22, v20;
	v25 =	vadd.f32 v25, v21;
	v21 =	vld [tilespmem:s19+$0xA300]  }
0x26a: {  	v27 =	vand.u32 $0xFFFF0000, v23;
	v28 =	vshll.u32 v23, $0x10;
	v17 =	vbroadcast v15, $0x3  }
0x26b: {  	s23 =	simm.s32 $0x10;
	s8 =	simm.s32 $0x80;
	v16 =	vbroadcast v15, $0x4;
	v27 =	vmul.f32 v27, v18;
	v23 =	vadd.f32 v22, v24;
	v22 =	vld [tilespmem:s19+$0xA380]  }
0x26c: {  	s6 =	sand.u32 $0x70, s23;
	s24 =	sand.u32 $0xC00, s8;
	v13 =	vld.idx.msk [tilespmem:v14+s20+$0x0], $0xffff;
	v14 =	vbroadcast v15, $0x5;
	v24 =	vmul.f32 v28, v18;
	v28 =	vand.u32 $0xFFFF0000, v26  }
0x26d: {  	s14 =	simm.s32 $0x20;
	s6 =	sor.u32 s6, s24;
	v12 =	vld.idx.msk [tilespmem:v12+s20+$0x0], $0xffff;
	v25 =	vadd.f32 v27, v25;
	v27 =	vshll.u32 v26, $0x10;
	v26 =	vmul.f32 v28, v17  }
.LBB2_19:
0x26e: {  	p0 =	seq.s32 s14, $0x1F0;
	v28 =	vld [tilespmem:s6+$0xA100];
	v23 =	vadd.f32 v24, v23;
	v24 =	vmul.f32 v27, v17;
	v27 =	vand.u32 $0xFFFF0000, v21  }
0x26f: {  	v21 =	vshll.u32 v21, $0x10;
	v29 =	vld [tilespmem:s6+$0xA180];
	v25 =	vadd.f32 v26, v25;
	v26 =	vmul.f32 v27, v16  }
0x270: {  	v21 =	vmul.f32 v21, v16;
	v23 =	vadd.f32 v24, v23;
	v24 =	vand.u32 $0xFFFF0000, v22  }
0x271: {  	v22 =	vshll.u32 v22, $0x10;
	v27 =	vld [tilespmem:s6+$0xA200];
	v25 =	vadd.f32 v26, v25;
	v24 =	vmul.f32 v24, v14  }
0x272: {  	v22 =	vmul.f32 v22, v14;
	v23 =	vadd.f32 v21, v23  }
0x273: {  	v26 =	vshll.u32 v28, $0x10;
	v30 =	vld [tilespmem:s6+$0xA280];
	v24 =	vadd.f32 v24, v25  }
0x274: {  	v21 =	vand.u32 $0xFFFF0000, v28;
	v25 =	vshll.u32 v29, $0x10;
	v28 =	vand.u32 $0xFFFF0000, v29  }
.Ltmp8:
0x275: {  	v29 =	vmul.f32 v21, v19;
	v23 =	vadd.f32 v22, v23;
	v28 =	vmul.f32 v28, v20;
	v21 =	vld [tilespmem:s6+$0xA300];
	[tilespmem:s19+$0x13100] =	vst v24;
	(pc) =	sbr.rel @!p0 .LBB2_19-.Ltmp8, $4  }
0x276: {  	v24 =	vmul.f32 v26, v19;
	v25 =	vmul.f32 v25, v20;
	v22 =	vand.u32 $0xFFFF0000, v27  }
0x277: {  	s8 =	sadd.s32 $0x80, s8;
	v27 =	vshll.u32 v27, $0x10;
	v26 =	vadd.f32 v28, v29;
	v28 =	vmul.f32 v22, v18;
	v22 =	vld [tilespmem:s6+$0xA380];
	[tilespmem:s19+$0x12100] =	vst v23;
	s19 =	smov.u32 s6  }
0x278: {  	s16 =	sand.u32 $0xC00, s8;
	s6 =	sand.u32 $0x70, s14;
	v23 =	vadd.f32 v25, v24;
	v24 =	vmul.f32 v27, v18;
	v29 =	vand.u32 $0xFFFF0000, v30  }
0x279: {  	s14 =	sadd.s32 $0x10, s14;
	s6 =	sor.u32 s6, s16;
	v27 =	vshll.u32 v30, $0x10;
	v25 =	vadd.f32 v28, v26;
	v26 =	vmul.f32 v29, v17  }
0x27a: {  	v28 =	vld [tilespmem:s6+$0xA100]  }
0x27b: {  	v23 =	vadd.f32 v24, v23;
	v24 =	vmul.f32 v27, v17;
	v27 =	vand.u32 $0xFFFF0000, v21;
	v29 =	vld [tilespmem:s6+$0xA180]  }
0x27c: {  	v21 =	vshll.u32 v21, $0x10;
	v25 =	vadd.f32 v26, v25;
	v26 =	vmul.f32 v27, v16  }
0x27d: {  	v21 =	vmul.f32 v21, v16;
	v27 =	vld [tilespmem:s6+$0xA200];
	v23 =	vadd.f32 v24, v23;
	v24 =	vand.u32 $0xFFFF0000, v22  }
0x27e: {  	v22 =	vshll.u32 v22, $0x10;
	v25 =	vadd.f32 v26, v25;
	v24 =	vmul.f32 v24, v14  }
0x27f: {  	v22 =	vmul.f32 v22, v14;
	v26 =	vld [tilespmem:s6+$0xA280];
	v21 =	vadd.f32 v21, v23;
	v23 =	vshll.u32 v28, $0x10  }
0x280: {  	v24 =	vadd.f32 v24, v25;
	v25 =	vand.u32 $0xFFFF0000, v28;
	v28 =	vand.u32 $0xFFFF0000, v29  }
0x281: {  	v30 =	vld [tilespmem:s6+$0xA300];
	v29 =	vshll.u32 v29, $0x10;
	v25 =	vmul.f32 v25, v19;
	v28 =	vmul.f32 v28, v20  }
0x282: {  	v19 =	vmul.f32 v23, v19;
	v20 =	vmul.f32 v29, v20;
	v23 =	vand.u32 $0xFFFF0000, v27;
	[tilespmem:s19+$0x13100] =	vst v24  }
0x283: {  	v23 =	vmul.f32 v23, v18;
	v24 =	vadd.f32 v28, v25;
	v25 =	vshll.u32 v27, $0x10;
	v27 =	vld [tilespmem:s6+$0xA380]  }
0x284: {  	v19 =	vadd.f32 v20, v19;
	v20 =	vand.u32 $0xFFFF0000, v26;
	v18 =	vmul.f32 v25, v18  }
0x285: {  	v20 =	vmul.f32 v20, v17;
	v23 =	vadd.f32 v23, v24;
	v24 =	vshll.u32 v26, $0x10  }
0x286: {  	v18 =	vadd.f32 v18, v19;
	v17 =	vmul.f32 v24, v17;
	v19 =	vand.u32 $0xFFFF0000, v30  }
0x287: {  	v20 =	vadd.f32 v20, v23;
	v23 =	vshll.u32 v30, $0x10;
	v19 =	vmul.f32 v19, v16  }
0x288: {  	v17 =	vadd.f32 v17, v18;
	v16 =	vmul.f32 v23, v16;
	v18 =	vand.u32 $0xFFFF0000, v27  }
0x289: {  	v19 =	vadd.f32 v19, v20;
	v20 =	vshll.u32 v27, $0x10;
	v18 =	vmul.f32 v18, v14  }
0x28a: {  	v21 =	vadd.f32 v22, v21;
	v16 =	vadd.f32 v16, v17;
	v14 =	vmul.f32 v20, v14  }
0x28b: {  	v17 =	vadd.f32 v18, v19  }
0x28c: {  	[tilespmem:s19+$0x12100] =	vst v21;
	v14 =	vadd.f32 v14, v16  }
0x28d: {  	s23 =	simm.s32 $0x0;
	[tilespmem:s6+$0x13100] =	vst v17  }
0x28e: {  	s8 =	sand.u32 $0x70, s23;
	[tilespmem:s6+$0x12100] =	vst v14;
	s6 =	sand.u32 $0xC00, s23  }
0x28f: {  	s19 =	sor.u32 s8, s6  }
0x290: {  	v21 =	vld [tilespmem:s19+$0xA400]  }
0x291: {  	v22 =	vld [tilespmem:s19+$0xA480];
	_ =	sdelay $0x3  }
0x292: {  	v20 =	vbroadcast v15, $0x7;
	v19 =	vbroadcast v15, $0x6;
	v23 =	vld [tilespmem:s19+$0xB100]  }
0x293: {  	v24 =	vshll.u32 v21, $0x10;
	v21 =	vand.u32 $0xFFFF0000, v21;
	v25 =	vand.u32 $0xFFFF0000, v22  }
0x294: {  	v26 =	vld [tilespmem:s19+$0xB180];
	v21 =	vmul.f32 v21, v19;
	v25 =	vmul.f32 v25, v20  }
0x295: {  	v18 =	vbroadcast v15, $0x8;
	v22 =	vshll.u32 v22, $0x10  }
0x296: {  	v24 =	vmul.f32 v24, v19;
	v22 =	vmul.f32 v22, v20;
	v25 =	vadd.f32 v25, v21;
	v21 =	vld [tilespmem:s19+$0xB200]  }
0x297: {  	v16 =	vbroadcast v15, $0xA;
	v17 =	vbroadcast v15, $0x9;
	v27 =	vand.u32 $0xFFFF0000, v23  }
0x298: {  	s24 =	simm.s32 $0x10;
	s8 =	simm.s32 $0x80;
	v28 =	vshll.u32 v23, $0x10;
	v27 =	vmul.f32 v27, v18;
	v23 =	vadd.f32 v22, v24;
	v22 =	vld [tilespmem:s19+$0xB280]  }
0x299: {  	v14 =	vbroadcast v15, $0xB;
	s6 =	sand.u32 $0x70, s24;
	s14 =	sand.u32 $0xC00, s8;
	v24 =	vmul.f32 v28, v18;
	v28 =	vand.u32 $0xFFFF0000, v26  }
0x29a: {  	s6 =	sor.u32 s6, s14;
	s14 =	simm.s32 $0x20;
	v25 =	vadd.f32 v27, v25;
	v27 =	vshll.u32 v26, $0x10;
	v26 =	vmul.f32 v28, v17  }
.LBB2_21:
0x29b: {  	p0 =	seq.s32 s14, $0x1F0;
	v28 =	vld [tilespmem:s6+$0xA400];
	v23 =	vadd.f32 v24, v23;
	v24 =	vmul.f32 v27, v17;
	v27 =	vand.u32 $0xFFFF0000, v21  }
0x29c: {  	v21 =	vshll.u32 v21, $0x10;
	v29 =	vld [tilespmem:s6+$0xA480];
	v25 =	vadd.f32 v26, v25;
	v26 =	vmul.f32 v27, v16  }
0x29d: {  	v21 =	vmul.f32 v21, v16;
	v23 =	vadd.f32 v24, v23;
	v24 =	vand.u32 $0xFFFF0000, v22  }
0x29e: {  	v22 =	vshll.u32 v22, $0x10;
	v27 =	vld [tilespmem:s6+$0xB100];
	v25 =	vadd.f32 v26, v25;
	v24 =	vmul.f32 v24, v14  }
0x29f: {  	v22 =	vmul.f32 v22, v14;
	v23 =	vadd.f32 v21, v23  }
0x2a0: {  	v26 =	vshll.u32 v28, $0x10;
	v30 =	vld [tilespmem:s6+$0xB180];
	v24 =	vadd.f32 v24, v25  }
0x2a1: {  	v21 =	vand.u32 $0xFFFF0000, v28;
	v25 =	vshll.u32 v29, $0x10;
	v28 =	vand.u32 $0xFFFF0000, v29  }
.Ltmp9:
0x2a2: {  	v29 =	vmul.f32 v21, v19;
	v23 =	vadd.f32 v22, v23;
	v28 =	vmul.f32 v28, v20;
	v21 =	vld [tilespmem:s6+$0xB200];
	[tilespmem:s19+$0x13180] =	vst v24;
	(pc) =	sbr.rel @!p0 .LBB2_21-.Ltmp9, $4  }
0x2a3: {  	v24 =	vmul.f32 v26, v19;
	v25 =	vmul.f32 v25, v20;
	v22 =	vand.u32 $0xFFFF0000, v27  }
0x2a4: {  	s8 =	sadd.s32 $0x80, s8;
	v27 =	vshll.u32 v27, $0x10;
	v26 =	vadd.f32 v28, v29;
	v28 =	vmul.f32 v22, v18;
	v22 =	vld [tilespmem:s6+$0xB280];
	[tilespmem:s19+$0x12180] =	vst v23;
	s19 =	smov.u32 s6  }
0x2a5: {  	s16 =	sand.u32 $0xC00, s8;
	s6 =	sand.u32 $0x70, s14;
	v23 =	vadd.f32 v25, v24;
	v24 =	vmul.f32 v27, v18;
	v29 =	vand.u32 $0xFFFF0000, v30  }
0x2a6: {  	s14 =	sadd.s32 $0x10, s14;
	s6 =	sor.u32 s6, s16;
	v27 =	vshll.u32 v30, $0x10;
	v25 =	vadd.f32 v28, v26;
	v26 =	vmul.f32 v29, v17  }
0x2a7: {  	v28 =	vld [tilespmem:s6+$0xA400]  }
0x2a8: {  	v23 =	vadd.f32 v24, v23;
	v24 =	vmul.f32 v27, v17;
	v27 =	vand.u32 $0xFFFF0000, v21;
	v29 =	vld [tilespmem:s6+$0xA480]  }
0x2a9: {  	v21 =	vshll.u32 v21, $0x10;
	v25 =	vadd.f32 v26, v25;
	v26 =	vmul.f32 v27, v16  }
0x2aa: {  	v21 =	vmul.f32 v21, v16;
	v27 =	vld [tilespmem:s6+$0xB100];
	v23 =	vadd.f32 v24, v23;
	v24 =	vand.u32 $0xFFFF0000, v22  }
0x2ab: {  	v22 =	vshll.u32 v22, $0x10;
	v25 =	vadd.f32 v26, v25;
	v24 =	vmul.f32 v24, v14  }
0x2ac: {  	v22 =	vmul.f32 v22, v14;
	v26 =	vld [tilespmem:s6+$0xB180];
	v21 =	vadd.f32 v21, v23;
	v23 =	vshll.u32 v28, $0x10  }
0x2ad: {  	v24 =	vadd.f32 v24, v25;
	v25 =	vand.u32 $0xFFFF0000, v28;
	v63 =	vand.u32 $0xFFFF0000, v29  }
0x2ae: {  	v30 =	vld [tilespmem:s6+$0xB200];
	v29 =	vshll.u32 v29, $0x10;
	v25 =	vmul.f32 v25, v19;
	v28 =	vmul.f32 v63, v20  }
0x2af: {  	v19 =	vmul.f32 v23, v19;
	v20 =	vmul.f32 v29, v20;
	v23 =	vand.u32 $0xFFFF0000, v27;
	[tilespmem:s19+$0x13180] =	vst v24  }
0x2b0: {  	v23 =	vmul.f32 v23, v18;
	v24 =	vadd.f32 v28, v25;
	v25 =	vshll.u32 v27, $0x10;
	v27 =	vld [tilespmem:s6+$0xB280]  }
0x2b1: {  	v19 =	vadd.f32 v20, v19;
	v20 =	vand.u32 $0xFFFF0000, v26;
	v18 =	vmul.f32 v25, v18  }
0x2b2: {  	v20 =	vmul.f32 v20, v17;
	v23 =	vadd.f32 v23, v24;
	v24 =	vshll.u32 v26, $0x10  }
0x2b3: {  	v18 =	vadd.f32 v18, v19;
	v17 =	vmul.f32 v24, v17;
	v19 =	vand.u32 $0xFFFF0000, v30  }
0x2b4: {  	v20 =	vadd.f32 v20, v23;
	v23 =	vshll.u32 v30, $0x10;
	v19 =	vmul.f32 v19, v16  }
0x2b5: {  	v17 =	vadd.f32 v17, v18;
	v16 =	vmul.f32 v23, v16;
	v18 =	vand.u32 $0xFFFF0000, v27  }
0x2b6: {  	v19 =	vadd.f32 v19, v20;
	v20 =	vshll.u32 v27, $0x10;
	v18 =	vmul.f32 v18, v14  }
0x2b7: {  	v21 =	vadd.f32 v22, v21;
	v16 =	vadd.f32 v16, v17;
	v14 =	vmul.f32 v20, v14  }
0x2b8: {  	v17 =	vadd.f32 v18, v19  }
0x2b9: {  	[tilespmem:s19+$0x12180] =	vst v21;
	v14 =	vadd.f32 v14, v16  }
0x2ba: {  	s23 =	simm.s32 $0x0;
	[tilespmem:s6+$0x13180] =	vst v17  }
0x2bb: {  	s8 =	sand.u32 $0x70, s23;
	[tilespmem:s6+$0x12180] =	vst v14;
	s6 =	sand.u32 $0xC00, s23  }
0x2bc: {  	s19 =	sor.u32 s8, s6  }
0x2bd: {  	v20 =	vld [tilespmem:s19+$0xB300]  }
0x2be: {  	v21 =	vld [tilespmem:s19+$0xB380];
	_ =	sdelay $0x1  }
0x2bf: {  	v13 =	vshrl.u32 v13, $0xC  }
0x2c0: {  	v13 =	vcvt.s32.f32 v13  }
0x2c1: {  	v18 =	vbroadcast v15, $0xC;
	v19 =	vbroadcast v15, $0xD;
	v22 =	vld [tilespmem:s19+$0xB400]  }
0x2c2: {  	v23 =	vshll.u32 v20, $0x10;
	v20 =	vand.u32 $0xFFFF0000, v20;
	v24 =	vand.u32 $0xFFFF0000, v21  }
0x2c3: {  	v25 =	vld [tilespmem:s19+$0xB480];
	v20 =	vmul.f32 v20, v18;
	v24 =	vmul.f32 v24, v19  }
0x2c4: {  	v13 =	vmul.f32 $9.536752260e-07, v13;
	v17 =	vbroadcast v15, $0xE;
	v21 =	vshll.u32 v21, $0x10  }
0x2c5: {  	v23 =	vmul.f32 v23, v18;
	v21 =	vmul.f32 v21, v19;
	v24 =	vadd.f32 v24, v20;
	v20 =	vld [tilespmem:s19+$0xC100]  }
0x2c6: {  	v16 =	vbroadcast v15, $0xF;
	v15 =	vbroadcast v13, $0x0;
	v26 =	vand.u32 $0xFFFF0000, v22  }
0x2c7: {  	s24 =	simm.s32 $0x10;
	s8 =	simm.s32 $0x80;
	v27 =	vshll.u32 v22, $0x10;
	v26 =	vmul.f32 v26, v17;
	v22 =	vadd.f32 v21, v23;
	v21 =	vld [tilespmem:s19+$0xC180]  }
0x2c8: {  	v14 =	vbroadcast v13, $0x1;
	s6 =	sand.u32 $0x70, s24;
	s14 =	sand.u32 $0xC00, s8;
	v23 =	vmul.f32 v27, v17;
	v27 =	vand.u32 $0xFFFF0000, v25  }
0x2c9: {  	s6 =	sor.u32 s6, s14;
	s14 =	simm.s32 $0x20;
	v24 =	vadd.f32 v26, v24;
	v26 =	vshll.u32 v25, $0x10;
	v25 =	vmul.f32 v27, v16  }
.LBB2_23:
0x2ca: {  	p0 =	seq.s32 s14, $0x1F0;
	v27 =	vld [tilespmem:s6+$0xB300];
	v22 =	vadd.f32 v23, v22;
	v23 =	vmul.f32 v26, v16;
	v26 =	vand.u32 $0xFFFF0000, v20  }
0x2cb: {  	v20 =	vshll.u32 v20, $0x10;
	v28 =	vld [tilespmem:s6+$0xB380];
	v24 =	vadd.f32 v25, v24;
	v25 =	vmul.f32 v26, v15  }
0x2cc: {  	v20 =	vmul.f32 v20, v15;
	v22 =	vadd.f32 v23, v22;
	v23 =	vand.u32 $0xFFFF0000, v21  }
0x2cd: {  	v21 =	vshll.u32 v21, $0x10;
	v26 =	vld [tilespmem:s6+$0xB400];
	v24 =	vadd.f32 v25, v24;
	v23 =	vmul.f32 v23, v14  }
0x2ce: {  	v21 =	vmul.f32 v21, v14;
	v22 =	vadd.f32 v20, v22  }
0x2cf: {  	v25 =	vshll.u32 v27, $0x10;
	v29 =	vld [tilespmem:s6+$0xB480];
	v23 =	vadd.f32 v23, v24  }
0x2d0: {  	v20 =	vand.u32 $0xFFFF0000, v27;
	v24 =	vshll.u32 v28, $0x10;
	v27 =	vand.u32 $0xFFFF0000, v28  }
.Ltmp10:
0x2d1: {  	v28 =	vmul.f32 v20, v18;
	v22 =	vadd.f32 v21, v22;
	v27 =	vmul.f32 v27, v19;
	v20 =	vld [tilespmem:s6+$0xC100];
	[tilespmem:s19+$0x13200] =	vst v23;
	(pc) =	sbr.rel @!p0 .LBB2_23-.Ltmp10, $4  }
0x2d2: {  	v23 =	vmul.f32 v25, v18;
	v24 =	vmul.f32 v24, v19;
	v21 =	vand.u32 $0xFFFF0000, v26  }
0x2d3: {  	s8 =	sadd.s32 $0x80, s8;
	v26 =	vshll.u32 v26, $0x10;
	v25 =	vadd.f32 v27, v28;
	v27 =	vmul.f32 v21, v17;
	v21 =	vld [tilespmem:s6+$0xC180];
	[tilespmem:s19+$0x12200] =	vst v22;
	s19 =	smov.u32 s6  }
0x2d4: {  	s16 =	sand.u32 $0xC00, s8;
	s6 =	sand.u32 $0x70, s14;
	v22 =	vadd.f32 v24, v23;
	v23 =	vmul.f32 v26, v17;
	v28 =	vand.u32 $0xFFFF0000, v29  }
0x2d5: {  	s14 =	sadd.s32 $0x10, s14;
	s6 =	sor.u32 s6, s16;
	v26 =	vshll.u32 v29, $0x10;
	v24 =	vadd.f32 v27, v25;
	v25 =	vmul.f32 v28, v16  }
0x2d6: {  	v27 =	vld [tilespmem:s6+$0xB300]  }
0x2d7: {  	v22 =	vadd.f32 v23, v22;
	v23 =	vmul.f32 v26, v16;
	v26 =	vand.u32 $0xFFFF0000, v20;
	v28 =	vld [tilespmem:s6+$0xB380]  }
0x2d8: {  	v20 =	vshll.u32 v20, $0x10;
	v24 =	vadd.f32 v25, v24;
	v25 =	vmul.f32 v26, v15  }
0x2d9: {  	v20 =	vmul.f32 v20, v15;
	v26 =	vld [tilespmem:s6+$0xB400];
	v22 =	vadd.f32 v23, v22;
	v23 =	vand.u32 $0xFFFF0000, v21  }
0x2da: {  	v21 =	vshll.u32 v21, $0x10;
	v24 =	vadd.f32 v25, v24;
	v23 =	vmul.f32 v23, v14  }
0x2db: {  	v21 =	vmul.f32 v21, v14;
	v25 =	vld [tilespmem:s6+$0xB480];
	v20 =	vadd.f32 v20, v22;
	v22 =	vshll.u32 v27, $0x10  }
0x2dc: {  	v23 =	vadd.f32 v23, v24;
	v24 =	vand.u32 $0xFFFF0000, v27;
	v27 =	vand.u32 $0xFFFF0000, v28  }
0x2dd: {  	v29 =	vld [tilespmem:s6+$0xC100];
	v28 =	vshll.u32 v28, $0x10;
	v24 =	vmul.f32 v24, v18;
	v27 =	vmul.f32 v27, v19  }
0x2de: {  	v18 =	vmul.f32 v22, v18;
	v19 =	vmul.f32 v28, v19;
	v22 =	vand.u32 $0xFFFF0000, v26;
	[tilespmem:s19+$0x13200] =	vst v23  }
0x2df: {  	v22 =	vmul.f32 v22, v17;
	v23 =	vadd.f32 v27, v24;
	v24 =	vshll.u32 v26, $0x10;
	v26 =	vld [tilespmem:s6+$0xC180]  }
0x2e0: {  	v18 =	vadd.f32 v19, v18;
	v19 =	vand.u32 $0xFFFF0000, v25;
	v17 =	vmul.f32 v24, v17  }
0x2e1: {  	v19 =	vmul.f32 v19, v16;
	v22 =	vadd.f32 v22, v23;
	v23 =	vshll.u32 v25, $0x10  }
0x2e2: {  	v17 =	vadd.f32 v17, v18;
	v16 =	vmul.f32 v23, v16;
	v18 =	vand.u32 $0xFFFF0000, v29  }
0x2e3: {  	v19 =	vadd.f32 v19, v22;
	v22 =	vshll.u32 v29, $0x10;
	v18 =	vmul.f32 v18, v15  }
0x2e4: {  	v16 =	vadd.f32 v16, v17;
	v15 =	vmul.f32 v22, v15;
	v17 =	vand.u32 $0xFFFF0000, v26  }
0x2e5: {  	v18 =	vadd.f32 v18, v19;
	v19 =	vshll.u32 v26, $0x10;
	v17 =	vmul.f32 v17, v14  }
0x2e6: {  	v20 =	vadd.f32 v21, v20;
	v15 =	vadd.f32 v15, v16;
	v14 =	vmul.f32 v19, v14  }
0x2e7: {  	v16 =	vadd.f32 v17, v18  }
0x2e8: {  	[tilespmem:s19+$0x12200] =	vst v20;
	v14 =	vadd.f32 v14, v15  }
0x2e9: {  	s23 =	simm.s32 $0x0;
	[tilespmem:s6+$0x13200] =	vst v16  }
0x2ea: {  	s8 =	sand.u32 $0x70, s23;
	[tilespmem:s6+$0x12200] =	vst v14;
	s6 =	sand.u32 $0xC00, s23  }
0x2eb: {  	s19 =	sor.u32 s8, s6  }
0x2ec: {  	v20 =	vld [tilespmem:s19+$0xC200]  }
0x2ed: {  	v21 =	vld [tilespmem:s19+$0xC280];
	_ =	sdelay $0x3  }
0x2ee: {  	v19 =	vbroadcast v13, $0x3;
	v18 =	vbroadcast v13, $0x2;
	v22 =	vld [tilespmem:s19+$0xC300]  }
0x2ef: {  	v23 =	vshll.u32 v20, $0x10;
	v20 =	vand.u32 $0xFFFF0000, v20;
	v24 =	vand.u32 $0xFFFF0000, v21  }
0x2f0: {  	v25 =	vld [tilespmem:s19+$0xC380];
	v20 =	vmul.f32 v20, v18;
	v24 =	vmul.f32 v24, v19  }
0x2f1: {  	v17 =	vbroadcast v13, $0x4;
	v21 =	vshll.u32 v21, $0x10  }
0x2f2: {  	v23 =	vmul.f32 v23, v18;
	v21 =	vmul.f32 v21, v19;
	v24 =	vadd.f32 v24, v20;
	v20 =	vld [tilespmem:s19+$0xC400]  }
0x2f3: {  	v15 =	vbroadcast v13, $0x6;
	v16 =	vbroadcast v13, $0x5;
	v26 =	vand.u32 $0xFFFF0000, v22  }
0x2f4: {  	s24 =	simm.s32 $0x10;
	s8 =	simm.s32 $0x80;
	v27 =	vshll.u32 v22, $0x10;
	v26 =	vmul.f32 v26, v17;
	v22 =	vadd.f32 v21, v23;
	v21 =	vld [tilespmem:s19+$0xC480]  }
0x2f5: {  	v14 =	vbroadcast v13, $0x7;
	s6 =	sand.u32 $0x70, s24;
	s14 =	sand.u32 $0xC00, s8;
	v23 =	vmul.f32 v27, v17;
	v27 =	vand.u32 $0xFFFF0000, v25  }
0x2f6: {  	s6 =	sor.u32 s6, s14;
	s14 =	simm.s32 $0x20;
	v24 =	vadd.f32 v26, v24;
	v26 =	vshll.u32 v25, $0x10;
	v25 =	vmul.f32 v27, v16  }
.LBB2_25:
0x2f7: {  	p0 =	seq.s32 s14, $0x1F0;
	v27 =	vld [tilespmem:s6+$0xC200];
	v22 =	vadd.f32 v23, v22;
	v23 =	vmul.f32 v26, v16;
	v26 =	vand.u32 $0xFFFF0000, v20  }
0x2f8: {  	v20 =	vshll.u32 v20, $0x10;
	v28 =	vld [tilespmem:s6+$0xC280];
	v24 =	vadd.f32 v25, v24;
	v25 =	vmul.f32 v26, v15  }
0x2f9: {  	v20 =	vmul.f32 v20, v15;
	v22 =	vadd.f32 v23, v22;
	v23 =	vand.u32 $0xFFFF0000, v21  }
0x2fa: {  	v21 =	vshll.u32 v21, $0x10;
	v26 =	vld [tilespmem:s6+$0xC300];
	v24 =	vadd.f32 v25, v24;
	v23 =	vmul.f32 v23, v14  }
0x2fb: {  	v21 =	vmul.f32 v21, v14;
	v22 =	vadd.f32 v20, v22  }
0x2fc: {  	v25 =	vshll.u32 v27, $0x10;
	v29 =	vld [tilespmem:s6+$0xC380];
	v23 =	vadd.f32 v23, v24  }
0x2fd: {  	v20 =	vand.u32 $0xFFFF0000, v27;
	v24 =	vshll.u32 v28, $0x10;
	v27 =	vand.u32 $0xFFFF0000, v28  }
.Ltmp11:
0x2fe: {  	v28 =	vmul.f32 v20, v18;
	v22 =	vadd.f32 v21, v22;
	v27 =	vmul.f32 v27, v19;
	v20 =	vld [tilespmem:s6+$0xC400];
	[tilespmem:s19+$0x13280] =	vst v23;
	(pc) =	sbr.rel @!p0 .LBB2_25-.Ltmp11, $4  }
0x2ff: {  	v23 =	vmul.f32 v25, v18;
	v24 =	vmul.f32 v24, v19;
	v21 =	vand.u32 $0xFFFF0000, v26  }
0x300: {  	s8 =	sadd.s32 $0x80, s8;
	v26 =	vshll.u32 v26, $0x10;
	v25 =	vadd.f32 v27, v28;
	v27 =	vmul.f32 v21, v17;
	v21 =	vld [tilespmem:s6+$0xC480];
	[tilespmem:s19+$0x12280] =	vst v22;
	s19 =	smov.u32 s6  }
0x301: {  	s16 =	sand.u32 $0xC00, s8;
	s6 =	sand.u32 $0x70, s14;
	v22 =	vadd.f32 v24, v23;
	v23 =	vmul.f32 v26, v17;
	v28 =	vand.u32 $0xFFFF0000, v29  }
0x302: {  	s14 =	sadd.s32 $0x10, s14;
	s6 =	sor.u32 s6, s16;
	v26 =	vshll.u32 v29, $0x10;
	v24 =	vadd.f32 v27, v25;
	v25 =	vmul.f32 v28, v16  }
0x303: {  	v27 =	vld [tilespmem:s6+$0xC200]  }
0x304: {  	v22 =	vadd.f32 v23, v22;
	v23 =	vmul.f32 v26, v16;
	v26 =	vand.u32 $0xFFFF0000, v20;
	v28 =	vld [tilespmem:s6+$0xC280]  }
0x305: {  	v20 =	vshll.u32 v20, $0x10;
	v24 =	vadd.f32 v25, v24;
	v25 =	vmul.f32 v26, v15  }
0x306: {  	v20 =	vmul.f32 v20, v15;
	v26 =	vld [tilespmem:s6+$0xC300];
	v22 =	vadd.f32 v23, v22;
	v23 =	vand.u32 $0xFFFF0000, v21  }
0x307: {  	v21 =	vshll.u32 v21, $0x10;
	v24 =	vadd.f32 v25, v24;
	v23 =	vmul.f32 v23, v14  }
0x308: {  	v21 =	vmul.f32 v21, v14;
	v25 =	vld [tilespmem:s6+$0xC380];
	v20 =	vadd.f32 v20, v22;
	v22 =	vshll.u32 v27, $0x10  }
0x309: {  	v23 =	vadd.f32 v23, v24;
	v24 =	vand.u32 $0xFFFF0000, v27;
	v27 =	vand.u32 $0xFFFF0000, v28  }
0x30a: {  	v29 =	vld [tilespmem:s6+$0xC400];
	v28 =	vshll.u32 v28, $0x10;
	v24 =	vmul.f32 v24, v18;
	v27 =	vmul.f32 v27, v19  }
0x30b: {  	v18 =	vmul.f32 v22, v18;
	v19 =	vmul.f32 v28, v19;
	v22 =	vand.u32 $0xFFFF0000, v26;
	[tilespmem:s19+$0x13280] =	vst v23  }
0x30c: {  	v22 =	vmul.f32 v22, v17;
	v23 =	vadd.f32 v27, v24;
	v24 =	vshll.u32 v26, $0x10;
	v26 =	vld [tilespmem:s6+$0xC480]  }
0x30d: {  	v18 =	vadd.f32 v19, v18;
	v19 =	vand.u32 $0xFFFF0000, v25;
	v17 =	vmul.f32 v24, v17  }
0x30e: {  	v19 =	vmul.f32 v19, v16;
	v22 =	vadd.f32 v22, v23;
	v23 =	vshll.u32 v25, $0x10  }
0x30f: {  	v17 =	vadd.f32 v17, v18;
	v16 =	vmul.f32 v23, v16;
	v18 =	vand.u32 $0xFFFF0000, v29  }
0x310: {  	v19 =	vadd.f32 v19, v22;
	v22 =	vshll.u32 v29, $0x10;
	v18 =	vmul.f32 v18, v15  }
0x311: {  	v16 =	vadd.f32 v16, v17;
	v15 =	vmul.f32 v22, v15;
	v17 =	vand.u32 $0xFFFF0000, v26  }
0x312: {  	v18 =	vadd.f32 v18, v19;
	v19 =	vshll.u32 v26, $0x10;
	v17 =	vmul.f32 v17, v14  }
0x313: {  	v20 =	vadd.f32 v21, v20;
	v15 =	vadd.f32 v15, v16;
	v14 =	vmul.f32 v19, v14  }
0x314: {  	v16 =	vadd.f32 v17, v18  }
0x315: {  	[tilespmem:s19+$0x12280] =	vst v20;
	v14 =	vadd.f32 v14, v15  }
0x316: {  	s23 =	simm.s32 $0x0;
	[tilespmem:s6+$0x13280] =	vst v16  }
0x317: {  	s8 =	sand.u32 $0x70, s23;
	[tilespmem:s6+$0x12280] =	vst v14;
	s6 =	sand.u32 $0xC00, s23  }
0x318: {  	s19 =	sor.u32 s8, s6  }
0x319: {  	v20 =	vld [tilespmem:s19+$0xD100]  }
0x31a: {  	v21 =	vld [tilespmem:s19+$0xD180];
	_ =	sdelay $0x3  }
0x31b: {  	v19 =	vbroadcast v13, $0x9;
	v18 =	vbroadcast v13, $0x8;
	v22 =	vld [tilespmem:s19+$0xD200]  }
0x31c: {  	v23 =	vshll.u32 v20, $0x10;
	v20 =	vand.u32 $0xFFFF0000, v20;
	v24 =	vand.u32 $0xFFFF0000, v21  }
0x31d: {  	v25 =	vld [tilespmem:s19+$0xD280];
	v20 =	vmul.f32 v20, v18;
	v24 =	vmul.f32 v24, v19  }
0x31e: {  	v17 =	vbroadcast v13, $0xA;
	v21 =	vshll.u32 v21, $0x10  }
0x31f: {  	v23 =	vmul.f32 v23, v18;
	v21 =	vmul.f32 v21, v19;
	v24 =	vadd.f32 v24, v20;
	v20 =	vld [tilespmem:s19+$0xD300]  }
0x320: {  	v15 =	vbroadcast v13, $0xC;
	v16 =	vbroadcast v13, $0xB;
	v26 =	vand.u32 $0xFFFF0000, v22  }
0x321: {  	s24 =	simm.s32 $0x10;
	s8 =	simm.s32 $0x80;
	v27 =	vshll.u32 v22, $0x10;
	v26 =	vmul.f32 v26, v17;
	v22 =	vadd.f32 v21, v23;
	v21 =	vld [tilespmem:s19+$0xD380]  }
0x322: {  	v14 =	vbroadcast v13, $0xD;
	s6 =	sand.u32 $0x70, s24;
	s14 =	sand.u32 $0xC00, s8;
	v23 =	vmul.f32 v27, v17;
	v27 =	vand.u32 $0xFFFF0000, v25  }
0x323: {  	s6 =	sor.u32 s6, s14;
	s14 =	simm.s32 $0x20;
	v24 =	vadd.f32 v26, v24;
	v26 =	vshll.u32 v25, $0x10;
	v25 =	vmul.f32 v27, v16  }
.LBB2_27:
0x324: {  	p0 =	seq.s32 s14, $0x1F0;
	v27 =	vld [tilespmem:s6+$0xD100];
	v22 =	vadd.f32 v23, v22;
	v23 =	vmul.f32 v26, v16;
	v26 =	vand.u32 $0xFFFF0000, v20  }
0x325: {  	v20 =	vshll.u32 v20, $0x10;
	v28 =	vld [tilespmem:s6+$0xD180];
	v24 =	vadd.f32 v25, v24;
	v25 =	vmul.f32 v26, v15  }
0x326: {  	v20 =	vmul.f32 v20, v15;
	v22 =	vadd.f32 v23, v22;
	v23 =	vand.u32 $0xFFFF0000, v21  }
0x327: {  	v21 =	vshll.u32 v21, $0x10;
	v26 =	vld [tilespmem:s6+$0xD200];
	v24 =	vadd.f32 v25, v24;
	v23 =	vmul.f32 v23, v14  }
0x328: {  	v21 =	vmul.f32 v21, v14;
	v22 =	vadd.f32 v20, v22  }
0x329: {  	v25 =	vshll.u32 v27, $0x10;
	v29 =	vld [tilespmem:s6+$0xD280];
	v23 =	vadd.f32 v23, v24  }
0x32a: {  	v20 =	vand.u32 $0xFFFF0000, v27;
	v24 =	vshll.u32 v28, $0x10;
	v27 =	vand.u32 $0xFFFF0000, v28  }
.Ltmp12:
0x32b: {  	v28 =	vmul.f32 v20, v18;
	v22 =	vadd.f32 v21, v22;
	v27 =	vmul.f32 v27, v19;
	v20 =	vld [tilespmem:s6+$0xD300];
	[tilespmem:s19+$0x13300] =	vst v23;
	(pc) =	sbr.rel @!p0 .LBB2_27-.Ltmp12, $4  }
0x32c: {  	v23 =	vmul.f32 v25, v18;
	v24 =	vmul.f32 v24, v19;
	v21 =	vand.u32 $0xFFFF0000, v26  }
0x32d: {  	s8 =	sadd.s32 $0x80, s8;
	v26 =	vshll.u32 v26, $0x10;
	v25 =	vadd.f32 v27, v28;
	v27 =	vmul.f32 v21, v17;
	v21 =	vld [tilespmem:s6+$0xD380];
	[tilespmem:s19+$0x12300] =	vst v22;
	s19 =	smov.u32 s6  }
0x32e: {  	s16 =	sand.u32 $0xC00, s8;
	s6 =	sand.u32 $0x70, s14;
	v22 =	vadd.f32 v24, v23;
	v23 =	vmul.f32 v26, v17;
	v28 =	vand.u32 $0xFFFF0000, v29  }
0x32f: {  	s14 =	sadd.s32 $0x10, s14;
	s6 =	sor.u32 s6, s16;
	v26 =	vshll.u32 v29, $0x10;
	v24 =	vadd.f32 v27, v25;
	v25 =	vmul.f32 v28, v16  }
0x330: {  	v27 =	vld [tilespmem:s6+$0xD100]  }
0x331: {  	v22 =	vadd.f32 v23, v22;
	v23 =	vmul.f32 v26, v16;
	v26 =	vand.u32 $0xFFFF0000, v20;
	v28 =	vld [tilespmem:s6+$0xD180]  }
0x332: {  	v20 =	vshll.u32 v20, $0x10;
	v24 =	vadd.f32 v25, v24;
	v25 =	vmul.f32 v26, v15  }
0x333: {  	v20 =	vmul.f32 v20, v15;
	v26 =	vld [tilespmem:s6+$0xD200];
	v22 =	vadd.f32 v23, v22;
	v23 =	vand.u32 $0xFFFF0000, v21  }
0x334: {  	v21 =	vshll.u32 v21, $0x10;
	v24 =	vadd.f32 v25, v24;
	v23 =	vmul.f32 v23, v14  }
0x335: {  	v21 =	vmul.f32 v21, v14;
	v25 =	vld [tilespmem:s6+$0xD280];
	v20 =	vadd.f32 v20, v22;
	v22 =	vshll.u32 v27, $0x10  }
0x336: {  	v23 =	vadd.f32 v23, v24;
	v24 =	vand.u32 $0xFFFF0000, v27;
	v27 =	vand.u32 $0xFFFF0000, v28  }
0x337: {  	v29 =	vld [tilespmem:s6+$0xD300];
	v28 =	vshll.u32 v28, $0x10;
	v24 =	vmul.f32 v24, v18;
	v27 =	vmul.f32 v27, v19  }
0x338: {  	v18 =	vmul.f32 v22, v18;
	v19 =	vmul.f32 v28, v19;
	v22 =	vand.u32 $0xFFFF0000, v26;
	[tilespmem:s19+$0x13300] =	vst v23  }
0x339: {  	v22 =	vmul.f32 v22, v17;
	v23 =	vadd.f32 v27, v24;
	v24 =	vshll.u32 v26, $0x10;
	v26 =	vld [tilespmem:s6+$0xD380]  }
0x33a: {  	v18 =	vadd.f32 v19, v18;
	v19 =	vand.u32 $0xFFFF0000, v25;
	v17 =	vmul.f32 v24, v17  }
0x33b: {  	v19 =	vmul.f32 v19, v16;
	v22 =	vadd.f32 v22, v23;
	v23 =	vshll.u32 v25, $0x10  }
0x33c: {  	v17 =	vadd.f32 v17, v18;
	v16 =	vmul.f32 v23, v16;
	v18 =	vand.u32 $0xFFFF0000, v29  }
0x33d: {  	v19 =	vadd.f32 v19, v22;
	v22 =	vshll.u32 v29, $0x10;
	v18 =	vmul.f32 v18, v15  }
0x33e: {  	v16 =	vadd.f32 v16, v17;
	v15 =	vmul.f32 v22, v15;
	v17 =	vand.u32 $0xFFFF0000, v26  }
0x33f: {  	v18 =	vadd.f32 v18, v19;
	v19 =	vshll.u32 v26, $0x10;
	v17 =	vmul.f32 v17, v14  }
0x340: {  	v20 =	vadd.f32 v21, v20;
	v15 =	vadd.f32 v15, v16;
	v14 =	vmul.f32 v19, v14  }
0x341: {  	v16 =	vadd.f32 v17, v18  }
0x342: {  	[tilespmem:s19+$0x12300] =	vst v20;
	v14 =	vadd.f32 v14, v15  }
0x343: {  	s23 =	simm.s32 $0x0;
	[tilespmem:s6+$0x13300] =	vst v16  }
0x344: {  	s8 =	sand.u32 $0x70, s23;
	[tilespmem:s6+$0x12300] =	vst v14;
	s6 =	sand.u32 $0xC00, s23  }
0x345: {  	s19 =	sor.u32 s8, s6  }
0x346: {  	v19 =	vld [tilespmem:s19+$0xD400]  }
0x347: {  	v12 =	vshrl.u32 v12, $0xC;
	v20 =	vld [tilespmem:s19+$0xD480]  }
0x348: {  	v12 =	vcvt.s32.f32 v12;
	_ =	sdelay $0x1  }
0x349: {  	v12 =	vmul.f32 $9.536752260e-07, v12  }
0x34a: {  	v17 =	vbroadcast v13, $0xE;
	v18 =	vbroadcast v13, $0xF;
	v21 =	vld [tilespmem:s19+$0xE100]  }
0x34b: {  	v22 =	vshll.u32 v19, $0x10;
	v19 =	vand.u32 $0xFFFF0000, v19;
	v23 =	vand.u32 $0xFFFF0000, v20  }
0x34c: {  	v24 =	vld [tilespmem:s19+$0xE180];
	v19 =	vmul.f32 v19, v17;
	v23 =	vmul.f32 v23, v18  }
0x34d: {  	v16 =	vbroadcast v12, $0x0;
	v20 =	vshll.u32 v20, $0x10  }
0x34e: {  	v22 =	vmul.f32 v22, v17;
	v20 =	vmul.f32 v20, v18;
	v23 =	vadd.f32 v23, v19;
	v19 =	vld [tilespmem:s19+$0xE200]  }
0x34f: {  	v13 =	vbroadcast v12, $0x3;
	v15 =	vbroadcast v12, $0x1;
	v25 =	vand.u32 $0xFFFF0000, v21  }
0x350: {  	s24 =	simm.s32 $0x10;
	s8 =	simm.s32 $0x80;
	v26 =	vshll.u32 v21, $0x10;
	v25 =	vmul.f32 v25, v16;
	v21 =	vadd.f32 v20, v22;
	v20 =	vld [tilespmem:s19+$0xE280]  }
0x351: {  	v14 =	vbroadcast v12, $0x2;
	s6 =	sand.u32 $0x70, s24;
	s14 =	sand.u32 $0xC00, s8;
	v22 =	vmul.f32 v26, v16;
	v26 =	vand.u32 $0xFFFF0000, v24  }
0x352: {  	s6 =	sor.u32 s6, s14;
	s14 =	simm.s32 $0x20;
	v23 =	vadd.f32 v25, v23;
	v25 =	vshll.u32 v24, $0x10;
	v24 =	vmul.f32 v26, v15  }
.LBB2_29:
0x353: {  	p0 =	seq.s32 s14, $0x1F0;
	v26 =	vld [tilespmem:s6+$0xD400];
	v21 =	vadd.f32 v22, v21;
	v22 =	vmul.f32 v25, v15;
	v25 =	vand.u32 $0xFFFF0000, v19  }
0x354: {  	v19 =	vshll.u32 v19, $0x10;
	v27 =	vld [tilespmem:s6+$0xD480];
	v23 =	vadd.f32 v24, v23;
	v24 =	vmul.f32 v25, v14  }
0x355: {  	v19 =	vmul.f32 v19, v14;
	v21 =	vadd.f32 v22, v21;
	v22 =	vand.u32 $0xFFFF0000, v20  }
0x356: {  	v20 =	vshll.u32 v20, $0x10;
	v25 =	vld [tilespmem:s6+$0xE100];
	v23 =	vadd.f32 v24, v23;
	v22 =	vmul.f32 v22, v13  }
0x357: {  	v20 =	vmul.f32 v20, v13;
	v21 =	vadd.f32 v19, v21  }
0x358: {  	v24 =	vshll.u32 v26, $0x10;
	v28 =	vld [tilespmem:s6+$0xE180];
	v22 =	vadd.f32 v22, v23  }
0x359: {  	v19 =	vand.u32 $0xFFFF0000, v26;
	v23 =	vshll.u32 v27, $0x10;
	v26 =	vand.u32 $0xFFFF0000, v27  }
.Ltmp13:
0x35a: {  	v27 =	vmul.f32 v19, v17;
	v21 =	vadd.f32 v20, v21;
	v26 =	vmul.f32 v26, v18;
	v19 =	vld [tilespmem:s6+$0xE200];
	[tilespmem:s19+$0x13380] =	vst v22;
	(pc) =	sbr.rel @!p0 .LBB2_29-.Ltmp13, $4  }
0x35b: {  	v22 =	vmul.f32 v24, v17;
	v23 =	vmul.f32 v23, v18;
	v20 =	vand.u32 $0xFFFF0000, v25  }
0x35c: {  	s8 =	sadd.s32 $0x80, s8;
	v25 =	vshll.u32 v25, $0x10;
	v24 =	vadd.f32 v26, v27;
	v26 =	vmul.f32 v20, v16;
	v20 =	vld [tilespmem:s6+$0xE280];
	[tilespmem:s19+$0x12380] =	vst v21;
	s19 =	smov.u32 s6  }
0x35d: {  	s16 =	sand.u32 $0xC00, s8;
	s6 =	sand.u32 $0x70, s14;
	v21 =	vadd.f32 v23, v22;
	v22 =	vmul.f32 v25, v16;
	v27 =	vand.u32 $0xFFFF0000, v28  }
0x35e: {  	s14 =	sadd.s32 $0x10, s14;
	s6 =	sor.u32 s6, s16;
	v25 =	vshll.u32 v28, $0x10;
	v23 =	vadd.f32 v26, v24;
	v24 =	vmul.f32 v27, v15  }
0x35f: {  	v26 =	vld [tilespmem:s6+$0xD400]  }
0x360: {  	v21 =	vadd.f32 v22, v21;
	v22 =	vmul.f32 v25, v15;
	v25 =	vand.u32 $0xFFFF0000, v19;
	v27 =	vld [tilespmem:s6+$0xD480]  }
0x361: {  	v19 =	vshll.u32 v19, $0x10;
	v23 =	vadd.f32 v24, v23;
	v24 =	vmul.f32 v25, v14  }
0x362: {  	v19 =	vmul.f32 v19, v14;
	v25 =	vld [tilespmem:s6+$0xE100];
	v21 =	vadd.f32 v22, v21;
	v22 =	vand.u32 $0xFFFF0000, v20  }
0x363: {  	v20 =	vshll.u32 v20, $0x10;
	v23 =	vadd.f32 v24, v23;
	v22 =	vmul.f32 v22, v13  }
0x364: {  	v20 =	vmul.f32 v20, v13;
	v24 =	vld [tilespmem:s6+$0xE180];
	v19 =	vadd.f32 v19, v21;
	v21 =	vshll.u32 v26, $0x10  }
0x365: {  	v22 =	vadd.f32 v22, v23;
	v23 =	vand.u32 $0xFFFF0000, v26;
	v26 =	vand.u32 $0xFFFF0000, v27  }
0x366: {  	v28 =	vld [tilespmem:s6+$0xE200];
	v27 =	vshll.u32 v27, $0x10;
	v23 =	vmul.f32 v23, v17;
	v26 =	vmul.f32 v26, v18  }
0x367: {  	v17 =	vmul.f32 v21, v17;
	v18 =	vmul.f32 v27, v18;
	v21 =	vand.u32 $0xFFFF0000, v25;
	[tilespmem:s19+$0x13380] =	vst v22  }
0x368: {  	v21 =	vmul.f32 v21, v16;
	v22 =	vadd.f32 v26, v23;
	v23 =	vshll.u32 v25, $0x10;
	v25 =	vld [tilespmem:s6+$0xE280]  }
0x369: {  	v17 =	vadd.f32 v18, v17;
	v18 =	vand.u32 $0xFFFF0000, v24;
	v16 =	vmul.f32 v23, v16  }
0x36a: {  	v18 =	vmul.f32 v18, v15;
	v21 =	vadd.f32 v21, v22;
	v22 =	vshll.u32 v24, $0x10  }
0x36b: {  	v16 =	vadd.f32 v16, v17;
	v15 =	vmul.f32 v22, v15;
	v17 =	vand.u32 $0xFFFF0000, v28  }
0x36c: {  	v18 =	vadd.f32 v18, v21;
	v21 =	vshll.u32 v28, $0x10;
	v17 =	vmul.f32 v17, v14  }
0x36d: {  	v15 =	vadd.f32 v15, v16;
	v14 =	vmul.f32 v21, v14;
	v16 =	vand.u32 $0xFFFF0000, v25  }
0x36e: {  	v17 =	vadd.f32 v17, v18;
	v18 =	vshll.u32 v25, $0x10;
	v16 =	vmul.f32 v16, v13  }
0x36f: {  	v19 =	vadd.f32 v20, v19;
	v14 =	vadd.f32 v14, v15;
	v13 =	vmul.f32 v18, v13  }
0x370: {  	v15 =	vadd.f32 v16, v17  }
0x371: {  	[tilespmem:s19+$0x12380] =	vst v19;
	v13 =	vadd.f32 v13, v14  }
0x372: {  	s23 =	simm.s32 $0x0;
	[tilespmem:s6+$0x13380] =	vst v15  }
0x373: {  	s8 =	sand.u32 $0x70, s23;
	[tilespmem:s6+$0x12380] =	vst v13;
	s6 =	sand.u32 $0xC00, s23  }
0x374: {  	s19 =	sor.u32 s8, s6  }
0x375: {  	v19 =	vld [tilespmem:s19+$0xE300]  }
0x376: {  	v20 =	vld [tilespmem:s19+$0xE380];
	_ =	sdelay $0x3  }
0x377: {  	v18 =	vbroadcast v12, $0x5;
	v17 =	vbroadcast v12, $0x4;
	v21 =	vld [tilespmem:s19+$0xE400]  }
0x378: {  	v22 =	vshll.u32 v19, $0x10;
	v19 =	vand.u32 $0xFFFF0000, v19;
	v23 =	vand.u32 $0xFFFF0000, v20  }
0x379: {  	v24 =	vld [tilespmem:s19+$0xE480];
	v19 =	vmul.f32 v19, v17;
	v23 =	vmul.f32 v23, v18  }
0x37a: {  	v16 =	vbroadcast v12, $0x6;
	v20 =	vshll.u32 v20, $0x10  }
0x37b: {  	v22 =	vmul.f32 v22, v17;
	v20 =	vmul.f32 v20, v18;
	v23 =	vadd.f32 v23, v19;
	v19 =	vld [tilespmem:s19+$0xF100]  }
0x37c: {  	v14 =	vbroadcast v12, $0x8;
	v15 =	vbroadcast v12, $0x7;
	v25 =	vand.u32 $0xFFFF0000, v21  }
0x37d: {  	s24 =	simm.s32 $0x10;
	s8 =	simm.s32 $0x80;
	v26 =	vshll.u32 v21, $0x10;
	v25 =	vmul.f32 v25, v16;
	v21 =	vadd.f32 v20, v22;
	v20 =	vld [tilespmem:s19+$0xF180]  }
0x37e: {  	v13 =	vbroadcast v12, $0x9;
	s6 =	sand.u32 $0x70, s24;
	s14 =	sand.u32 $0xC00, s8;
	v22 =	vmul.f32 v26, v16;
	v26 =	vand.u32 $0xFFFF0000, v24  }
0x37f: {  	s6 =	sor.u32 s6, s14;
	s14 =	simm.s32 $0x20;
	v23 =	vadd.f32 v25, v23;
	v25 =	vshll.u32 v24, $0x10;
	v24 =	vmul.f32 v26, v15  }
.LBB2_31:
0x380: {  	p0 =	seq.s32 s14, $0x1F0;
	v26 =	vld [tilespmem:s6+$0xE300];
	v21 =	vadd.f32 v22, v21;
	v22 =	vmul.f32 v25, v15;
	v25 =	vand.u32 $0xFFFF0000, v19  }
0x381: {  	v19 =	vshll.u32 v19, $0x10;
	v27 =	vld [tilespmem:s6+$0xE380];
	v23 =	vadd.f32 v24, v23;
	v24 =	vmul.f32 v25, v14  }
0x382: {  	v19 =	vmul.f32 v19, v14;
	v21 =	vadd.f32 v22, v21;
	v22 =	vand.u32 $0xFFFF0000, v20  }
0x383: {  	v20 =	vshll.u32 v20, $0x10;
	v25 =	vld [tilespmem:s6+$0xE400];
	v23 =	vadd.f32 v24, v23;
	v22 =	vmul.f32 v22, v13  }
0x384: {  	v20 =	vmul.f32 v20, v13;
	v21 =	vadd.f32 v19, v21  }
0x385: {  	v24 =	vshll.u32 v26, $0x10;
	v28 =	vld [tilespmem:s6+$0xE480];
	v22 =	vadd.f32 v22, v23  }
0x386: {  	v19 =	vand.u32 $0xFFFF0000, v26;
	v23 =	vshll.u32 v27, $0x10;
	v26 =	vand.u32 $0xFFFF0000, v27  }
.Ltmp14:
0x387: {  	v27 =	vmul.f32 v19, v17;
	v21 =	vadd.f32 v20, v21;
	v26 =	vmul.f32 v26, v18;
	v19 =	vld [tilespmem:s6+$0xF100];
	[tilespmem:s19+$0x13400] =	vst v22;
	(pc) =	sbr.rel @!p0 .LBB2_31-.Ltmp14, $4  }
0x388: {  	v22 =	vmul.f32 v24, v17;
	v23 =	vmul.f32 v23, v18;
	v20 =	vand.u32 $0xFFFF0000, v25  }
0x389: {  	s8 =	sadd.s32 $0x80, s8;
	v25 =	vshll.u32 v25, $0x10;
	v24 =	vadd.f32 v26, v27;
	v26 =	vmul.f32 v20, v16;
	v20 =	vld [tilespmem:s6+$0xF180];
	[tilespmem:s19+$0x12400] =	vst v21;
	s19 =	smov.u32 s6  }
0x38a: {  	s16 =	sand.u32 $0xC00, s8;
	s6 =	sand.u32 $0x70, s14;
	v21 =	vadd.f32 v23, v22;
	v22 =	vmul.f32 v25, v16;
	v27 =	vand.u32 $0xFFFF0000, v28  }
0x38b: {  	s14 =	sadd.s32 $0x10, s14;
	s6 =	sor.u32 s6, s16;
	v25 =	vshll.u32 v28, $0x10;
	v23 =	vadd.f32 v26, v24;
	v24 =	vmul.f32 v27, v15  }
0x38c: {  	v26 =	vld [tilespmem:s6+$0xE300]  }
0x38d: {  	v21 =	vadd.f32 v22, v21;
	v22 =	vmul.f32 v25, v15;
	v25 =	vand.u32 $0xFFFF0000, v19;
	v27 =	vld [tilespmem:s6+$0xE380]  }
0x38e: {  	v19 =	vshll.u32 v19, $0x10;
	v23 =	vadd.f32 v24, v23;
	v24 =	vmul.f32 v25, v14  }
0x38f: {  	v19 =	vmul.f32 v19, v14;
	v25 =	vld [tilespmem:s6+$0xE400];
	v21 =	vadd.f32 v22, v21;
	v22 =	vand.u32 $0xFFFF0000, v20  }
0x390: {  	v20 =	vshll.u32 v20, $0x10;
	v23 =	vadd.f32 v24, v23;
	v22 =	vmul.f32 v22, v13  }
0x391: {  	v20 =	vmul.f32 v20, v13;
	v24 =	vld [tilespmem:s6+$0xE480];
	v19 =	vadd.f32 v19, v21;
	v21 =	vshll.u32 v26, $0x10  }
0x392: {  	v22 =	vadd.f32 v22, v23;
	v23 =	vand.u32 $0xFFFF0000, v26;
	v26 =	vand.u32 $0xFFFF0000, v27  }
0x393: {  	v28 =	vld [tilespmem:s6+$0xF100];
	v27 =	vshll.u32 v27, $0x10;
	v23 =	vmul.f32 v23, v17;
	v26 =	vmul.f32 v26, v18  }
0x394: {  	v17 =	vmul.f32 v21, v17;
	v18 =	vmul.f32 v27, v18;
	v21 =	vand.u32 $0xFFFF0000, v25;
	[tilespmem:s19+$0x13400] =	vst v22  }
0x395: {  	v21 =	vmul.f32 v21, v16;
	v22 =	vadd.f32 v26, v23;
	v23 =	vshll.u32 v25, $0x10;
	v25 =	vld [tilespmem:s6+$0xF180]  }
0x396: {  	v17 =	vadd.f32 v18, v17;
	v18 =	vand.u32 $0xFFFF0000, v24;
	v16 =	vmul.f32 v23, v16  }
0x397: {  	v18 =	vmul.f32 v18, v15;
	v21 =	vadd.f32 v21, v22;
	v22 =	vshll.u32 v24, $0x10  }
0x398: {  	v16 =	vadd.f32 v16, v17;
	v15 =	vmul.f32 v22, v15;
	v17 =	vand.u32 $0xFFFF0000, v28  }
0x399: {  	v18 =	vadd.f32 v18, v21;
	v21 =	vshll.u32 v28, $0x10;
	v17 =	vmul.f32 v17, v14  }
0x39a: {  	v15 =	vadd.f32 v15, v16;
	v14 =	vmul.f32 v21, v14;
	v16 =	vand.u32 $0xFFFF0000, v25  }
0x39b: {  	v17 =	vadd.f32 v17, v18;
	v18 =	vshll.u32 v25, $0x10;
	v16 =	vmul.f32 v16, v13  }
0x39c: {  	v19 =	vadd.f32 v20, v19;
	v14 =	vadd.f32 v14, v15;
	v13 =	vmul.f32 v18, v13  }
0x39d: {  	v15 =	vadd.f32 v16, v17  }
0x39e: {  	[tilespmem:s19+$0x12400] =	vst v19;
	v13 =	vadd.f32 v13, v14  }
0x39f: {  	s23 =	simm.s32 $0x0;
	[tilespmem:s6+$0x13400] =	vst v15  }
0x3a0: {  	s8 =	sand.u32 $0x70, s23;
	[tilespmem:s6+$0x12400] =	vst v13;
	s6 =	sand.u32 $0xC00, s23  }
0x3a1: {  	s19 =	sor.u32 s8, s6  }
0x3a2: {  	v18 =	vld [tilespmem:s19+$0xF200]  }
0x3a3: {  	v19 =	vld [tilespmem:s19+$0xF280];
	_ =	sdelay $0x3  }
0x3a4: {  	v16 =	vbroadcast v12, $0xA;
	v17 =	vbroadcast v12, $0xB;
	v20 =	vld [tilespmem:s19+$0xF300]  }
0x3a5: {  	v21 =	vshll.u32 v18, $0x10;
	v18 =	vand.u32 $0xFFFF0000, v18;
	v22 =	vand.u32 $0xFFFF0000, v19  }
0x3a6: {  	v23 =	vld [tilespmem:s19+$0xF380];
	v18 =	vmul.f32 v18, v16;
	v22 =	vmul.f32 v22, v17  }
0x3a7: {  	v15 =	vbroadcast v12, $0xC;
	v19 =	vshll.u32 v19, $0x10  }
0x3a8: {  	v21 =	vmul.f32 v21, v16;
	v19 =	vmul.f32 v19, v17;
	v22 =	vadd.f32 v22, v18;
	v18 =	vld [tilespmem:s19+$0xF400]  }
0x3a9: {  	v14 =	vbroadcast v12, $0xD;
	v13 =	vbroadcast v12, $0xE;
	v24 =	vand.u32 $0xFFFF0000, v20  }
0x3aa: {  	s24 =	simm.s32 $0x10;
	s8 =	simm.s32 $0x80;
	v25 =	vshll.u32 v20, $0x10;
	v24 =	vmul.f32 v24, v15;
	v20 =	vadd.f32 v19, v21;
	v19 =	vld [tilespmem:s19+$0xF480]  }
0x3ab: {  	v12 =	vbroadcast v12, $0xF;
	s6 =	sand.u32 $0x70, s24;
	s14 =	sand.u32 $0xC00, s8;
	v21 =	vmul.f32 v25, v15;
	v25 =	vand.u32 $0xFFFF0000, v23  }
0x3ac: {  	s6 =	sor.u32 s6, s14;
	s14 =	simm.s32 $0x20;
	v22 =	vadd.f32 v24, v22;
	v24 =	vshll.u32 v23, $0x10;
	v23 =	vmul.f32 v25, v14  }
.LBB2_33:
0x3ad: {  	p0 =	sne.s32 s14, $0x1F0;
	v25 =	vld [tilespmem:s6+$0xF200];
	v20 =	vadd.f32 v21, v20;
	v21 =	vmul.f32 v24, v14;
	v24 =	vand.u32 $0xFFFF0000, v18  }
0x3ae: {  	v18 =	vshll.u32 v18, $0x10;
	v26 =	vld [tilespmem:s6+$0xF280];
	v22 =	vadd.f32 v23, v22;
	v23 =	vmul.f32 v24, v13  }
0x3af: {  	v18 =	vmul.f32 v18, v13;
	v20 =	vadd.f32 v21, v20;
	v21 =	vand.u32 $0xFFFF0000, v19  }
0x3b0: {  	v19 =	vshll.u32 v19, $0x10;
	v24 =	vld [tilespmem:s6+$0xF300];
	v22 =	vadd.f32 v23, v22;
	v21 =	vmul.f32 v21, v12  }
0x3b1: {  	v19 =	vmul.f32 v19, v12;
	v20 =	vadd.f32 v18, v20  }
0x3b2: {  	v23 =	vshll.u32 v25, $0x10;
	v27 =	vld [tilespmem:s6+$0xF380];
	v21 =	vadd.f32 v21, v22  }
0x3b3: {  	v18 =	vand.u32 $0xFFFF0000, v25;
	v22 =	vshll.u32 v26, $0x10;
	v25 =	vand.u32 $0xFFFF0000, v26  }
.Ltmp15:
0x3b4: {  	v26 =	vmul.f32 v18, v16;
	v20 =	vadd.f32 v19, v20;
	v25 =	vmul.f32 v25, v17;
	v18 =	vld [tilespmem:s6+$0xF400];
	[tilespmem:s19+$0x13480] =	vst v21;
	(pc) =	sbr.rel @p0 .LBB2_33-.Ltmp15, $4  }
0x3b5: {  	v21 =	vmul.f32 v23, v16;
	v22 =	vmul.f32 v22, v17;
	v19 =	vand.u32 $0xFFFF0000, v24  }
0x3b6: {  	s8 =	sadd.s32 $0x80, s8;
	v24 =	vshll.u32 v24, $0x10;
	v23 =	vadd.f32 v25, v26;
	v25 =	vmul.f32 v19, v15;
	v19 =	vld [tilespmem:s6+$0xF480];
	[tilespmem:s19+$0x12480] =	vst v20;
	s19 =	smov.u32 s6  }
0x3b7: {  	s16 =	sand.u32 $0xC00, s8;
	s6 =	sand.u32 $0x70, s14;
	v20 =	vadd.f32 v22, v21;
	v21 =	vmul.f32 v24, v15;
	v26 =	vand.u32 $0xFFFF0000, v27  }
0x3b8: {  	s14 =	sadd.s32 $0x10, s14;
	s6 =	sor.u32 s6, s16;
	v24 =	vshll.u32 v27, $0x10;
	v22 =	vadd.f32 v25, v23;
	v23 =	vmul.f32 v26, v14  }
0x3b9: {  	v25 =	vld [tilespmem:s6+$0xF200]  }
0x3ba: {  	v20 =	vadd.f32 v21, v20;
	v36 =	vmul.f32 v24, v14;
	v37 =	vand.u32 $0xFFFF0000, v18;
	v26 =	vld [tilespmem:s6+$0xF280]  }
0x3bb: {  	v38 =	vshll.u32 v18, $0x10;
	v22 =	vadd.f32 v23, v22;
	v39 =	vmul.f32 v37, v13  }
0x3bc: {  	v41 =	vld [tilespmem:s6+$0xF300];
	v18 =	vmul.f32 v38, v13;
	v20 =	vadd.f32 v36, v20;
	v40 =	vand.u32 $0xFFFF0000, v19  }
0x3bd: {  	v42 =	vshll.u32 v19, $0x10;
	v22 =	vadd.f32 v39, v22;
	v21 =	vmul.f32 v40, v12  }
0x3be: {  	v44 =	vld [tilespmem:s6+$0xF380];
	v19 =	vmul.f32 v42, v12;
	v18 =	vadd.f32 v18, v20;
	v43 =	vshll.u32 v25, $0x10  }
0x3bf: {  	v21 =	vadd.f32 v21, v22;
	v45 =	vand.u32 $0xFFFF0000, v25;
	v46 =	vand.u32 $0xFFFF0000, v26  }
0x3c0: {  	v27 =	vld [tilespmem:s6+$0xF400];
	v26 =	vshll.u32 v26, $0x10;
	v22 =	vmul.f32 v45, v16;
	v25 =	vmul.f32 v46, v17  }
0x3c1: {  	v49 =	vand.u32 $0xFFFF0000, v41;
	v47 =	vmul.f32 v43, v16;
	v48 =	vmul.f32 v26, v17;
	[tilespmem:s19+$0x13480] =	vst v21  }
0x3c2: {  	v51 =	vshll.u32 v41, $0x10;
	v20 =	vmul.f32 v49, v15;
	v50 =	vadd.f32 v25, v22;
	v52 =	vld [tilespmem:s6+$0xF480]  }
0x3c3: {  	v54 =	vand.u32 $0xFFFF0000, v44;
	v53 =	vmul.f32 v51, v15;
	v16 =	vadd.f32 v48, v47  }
0x3c4: {  	v55 =	vshll.u32 v44, $0x10;
	v17 =	vmul.f32 v54, v14;
	v20 =	vadd.f32 v20, v50  }
0x3c5: {  	v57 =	vand.u32 $0xFFFF0000, v27;
	v56 =	vmul.f32 v55, v14;
	v15 =	vadd.f32 v53, v16  }
0x3c6: {  	v58 =	vshll.u32 v27, $0x10;
	v16 =	vmul.f32 v57, v13;
	v17 =	vadd.f32 v17, v20  }
0x3c7: {  	v59 =	vmul.f32 v58, v13;
	v14 =	vadd.f32 v56, v15;
	v60 =	vand.u32 $0xFFFF0000, v52  }
0x3c8: {  	s17 =	sadd.s32 $0x1, s17;
	v61 =	vshll.u32 v52, $0x10;
	v16 =	vadd.f32 v16, v17;
	v15 =	vmul.f32 v60, v12  }
0x3c9: {  	p0 =	sne.s32 s17, $0x8;
	v18 =	vadd.f32 v19, v18;
	v13 =	vadd.f32 v59, v14;
	v62 =	vmul.f32 v61, v12  }
.Ltmp16:
0x3ca: {  	v63 =	vadd.f32 v15, v16;
	(pc) =	sbr.rel @p0 .LBB2_2-.Ltmp16, $4  }
0x3cb: {  	s8 =	sadd.s32 s4, s18;
	[tilespmem:s19+$0x12480] =	vst v18;
	v12 =	vadd.f32 v62, v13  }
0x3cc: {  	s8 =	sshll.u32 s8, $0x7;
	[tilespmem:s6+$0x13480] =	vst v63  }
0x3cd: {  	s24 =	sadd.s32 s0, s8;
	[tilespmem:s6+$0x12480] =	vst v12  }
0x3ce: {  	[hbm4b:s24+s3] =	stream.linear.scatter [tilespmem:s13], [sflag:$0x4], $0x2000, $0x38;
	[tilespmem:$0x14100] =	vst v63  }
0x3cf: {  	s6 =	simm.s32 $0x3  }
0x3d0: {  	_ =	swait.ge [sflag:s6], $0x2000  }
0x3d1: {  	[sflag:s6] =	ssyncset.done $0x0  }
0x3d2: {  	[sflag:s6] =	ssyncadd.s32 $0xFFFFE000  }
0x3d3: {  	_ =	swait.ge [sflag:s15], $0x2000  }
0x3d4: {  	s8 =	rddreg [dreg:$0x5]  }
0x3d5: {  	s24 =	rddreg [dreg:$0x4];
	s8 =	sadd.s32 $0x1, s8  }
0x3d6: {  	p0 =	sne.s32 s8, s24  }
.Ltmp17:
0x3d7: {  	_ = 	snop;
	(pc) =	sbr.rel @p0 .LBB2_1-.Ltmp17, $3  }
0x3d8: {  	_ =	sdelay $0x1  }
0x3d9: {  	[sflag:s15] =	ssyncset.done $0x0  }
0x3da: {  	[sflag:s15] =	ssyncadd.s32 $0xFFFFE000  }
0x3db: {  	_ =	sfence.sel $0x180000  }
0x3dc: {  	[bflag:$0x0] =	sbarrier.arrive $0xFFFF  }
0x3dd: {  	_ =	strace $0x90000047  }
0x3de: {  	s0 =	stileid.u32;
	[bflag:$0x2] =	sbarrier.arrive $0xFFFF  }
0x3df: {  	p0 =	sne.s32 s0, $0x0;
	s0 =	rddreg [dreg:$0x2]  }
0x3e0: {  	s0 =	sadd.s32 @!p0 $0x100000, s0  }
0x3e1: {  	[sflag:s0] =	ssyncadd.tile.s32 @!p0 $0x1;
	_ =	shalt  }
.Lfunc_end2:
_tile_overlayer_lowered:
.L_overlay_start_2:
0x3e2: {  	(tag) =	ssettag $0x2  }
0x3e3: {  	s0 =	rddreg [dreg:$0x0];
	s2 =	stileid.u32  }
0x3e4: {  	s1 =	rddreg [dreg:$0x1];
	p0 =	sne.s32 s2, $0x0  }
0x3e5: {  	s3 =	rddreg [dreg:$0x2];
	[bflag:$0x3] =	sbarrier.arrive $0xFFFF;
	s2 =	simm.s32 @!p0 $0x1C05  }
0x3e6: {  	[timem:s3], [sflag:s2] =	dma.local @!p0 [hbm:s0], s1  }
0x3e7: {  	s0 =	simm.s32 @!p0 $0x5  }
0x3e8: {  	_ =	swait.ge @!p0 [sflag:s0], s1  }
0x3e9: {  	s1 =	ssub.s32 @!p0 $0x0, s1;
	[sflag:s0] =	ssyncset.done @!p0 $0x0  }
0x3ea: {  	[sflag:s0] =	ssyncadd.s32 @!p0 s1  }
0x3eb: {  	[bflag:$0x3] =	sbarrier.arrive $0xFFFF  }
0x3ec: {  	_ =	shalt  }

</sc_bundles>
